<compile_context>
chip_gen: v7x
topology: tpu7x:2x2x1
jax: 0.10.2.dev20260603
libtpu: 0.0.44.dev20260713+nightly
codegen_flags: <defaults>
</compile_context>

<pallas_src>
import functools

import jax
import jax.numpy as jnp
from jax import lax
from jax.experimental import pallas as pl
from jax.experimental.pallas import tpu as pltpu
from jax.experimental.pallas import tpu_sc as plsc

_EMBED = 64
_SCALE = 8.0
_NC, _NS = 2, 16
_NW = _NC * _NS
_BB = 128


@functools.lru_cache(maxsize=None)
def _make_gather_kernel(n_seq, n_batch):
    n_bc = n_batch // _BB
    n_blocks = n_seq * n_bc
    blocks_per_w = n_blocks // _NW
    n_super = blocks_per_w // 8

    mesh = plsc.VectorSubcoreMesh(core_axis_name="c", subcore_axis_name="s")

    @functools.partial(
        pl.kernel,
        out_type=jax.ShapeDtypeStruct((n_seq, _EMBED, n_batch), jnp.float32),
        mesh=mesh,
        scratch_types=[
            pltpu.VMEM((n_super, 8, _BB), jnp.int32),
            pltpu.VMEM((2, _BB), jnp.int32),
            pltpu.VMEM((2, _BB, 129), jnp.float32),
            pltpu.VMEM((2, _EMBED, _BB), jnp.float32),
            pltpu.SemaphoreType.DMA,
            pltpu.SemaphoreType.DMA,
            pltpu.SemaphoreType.DMA,
            pltpu.SemaphoreType.DMA,
            pltpu.SemaphoreType.DMA,
        ],
        compiler_params=pltpu.CompilerParams(needs_layout_passes=False),
    )
    def k(idx_hbm, tab_hbm, out_hbm, idx_v, idx2_v, in_v, out_v,
          si, sg0, sg1, sw0, sw1):
        cid = lax.axis_index("c")
        sid = lax.axis_index("s")
        wid = sid * _NC + cid
        sb0 = wid * n_super

        for u in range(n_super):
            sb = sb0 + u
            st = sb // n_bc
            bc = sb % n_bc
            pltpu.async_copy(
                idx_hbm.at[pl.ds(st * 8, 8), pl.ds(bc * _BB, _BB)],
                idx_v.at[u],
                si,
            )
        for u in range(n_super):
            pltpu.make_async_copy(
                idx_hbm.at[pl.ds(0, 8), pl.ds(0, _BB)], idx_v.at[u], si
            ).wait()

        sg = (sg0, sg1)
        sw = (sw0, sw1)
        iota = lax.iota(jnp.int32, 16)
        rowv = [iota + bg * 16 for bg in range(8)]

        def block_coords(j):
            sb = sb0 + (j // 8)
            s = (sb // n_bc) * 8 + (j % 8)
            bc = sb % n_bc
            return s, bc

        def issue_gather(j, buf):
            for bg in range(8):
                sl = pl.ds(bg * 16, 16)
                idx2_v[buf, sl] = lax.shift_right_logical(
                    idx_v[j // 8, j % 8, sl], 1
                )
            pltpu.async_copy(
                tab_hbm.at[idx2_v.at[buf]],
                in_v.at[buf, pl.ds(0, _BB), pl.ds(0, _BB)],
                sg[buf],
            )

        def wait_gather(buf):
            pltpu.make_async_copy(
                tab_hbm.at[idx2_v.at[buf]],
                in_v.at[buf, pl.ds(0, _BB), pl.ds(0, _BB)],
                sg[buf],
            ).wait()

        def issue_wb(j, buf):
            s, bc = block_coords(j)
            pltpu.async_copy(
                out_v.at[buf],
                out_hbm.at[s, :, pl.ds(bc * _BB, _BB)],
                sw[buf],
            )

        def wait_wb(buf):
            pltpu.make_async_copy(
                out_v.at[buf],
                out_hbm.at[0, :, pl.ds(0, _BB)],
                sw[buf],
            ).wait()

        def compute(j, buf):
            halfv = []
            for bg in range(8):
                idxv = idx_v[j // 8, j % 8, pl.ds(bg * 16, 16)]
                halfv.append(lax.shift_left(idxv & 1, 6))

            @plsc.parallel_loop(0, _EMBED, unroll=4)
            def _(e):
                for bg in range(8):
                    vals = plsc.load_gather(
                        in_v.at[buf], [rowv[bg], halfv[bg] + e]
                    )
                    out_v[buf, e, pl.ds(bg * 16, 16)] = vals * _SCALE

            return None

        issue_gather(0, 0)

        @pl.loop(0, blocks_per_w, step=2)
        def _(jd):
            for db in range(2):
                j = jd + db

                @pl.when(j + 1 < blocks_per_w)
                def _():
                    issue_gather(j + 1, 1 - db)

                wait_gather(db)

                @pl.when(jd >= 2)
                def _():
                    wait_wb(db)

                compute(j, db)
                issue_wb(j, db)

        wait_wb(0)
        wait_wb(1)

    return k


@jax.jit
def kernel(input, table):
    b, s = input.shape
    vocab, embed = table.shape
    idx_t = input.T
    tab2 = table.reshape(vocab // 2, 2 * embed)
    out_phys = _make_gather_kernel(s, b)(idx_t, tab2)
    return out_phys.transpose(2, 0, 1)

# --- scband reference (transcript-rebuilt; emitter-appended) ---
"""Pipeline reference for scband-model-embedding-7610682049251 (READ-ONLY COPY).

The authoritative reference and input builder live on the scoring server;
editing this copy changes nothing except your own understanding.
"""

import jax, jax.numpy as jnp
import numpy as np
import math

EMBED_SIZE = 64
VOCAB_SIZE = 1000000
BATCH = 4096
SEQ = 200

def setup_inputs(seed: int = 0) -> dict:
    key = jax.random.key(seed)
    k1, k2 = jax.random.split(key)
    input_ids = jax.random.randint(k1, (BATCH, SEQ), 0, VOCAB_SIZE, dtype=jnp.int64 if jax.config.jax_enable_x64 else jnp.int32)
    table = jax.random.normal(k2, (VOCAB_SIZE, EMBED_SIZE), dtype=jnp.float32)
    return {"input": input_ids, "table": table}

def reference(input, table):
    # nn.Embedding lookup: gather rows of the table by index
    input_embed = jnp.take(table, input, axis=0)
    # scale by sqrt(embed_size) as in the original module
    output = input_embed * math.sqrt(EMBED_SIZE)
    return output

if __name__ == "__main__":
    import jax
    _d = setup_inputs()
    print(jax.jit(kernel)(*tuple(_d.values())))

</pallas_src>

<mosaic_0001>
#map = affine_map<(d0, d1) -> (0, 0)>
#map1 = affine_map<(d0, d1) -> (0, 0, 0)>
module attributes {stable_mosaic.version = 14 : i64} {
  func.func @k(%arg0: i32, %arg1: i32, %arg2: memref<200x4096xi32, #tpu.memory_space<hbm>>, %arg3: memref<500000x128xf32, #tpu.memory_space<hbm>>, %arg4: memref<200x64x4096xf32, #tpu.memory_space<hbm>>, %arg5: memref<25x8x128xi32, #tpu.memory_space<vmem>>, %arg6: memref<2x128xi32, #tpu.memory_space<vmem>>, %arg7: memref<2x128x129xf32, #tpu.memory_space<vmem>>, %arg8: memref<2x64x128xf32, #tpu.memory_space<vmem>>, %arg9: memref<!tpu.dma_semaphore, #tpu.memory_space<semaphore_mem>>, %arg10: memref<!tpu.dma_semaphore, #tpu.memory_space<semaphore_mem>>, %arg11: memref<!tpu.dma_semaphore, #tpu.memory_space<semaphore_mem>>, %arg12: memref<!tpu.dma_semaphore, #tpu.memory_space<semaphore_mem>>, %arg13: memref<!tpu.dma_semaphore, #tpu.memory_space<semaphore_mem>>) attributes {dimension_semantics = [#tpu.dimension_semantics<core_parallel>, #tpu.dimension_semantics<subcore_parallel>], iteration_bounds = array<i64: 2, 16>, scalar_prefetch = 0 : i64, scratch_operands = 9 : i64, tpu.core_type = #tpu.core_type<sc_vector_subcore>, window_params = [{transform_indices = #map}, {transform_indices = #map}, {transform_indices = #map1}]} {
    %mul3A = arith.constant 2 : i32
    %mul3A_0 = arith.muli %arg1, %mul3A : i32
    %add3A = arith.addi %mul3A_0, %arg0 : i32
    %mul3A_1 = arith.constant 25 : i32
    %mul3A_2 = arith.muli %add3A, %mul3A_1 : i32
    %add3A_3 = arith.constant 0 : i32
    %add3A_4 = arith.addi %mul3A_2, %add3A_3 : i32
    %jit3A = arith.constant 32 : i32
    %div3A = arith.divsi %add3A_4, %jit3A : i32
    %sign3A = arith.constant 0 : i32
    %sign3A_5 = arith.cmpi sgt, %add3A_4, %sign3A : i32
    %sign3A_6 = arith.extui %sign3A_5 : i1 to i32
    %sign3A_7 = arith.constant 0 : i32
    %sign3A_8 = arith.cmpi slt, %add3A_4, %sign3A_7 : i32
    %sign3A_9 = arith.extui %sign3A_8 : i1 to i32
    %sign3A_10 = arith.subi %sign3A_6, %sign3A_9 : i32
    %sign3A_11 = arith.constant 0 : i32
    %sign3A_12 = arith.cmpi sgt, %jit3A, %sign3A_11 : i32
    %sign3A_13 = arith.extui %sign3A_12 : i1 to i32
    %sign3A_14 = arith.constant 0 : i32
    %sign3A_15 = arith.cmpi slt, %jit3A, %sign3A_14 : i32
    %sign3A_16 = arith.extui %sign3A_15 : i1 to i32
    %sign3A_17 = arith.subi %sign3A_13, %sign3A_16 : i32
    %ne3A = arith.cmpi ne, %sign3A_10, %sign3A_17 : i32
    %rem3A = arith.remsi %add3A_4, %jit3A : i32
    %ne3A_18 = arith.constant 0 : i32
    %ne3A_19 = arith.cmpi ne, %rem3A, %ne3A_18 : i32
    %and3A = arith.andi %ne3A, %ne3A_19 : i1
    %sub3A = arith.constant 1 : i32
    %sub3A_20 = arith.subi %div3A, %sub3A : i32
    %select_n3A = arith.select %and3A, %sub3A_20, %div3A : i32
    %jit3A_21 = arith.constant 32 : i32
    %eq3A = arith.constant 0 : i32
    %eq3A_22 = arith.cmpi eq, %jit3A_21, %eq3A : i32
    %jit3A_23 = arith.constant 1 : i32
    %select_n3A_24 = arith.select %eq3A_22, %jit3A_23, %jit3A_21 : i32
    %rem3A_25 = arith.remsi %add3A_4, %select_n3A_24 : i32
    %ne3A_26 = arith.constant 0 : i32
    %ne3A_27 = arith.cmpi ne, %rem3A_25, %ne3A_26 : i32
    %lt3A = arith.constant 0 : i32
    %lt3A_28 = arith.cmpi slt, %rem3A_25, %lt3A : i32
    %lt3A_29 = arith.constant 0 : i32
    %lt3A_30 = arith.cmpi slt, %select_n3A_24, %lt3A_29 : i32
    %ne3A_31 = arith.xori %lt3A_28, %lt3A_30 : i1
    %and3A_32 = arith.andi %ne3A_31, %ne3A_27 : i1
    %add3A_33 = arith.addi %rem3A_25, %select_n3A_24 : i32
    %select_n3A_34 = arith.select %and3A_32, %add3A_33, %rem3A_25 : i32
    %mul3A_35 = arith.constant 8 : i32
    %mul3A_36 = arith.muli %select_n3A, %mul3A_35 : i32
    %mul3A_37 = arith.constant 128 : i32
    %mul3A_38 = arith.muli %select_n3A_34, %mul3A_37 : i32
    %dma_start3A = arith.constant 0 : i32
    %dma_start3A_39 = arith.constant 0 : i32
    %dma_start3A_40 = arith.constant 0 : i32
    %dma_start3A_41 = tpu.memref_slice %arg5[%dma_start3A, %dma_start3A_39, %dma_start3A_40] : memref<25x8x128xi32, #tpu.memory_space<vmem>> -> memref<1x8x128xi32, #tpu.memory_space<vmem>>
    %dma_start3A_42 = tpu.memref_squeeze %dma_start3A_41 : memref<1x8x128xi32, #tpu.memory_space<vmem>> -> memref<8x128xi32, #tpu.memory_space<vmem>>
    %dma_start3A_43 = tpu.memref_slice %arg2[%mul3A_36, %mul3A_38] : memref<200x4096xi32, #tpu.memory_space<hbm>> -> memref<8x128xi32, #tpu.memory_space<hbm>>
    %dma_start3A_44 = arith.constant 0 : i32
    %dma_start3A_45 = arith.constant 0 : i32
    %dma_start3A_46 = tpu.memref_slice %arg5[%dma_start3A, %dma_start3A_44, %dma_start3A_45] : memref<25x8x128xi32, #tpu.memory_space<vmem>> -> memref<1x8x128xi32, #tpu.memory_space<vmem>>
    %dma_start3A_47 = tpu.memref_squeeze %dma_start3A_46 : memref<1x8x128xi32, #tpu.memory_space<vmem>> -> memref<8x128xi32, #tpu.memory_space<vmem>>
    %dma_start3A_48 = tpu.memref_slice %arg2[%mul3A_36, %mul3A_38] : memref<200x4096xi32, #tpu.memory_space<hbm>> -> memref<8x128xi32, #tpu.memory_space<hbm>>
    tpu.enqueue_dma source(%dma_start3A_48 : memref<8x128xi32, #tpu.memory_space<hbm>>) target(%dma_start3A_47 : memref<8x128xi32, #tpu.memory_space<vmem>>) target_semaphore(%arg9 : memref<!tpu.dma_semaphore, #tpu.memory_space<semaphore_mem>>)
    %add3A_49 = arith.constant 1 : i32
    %add3A_50 = arith.addi %mul3A_2, %add3A_49 : i32
    %jit3A_51 = arith.constant 32 : i32
    %div3A_52 = arith.divsi %add3A_50, %jit3A_51 : i32
    %sign3A_53 = arith.constant 0 : i32
    %sign3A_54 = arith.cmpi sgt, %add3A_50, %sign3A_53 : i32
    %sign3A_55 = arith.extui %sign3A_54 : i1 to i32
    %sign3A_56 = arith.constant 0 : i32
    %sign3A_57 = arith.cmpi slt, %add3A_50, %sign3A_56 : i32
    %sign3A_58 = arith.extui %sign3A_57 : i1 to i32
    %sign3A_59 = arith.subi %sign3A_55, %sign3A_58 : i32
    %sign3A_60 = arith.constant 0 : i32
    %sign3A_61 = arith.cmpi sgt, %jit3A_51, %sign3A_60 : i32
    %sign3A_62 = arith.extui %sign3A_61 : i1 to i32
    %sign3A_63 = arith.constant 0 : i32
    %sign3A_64 = arith.cmpi slt, %jit3A_51, %sign3A_63 : i32
    %sign3A_65 = arith.extui %sign3A_64 : i1 to i32
    %sign3A_66 = arith.subi %sign3A_62, %sign3A_65 : i32
    %ne3A_67 = arith.cmpi ne, %sign3A_59, %sign3A_66 : i32
    %rem3A_68 = arith.remsi %add3A_50, %jit3A_51 : i32
    %ne3A_69 = arith.constant 0 : i32
    %ne3A_70 = arith.cmpi ne, %rem3A_68, %ne3A_69 : i32
    %and3A_71 = arith.andi %ne3A_67, %ne3A_70 : i1
    %sub3A_72 = arith.constant 1 : i32
    %sub3A_73 = arith.subi %div3A_52, %sub3A_72 : i32
    %select_n3A_74 = arith.select %and3A_71, %sub3A_73, %div3A_52 : i32
    %jit3A_75 = arith.constant 32 : i32
    %eq3A_76 = arith.constant 0 : i32
    %eq3A_77 = arith.cmpi eq, %jit3A_75, %eq3A_76 : i32
    %jit3A_78 = arith.constant 1 : i32
    %select_n3A_79 = arith.select %eq3A_77, %jit3A_78, %jit3A_75 : i32
    %rem3A_80 = arith.remsi %add3A_50, %select_n3A_79 : i32
    %ne3A_81 = arith.constant 0 : i32
    %ne3A_82 = arith.cmpi ne, %rem3A_80, %ne3A_81 : i32
    %lt3A_83 = arith.constant 0 : i32
    %lt3A_84 = arith.cmpi slt, %rem3A_80, %lt3A_83 : i32
    %lt3A_85 = arith.constant 0 : i32
    %lt3A_86 = arith.cmpi slt, %select_n3A_79, %lt3A_85 : i32
    %ne3A_87 = arith.xori %lt3A_84, %lt3A_86 : i1
    %and3A_88 = arith.andi %ne3A_87, %ne3A_82 : i1
    %add3A_89 = arith.addi %rem3A_80, %select_n3A_79 : i32
    %select_n3A_90 = arith.select %and3A_88, %add3A_89, %rem3A_80 : i32
    %mul3A_91 = arith.constant 8 : i32
    %mul3A_92 = arith.muli %select_n3A_74, %mul3A_91 : i32
    %mul3A_93 = arith.constant 128 : i32
    %mul3A_94 = arith.muli %select_n3A_90, %mul3A_93 : i32
    %dma_start3A_95 = arith.constant 1 : i32
    %dma_start3A_96 = arith.constant 0 : i32
    %dma_start3A_97 = arith.constant 0 : i32
    %dma_start3A_98 = tpu.memref_slice %arg5[%dma_start3A_95, %dma_start3A_96, %dma_start3A_97] : memref<25x8x128xi32, #tpu.memory_space<vmem>> -> memref<1x8x128xi32, #tpu.memory_space<vmem>>
    %dma_start3A_99 = tpu.memref_squeeze %dma_start3A_98 : memref<1x8x128xi32, #tpu.memory_space<vmem>> -> memref<8x128xi32, #tpu.memory_space<vmem>>
    %dma_start3A_100 = tpu.memref_slice %arg2[%mul3A_92, %mul3A_94] : memref<200x4096xi32, #tpu.memory_space<hbm>> -> memref<8x128xi32, #tpu.memory_space<hbm>>
    %dma_start3A_101 = arith.constant 0 : i32
    %dma_start3A_102 = arith.constant 0 : i32
    %dma_start3A_103 = tpu.memref_slice %arg5[%dma_start3A_95, %dma_start3A_101, %dma_start3A_102] : memref<25x8x128xi32, #tpu.memory_space<vmem>> -> memref<1x8x128xi32, #tpu.memory_space<vmem>>
    %dma_start3A_104 = tpu.memref_squeeze %dma_start3A_103 : memref<1x8x128xi32, #tpu.memory_space<vmem>> -> memref<8x128xi32, #tpu.memory_space<vmem>>
    %dma_start3A_105 = tpu.memref_slice %arg2[%mul3A_92, %mul3A_94] : memref<200x4096xi32, #tpu.memory_space<hbm>> -> memref<8x128xi32, #tpu.memory_space<hbm>>
    tpu.enqueue_dma source(%dma_start3A_105 : memref<8x128xi32, #tpu.memory_space<hbm>>) target(%dma_start3A_104 : memref<8x128xi32, #tpu.memory_space<vmem>>) target_semaphore(%arg9 : memref<!tpu.dma_semaphore, #tpu.memory_space<semaphore_mem>>)
    %add3A_106 = arith.constant 2 : i32
    %add3A_107 = arith.addi %mul3A_2, %add3A_106 : i32
    %jit3A_108 = arith.constant 32 : i32
    %div3A_109 = arith.divsi %add3A_107, %jit3A_108 : i32
    %sign3A_110 = arith.constant 0 : i32
    %sign3A_111 = arith.cmpi sgt, %add3A_107, %sign3A_110 : i32
    %sign3A_112 = arith.extui %sign3A_111 : i1 to i32
    %sign3A_113 = arith.constant 0 : i32
    %sign3A_114 = arith.cmpi slt, %add3A_107, %sign3A_113 : i32
    %sign3A_115 = arith.extui %sign3A_114 : i1 to i32
    %sign3A_116 = arith.subi %sign3A_112, %sign3A_115 : i32
    %sign3A_117 = arith.constant 0 : i32
    %sign3A_118 = arith.cmpi sgt, %jit3A_108, %sign3A_117 : i32
    %sign3A_119 = arith.extui %sign3A_118 : i1 to i32
    %sign3A_120 = arith.constant 0 : i32
    %sign3A_121 = arith.cmpi slt, %jit3A_108, %sign3A_120 : i32
    %sign3A_122 = arith.extui %sign3A_121 : i1 to i32
    %sign3A_123 = arith.subi %sign3A_119, %sign3A_122 : i32
    %ne3A_124 = arith.cmpi ne, %sign3A_116, %sign3A_123 : i32
    %rem3A_125 = arith.remsi %add3A_107, %jit3A_108 : i32
    %ne3A_126 = arith.constant 0 : i32
    %ne3A_127 = arith.cmpi ne, %rem3A_125, %ne3A_126 : i32
    %and3A_128 = arith.andi %ne3A_124, %ne3A_127 : i1
    %sub3A_129 = arith.constant 1 : i32
    %sub3A_130 = arith.subi %div3A_109, %sub3A_129 : i32
    %select_n3A_131 = arith.select %and3A_128, %sub3A_130, %div3A_109 : i32
    %jit3A_132 = arith.constant 32 : i32
    %eq3A_133 = arith.constant 0 : i32
    %eq3A_134 = arith.cmpi eq, %jit3A_132, %eq3A_133 : i32
    %jit3A_135 = arith.constant 1 : i32
    %select_n3A_136 = arith.select %eq3A_134, %jit3A_135, %jit3A_132 : i32
    %rem3A_137 = arith.remsi %add3A_107, %select_n3A_136 : i32
    %ne3A_138 = arith.constant 0 : i32
    %ne3A_139 = arith.cmpi ne, %rem3A_137, %ne3A_138 : i32
    %lt3A_140 = arith.constant 0 : i32
    %lt3A_141 = arith.cmpi slt, %rem3A_137, %lt3A_140 : i32
    %lt3A_142 = arith.constant 0 : i32
    %lt3A_143 = arith.cmpi slt, %select_n3A_136, %lt3A_142 : i32
    %ne3A_144 = arith.xori %lt3A_141, %lt3A_143 : i1
    %and3A_145 = arith.andi %ne3A_144, %ne3A_139 : i1
    %add3A_146 = arith.addi %rem3A_137, %select_n3A_136 : i32
    %select_n3A_147 = arith.select %and3A_145, %add3A_146, %rem3A_137 : i32
    %mul3A_148 = arith.constant 8 : i32
    %mul3A_149 = arith.muli %select_n3A_131, %mul3A_148 : i32
    %mul3A_150 = arith.constant 128 : i32
    %mul3A_151 = arith.muli %select_n3A_147, %mul3A_150 : i32
    %dma_start3A_152 = arith.constant 2 : i32
    %dma_start3A_153 = arith.constant 0 : i32
    %dma_start3A_154 = arith.constant 0 : i32
    %dma_start3A_155 = tpu.memref_slice %arg5[%dma_start3A_152, %dma_start3A_153, %dma_start3A_154] : memref<25x8x128xi32, #tpu.memory_space<vmem>> -> memref<1x8x128xi32, #tpu.memory_space<vmem>>
    %dma_start3A_156 = tpu.memref_squeeze %dma_start3A_155 : memref<1x8x128xi32, #tpu.memory_space<vmem>> -> memref<8x128xi32, #tpu.memory_space<vmem>>
    %dma_start3A_157 = tpu.memref_slice %arg2[%mul3A_149, %mul3A_151] : memref<200x4096xi32, #tpu.memory_space<hbm>> -> memref<8x128xi32, #tpu.memory_space<hbm>>
    %dma_start3A_158 = arith.constant 0 : i32
    %dma_start3A_159 = arith.constant 0 : i32
    %dma_start3A_160 = tpu.memref_slice %arg5[%dma_start3A_152, %dma_start3A_158, %dma_start3A_159] : memref<25x8x128xi32, #tpu.memory_space<vmem>> -> memref<1x8x128xi32, #tpu.memory_space<vmem>>
    %dma_start3A_161 = tpu.memref_squeeze %dma_start3A_160 : memref<1x8x128xi32, #tpu.memory_space<vmem>> -> memref<8x128xi32, #tpu.memory_space<vmem>>
    %dma_start3A_162 = tpu.memref_slice %arg2[%mul3A_149, %mul3A_151] : memref<200x4096xi32, #tpu.memory_space<hbm>> -> memref<8x128xi32, #tpu.memory_space<hbm>>
    tpu.enqueue_dma source(%dma_start3A_162 : memref<8x128xi32, #tpu.memory_space<hbm>>) target(%dma_start3A_161 : memref<8x128xi32, #tpu.memory_space<vmem>>) target_semaphore(%arg9 : memref<!tpu.dma_semaphore, #tpu.memory_space<semaphore_mem>>)
    %add3A_163 = arith.constant 3 : i32
    %add3A_164 = arith.addi %mul3A_2, %add3A_163 : i32
    %jit3A_165 = arith.constant 32 : i32
    %div3A_166 = arith.divsi %add3A_164, %jit3A_165 : i32
    %sign3A_167 = arith.constant 0 : i32
    %sign3A_168 = arith.cmpi sgt, %add3A_164, %sign3A_167 : i32
    %sign3A_169 = arith.extui %sign3A_168 : i1 to i32
    %sign3A_170 = arith.constant 0 : i32
    %sign3A_171 = arith.cmpi slt, %add3A_164, %sign3A_170 : i32
    %sign3A_172 = arith.extui %sign3A_171 : i1 to i32
    %sign3A_173 = arith.subi %sign3A_169, %sign3A_172 : i32
    %sign3A_174 = arith.constant 0 : i32
    %sign3A_175 = arith.cmpi sgt, %jit3A_165, %sign3A_174 : i32
    %sign3A_176 = arith.extui %sign3A_175 : i1 to i32
    %sign3A_177 = arith.constant 0 : i32
    %sign3A_178 = arith.cmpi slt, %jit3A_165, %sign3A_177 : i32
    %sign3A_179 = arith.extui %sign3A_178 : i1 to i32
    %sign3A_180 = arith.subi %sign3A_176, %sign3A_179 : i32
    %ne3A_181 = arith.cmpi ne, %sign3A_173, %sign3A_180 : i32
    %rem3A_182 = arith.remsi %add3A_164, %jit3A_165 : i32
    %ne3A_183 = arith.constant 0 : i32
    %ne3A_184 = arith.cmpi ne, %rem3A_182, %ne3A_183 : i32
    %and3A_185 = arith.andi %ne3A_181, %ne3A_184 : i1
    %sub3A_186 = arith.constant 1 : i32
    %sub3A_187 = arith.subi %div3A_166, %sub3A_186 : i32
    %select_n3A_188 = arith.select %and3A_185, %sub3A_187, %div3A_166 : i32
    %jit3A_189 = arith.constant 32 : i32
    %eq3A_190 = arith.constant 0 : i32
    %eq3A_191 = arith.cmpi eq, %jit3A_189, %eq3A_190 : i32
    %jit3A_192 = arith.constant 1 : i32
    %select_n3A_193 = arith.select %eq3A_191, %jit3A_192, %jit3A_189 : i32
    %rem3A_194 = arith.remsi %add3A_164, %select_n3A_193 : i32
    %ne3A_195 = arith.constant 0 : i32
    %ne3A_196 = arith.cmpi ne, %rem3A_194, %ne3A_195 : i32
    %lt3A_197 = arith.constant 0 : i32
    %lt3A_198 = arith.cmpi slt, %rem3A_194, %lt3A_197 : i32
    %lt3A_199 = arith.constant 0 : i32
    %lt3A_200 = arith.cmpi slt, %select_n3A_193, %lt3A_199 : i32
    %ne3A_201 = arith.xori %lt3A_198, %lt3A_200 : i1
    %and3A_202 = arith.andi %ne3A_201, %ne3A_196 : i1
    %add3A_203 = arith.addi %rem3A_194, %select_n3A_193 : i32
    %select_n3A_204 = arith.select %and3A_202, %add3A_203, %rem3A_194 : i32
    %mul3A_205 = arith.constant 8 : i32
    %mul3A_206 = arith.muli %select_n3A_188, %mul3A_205 : i32
    %mul3A_207 = arith.constant 128 : i32
    %mul3A_208 = arith.muli %select_n3A_204, %mul3A_207 : i32
    %dma_start3A_209 = arith.constant 3 : i32
    %dma_start3A_210 = arith.constant 0 : i32
    %dma_start3A_211 = arith.constant 0 : i32
    %dma_start3A_212 = tpu.memref_slice %arg5[%dma_start3A_209, %dma_start3A_210, %dma_start3A_211] : memref<25x8x128xi32, #tpu.memory_space<vmem>> -> memref<1x8x128xi32, #tpu.memory_space<vmem>>
    %dma_start3A_213 = tpu.memref_squeeze %dma_start3A_212 : memref<1x8x128xi32, #tpu.memory_space<vmem>> -> memref<8x128xi32, #tpu.memory_space<vmem>>
    %dma_start3A_214 = tpu.memref_slice %arg2[%mul3A_206, %mul3A_208] : memref<200x4096xi32, #tpu.memory_space<hbm>> -> memref<8x128xi32, #tpu.memory_space<hbm>>
    %dma_start3A_215 = arith.constant 0 : i32
    %dma_start3A_216 = arith.constant 0 : i32
    %dma_start3A_217 = tpu.memref_slice %arg5[%dma_start3A_209, %dma_start3A_215, %dma_start3A_216] : memref<25x8x128xi32, #tpu.memory_space<vmem>> -> memref<1x8x128xi32, #tpu.memory_space<vmem>>
    %dma_start3A_218 = tpu.memref_squeeze %dma_start3A_217 : memref<1x8x128xi32, #tpu.memory_space<vmem>> -> memref<8x128xi32, #tpu.memory_space<vmem>>
    %dma_start3A_219 = tpu.memref_slice %arg2[%mul3A_206, %mul3A_208] : memref<200x4096xi32, #tpu.memory_space<hbm>> -> memref<8x128xi32, #tpu.memory_space<hbm>>
    tpu.enqueue_dma source(%dma_start3A_219 : memref<8x128xi32, #tpu.memory_space<hbm>>) target(%dma_start3A_218 : memref<8x128xi32, #tpu.memory_space<vmem>>) target_semaphore(%arg9 : memref<!tpu.dma_semaphore, #tpu.memory_space<semaphore_mem>>)
    %add3A_220 = arith.constant 4 : i32
    %add3A_221 = arith.addi %mul3A_2, %add3A_220 : i32
    %jit3A_222 = arith.constant 32 : i32
    %div3A_223 = arith.divsi %add3A_221, %jit3A_222 : i32
    %sign3A_224 = arith.constant 0 : i32
    %sign3A_225 = arith.cmpi sgt, %add3A_221, %sign3A_224 : i32
    %sign3A_226 = arith.extui %sign3A_225 : i1 to i32
    %sign3A_227 = arith.constant 0 : i32
    %sign3A_228 = arith.cmpi slt, %add3A_221, %sign3A_227 : i32
    %sign3A_229 = arith.extui %sign3A_228 : i1 to i32
    %sign3A_230 = arith.subi %sign3A_226, %sign3A_229 : i32
    %sign3A_231 = arith.constant 0 : i32
    %sign3A_232 = arith.cmpi sgt, %jit3A_222, %sign3A_231 : i32
    %sign3A_233 = arith.extui %sign3A_232 : i1 to i32
    %sign3A_234 = arith.constant 0 : i32
    %sign3A_235 = arith.cmpi slt, %jit3A_222, %sign3A_234 : i32
    %sign3A_236 = arith.extui %sign3A_235 : i1 to i32
    %sign3A_237 = arith.subi %sign3A_233, %sign3A_236 : i32
    %ne3A_238 = arith.cmpi ne, %sign3A_230, %sign3A_237 : i32
    %rem3A_239 = arith.remsi %add3A_221, %jit3A_222 : i32
    %ne3A_240 = arith.constant 0 : i32
    %ne3A_241 = arith.cmpi ne, %rem3A_239, %ne3A_240 : i32
    %and3A_242 = arith.andi %ne3A_238, %ne3A_241 : i1
    %sub3A_243 = arith.constant 1 : i32
    %sub3A_244 = arith.subi %div3A_223, %sub3A_243 : i32
    %select_n3A_245 = arith.select %and3A_242, %sub3A_244, %div3A_223 : i32
    %jit3A_246 = arith.constant 32 : i32
    %eq3A_247 = arith.constant 0 : i32
    %eq3A_248 = arith.cmpi eq, %jit3A_246, %eq3A_247 : i32
    %jit3A_249 = arith.constant 1 : i32
    %select_n3A_250 = arith.select %eq3A_248, %jit3A_249, %jit3A_246 : i32
    %rem3A_251 = arith.remsi %add3A_221, %select_n3A_250 : i32
    %ne3A_252 = arith.constant 0 : i32
    %ne3A_253 = arith.cmpi ne, %rem3A_251, %ne3A_252 : i32
    %lt3A_254 = arith.constant 0 : i32
    %lt3A_255 = arith.cmpi slt, %rem3A_251, %lt3A_254 : i32
    %lt3A_256 = arith.constant 0 : i32
    %lt3A_257 = arith.cmpi slt, %select_n3A_250, %lt3A_256 : i32
    %ne3A_258 = arith.xori %lt3A_255, %lt3A_257 : i1
    %and3A_259 = arith.andi %ne3A_258, %ne3A_253 : i1
    %add3A_260 = arith.addi %rem3A_251, %select_n3A_250 : i32
    %select_n3A_261 = arith.select %and3A_259, %add3A_260, %rem3A_251 : i32
    %mul3A_262 = arith.constant 8 : i32
    %mul3A_263 = arith.muli %select_n3A_245, %mul3A_262 : i32
    %mul3A_264 = arith.constant 128 : i32
    %mul3A_265 = arith.muli %select_n3A_261, %mul3A_264 : i32
    %dma_start3A_266 = arith.constant 4 : i32
    %dma_start3A_267 = arith.constant 0 : i32
    %dma_start3A_268 = arith.constant 0 : i32
    %dma_start3A_269 = tpu.memref_slice %arg5[%dma_start3A_266, %dma_start3A_267, %dma_start3A_268] : memref<25x8x128xi32, #tpu.memory_space<vmem>> -> memref<1x8x128xi32, #tpu.memory_space<vmem>>
    %dma_start3A_270 = tpu.memref_squeeze %dma_start3A_269 : memref<1x8x128xi32, #tpu.memory_space<vmem>> -> memref<8x128xi32, #tpu.memory_space<vmem>>
    %dma_start3A_271 = tpu.memref_slice %arg2[%mul3A_263, %mul3A_265] : memref<200x4096xi32, #tpu.memory_space<hbm>> -> memref<8x128xi32, #tpu.memory_space<hbm>>
    %dma_start3A_272 = arith.constant 0 : i32
    %dma_start3A_273 = arith.constant 0 : i32
    %dma_start3A_274 = tpu.memref_slice %arg5[%dma_start3A_266, %dma_start3A_272, %dma_start3A_273] : memref<25x8x128xi32, #tpu.memory_space<vmem>> -> memref<1x8x128xi32, #tpu.memory_space<vmem>>
    %dma_start3A_275 = tpu.memref_squeeze %dma_start3A_274 : memref<1x8x128xi32, #tpu.memory_space<vmem>> -> memref<8x128xi32, #tpu.memory_space<vmem>>
    %dma_start3A_276 = tpu.memref_slice %arg2[%mul3A_263, %mul3A_265] : memref<200x4096xi32, #tpu.memory_space<hbm>> -> memref<8x128xi32, #tpu.memory_space<hbm>>
    tpu.enqueue_dma source(%dma_start3A_276 : memref<8x128xi32, #tpu.memory_space<hbm>>) target(%dma_start3A_275 : memref<8x128xi32, #tpu.memory_space<vmem>>) target_semaphore(%arg9 : memref<!tpu.dma_semaphore, #tpu.memory_space<semaphore_mem>>)
    %add3A_277 = arith.constant 5 : i32
    %add3A_278 = arith.addi %mul3A_2, %add3A_277 : i32
    %jit3A_279 = arith.constant 32 : i32
    %div3A_280 = arith.divsi %add3A_278, %jit3A_279 : i32
    %sign3A_281 = arith.constant 0 : i32
    %sign3A_282 = arith.cmpi sgt, %add3A_278, %sign3A_281 : i32
    %sign3A_283 = arith.extui %sign3A_282 : i1 to i32
    %sign3A_284 = arith.constant 0 : i32
    %sign3A_285 = arith.cmpi slt, %add3A_278, %sign3A_284 : i32
    %sign3A_286 = arith.extui %sign3A_285 : i1 to i32
    %sign3A_287 = arith.subi %sign3A_283, %sign3A_286 : i32
    %sign3A_288 = arith.constant 0 : i32
    %sign3A_289 = arith.cmpi sgt, %jit3A_279, %sign3A_288 : i32
    %sign3A_290 = arith.extui %sign3A_289 : i1 to i32
    %sign3A_291 = arith.constant 0 : i32
    %sign3A_292 = arith.cmpi slt, %jit3A_279, %sign3A_291 : i32
    %sign3A_293 = arith.extui %sign3A_292 : i1 to i32
    %sign3A_294 = arith.subi %sign3A_290, %sign3A_293 : i32
    %ne3A_295 = arith.cmpi ne, %sign3A_287, %sign3A_294 : i32
    %rem3A_296 = arith.remsi %add3A_278, %jit3A_279 : i32
    %ne3A_297 = arith.constant 0 : i32
    %ne3A_298 = arith.cmpi ne, %rem3A_296, %ne3A_297 : i32
    %and3A_299 = arith.andi %ne3A_295, %ne3A_298 : i1
    %sub3A_300 = arith.constant 1 : i32
    %sub3A_301 = arith.subi %div3A_280, %sub3A_300 : i32
    %select_n3A_302 = arith.select %and3A_299, %sub3A_301, %div3A_280 : i32
    %jit3A_303 = arith.constant 32 : i32
    %eq3A_304 = arith.constant 0 : i32
    %eq3A_305 = arith.cmpi eq, %jit3A_303, %eq3A_304 : i32
    %jit3A_306 = arith.constant 1 : i32
    %select_n3A_307 = arith.select %eq3A_305, %jit3A_306, %jit3A_303 : i32
    %rem3A_308 = arith.remsi %add3A_278, %select_n3A_307 : i32
    %ne3A_309 = arith.constant 0 : i32
    %ne3A_310 = arith.cmpi ne, %rem3A_308, %ne3A_309 : i32
    %lt3A_311 = arith.constant 0 : i32
    %lt3A_312 = arith.cmpi slt, %rem3A_308, %lt3A_311 : i32
    %lt3A_313 = arith.constant 0 : i32
    %lt3A_314 = arith.cmpi slt, %select_n3A_307, %lt3A_313 : i32
    %ne3A_315 = arith.xori %lt3A_312, %lt3A_314 : i1
    %and3A_316 = arith.andi %ne3A_315, %ne3A_310 : i1
    %add3A_317 = arith.addi %rem3A_308, %select_n3A_307 : i32
    %select_n3A_318 = arith.select %and3A_316, %add3A_317, %rem3A_308 : i32
    %mul3A_319 = arith.constant 8 : i32
    %mul3A_320 = arith.muli %select_n3A_302, %mul3A_319 : i32
    %mul3A_321 = arith.constant 128 : i32
    %mul3A_322 = arith.muli %select_n3A_318, %mul3A_321 : i32
    %dma_start3A_323 = arith.constant 5 : i32
    %dma_start3A_324 = arith.constant 0 : i32
    %dma_start3A_325 = arith.constant 0 : i32
    %dma_start3A_326 = tpu.memref_slice %arg5[%dma_start3A_323, %dma_start3A_324, %dma_start3A_325] : memref<25x8x128xi32, #tpu.memory_space<vmem>> -> memref<1x8x128xi32, #tpu.memory_space<vmem>>
    %dma_start3A_327 = tpu.memref_squeeze %dma_start3A_326 : memref<1x8x128xi32, #tpu.memory_space<vmem>> -> memref<8x128xi32, #tpu.memory_space<vmem>>
    %dma_start3A_328 = tpu.memref_slice %arg2[%mul3A_320, %mul3A_322] : memref<200x4096xi32, #tpu.memory_space<hbm>> -> memref<8x128xi32, #tpu.memory_space<hbm>>
    %dma_start3A_329 = arith.constant 0 : i32
    %dma_start3A_330 = arith.constant 0 : i32
    %dma_start3A_331 = tpu.memref_slice %arg5[%dma_start3A_323, %dma_start3A_329, %dma_start3A_330] : memref<25x8x128xi32, #tpu.memory_space<vmem>> -> memref<1x8x128xi32, #tpu.memory_space<vmem>>
    %dma_start3A_332 = tpu.memref_squeeze %dma_start3A_331 : memref<1x8x128xi32, #tpu.memory_space<vmem>> -> memref<8x128xi32, #tpu.memory_space<vmem>>
    %dma_start3A_333 = tpu.memref_slice %arg2[%mul3A_320, %mul3A_322] : memref<200x4096xi32, #tpu.memory_space<hbm>> -> memref<8x128xi32, #tpu.memory_space<hbm>>
    tpu.enqueue_dma source(%dma_start3A_333 : memref<8x128xi32, #tpu.memory_space<hbm>>) target(%dma_start3A_332 : memref<8x128xi32, #tpu.memory_space<vmem>>) target_semaphore(%arg9 : memref<!tpu.dma_semaphore, #tpu.memory_space<semaphore_mem>>)
    %add3A_334 = arith.constant 6 : i32
    %add3A_335 = arith.addi %mul3A_2, %add3A_334 : i32
    %jit3A_336 = arith.constant 32 : i32
    %div3A_337 = arith.divsi %add3A_335, %jit3A_336 : i32
    %sign3A_338 = arith.constant 0 : i32
    %sign3A_339 = arith.cmpi sgt, %add3A_335, %sign3A_338 : i32
    %sign3A_340 = arith.extui %sign3A_339 : i1 to i32
    %sign3A_341 = arith.constant 0 : i32
    %sign3A_342 = arith.cmpi slt, %add3A_335, %sign3A_341 : i32
    %sign3A_343 = arith.extui %sign3A_342 : i1 to i32
    %sign3A_344 = arith.subi %sign3A_340, %sign3A_343 : i32
    %sign3A_345 = arith.constant 0 : i32
    %sign3A_346 = arith.cmpi sgt, %jit3A_336, %sign3A_345 : i32
    %sign3A_347 = arith.extui %sign3A_346 : i1 to i32
    %sign3A_348 = arith.constant 0 : i32
    %sign3A_349 = arith.cmpi slt, %jit3A_336, %sign3A_348 : i32
    %sign3A_350 = arith.extui %sign3A_349 : i1 to i32
    %sign3A_351 = arith.subi %sign3A_347, %sign3A_350 : i32
    %ne3A_352 = arith.cmpi ne, %sign3A_344, %sign3A_351 : i32
    %rem3A_353 = arith.remsi %add3A_335, %jit3A_336 : i32
    %ne3A_354 = arith.constant 0 : i32
    %ne3A_355 = arith.cmpi ne, %rem3A_353, %ne3A_354 : i32
    %and3A_356 = arith.andi %ne3A_352, %ne3A_355 : i1
    %sub3A_357 = arith.constant 1 : i32
    %sub3A_358 = arith.subi %div3A_337, %sub3A_357 : i32
    %select_n3A_359 = arith.select %and3A_356, %sub3A_358, %div3A_337 : i32
    %jit3A_360 = arith.constant 32 : i32
    %eq3A_361 = arith.constant 0 : i32
    %eq3A_362 = arith.cmpi eq, %jit3A_360, %eq3A_361 : i32
    %jit3A_363 = arith.constant 1 : i32
    %select_n3A_364 = arith.select %eq3A_362, %jit3A_363, %jit3A_360 : i32
    %rem3A_365 = arith.remsi %add3A_335, %select_n3A_364 : i32
    %ne3A_366 = arith.constant 0 : i32
    %ne3A_367 = arith.cmpi ne, %rem3A_365, %ne3A_366 : i32
    %lt3A_368 = arith.constant 0 : i32
    %lt3A_369 = arith.cmpi slt, %rem3A_365, %lt3A_368 : i32
    %lt3A_370 = arith.constant 0 : i32
    %lt3A_371 = arith.cmpi slt, %select_n3A_364, %lt3A_370 : i32
    %ne3A_372 = arith.xori %lt3A_369, %lt3A_371 : i1
    %and3A_373 = arith.andi %ne3A_372, %ne3A_367 : i1
    %add3A_374 = arith.addi %rem3A_365, %select_n3A_364 : i32
    %select_n3A_375 = arith.select %and3A_373, %add3A_374, %rem3A_365 : i32
    %mul3A_376 = arith.constant 8 : i32
    %mul3A_377 = arith.muli %select_n3A_359, %mul3A_376 : i32
    %mul3A_378 = arith.constant 128 : i32
    %mul3A_379 = arith.muli %select_n3A_375, %mul3A_378 : i32
    %dma_start3A_380 = arith.constant 6 : i32
    %dma_start3A_381 = arith.constant 0 : i32
    %dma_start3A_382 = arith.constant 0 : i32
    %dma_start3A_383 = tpu.memref_slice %arg5[%dma_start3A_380, %dma_start3A_381, %dma_start3A_382] : memref<25x8x128xi32, #tpu.memory_space<vmem>> -> memref<1x8x128xi32, #tpu.memory_space<vmem>>
    %dma_start3A_384 = tpu.memref_squeeze %dma_start3A_383 : memref<1x8x128xi32, #tpu.memory_space<vmem>> -> memref<8x128xi32, #tpu.memory_space<vmem>>
    %dma_start3A_385 = tpu.memref_slice %arg2[%mul3A_377, %mul3A_379] : memref<200x4096xi32, #tpu.memory_space<hbm>> -> memref<8x128xi32, #tpu.memory_space<hbm>>
    %dma_start3A_386 = arith.constant 0 : i32
    %dma_start3A_387 = arith.constant 0 : i32
    %dma_start3A_388 = tpu.memref_slice %arg5[%dma_start3A_380, %dma_start3A_386, %dma_start3A_387] : memref<25x8x128xi32, #tpu.memory_space<vmem>> -> memref<1x8x128xi32, #tpu.memory_space<vmem>>
    %dma_start3A_389 = tpu.memref_squeeze %dma_start3A_388 : memref<1x8x128xi32, #tpu.memory_space<vmem>> -> memref<8x128xi32, #tpu.memory_space<vmem>>
    %dma_start3A_390 = tpu.memref_slice %arg2[%mul3A_377, %mul3A_379] : memref<200x4096xi32, #tpu.memory_space<hbm>> -> memref<8x128xi32, #tpu.memory_space<hbm>>
    tpu.enqueue_dma source(%dma_start3A_390 : memref<8x128xi32, #tpu.memory_space<hbm>>) target(%dma_start3A_389 : memref<8x128xi32, #tpu.memory_space<vmem>>) target_semaphore(%arg9 : memref<!tpu.dma_semaphore, #tpu.memory_space<semaphore_mem>>)
    %add3A_391 = arith.constant 7 : i32
    %add3A_392 = arith.addi %mul3A_2, %add3A_391 : i32
    %jit3A_393 = arith.constant 32 : i32
    %div3A_394 = arith.divsi %add3A_392, %jit3A_393 : i32
    %sign3A_395 = arith.constant 0 : i32
    %sign3A_396 = arith.cmpi sgt, %add3A_392, %sign3A_395 : i32
    %sign3A_397 = arith.extui %sign3A_396 : i1 to i32
    %sign3A_398 = arith.constant 0 : i32
    %sign3A_399 = arith.cmpi slt, %add3A_392, %sign3A_398 : i32
    %sign3A_400 = arith.extui %sign3A_399 : i1 to i32
    %sign3A_401 = arith.subi %sign3A_397, %sign3A_400 : i32
    %sign3A_402 = arith.constant 0 : i32
    %sign3A_403 = arith.cmpi sgt, %jit3A_393, %sign3A_402 : i32
    %sign3A_404 = arith.extui %sign3A_403 : i1 to i32
    %sign3A_405 = arith.constant 0 : i32
    %sign3A_406 = arith.cmpi slt, %jit3A_393, %sign3A_405 : i32
    %sign3A_407 = arith.extui %sign3A_406 : i1 to i32
    %sign3A_408 = arith.subi %sign3A_404, %sign3A_407 : i32
    %ne3A_409 = arith.cmpi ne, %sign3A_401, %sign3A_408 : i32
    %rem3A_410 = arith.remsi %add3A_392, %jit3A_393 : i32
    %ne3A_411 = arith.constant 0 : i32
    %ne3A_412 = arith.cmpi ne, %rem3A_410, %ne3A_411 : i32
    %and3A_413 = arith.andi %ne3A_409, %ne3A_412 : i1
    %sub3A_414 = arith.constant 1 : i32
    %sub3A_415 = arith.subi %div3A_394, %sub3A_414 : i32
    %select_n3A_416 = arith.select %and3A_413, %sub3A_415, %div3A_394 : i32
    %jit3A_417 = arith.constant 32 : i32
    %eq3A_418 = arith.constant 0 : i32
    %eq3A_419 = arith.cmpi eq, %jit3A_417, %eq3A_418 : i32
    %jit3A_420 = arith.constant 1 : i32
    %select_n3A_421 = arith.select %eq3A_419, %jit3A_420, %jit3A_417 : i32
    %rem3A_422 = arith.remsi %add3A_392, %select_n3A_421 : i32
    %ne3A_423 = arith.constant 0 : i32
    %ne3A_424 = arith.cmpi ne, %rem3A_422, %ne3A_423 : i32
    %lt3A_425 = arith.constant 0 : i32
    %lt3A_426 = arith.cmpi slt, %rem3A_422, %lt3A_425 : i32
    %lt3A_427 = arith.constant 0 : i32
    %lt3A_428 = arith.cmpi slt, %select_n3A_421, %lt3A_427 : i32
    %ne3A_429 = arith.xori %lt3A_426, %lt3A_428 : i1
    %and3A_430 = arith.andi %ne3A_429, %ne3A_424 : i1
    %add3A_431 = arith.addi %rem3A_422, %select_n3A_421 : i32
    %select_n3A_432 = arith.select %and3A_430, %add3A_431, %rem3A_422 : i32
    %mul3A_433 = arith.constant 8 : i32
    %mul3A_434 = arith.muli %select_n3A_416, %mul3A_433 : i32
    %mul3A_435 = arith.constant 128 : i32
    %mul3A_436 = arith.muli %select_n3A_432, %mul3A_435 : i32
    %dma_start3A_437 = arith.constant 7 : i32
    %dma_start3A_438 = arith.constant 0 : i32
    %dma_start3A_439 = arith.constant 0 : i32
    %dma_start3A_440 = tpu.memref_slice %arg5[%dma_start3A_437, %dma_start3A_438, %dma_start3A_439] : memref<25x8x128xi32, #tpu.memory_space<vmem>> -> memref<1x8x128xi32, #tpu.memory_space<vmem>>
    %dma_start3A_441 = tpu.memref_squeeze %dma_start3A_440 : memref<1x8x128xi32, #tpu.memory_space<vmem>> -> memref<8x128xi32, #tpu.memory_space<vmem>>
    %dma_start3A_442 = tpu.memref_slice %arg2[%mul3A_434, %mul3A_436] : memref<200x4096xi32, #tpu.memory_space<hbm>> -> memref<8x128xi32, #tpu.memory_space<hbm>>
    %dma_start3A_443 = arith.constant 0 : i32
    %dma_start3A_444 = arith.constant 0 : i32
    %dma_start3A_445 = tpu.memref_slice %arg5[%dma_start3A_437, %dma_start3A_443, %dma_start3A_444] : memref<25x8x128xi32, #tpu.memory_space<vmem>> -> memref<1x8x128xi32, #tpu.memory_space<vmem>>
    %dma_start3A_446 = tpu.memref_squeeze %dma_start3A_445 : memref<1x8x128xi32, #tpu.memory_space<vmem>> -> memref<8x128xi32, #tpu.memory_space<vmem>>
    %dma_start3A_447 = tpu.memref_slice %arg2[%mul3A_434, %mul3A_436] : memref<200x4096xi32, #tpu.memory_space<hbm>> -> memref<8x128xi32, #tpu.memory_space<hbm>>
    tpu.enqueue_dma source(%dma_start3A_447 : memref<8x128xi32, #tpu.memory_space<hbm>>) target(%dma_start3A_446 : memref<8x128xi32, #tpu.memory_space<vmem>>) target_semaphore(%arg9 : memref<!tpu.dma_semaphore, #tpu.memory_space<semaphore_mem>>)
    %add3A_448 = arith.constant 8 : i32
    %add3A_449 = arith.addi %mul3A_2, %add3A_448 : i32
    %jit3A_450 = arith.constant 32 : i32
    %div3A_451 = arith.divsi %add3A_449, %jit3A_450 : i32
    %sign3A_452 = arith.constant 0 : i32
    %sign3A_453 = arith.cmpi sgt, %add3A_449, %sign3A_452 : i32
    %sign3A_454 = arith.extui %sign3A_453 : i1 to i32
    %sign3A_455 = arith.constant 0 : i32
    %sign3A_456 = arith.cmpi slt, %add3A_449, %sign3A_455 : i32
    %sign3A_457 = arith.extui %sign3A_456 : i1 to i32
    %sign3A_458 = arith.subi %sign3A_454, %sign3A_457 : i32
    %sign3A_459 = arith.constant 0 : i32
    %sign3A_460 = arith.cmpi sgt, %jit3A_450, %sign3A_459 : i32
    %sign3A_461 = arith.extui %sign3A_460 : i1 to i32
    %sign3A_462 = arith.constant 0 : i32
    %sign3A_463 = arith.cmpi slt, %jit3A_450, %sign3A_462 : i32
    %sign3A_464 = arith.extui %sign3A_463 : i1 to i32
    %sign3A_465 = arith.subi %sign3A_461, %sign3A_464 : i32
    %ne3A_466 = arith.cmpi ne, %sign3A_458, %sign3A_465 : i32
    %rem3A_467 = arith.remsi %add3A_449, %jit3A_450 : i32
    %ne3A_468 = arith.constant 0 : i32
    %ne3A_469 = arith.cmpi ne, %rem3A_467, %ne3A_468 : i32
    %and3A_470 = arith.andi %ne3A_466, %ne3A_469 : i1
    %sub3A_471 = arith.constant 1 : i32
    %sub3A_472 = arith.subi %div3A_451, %sub3A_471 : i32
    %select_n3A_473 = arith.select %and3A_470, %sub3A_472, %div3A_451 : i32
    %jit3A_474 = arith.constant 32 : i32
    %eq3A_475 = arith.constant 0 : i32
    %eq3A_476 = arith.cmpi eq, %jit3A_474, %eq3A_475 : i32
    %jit3A_477 = arith.constant 1 : i32
    %select_n3A_478 = arith.select %eq3A_476, %jit3A_477, %jit3A_474 : i32
    %rem3A_479 = arith.remsi %add3A_449, %select_n3A_478 : i32
    %ne3A_480 = arith.constant 0 : i32
    %ne3A_481 = arith.cmpi ne, %rem3A_479, %ne3A_480 : i32
    %lt3A_482 = arith.constant 0 : i32
    %lt3A_483 = arith.cmpi slt, %rem3A_479, %lt3A_482 : i32
    %lt3A_484 = arith.constant 0 : i32
    %lt3A_485 = arith.cmpi slt, %select_n3A_478, %lt3A_484 : i32
    %ne3A_486 = arith.xori %lt3A_483, %lt3A_485 : i1
    %and3A_487 = arith.andi %ne3A_486, %ne3A_481 : i1
    %add3A_488 = arith.addi %rem3A_479, %select_n3A_478 : i32
    %select_n3A_489 = arith.select %and3A_487, %add3A_488, %rem3A_479 : i32
    %mul3A_490 = arith.constant 8 : i32
    %mul3A_491 = arith.muli %select_n3A_473, %mul3A_490 : i32
    %mul3A_492 = arith.constant 128 : i32
    %mul3A_493 = arith.muli %select_n3A_489, %mul3A_492 : i32
    %dma_start3A_494 = arith.constant 8 : i32
    %dma_start3A_495 = arith.constant 0 : i32
    %dma_start3A_496 = arith.constant 0 : i32
    %dma_start3A_497 = tpu.memref_slice %arg5[%dma_start3A_494, %dma_start3A_495, %dma_start3A_496] : memref<25x8x128xi32, #tpu.memory_space<vmem>> -> memref<1x8x128xi32, #tpu.memory_space<vmem>>
    %dma_start3A_498 = tpu.memref_squeeze %dma_start3A_497 : memref<1x8x128xi32, #tpu.memory_space<vmem>> -> memref<8x128xi32, #tpu.memory_space<vmem>>
    %dma_start3A_499 = tpu.memref_slice %arg2[%mul3A_491, %mul3A_493] : memref<200x4096xi32, #tpu.memory_space<hbm>> -> memref<8x128xi32, #tpu.memory_space<hbm>>
    %dma_start3A_500 = arith.constant 0 : i32
    %dma_start3A_501 = arith.constant 0 : i32
    %dma_start3A_502 = tpu.memref_slice %arg5[%dma_start3A_494, %dma_start3A_500, %dma_start3A_501] : memref<25x8x128xi32, #tpu.memory_space<vmem>> -> memref<1x8x128xi32, #tpu.memory_space<vmem>>
    %dma_start3A_503 = tpu.memref_squeeze %dma_start3A_502 : memref<1x8x128xi32, #tpu.memory_space<vmem>> -> memref<8x128xi32, #tpu.memory_space<vmem>>
    %dma_start3A_504 = tpu.memref_slice %arg2[%mul3A_491, %mul3A_493] : memref<200x4096xi32, #tpu.memory_space<hbm>> -> memref<8x128xi32, #tpu.memory_space<hbm>>
    tpu.enqueue_dma source(%dma_start3A_504 : memref<8x128xi32, #tpu.memory_space<hbm>>) target(%dma_start3A_503 : memref<8x128xi32, #tpu.memory_space<vmem>>) target_semaphore(%arg9 : memref<!tpu.dma_semaphore, #tpu.memory_space<semaphore_mem>>)
    %add3A_505 = arith.constant 9 : i32
    %add3A_506 = arith.addi %mul3A_2, %add3A_505 : i32
    %jit3A_507 = arith.constant 32 : i32
    %div3A_508 = arith.divsi %add3A_506, %jit3A_507 : i32
    %sign3A_509 = arith.constant 0 : i32
    %sign3A_510 = arith.cmpi sgt, %add3A_506, %sign3A_509 : i32
    %sign3A_511 = arith.extui %sign3A_510 : i1 to i32
    %sign3A_512 = arith.constant 0 : i32
    %sign3A_513 = arith.cmpi slt, %add3A_506, %sign3A_512 : i32
    %sign3A_514 = arith.extui %sign3A_513 : i1 to i32
    %sign3A_515 = arith.subi %sign3A_511, %sign3A_514 : i32
    %sign3A_516 = arith.constant 0 : i32
    %sign3A_517 = arith.cmpi sgt, %jit3A_507, %sign3A_516 : i32
    %sign3A_518 = arith.extui %sign3A_517 : i1 to i32
    %sign3A_519 = arith.constant 0 : i32
    %sign3A_520 = arith.cmpi slt, %jit3A_507, %sign3A_519 : i32
    %sign3A_521 = arith.extui %sign3A_520 : i1 to i32
    %sign3A_522 = arith.subi %sign3A_518, %sign3A_521 : i32
    %ne3A_523 = arith.cmpi ne, %sign3A_515, %sign3A_522 : i32
    %rem3A_524 = arith.remsi %add3A_506, %jit3A_507 : i32
    %ne3A_525 = arith.constant 0 : i32
    %ne3A_526 = arith.cmpi ne, %rem3A_524, %ne3A_525 : i32
    %and3A_527 = arith.andi %ne3A_523, %ne3A_526 : i1
    %sub3A_528 = arith.constant 1 : i32
    %sub3A_529 = arith.subi %div3A_508, %sub3A_528 : i32
    %select_n3A_530 = arith.select %and3A_527, %sub3A_529, %div3A_508 : i32
    %jit3A_531 = arith.constant 32 : i32
    %eq3A_532 = arith.constant 0 : i32
    %eq3A_533 = arith.cmpi eq, %jit3A_531, %eq3A_532 : i32
    %jit3A_534 = arith.constant 1 : i32
    %select_n3A_535 = arith.select %eq3A_533, %jit3A_534, %jit3A_531 : i32
    %rem3A_536 = arith.remsi %add3A_506, %select_n3A_535 : i32
    %ne3A_537 = arith.constant 0 : i32
    %ne3A_538 = arith.cmpi ne, %rem3A_536, %ne3A_537 : i32
    %lt3A_539 = arith.constant 0 : i32
    %lt3A_540 = arith.cmpi slt, %rem3A_536, %lt3A_539 : i32
    %lt3A_541 = arith.constant 0 : i32
    %lt3A_542 = arith.cmpi slt, %select_n3A_535, %lt3A_541 : i32
    %ne3A_543 = arith.xori %lt3A_540, %lt3A_542 : i1
    %and3A_544 = arith.andi %ne3A_543, %ne3A_538 : i1
    %add3A_545 = arith.addi %rem3A_536, %select_n3A_535 : i32
    %select_n3A_546 = arith.select %and3A_544, %add3A_545, %rem3A_536 : i32
    %mul3A_547 = arith.constant 8 : i32
    %mul3A_548 = arith.muli %select_n3A_530, %mul3A_547 : i32
    %mul3A_549 = arith.constant 128 : i32
    %mul3A_550 = arith.muli %select_n3A_546, %mul3A_549 : i32
    %dma_start3A_551 = arith.constant 9 : i32
    %dma_start3A_552 = arith.constant 0 : i32
    %dma_start3A_553 = arith.constant 0 : i32
    %dma_start3A_554 = tpu.memref_slice %arg5[%dma_start3A_551, %dma_start3A_552, %dma_start3A_553] : memref<25x8x128xi32, #tpu.memory_space<vmem>> -> memref<1x8x128xi32, #tpu.memory_space<vmem>>
    %dma_start3A_555 = tpu.memref_squeeze %dma_start3A_554 : memref<1x8x128xi32, #tpu.memory_space<vmem>> -> memref<8x128xi32, #tpu.memory_space<vmem>>
    %dma_start3A_556 = tpu.memref_slice %arg2[%mul3A_548, %mul3A_550] : memref<200x4096xi32, #tpu.memory_space<hbm>> -> memref<8x128xi32, #tpu.memory_space<hbm>>
    %dma_start3A_557 = arith.constant 0 : i32
    %dma_start3A_558 = arith.constant 0 : i32
    %dma_start3A_559 = tpu.memref_slice %arg5[%dma_start3A_551, %dma_start3A_557, %dma_start3A_558] : memref<25x8x128xi32, #tpu.memory_space<vmem>> -> memref<1x8x128xi32, #tpu.memory_space<vmem>>
    %dma_start3A_560 = tpu.memref_squeeze %dma_start3A_559 : memref<1x8x128xi32, #tpu.memory_space<vmem>> -> memref<8x128xi32, #tpu.memory_space<vmem>>
    %dma_start3A_561 = tpu.memref_slice %arg2[%mul3A_548, %mul3A_550] : memref<200x4096xi32, #tpu.memory_space<hbm>> -> memref<8x128xi32, #tpu.memory_space<hbm>>
    tpu.enqueue_dma source(%dma_start3A_561 : memref<8x128xi32, #tpu.memory_space<hbm>>) target(%dma_start3A_560 : memref<8x128xi32, #tpu.memory_space<vmem>>) target_semaphore(%arg9 : memref<!tpu.dma_semaphore, #tpu.memory_space<semaphore_mem>>)
    %add3A_562 = arith.constant 10 : i32
    %add3A_563 = arith.addi %mul3A_2, %add3A_562 : i32
    %jit3A_564 = arith.constant 32 : i32
    %div3A_565 = arith.divsi %add3A_563, %jit3A_564 : i32
    %sign3A_566 = arith.constant 0 : i32
    %sign3A_567 = arith.cmpi sgt, %add3A_563, %sign3A_566 : i32
    %sign3A_568 = arith.extui %sign3A_567 : i1 to i32
    %sign3A_569 = arith.constant 0 : i32
    %sign3A_570 = arith.cmpi slt, %add3A_563, %sign3A_569 : i32
    %sign3A_571 = arith.extui %sign3A_570 : i1 to i32
    %sign3A_572 = arith.subi %sign3A_568, %sign3A_571 : i32
    %sign3A_573 = arith.constant 0 : i32
    %sign3A_574 = arith.cmpi sgt, %jit3A_564, %sign3A_573 : i32
    %sign3A_575 = arith.extui %sign3A_574 : i1 to i32
    %sign3A_576 = arith.constant 0 : i32
    %sign3A_577 = arith.cmpi slt, %jit3A_564, %sign3A_576 : i32
    %sign3A_578 = arith.extui %sign3A_577 : i1 to i32
    %sign3A_579 = arith.subi %sign3A_575, %sign3A_578 : i32
    %ne3A_580 = arith.cmpi ne, %sign3A_572, %sign3A_579 : i32
    %rem3A_581 = arith.remsi %add3A_563, %jit3A_564 : i32
    %ne3A_582 = arith.constant 0 : i32
    %ne3A_583 = arith.cmpi ne, %rem3A_581, %ne3A_582 : i32
    %and3A_584 = arith.andi %ne3A_580, %ne3A_583 : i1
    %sub3A_585 = arith.constant 1 : i32
    %sub3A_586 = arith.subi %div3A_565, %sub3A_585 : i32
    %select_n3A_587 = arith.select %and3A_584, %sub3A_586, %div3A_565 : i32
    %jit3A_588 = arith.constant 32 : i32
    %eq3A_589 = arith.constant 0 : i32
    %eq3A_590 = arith.cmpi eq, %jit3A_588, %eq3A_589 : i32
    %jit3A_591 = arith.constant 1 : i32
    %select_n3A_592 = arith.select %eq3A_590, %jit3A_591, %jit3A_588 : i32
    %rem3A_593 = arith.remsi %add3A_563, %select_n3A_592 : i32
    %ne3A_594 = arith.constant 0 : i32
    %ne3A_595 = arith.cmpi ne, %rem3A_593, %ne3A_594 : i32
    %lt3A_596 = arith.constant 0 : i32
    %lt3A_597 = arith.cmpi slt, %rem3A_593, %lt3A_596 : i32
    %lt3A_598 = arith.constant 0 : i32
    %lt3A_599 = arith.cmpi slt, %select_n3A_592, %lt3A_598 : i32
    %ne3A_600 = arith.xori %lt3A_597, %lt3A_599 : i1
    %and3A_601 = arith.andi %ne3A_600, %ne3A_595 : i1
    %add3A_602 = arith.addi %rem3A_593, %select_n3A_592 : i32
    %select_n3A_603 = arith.select %and3A_601, %add3A_602, %rem3A_593 : i32
    %mul3A_604 = arith.constant 8 : i32
    %mul3A_605 = arith.muli %select_n3A_587, %mul3A_604 : i32
    %mul3A_606 = arith.constant 128 : i32
    %mul3A_607 = arith.muli %select_n3A_603, %mul3A_606 : i32
    %dma_start3A_608 = arith.constant 10 : i32
    %dma_start3A_609 = arith.constant 0 : i32
    %dma_start3A_610 = arith.constant 0 : i32
    %dma_start3A_611 = tpu.memref_slice %arg5[%dma_start3A_608, %dma_start3A_609, %dma_start3A_610] : memref<25x8x128xi32, #tpu.memory_space<vmem>> -> memref<1x8x128xi32, #tpu.memory_space<vmem>>
    %dma_start3A_612 = tpu.memref_squeeze %dma_start3A_611 : memref<1x8x128xi32, #tpu.memory_space<vmem>> -> memref<8x128xi32, #tpu.memory_space<vmem>>
    %dma_start3A_613 = tpu.memref_slice %arg2[%mul3A_605, %mul3A_607] : memref<200x4096xi32, #tpu.memory_space<hbm>> -> memref<8x128xi32, #tpu.memory_space<hbm>>
    %dma_start3A_614 = arith.constant 0 : i32
    %dma_start3A_615 = arith.constant 0 : i32
    %dma_start3A_616 = tpu.memref_slice %arg5[%dma_start3A_608, %dma_start3A_614, %dma_start3A_615] : memref<25x8x128xi32, #tpu.memory_space<vmem>> -> memref<1x8x128xi32, #tpu.memory_space<vmem>>
    %dma_start3A_617 = tpu.memref_squeeze %dma_start3A_616 : memref<1x8x128xi32, #tpu.memory_space<vmem>> -> memref<8x128xi32, #tpu.memory_space<vmem>>
    %dma_start3A_618 = tpu.memref_slice %arg2[%mul3A_605, %mul3A_607] : memref<200x4096xi32, #tpu.memory_space<hbm>> -> memref<8x128xi32, #tpu.memory_space<hbm>>
    tpu.enqueue_dma source(%dma_start3A_618 : memref<8x128xi32, #tpu.memory_space<hbm>>) target(%dma_start3A_617 : memref<8x128xi32, #tpu.memory_space<vmem>>) target_semaphore(%arg9 : memref<!tpu.dma_semaphore, #tpu.memory_space<semaphore_mem>>)
    %add3A_619 = arith.constant 11 : i32
    %add3A_620 = arith.addi %mul3A_2, %add3A_619 : i32
    %jit3A_621 = arith.constant 32 : i32
    %div3A_622 = arith.divsi %add3A_620, %jit3A_621 : i32
    %sign3A_623 = arith.constant 0 : i32
    %sign3A_624 = arith.cmpi sgt, %add3A_620, %sign3A_623 : i32
    %sign3A_625 = arith.extui %sign3A_624 : i1 to i32
    %sign3A_626 = arith.constant 0 : i32
    %sign3A_627 = arith.cmpi slt, %add3A_620, %sign3A_626 : i32
    %sign3A_628 = arith.extui %sign3A_627 : i1 to i32
    %sign3A_629 = arith.subi %sign3A_625, %sign3A_628 : i32
    %sign3A_630 = arith.constant 0 : i32
    %sign3A_631 = arith.cmpi sgt, %jit3A_621, %sign3A_630 : i32
    %sign3A_632 = arith.extui %sign3A_631 : i1 to i32
    %sign3A_633 = arith.constant 0 : i32
    %sign3A_634 = arith.cmpi slt, %jit3A_621, %sign3A_633 : i32
    %sign3A_635 = arith.extui %sign3A_634 : i1 to i32
    %sign3A_636 = arith.subi %sign3A_632, %sign3A_635 : i32
    %ne3A_637 = arith.cmpi ne, %sign3A_629, %sign3A_636 : i32
    %rem3A_638 = arith.remsi %add3A_620, %jit3A_621 : i32
    %ne3A_639 = arith.constant 0 : i32
    %ne3A_640 = arith.cmpi ne, %rem3A_638, %ne3A_639 : i32
    %and3A_641 = arith.andi %ne3A_637, %ne3A_640 : i1
    %sub3A_642 = arith.constant 1 : i32
    %sub3A_643 = arith.subi %div3A_622, %sub3A_642 : i32
    %select_n3A_644 = arith.select %and3A_641, %sub3A_643, %div3A_622 : i32
    %jit3A_645 = arith.constant 32 : i32
    %eq3A_646 = arith.constant 0 : i32
    %eq3A_647 = arith.cmpi eq, %jit3A_645, %eq3A_646 : i32
    %jit3A_648 = arith.constant 1 : i32
    %select_n3A_649 = arith.select %eq3A_647, %jit3A_648, %jit3A_645 : i32
    %rem3A_650 = arith.remsi %add3A_620, %select_n3A_649 : i32
    %ne3A_651 = arith.constant 0 : i32
    %ne3A_652 = arith.cmpi ne, %rem3A_650, %ne3A_651 : i32
    %lt3A_653 = arith.constant 0 : i32
    %lt3A_654 = arith.cmpi slt, %rem3A_650, %lt3A_653 : i32
    %lt3A_655 = arith.constant 0 : i32
    %lt3A_656 = arith.cmpi slt, %select_n3A_649, %lt3A_655 : i32
    %ne3A_657 = arith.xori %lt3A_654, %lt3A_656 : i1
    %and3A_658 = arith.andi %ne3A_657, %ne3A_652 : i1
    %add3A_659 = arith.addi %rem3A_650, %select_n3A_649 : i32
    %select_n3A_660 = arith.select %and3A_658, %add3A_659, %rem3A_650 : i32
    %mul3A_661 = arith.constant 8 : i32
    %mul3A_662 = arith.muli %select_n3A_644, %mul3A_661 : i32
    %mul3A_663 = arith.constant 128 : i32
    %mul3A_664 = arith.muli %select_n3A_660, %mul3A_663 : i32
    %dma_start3A_665 = arith.constant 11 : i32
    %dma_start3A_666 = arith.constant 0 : i32
    %dma_start3A_667 = arith.constant 0 : i32
    %dma_start3A_668 = tpu.memref_slice %arg5[%dma_start3A_665, %dma_start3A_666, %dma_start3A_667] : memref<25x8x128xi32, #tpu.memory_space<vmem>> -> memref<1x8x128xi32, #tpu.memory_space<vmem>>
    %dma_start3A_669 = tpu.memref_squeeze %dma_start3A_668 : memref<1x8x128xi32, #tpu.memory_space<vmem>> -> memref<8x128xi32, #tpu.memory_space<vmem>>
    %dma_start3A_670 = tpu.memref_slice %arg2[%mul3A_662, %mul3A_664] : memref<200x4096xi32, #tpu.memory_space<hbm>> -> memref<8x128xi32, #tpu.memory_space<hbm>>
    %dma_start3A_671 = arith.constant 0 : i32
    %dma_start3A_672 = arith.constant 0 : i32
    %dma_start3A_673 = tpu.memref_slice %arg5[%dma_start3A_665, %dma_start3A_671, %dma_start3A_672] : memref<25x8x128xi32, #tpu.memory_space<vmem>> -> memref<1x8x128xi32, #tpu.memory_space<vmem>>
    %dma_start3A_674 = tpu.memref_squeeze %dma_start3A_673 : memref<1x8x128xi32, #tpu.memory_space<vmem>> -> memref<8x128xi32, #tpu.memory_space<vmem>>
    %dma_start3A_675 = tpu.memref_slice %arg2[%mul3A_662, %mul3A_664] : memref<200x4096xi32, #tpu.memory_space<hbm>> -> memref<8x128xi32, #tpu.memory_space<hbm>>
    tpu.enqueue_dma source(%dma_start3A_675 : memref<8x128xi32, #tpu.memory_space<hbm>>) target(%dma_start3A_674 : memref<8x128xi32, #tpu.memory_space<vmem>>) target_semaphore(%arg9 : memref<!tpu.dma_semaphore, #tpu.memory_space<semaphore_mem>>)
    %add3A_676 = arith.constant 12 : i32
    %add3A_677 = arith.addi %mul3A_2, %add3A_676 : i32
    %jit3A_678 = arith.constant 32 : i32
    %div3A_679 = arith.divsi %add3A_677, %jit3A_678 : i32
    %sign3A_680 = arith.constant 0 : i32
    %sign3A_681 = arith.cmpi sgt, %add3A_677, %sign3A_680 : i32
    %sign3A_682 = arith.extui %sign3A_681 : i1 to i32
    %sign3A_683 = arith.constant 0 : i32
    %sign3A_684 = arith.cmpi slt, %add3A_677, %sign3A_683 : i32
    %sign3A_685 = arith.extui %sign3A_684 : i1 to i32
    %sign3A_686 = arith.subi %sign3A_682, %sign3A_685 : i32
    %sign3A_687 = arith.constant 0 : i32
    %sign3A_688 = arith.cmpi sgt, %jit3A_678, %sign3A_687 : i32
    %sign3A_689 = arith.extui %sign3A_688 : i1 to i32
    %sign3A_690 = arith.constant 0 : i32
    %sign3A_691 = arith.cmpi slt, %jit3A_678, %sign3A_690 : i32
    %sign3A_692 = arith.extui %sign3A_691 : i1 to i32
    %sign3A_693 = arith.subi %sign3A_689, %sign3A_692 : i32
    %ne3A_694 = arith.cmpi ne, %sign3A_686, %sign3A_693 : i32
    %rem3A_695 = arith.remsi %add3A_677, %jit3A_678 : i32
    %ne3A_696 = arith.constant 0 : i32
    %ne3A_697 = arith.cmpi ne, %rem3A_695, %ne3A_696 : i32
    %and3A_698 = arith.andi %ne3A_694, %ne3A_697 : i1
    %sub3A_699 = arith.constant 1 : i32
    %sub3A_700 = arith.subi %div3A_679, %sub3A_699 : i32
    %select_n3A_701 = arith.select %and3A_698, %sub3A_700, %div3A_679 : i32
    %jit3A_702 = arith.constant 32 : i32
    %eq3A_703 = arith.constant 0 : i32
    %eq3A_704 = arith.cmpi eq, %jit3A_702, %eq3A_703 : i32
    %jit3A_705 = arith.constant 1 : i32
    %select_n3A_706 = arith.select %eq3A_704, %jit3A_705, %jit3A_702 : i32
    %rem3A_707 = arith.remsi %add3A_677, %select_n3A_706 : i32
    %ne3A_708 = arith.constant 0 : i32
    %ne3A_709 = arith.cmpi ne, %rem3A_707, %ne3A_708 : i32
    %lt3A_710 = arith.constant 0 : i32
    %lt3A_711 = arith.cmpi slt, %rem3A_707, %lt3A_710 : i32
    %lt3A_712 = arith.constant 0 : i32
    %lt3A_713 = arith.cmpi slt, %select_n3A_706, %lt3A_712 : i32
    %ne3A_714 = arith.xori %lt3A_711, %lt3A_713 : i1
    %and3A_715 = arith.andi %ne3A_714, %ne3A_709 : i1
    %add3A_716 = arith.addi %rem3A_707, %select_n3A_706 : i32
    %select_n3A_717 = arith.select %and3A_715, %add3A_716, %rem3A_707 : i32
    %mul3A_718 = arith.constant 8 : i32
    %mul3A_719 = arith.muli %select_n3A_701, %mul3A_718 : i32
    %mul3A_720 = arith.constant 128 : i32
    %mul3A_721 = arith.muli %select_n3A_717, %mul3A_720 : i32
    %dma_start3A_722 = arith.constant 12 : i32
    %dma_start3A_723 = arith.constant 0 : i32
    %dma_start3A_724 = arith.constant 0 : i32
    %dma_start3A_725 = tpu.memref_slice %arg5[%dma_start3A_722, %dma_start3A_723, %dma_start3A_724] : memref<25x8x128xi32, #tpu.memory_space<vmem>> -> memref<1x8x128xi32, #tpu.memory_space<vmem>>
    %dma_start3A_726 = tpu.memref_squeeze %dma_start3A_725 : memref<1x8x128xi32, #tpu.memory_space<vmem>> -> memref<8x128xi32, #tpu.memory_space<vmem>>
    %dma_start3A_727 = tpu.memref_slice %arg2[%mul3A_719, %mul3A_721] : memref<200x4096xi32, #tpu.memory_space<hbm>> -> memref<8x128xi32, #tpu.memory_space<hbm>>
    %dma_start3A_728 = arith.constant 0 : i32
    %dma_start3A_729 = arith.constant 0 : i32
    %dma_start3A_730 = tpu.memref_slice %arg5[%dma_start3A_722, %dma_start3A_728, %dma_start3A_729] : memref<25x8x128xi32, #tpu.memory_space<vmem>> -> memref<1x8x128xi32, #tpu.memory_space<vmem>>
    %dma_start3A_731 = tpu.memref_squeeze %dma_start3A_730 : memref<1x8x128xi32, #tpu.memory_space<vmem>> -> memref<8x128xi32, #tpu.memory_space<vmem>>
    %dma_start3A_732 = tpu.memref_slice %arg2[%mul3A_719, %mul3A_721] : memref<200x4096xi32, #tpu.memory_space<hbm>> -> memref<8x128xi32, #tpu.memory_space<hbm>>
    tpu.enqueue_dma source(%dma_start3A_732 : memref<8x128xi32, #tpu.memory_space<hbm>>) target(%dma_start3A_731 : memref<8x128xi32, #tpu.memory_space<vmem>>) target_semaphore(%arg9 : memref<!tpu.dma_semaphore, #tpu.memory_space<semaphore_mem>>)
    %add3A_733 = arith.constant 13 : i32
    %add3A_734 = arith.addi %mul3A_2, %add3A_733 : i32
    %jit3A_735 = arith.constant 32 : i32
    %div3A_736 = arith.divsi %add3A_734, %jit3A_735 : i32
    %sign3A_737 = arith.constant 0 : i32
    %sign3A_738 = arith.cmpi sgt, %add3A_734, %sign3A_737 : i32
    %sign3A_739 = arith.extui %sign3A_738 : i1 to i32
    %sign3A_740 = arith.constant 0 : i32
    %sign3A_741 = arith.cmpi slt, %add3A_734, %sign3A_740 : i32
    %sign3A_742 = arith.extui %sign3A_741 : i1 to i32
    %sign3A_743 = arith.subi %sign3A_739, %sign3A_742 : i32
    %sign3A_744 = arith.constant 0 : i32
    %sign3A_745 = arith.cmpi sgt, %jit3A_735, %sign3A_744 : i32
    %sign3A_746 = arith.extui %sign3A_745 : i1 to i32
    %sign3A_747 = arith.constant 0 : i32
    %sign3A_748 = arith.cmpi slt, %jit3A_735, %sign3A_747 : i32
    %sign3A_749 = arith.extui %sign3A_748 : i1 to i32
    %sign3A_750 = arith.subi %sign3A_746, %sign3A_749 : i32
    %ne3A_751 = arith.cmpi ne, %sign3A_743, %sign3A_750 : i32
    %rem3A_752 = arith.remsi %add3A_734, %jit3A_735 : i32
    %ne3A_753 = arith.constant 0 : i32
    %ne3A_754 = arith.cmpi ne, %rem3A_752, %ne3A_753 : i32
    %and3A_755 = arith.andi %ne3A_751, %ne3A_754 : i1
    %sub3A_756 = arith.constant 1 : i32
    %sub3A_757 = arith.subi %div3A_736, %sub3A_756 : i32
    %select_n3A_758 = arith.select %and3A_755, %sub3A_757, %div3A_736 : i32
    %jit3A_759 = arith.constant 32 : i32
    %eq3A_760 = arith.constant 0 : i32
    %eq3A_761 = arith.cmpi eq, %jit3A_759, %eq3A_760 : i32
    %jit3A_762 = arith.constant 1 : i32
    %select_n3A_763 = arith.select %eq3A_761, %jit3A_762, %jit3A_759 : i32
    %rem3A_764 = arith.remsi %add3A_734, %select_n3A_763 : i32
    %ne3A_765 = arith.constant 0 : i32
    %ne3A_766 = arith.cmpi ne, %rem3A_764, %ne3A_765 : i32
    %lt3A_767 = arith.constant 0 : i32
    %lt3A_768 = arith.cmpi slt, %rem3A_764, %lt3A_767 : i32
    %lt3A_769 = arith.constant 0 : i32
    %lt3A_770 = arith.cmpi slt, %select_n3A_763, %lt3A_769 : i32
    %ne3A_771 = arith.xori %lt3A_768, %lt3A_770 : i1
    %and3A_772 = arith.andi %ne3A_771, %ne3A_766 : i1
    %add3A_773 = arith.addi %rem3A_764, %select_n3A_763 : i32
    %select_n3A_774 = arith.select %and3A_772, %add3A_773, %rem3A_764 : i32
    %mul3A_775 = arith.constant 8 : i32
    %mul3A_776 = arith.muli %select_n3A_758, %mul3A_775 : i32
    %mul3A_777 = arith.constant 128 : i32
    %mul3A_778 = arith.muli %select_n3A_774, %mul3A_777 : i32
    %dma_start3A_779 = arith.constant 13 : i32
    %dma_start3A_780 = arith.constant 0 : i32
    %dma_start3A_781 = arith.constant 0 : i32
    %dma_start3A_782 = tpu.memref_slice %arg5[%dma_start3A_779, %dma_start3A_780, %dma_start3A_781] : memref<25x8x128xi32, #tpu.memory_space<vmem>> -> memref<1x8x128xi32, #tpu.memory_space<vmem>>
    %dma_start3A_783 = tpu.memref_squeeze %dma_start3A_782 : memref<1x8x128xi32, #tpu.memory_space<vmem>> -> memref<8x128xi32, #tpu.memory_space<vmem>>
    %dma_start3A_784 = tpu.memref_slice %arg2[%mul3A_776, %mul3A_778] : memref<200x4096xi32, #tpu.memory_space<hbm>> -> memref<8x128xi32, #tpu.memory_space<hbm>>
    %dma_start3A_785 = arith.constant 0 : i32
    %dma_start3A_786 = arith.constant 0 : i32
    %dma_start3A_787 = tpu.memref_slice %arg5[%dma_start3A_779, %dma_start3A_785, %dma_start3A_786] : memref<25x8x128xi32, #tpu.memory_space<vmem>> -> memref<1x8x128xi32, #tpu.memory_space<vmem>>
    %dma_start3A_788 = tpu.memref_squeeze %dma_start3A_787 : memref<1x8x128xi32, #tpu.memory_space<vmem>> -> memref<8x128xi32, #tpu.memory_space<vmem>>
    %dma_start3A_789 = tpu.memref_slice %arg2[%mul3A_776, %mul3A_778] : memref<200x4096xi32, #tpu.memory_space<hbm>> -> memref<8x128xi32, #tpu.memory_space<hbm>>
    tpu.enqueue_dma source(%dma_start3A_789 : memref<8x128xi32, #tpu.memory_space<hbm>>) target(%dma_start3A_788 : memref<8x128xi32, #tpu.memory_space<vmem>>) target_semaphore(%arg9 : memref<!tpu.dma_semaphore, #tpu.memory_space<semaphore_mem>>)
    %add3A_790 = arith.constant 14 : i32
    %add3A_791 = arith.addi %mul3A_2, %add3A_790 : i32
    %jit3A_792 = arith.constant 32 : i32
    %div3A_793 = arith.divsi %add3A_791, %jit3A_792 : i32
    %sign3A_794 = arith.constant 0 : i32
    %sign3A_795 = arith.cmpi sgt, %add3A_791, %sign3A_794 : i32
    %sign3A_796 = arith.extui %sign3A_795 : i1 to i32
    %sign3A_797 = arith.constant 0 : i32
    %sign3A_798 = arith.cmpi slt, %add3A_791, %sign3A_797 : i32
    %sign3A_799 = arith.extui %sign3A_798 : i1 to i32
    %sign3A_800 = arith.subi %sign3A_796, %sign3A_799 : i32
    %sign3A_801 = arith.constant 0 : i32
    %sign3A_802 = arith.cmpi sgt, %jit3A_792, %sign3A_801 : i32
    %sign3A_803 = arith.extui %sign3A_802 : i1 to i32
    %sign3A_804 = arith.constant 0 : i32
    %sign3A_805 = arith.cmpi slt, %jit3A_792, %sign3A_804 : i32
    %sign3A_806 = arith.extui %sign3A_805 : i1 to i32
    %sign3A_807 = arith.subi %sign3A_803, %sign3A_806 : i32
    %ne3A_808 = arith.cmpi ne, %sign3A_800, %sign3A_807 : i32
    %rem3A_809 = arith.remsi %add3A_791, %jit3A_792 : i32
    %ne3A_810 = arith.constant 0 : i32
    %ne3A_811 = arith.cmpi ne, %rem3A_809, %ne3A_810 : i32
    %and3A_812 = arith.andi %ne3A_808, %ne3A_811 : i1
    %sub3A_813 = arith.constant 1 : i32
    %sub3A_814 = arith.subi %div3A_793, %sub3A_813 : i32
    %select_n3A_815 = arith.select %and3A_812, %sub3A_814, %div3A_793 : i32
    %jit3A_816 = arith.constant 32 : i32
    %eq3A_817 = arith.constant 0 : i32
    %eq3A_818 = arith.cmpi eq, %jit3A_816, %eq3A_817 : i32
    %jit3A_819 = arith.constant 1 : i32
    %select_n3A_820 = arith.select %eq3A_818, %jit3A_819, %jit3A_816 : i32
    %rem3A_821 = arith.remsi %add3A_791, %select_n3A_820 : i32
    %ne3A_822 = arith.constant 0 : i32
    %ne3A_823 = arith.cmpi ne, %rem3A_821, %ne3A_822 : i32
    %lt3A_824 = arith.constant 0 : i32
    %lt3A_825 = arith.cmpi slt, %rem3A_821, %lt3A_824 : i32
    %lt3A_826 = arith.constant 0 : i32
    %lt3A_827 = arith.cmpi slt, %select_n3A_820, %lt3A_826 : i32
    %ne3A_828 = arith.xori %lt3A_825, %lt3A_827 : i1
    %and3A_829 = arith.andi %ne3A_828, %ne3A_823 : i1
    %add3A_830 = arith.addi %rem3A_821, %select_n3A_820 : i32
    %select_n3A_831 = arith.select %and3A_829, %add3A_830, %rem3A_821 : i32
    %mul3A_832 = arith.constant 8 : i32
    %mul3A_833 = arith.muli %select_n3A_815, %mul3A_832 : i32
    %mul3A_834 = arith.constant 128 : i32
    %mul3A_835 = arith.muli %select_n3A_831, %mul3A_834 : i32
    %dma_start3A_836 = arith.constant 14 : i32
    %dma_start3A_837 = arith.constant 0 : i32
    %dma_start3A_838 = arith.constant 0 : i32
    %dma_start3A_839 = tpu.memref_slice %arg5[%dma_start3A_836, %dma_start3A_837, %dma_start3A_838] : memref<25x8x128xi32, #tpu.memory_space<vmem>> -> memref<1x8x128xi32, #tpu.memory_space<vmem>>
    %dma_start3A_840 = tpu.memref_squeeze %dma_start3A_839 : memref<1x8x128xi32, #tpu.memory_space<vmem>> -> memref<8x128xi32, #tpu.memory_space<vmem>>
    %dma_start3A_841 = tpu.memref_slice %arg2[%mul3A_833, %mul3A_835] : memref<200x4096xi32, #tpu.memory_space<hbm>> -> memref<8x128xi32, #tpu.memory_space<hbm>>
    %dma_start3A_842 = arith.constant 0 : i32
    %dma_start3A_843 = arith.constant 0 : i32
    %dma_start3A_844 = tpu.memref_slice %arg5[%dma_start3A_836, %dma_start3A_842, %dma_start3A_843] : memref<25x8x128xi32, #tpu.memory_space<vmem>> -> memref<1x8x128xi32, #tpu.memory_space<vmem>>
    %dma_start3A_845 = tpu.memref_squeeze %dma_start3A_844 : memref<1x8x128xi32, #tpu.memory_space<vmem>> -> memref<8x128xi32, #tpu.memory_space<vmem>>
    %dma_start3A_846 = tpu.memref_slice %arg2[%mul3A_833, %mul3A_835] : memref<200x4096xi32, #tpu.memory_space<hbm>> -> memref<8x128xi32, #tpu.memory_space<hbm>>
    tpu.enqueue_dma source(%dma_start3A_846 : memref<8x128xi32, #tpu.memory_space<hbm>>) target(%dma_start3A_845 : memref<8x128xi32, #tpu.memory_space<vmem>>) target_semaphore(%arg9 : memref<!tpu.dma_semaphore, #tpu.memory_space<semaphore_mem>>)
    %add3A_847 = arith.constant 15 : i32
    %add3A_848 = arith.addi %mul3A_2, %add3A_847 : i32
    %jit3A_849 = arith.constant 32 : i32
    %div3A_850 = arith.divsi %add3A_848, %jit3A_849 : i32
    %sign3A_851 = arith.constant 0 : i32
    %sign3A_852 = arith.cmpi sgt, %add3A_848, %sign3A_851 : i32
    %sign3A_853 = arith.extui %sign3A_852 : i1 to i32
    %sign3A_854 = arith.constant 0 : i32
    %sign3A_855 = arith.cmpi slt, %add3A_848, %sign3A_854 : i32
    %sign3A_856 = arith.extui %sign3A_855 : i1 to i32
    %sign3A_857 = arith.subi %sign3A_853, %sign3A_856 : i32
    %sign3A_858 = arith.constant 0 : i32
    %sign3A_859 = arith.cmpi sgt, %jit3A_849, %sign3A_858 : i32
    %sign3A_860 = arith.extui %sign3A_859 : i1 to i32
    %sign3A_861 = arith.constant 0 : i32
    %sign3A_862 = arith.cmpi slt, %jit3A_849, %sign3A_861 : i32
    %sign3A_863 = arith.extui %sign3A_862 : i1 to i32
    %sign3A_864 = arith.subi %sign3A_860, %sign3A_863 : i32
    %ne3A_865 = arith.cmpi ne, %sign3A_857, %sign3A_864 : i32
    %rem3A_866 = arith.remsi %add3A_848, %jit3A_849 : i32
    %ne3A_867 = arith.constant 0 : i32
    %ne3A_868 = arith.cmpi ne, %rem3A_866, %ne3A_867 : i32
    %and3A_869 = arith.andi %ne3A_865, %ne3A_868 : i1
    %sub3A_870 = arith.constant 1 : i32
    %sub3A_871 = arith.subi %div3A_850, %sub3A_870 : i32
    %select_n3A_872 = arith.select %and3A_869, %sub3A_871, %div3A_850 : i32
    %jit3A_873 = arith.constant 32 : i32
    %eq3A_874 = arith.constant 0 : i32
    %eq3A_875 = arith.cmpi eq, %jit3A_873, %eq3A_874 : i32
    %jit3A_876 = arith.constant 1 : i32
    %select_n3A_877 = arith.select %eq3A_875, %jit3A_876, %jit3A_873 : i32
    %rem3A_878 = arith.remsi %add3A_848, %select_n3A_877 : i32
    %ne3A_879 = arith.constant 0 : i32
    %ne3A_880 = arith.cmpi ne, %rem3A_878, %ne3A_879 : i32
    %lt3A_881 = arith.constant 0 : i32
    %lt3A_882 = arith.cmpi slt, %rem3A_878, %lt3A_881 : i32
    %lt3A_883 = arith.constant 0 : i32
    %lt3A_884 = arith.cmpi slt, %select_n3A_877, %lt3A_883 : i32
    %ne3A_885 = arith.xori %lt3A_882, %lt3A_884 : i1
    %and3A_886 = arith.andi %ne3A_885, %ne3A_880 : i1
    %add3A_887 = arith.addi %rem3A_878, %select_n3A_877 : i32
    %select_n3A_888 = arith.select %and3A_886, %add3A_887, %rem3A_878 : i32
    %mul3A_889 = arith.constant 8 : i32
    %mul3A_890 = arith.muli %select_n3A_872, %mul3A_889 : i32
    %mul3A_891 = arith.constant 128 : i32
    %mul3A_892 = arith.muli %select_n3A_888, %mul3A_891 : i32
    %dma_start3A_893 = arith.constant 15 : i32
    %dma_start3A_894 = arith.constant 0 : i32
    %dma_start3A_895 = arith.constant 0 : i32
    %dma_start3A_896 = tpu.memref_slice %arg5[%dma_start3A_893, %dma_start3A_894, %dma_start3A_895] : memref<25x8x128xi32, #tpu.memory_space<vmem>> -> memref<1x8x128xi32, #tpu.memory_space<vmem>>
    %dma_start3A_897 = tpu.memref_squeeze %dma_start3A_896 : memref<1x8x128xi32, #tpu.memory_space<vmem>> -> memref<8x128xi32, #tpu.memory_space<vmem>>
    %dma_start3A_898 = tpu.memref_slice %arg2[%mul3A_890, %mul3A_892] : memref<200x4096xi32, #tpu.memory_space<hbm>> -> memref<8x128xi32, #tpu.memory_space<hbm>>
    %dma_start3A_899 = arith.constant 0 : i32
    %dma_start3A_900 = arith.constant 0 : i32
    %dma_start3A_901 = tpu.memref_slice %arg5[%dma_start3A_893, %dma_start3A_899, %dma_start3A_900] : memref<25x8x128xi32, #tpu.memory_space<vmem>> -> memref<1x8x128xi32, #tpu.memory_space<vmem>>
    %dma_start3A_902 = tpu.memref_squeeze %dma_start3A_901 : memref<1x8x128xi32, #tpu.memory_space<vmem>> -> memref<8x128xi32, #tpu.memory_space<vmem>>
    %dma_start3A_903 = tpu.memref_slice %arg2[%mul3A_890, %mul3A_892] : memref<200x4096xi32, #tpu.memory_space<hbm>> -> memref<8x128xi32, #tpu.memory_space<hbm>>
    tpu.enqueue_dma source(%dma_start3A_903 : memref<8x128xi32, #tpu.memory_space<hbm>>) target(%dma_start3A_902 : memref<8x128xi32, #tpu.memory_space<vmem>>) target_semaphore(%arg9 : memref<!tpu.dma_semaphore, #tpu.memory_space<semaphore_mem>>)
    %add3A_904 = arith.constant 16 : i32
    %add3A_905 = arith.addi %mul3A_2, %add3A_904 : i32
    %jit3A_906 = arith.constant 32 : i32
    %div3A_907 = arith.divsi %add3A_905, %jit3A_906 : i32
    %sign3A_908 = arith.constant 0 : i32
    %sign3A_909 = arith.cmpi sgt, %add3A_905, %sign3A_908 : i32
    %sign3A_910 = arith.extui %sign3A_909 : i1 to i32
    %sign3A_911 = arith.constant 0 : i32
    %sign3A_912 = arith.cmpi slt, %add3A_905, %sign3A_911 : i32
    %sign3A_913 = arith.extui %sign3A_912 : i1 to i32
    %sign3A_914 = arith.subi %sign3A_910, %sign3A_913 : i32
    %sign3A_915 = arith.constant 0 : i32
    %sign3A_916 = arith.cmpi sgt, %jit3A_906, %sign3A_915 : i32
    %sign3A_917 = arith.extui %sign3A_916 : i1 to i32
    %sign3A_918 = arith.constant 0 : i32
    %sign3A_919 = arith.cmpi slt, %jit3A_906, %sign3A_918 : i32
    %sign3A_920 = arith.extui %sign3A_919 : i1 to i32
    %sign3A_921 = arith.subi %sign3A_917, %sign3A_920 : i32
    %ne3A_922 = arith.cmpi ne, %sign3A_914, %sign3A_921 : i32
    %rem3A_923 = arith.remsi %add3A_905, %jit3A_906 : i32
    %ne3A_924 = arith.constant 0 : i32
    %ne3A_925 = arith.cmpi ne, %rem3A_923, %ne3A_924 : i32
    %and3A_926 = arith.andi %ne3A_922, %ne3A_925 : i1
    %sub3A_927 = arith.constant 1 : i32
    %sub3A_928 = arith.subi %div3A_907, %sub3A_927 : i32
    %select_n3A_929 = arith.select %and3A_926, %sub3A_928, %div3A_907 : i32
    %jit3A_930 = arith.constant 32 : i32
    %eq3A_931 = arith.constant 0 : i32
    %eq3A_932 = arith.cmpi eq, %jit3A_930, %eq3A_931 : i32
    %jit3A_933 = arith.constant 1 : i32
    %select_n3A_934 = arith.select %eq3A_932, %jit3A_933, %jit3A_930 : i32
    %rem3A_935 = arith.remsi %add3A_905, %select_n3A_934 : i32
    %ne3A_936 = arith.constant 0 : i32
    %ne3A_937 = arith.cmpi ne, %rem3A_935, %ne3A_936 : i32
    %lt3A_938 = arith.constant 0 : i32
    %lt3A_939 = arith.cmpi slt, %rem3A_935, %lt3A_938 : i32
    %lt3A_940 = arith.constant 0 : i32
    %lt3A_941 = arith.cmpi slt, %select_n3A_934, %lt3A_940 : i32
    %ne3A_942 = arith.xori %lt3A_939, %lt3A_941 : i1
    %and3A_943 = arith.andi %ne3A_942, %ne3A_937 : i1
    %add3A_944 = arith.addi %rem3A_935, %select_n3A_934 : i32
    %select_n3A_945 = arith.select %and3A_943, %add3A_944, %rem3A_935 : i32
    %mul3A_946 = arith.constant 8 : i32
    %mul3A_947 = arith.muli %select_n3A_929, %mul3A_946 : i32
    %mul3A_948 = arith.constant 128 : i32
    %mul3A_949 = arith.muli %select_n3A_945, %mul3A_948 : i32
    %dma_start3A_950 = arith.constant 16 : i32
    %dma_start3A_951 = arith.constant 0 : i32
    %dma_start3A_952 = arith.constant 0 : i32
    %dma_start3A_953 = tpu.memref_slice %arg5[%dma_start3A_950, %dma_start3A_951, %dma_start3A_952] : memref<25x8x128xi32, #tpu.memory_space<vmem>> -> memref<1x8x128xi32, #tpu.memory_space<vmem>>
    %dma_start3A_954 = tpu.memref_squeeze %dma_start3A_953 : memref<1x8x128xi32, #tpu.memory_space<vmem>> -> memref<8x128xi32, #tpu.memory_space<vmem>>
    %dma_start3A_955 = tpu.memref_slice %arg2[%mul3A_947, %mul3A_949] : memref<200x4096xi32, #tpu.memory_space<hbm>> -> memref<8x128xi32, #tpu.memory_space<hbm>>
    %dma_start3A_956 = arith.constant 0 : i32
    %dma_start3A_957 = arith.constant 0 : i32
    %dma_start3A_958 = tpu.memref_slice %arg5[%dma_start3A_950, %dma_start3A_956, %dma_start3A_957] : memref<25x8x128xi32, #tpu.memory_space<vmem>> -> memref<1x8x128xi32, #tpu.memory_space<vmem>>
    %dma_start3A_959 = tpu.memref_squeeze %dma_start3A_958 : memref<1x8x128xi32, #tpu.memory_space<vmem>> -> memref<8x128xi32, #tpu.memory_space<vmem>>
    %dma_start3A_960 = tpu.memref_slice %arg2[%mul3A_947, %mul3A_949] : memref<200x4096xi32, #tpu.memory_space<hbm>> -> memref<8x128xi32, #tpu.memory_space<hbm>>
    tpu.enqueue_dma source(%dma_start3A_960 : memref<8x128xi32, #tpu.memory_space<hbm>>) target(%dma_start3A_959 : memref<8x128xi32, #tpu.memory_space<vmem>>) target_semaphore(%arg9 : memref<!tpu.dma_semaphore, #tpu.memory_space<semaphore_mem>>)
    %add3A_961 = arith.constant 17 : i32
    %add3A_962 = arith.addi %mul3A_2, %add3A_961 : i32
    %jit3A_963 = arith.constant 32 : i32
    %div3A_964 = arith.divsi %add3A_962, %jit3A_963 : i32
    %sign3A_965 = arith.constant 0 : i32
    %sign3A_966 = arith.cmpi sgt, %add3A_962, %sign3A_965 : i32
    %sign3A_967 = arith.extui %sign3A_966 : i1 to i32
    %sign3A_968 = arith.constant 0 : i32
    %sign3A_969 = arith.cmpi slt, %add3A_962, %sign3A_968 : i32
    %sign3A_970 = arith.extui %sign3A_969 : i1 to i32
    %sign3A_971 = arith.subi %sign3A_967, %sign3A_970 : i32
    %sign3A_972 = arith.constant 0 : i32
    %sign3A_973 = arith.cmpi sgt, %jit3A_963, %sign3A_972 : i32
    %sign3A_974 = arith.extui %sign3A_973 : i1 to i32
    %sign3A_975 = arith.constant 0 : i32
    %sign3A_976 = arith.cmpi slt, %jit3A_963, %sign3A_975 : i32
    %sign3A_977 = arith.extui %sign3A_976 : i1 to i32
    %sign3A_978 = arith.subi %sign3A_974, %sign3A_977 : i32
    %ne3A_979 = arith.cmpi ne, %sign3A_971, %sign3A_978 : i32
    %rem3A_980 = arith.remsi %add3A_962, %jit3A_963 : i32
    %ne3A_981 = arith.constant 0 : i32
    %ne3A_982 = arith.cmpi ne, %rem3A_980, %ne3A_981 : i32
    %and3A_983 = arith.andi %ne3A_979, %ne3A_982 : i1
    %sub3A_984 = arith.constant 1 : i32
    %sub3A_985 = arith.subi %div3A_964, %sub3A_984 : i32
    %select_n3A_986 = arith.select %and3A_983, %sub3A_985, %div3A_964 : i32
    %jit3A_987 = arith.constant 32 : i32
    %eq3A_988 = arith.constant 0 : i32
    %eq3A_989 = arith.cmpi eq, %jit3A_987, %eq3A_988 : i32
    %jit3A_990 = arith.constant 1 : i32
    %select_n3A_991 = arith.select %eq3A_989, %jit3A_990, %jit3A_987 : i32
    %rem3A_992 = arith.remsi %add3A_962, %select_n3A_991 : i32
    %ne3A_993 = arith.constant 0 : i32
    %ne3A_994 = arith.cmpi ne, %rem3A_992, %ne3A_993 : i32
    %lt3A_995 = arith.constant 0 : i32
    %lt3A_996 = arith.cmpi slt, %rem3A_992, %lt3A_995 : i32
    %lt3A_997 = arith.constant 0 : i32
    %lt3A_998 = arith.cmpi slt, %select_n3A_991, %lt3A_997 : i32
    %ne3A_999 = arith.xori %lt3A_996, %lt3A_998 : i1
    %and3A_1000 = arith.andi %ne3A_999, %ne3A_994 : i1
    %add3A_1001 = arith.addi %rem3A_992, %select_n3A_991 : i32
    %select_n3A_1002 = arith.select %and3A_1000, %add3A_1001, %rem3A_992 : i32
    %mul3A_1003 = arith.constant 8 : i32
    %mul3A_1004 = arith.muli %select_n3A_986, %mul3A_1003 : i32
    %mul3A_1005 = arith.constant 128 : i32
    %mul3A_1006 = arith.muli %select_n3A_1002, %mul3A_1005 : i32
    %dma_start3A_1007 = arith.constant 17 : i32
    %dma_start3A_1008 = arith.constant 0 : i32
    %dma_start3A_1009 = arith.constant 0 : i32
    %dma_start3A_1010 = tpu.memref_slice %arg5[%dma_start3A_1007, %dma_start3A_1008, %dma_start3A_1009] : memref<25x8x128xi32, #tpu.memory_space<vmem>> -> memref<1x8x128xi32, #tpu.memory_space<vmem>>
    %dma_start3A_1011 = tpu.memref_squeeze %dma_start3A_1010 : memref<1x8x128xi32, #tpu.memory_space<vmem>> -> memref<8x128xi32, #tpu.memory_space<vmem>>
    %dma_start3A_1012 = tpu.memref_slice %arg2[%mul3A_1004, %mul3A_1006] : memref<200x4096xi32, #tpu.memory_space<hbm>> -> memref<8x128xi32, #tpu.memory_space<hbm>>
    %dma_start3A_1013 = arith.constant 0 : i32
    %dma_start3A_1014 = arith.constant 0 : i32
    %dma_start3A_1015 = tpu.memref_slice %arg5[%dma_start3A_1007, %dma_start3A_1013, %dma_start3A_1014] : memref<25x8x128xi32, #tpu.memory_space<vmem>> -> memref<1x8x128xi32, #tpu.memory_space<vmem>>
    %dma_start3A_1016 = tpu.memref_squeeze %dma_start3A_1015 : memref<1x8x128xi32, #tpu.memory_space<vmem>> -> memref<8x128xi32, #tpu.memory_space<vmem>>
    %dma_start3A_1017 = tpu.memref_slice %arg2[%mul3A_1004, %mul3A_1006] : memref<200x4096xi32, #tpu.memory_space<hbm>> -> memref<8x128xi32, #tpu.memory_space<hbm>>
    tpu.enqueue_dma source(%dma_start3A_1017 : memref<8x128xi32, #tpu.memory_space<hbm>>) target(%dma_start3A_1016 : memref<8x128xi32, #tpu.memory_space<vmem>>) target_semaphore(%arg9 : memref<!tpu.dma_semaphore, #tpu.memory_space<semaphore_mem>>)
    %add3A_1018 = arith.constant 18 : i32
    %add3A_1019 = arith.addi %mul3A_2, %add3A_1018 : i32
    %jit3A_1020 = arith.constant 32 : i32
    %div3A_1021 = arith.divsi %add3A_1019, %jit3A_1020 : i32
    %sign3A_1022 = arith.constant 0 : i32
    %sign3A_1023 = arith.cmpi sgt, %add3A_1019, %sign3A_1022 : i32
    %sign3A_1024 = arith.extui %sign3A_1023 : i1 to i32
    %sign3A_1025 = arith.constant 0 : i32
    %sign3A_1026 = arith.cmpi slt, %add3A_1019, %sign3A_1025 : i32
    %sign3A_1027 = arith.extui %sign3A_1026 : i1 to i32
    %sign3A_1028 = arith.subi %sign3A_1024, %sign3A_1027 : i32
    %sign3A_1029 = arith.constant 0 : i32
    %sign3A_1030 = arith.cmpi sgt, %jit3A_1020, %sign3A_1029 : i32
    %sign3A_1031 = arith.extui %sign3A_1030 : i1 to i32
    %sign3A_1032 = arith.constant 0 : i32
    %sign3A_1033 = arith.cmpi slt, %jit3A_1020, %sign3A_1032 : i32
    %sign3A_1034 = arith.extui %sign3A_1033 : i1 to i32
    %sign3A_1035 = arith.subi %sign3A_1031, %sign3A_1034 : i32
    %ne3A_1036 = arith.cmpi ne, %sign3A_1028, %sign3A_1035 : i32
    %rem3A_1037 = arith.remsi %add3A_1019, %jit3A_1020 : i32
    %ne3A_1038 = arith.constant 0 : i32
    %ne3A_1039 = arith.cmpi ne, %rem3A_1037, %ne3A_1038 : i32
    %and3A_1040 = arith.andi %ne3A_1036, %ne3A_1039 : i1
    %sub3A_1041 = arith.constant 1 : i32
    %sub3A_1042 = arith.subi %div3A_1021, %sub3A_1041 : i32
    %select_n3A_1043 = arith.select %and3A_1040, %sub3A_1042, %div3A_1021 : i32
    %jit3A_1044 = arith.constant 32 : i32
    %eq3A_1045 = arith.constant 0 : i32
    %eq3A_1046 = arith.cmpi eq, %jit3A_1044, %eq3A_1045 : i32
    %jit3A_1047 = arith.constant 1 : i32
    %select_n3A_1048 = arith.select %eq3A_1046, %jit3A_1047, %jit3A_1044 : i32
    %rem3A_1049 = arith.remsi %add3A_1019, %select_n3A_1048 : i32
    %ne3A_1050 = arith.constant 0 : i32
    %ne3A_1051 = arith.cmpi ne, %rem3A_1049, %ne3A_1050 : i32
    %lt3A_1052 = arith.constant 0 : i32
    %lt3A_1053 = arith.cmpi slt, %rem3A_1049, %lt3A_1052 : i32
    %lt3A_1054 = arith.constant 0 : i32
    %lt3A_1055 = arith.cmpi slt, %select_n3A_1048, %lt3A_1054 : i32
    %ne3A_1056 = arith.xori %lt3A_1053, %lt3A_1055 : i1
    %and3A_1057 = arith.andi %ne3A_1056, %ne3A_1051 : i1
    %add3A_1058 = arith.addi %rem3A_1049, %select_n3A_1048 : i32
    %select_n3A_1059 = arith.select %and3A_1057, %add3A_1058, %rem3A_1049 : i32
    %mul3A_1060 = arith.constant 8 : i32
    %mul3A_1061 = arith.muli %select_n3A_1043, %mul3A_1060 : i32
    %mul3A_1062 = arith.constant 128 : i32
    %mul3A_1063 = arith.muli %select_n3A_1059, %mul3A_1062 : i32
    %dma_start3A_1064 = arith.constant 18 : i32
    %dma_start3A_1065 = arith.constant 0 : i32
    %dma_start3A_1066 = arith.constant 0 : i32
    %dma_start3A_1067 = tpu.memref_slice %arg5[%dma_start3A_1064, %dma_start3A_1065, %dma_start3A_1066] : memref<25x8x128xi32, #tpu.memory_space<vmem>> -> memref<1x8x128xi32, #tpu.memory_space<vmem>>
    %dma_start3A_1068 = tpu.memref_squeeze %dma_start3A_1067 : memref<1x8x128xi32, #tpu.memory_space<vmem>> -> memref<8x128xi32, #tpu.memory_space<vmem>>
    %dma_start3A_1069 = tpu.memref_slice %arg2[%mul3A_1061, %mul3A_1063] : memref<200x4096xi32, #tpu.memory_space<hbm>> -> memref<8x128xi32, #tpu.memory_space<hbm>>
    %dma_start3A_1070 = arith.constant 0 : i32
    %dma_start3A_1071 = arith.constant 0 : i32
    %dma_start3A_1072 = tpu.memref_slice %arg5[%dma_start3A_1064, %dma_start3A_1070, %dma_start3A_1071] : memref<25x8x128xi32, #tpu.memory_space<vmem>> -> memref<1x8x128xi32, #tpu.memory_space<vmem>>
    %dma_start3A_1073 = tpu.memref_squeeze %dma_start3A_1072 : memref<1x8x128xi32, #tpu.memory_space<vmem>> -> memref<8x128xi32, #tpu.memory_space<vmem>>
    %dma_start3A_1074 = tpu.memref_slice %arg2[%mul3A_1061, %mul3A_1063] : memref<200x4096xi32, #tpu.memory_space<hbm>> -> memref<8x128xi32, #tpu.memory_space<hbm>>
    tpu.enqueue_dma source(%dma_start3A_1074 : memref<8x128xi32, #tpu.memory_space<hbm>>) target(%dma_start3A_1073 : memref<8x128xi32, #tpu.memory_space<vmem>>) target_semaphore(%arg9 : memref<!tpu.dma_semaphore, #tpu.memory_space<semaphore_mem>>)
    %add3A_1075 = arith.constant 19 : i32
    %add3A_1076 = arith.addi %mul3A_2, %add3A_1075 : i32
    %jit3A_1077 = arith.constant 32 : i32
    %div3A_1078 = arith.divsi %add3A_1076, %jit3A_1077 : i32
    %sign3A_1079 = arith.constant 0 : i32
    %sign3A_1080 = arith.cmpi sgt, %add3A_1076, %sign3A_1079 : i32
    %sign3A_1081 = arith.extui %sign3A_1080 : i1 to i32
    %sign3A_1082 = arith.constant 0 : i32
    %sign3A_1083 = arith.cmpi slt, %add3A_1076, %sign3A_1082 : i32
    %sign3A_1084 = arith.extui %sign3A_1083 : i1 to i32
    %sign3A_1085 = arith.subi %sign3A_1081, %sign3A_1084 : i32
    %sign3A_1086 = arith.constant 0 : i32
    %sign3A_1087 = arith.cmpi sgt, %jit3A_1077, %sign3A_1086 : i32
    %sign3A_1088 = arith.extui %sign3A_1087 : i1 to i32
    %sign3A_1089 = arith.constant 0 : i32
    %sign3A_1090 = arith.cmpi slt, %jit3A_1077, %sign3A_1089 : i32
    %sign3A_1091 = arith.extui %sign3A_1090 : i1 to i32
    %sign3A_1092 = arith.subi %sign3A_1088, %sign3A_1091 : i32
    %ne3A_1093 = arith.cmpi ne, %sign3A_1085, %sign3A_1092 : i32
    %rem3A_1094 = arith.remsi %add3A_1076, %jit3A_1077 : i32
    %ne3A_1095 = arith.constant 0 : i32
    %ne3A_1096 = arith.cmpi ne, %rem3A_1094, %ne3A_1095 : i32
    %and3A_1097 = arith.andi %ne3A_1093, %ne3A_1096 : i1
    %sub3A_1098 = arith.constant 1 : i32
    %sub3A_1099 = arith.subi %div3A_1078, %sub3A_1098 : i32
    %select_n3A_1100 = arith.select %and3A_1097, %sub3A_1099, %div3A_1078 : i32
    %jit3A_1101 = arith.constant 32 : i32
    %eq3A_1102 = arith.constant 0 : i32
    %eq3A_1103 = arith.cmpi eq, %jit3A_1101, %eq3A_1102 : i32
    %jit3A_1104 = arith.constant 1 : i32
    %select_n3A_1105 = arith.select %eq3A_1103, %jit3A_1104, %jit3A_1101 : i32
    %rem3A_1106 = arith.remsi %add3A_1076, %select_n3A_1105 : i32
    %ne3A_1107 = arith.constant 0 : i32
    %ne3A_1108 = arith.cmpi ne, %rem3A_1106, %ne3A_1107 : i32
    %lt3A_1109 = arith.constant 0 : i32
    %lt3A_1110 = arith.cmpi slt, %rem3A_1106, %lt3A_1109 : i32
    %lt3A_1111 = arith.constant 0 : i32
    %lt3A_1112 = arith.cmpi slt, %select_n3A_1105, %lt3A_1111 : i32
    %ne3A_1113 = arith.xori %lt3A_1110, %lt3A_1112 : i1
    %and3A_1114 = arith.andi %ne3A_1113, %ne3A_1108 : i1
    %add3A_1115 = arith.addi %rem3A_1106, %select_n3A_1105 : i32
    %select_n3A_1116 = arith.select %and3A_1114, %add3A_1115, %rem3A_1106 : i32
    %mul3A_1117 = arith.constant 8 : i32
    %mul3A_1118 = arith.muli %select_n3A_1100, %mul3A_1117 : i32
    %mul3A_1119 = arith.constant 128 : i32
    %mul3A_1120 = arith.muli %select_n3A_1116, %mul3A_1119 : i32
    %dma_start3A_1121 = arith.constant 19 : i32
    %dma_start3A_1122 = arith.constant 0 : i32
    %dma_start3A_1123 = arith.constant 0 : i32
    %dma_start3A_1124 = tpu.memref_slice %arg5[%dma_start3A_1121, %dma_start3A_1122, %dma_start3A_1123] : memref<25x8x128xi32, #tpu.memory_space<vmem>> -> memref<1x8x128xi32, #tpu.memory_space<vmem>>
    %dma_start3A_1125 = tpu.memref_squeeze %dma_start3A_1124 : memref<1x8x128xi32, #tpu.memory_space<vmem>> -> memref<8x128xi32, #tpu.memory_space<vmem>>
    %dma_start3A_1126 = tpu.memref_slice %arg2[%mul3A_1118, %mul3A_1120] : memref<200x4096xi32, #tpu.memory_space<hbm>> -> memref<8x128xi32, #tpu.memory_space<hbm>>
    %dma_start3A_1127 = arith.constant 0 : i32
    %dma_start3A_1128 = arith.constant 0 : i32
    %dma_start3A_1129 = tpu.memref_slice %arg5[%dma_start3A_1121, %dma_start3A_1127, %dma_start3A_1128] : memref<25x8x128xi32, #tpu.memory_space<vmem>> -> memref<1x8x128xi32, #tpu.memory_space<vmem>>
    %dma_start3A_1130 = tpu.memref_squeeze %dma_start3A_1129 : memref<1x8x128xi32, #tpu.memory_space<vmem>> -> memref<8x128xi32, #tpu.memory_space<vmem>>
    %dma_start3A_1131 = tpu.memref_slice %arg2[%mul3A_1118, %mul3A_1120] : memref<200x4096xi32, #tpu.memory_space<hbm>> -> memref<8x128xi32, #tpu.memory_space<hbm>>
    tpu.enqueue_dma source(%dma_start3A_1131 : memref<8x128xi32, #tpu.memory_space<hbm>>) target(%dma_start3A_1130 : memref<8x128xi32, #tpu.memory_space<vmem>>) target_semaphore(%arg9 : memref<!tpu.dma_semaphore, #tpu.memory_space<semaphore_mem>>)
    %add3A_1132 = arith.constant 20 : i32
    %add3A_1133 = arith.addi %mul3A_2, %add3A_1132 : i32
    %jit3A_1134 = arith.constant 32 : i32
    %div3A_1135 = arith.divsi %add3A_1133, %jit3A_1134 : i32
    %sign3A_1136 = arith.constant 0 : i32
    %sign3A_1137 = arith.cmpi sgt, %add3A_1133, %sign3A_1136 : i32
    %sign3A_1138 = arith.extui %sign3A_1137 : i1 to i32
    %sign3A_1139 = arith.constant 0 : i32
    %sign3A_1140 = arith.cmpi slt, %add3A_1133, %sign3A_1139 : i32
    %sign3A_1141 = arith.extui %sign3A_1140 : i1 to i32
    %sign3A_1142 = arith.subi %sign3A_1138, %sign3A_1141 : i32
    %sign3A_1143 = arith.constant 0 : i32
    %sign3A_1144 = arith.cmpi sgt, %jit3A_1134, %sign3A_1143 : i32
    %sign3A_1145 = arith.extui %sign3A_1144 : i1 to i32
    %sign3A_1146 = arith.constant 0 : i32
    %sign3A_1147 = arith.cmpi slt, %jit3A_1134, %sign3A_1146 : i32
    %sign3A_1148 = arith.extui %sign3A_1147 : i1 to i32
    %sign3A_1149 = arith.subi %sign3A_1145, %sign3A_1148 : i32
    %ne3A_1150 = arith.cmpi ne, %sign3A_1142, %sign3A_1149 : i32
    %rem3A_1151 = arith.remsi %add3A_1133, %jit3A_1134 : i32
    %ne3A_1152 = arith.constant 0 : i32
    %ne3A_1153 = arith.cmpi ne, %rem3A_1151, %ne3A_1152 : i32
    %and3A_1154 = arith.andi %ne3A_1150, %ne3A_1153 : i1
    %sub3A_1155 = arith.constant 1 : i32
    %sub3A_1156 = arith.subi %div3A_1135, %sub3A_1155 : i32
    %select_n3A_1157 = arith.select %and3A_1154, %sub3A_1156, %div3A_1135 : i32
    %jit3A_1158 = arith.constant 32 : i32
    %eq3A_1159 = arith.constant 0 : i32
    %eq3A_1160 = arith.cmpi eq, %jit3A_1158, %eq3A_1159 : i32
    %jit3A_1161 = arith.constant 1 : i32
    %select_n3A_1162 = arith.select %eq3A_1160, %jit3A_1161, %jit3A_1158 : i32
    %rem3A_1163 = arith.remsi %add3A_1133, %select_n3A_1162 : i32
    %ne3A_1164 = arith.constant 0 : i32
    %ne3A_1165 = arith.cmpi ne, %rem3A_1163, %ne3A_1164 : i32
    %lt3A_1166 = arith.constant 0 : i32
    %lt3A_1167 = arith.cmpi slt, %rem3A_1163, %lt3A_1166 : i32
    %lt3A_1168 = arith.constant 0 : i32
    %lt3A_1169 = arith.cmpi slt, %select_n3A_1162, %lt3A_1168 : i32
    %ne3A_1170 = arith.xori %lt3A_1167, %lt3A_1169 : i1
    %and3A_1171 = arith.andi %ne3A_1170, %ne3A_1165 : i1
    %add3A_1172 = arith.addi %rem3A_1163, %select_n3A_1162 : i32
    %select_n3A_1173 = arith.select %and3A_1171, %add3A_1172, %rem3A_1163 : i32
    %mul3A_1174 = arith.constant 8 : i32
    %mul3A_1175 = arith.muli %select_n3A_1157, %mul3A_1174 : i32
    %mul3A_1176 = arith.constant 128 : i32
    %mul3A_1177 = arith.muli %select_n3A_1173, %mul3A_1176 : i32
    %dma_start3A_1178 = arith.constant 20 : i32
    %dma_start3A_1179 = arith.constant 0 : i32
    %dma_start3A_1180 = arith.constant 0 : i32
    %dma_start3A_1181 = tpu.memref_slice %arg5[%dma_start3A_1178, %dma_start3A_1179, %dma_start3A_1180] : memref<25x8x128xi32, #tpu.memory_space<vmem>> -> memref<1x8x128xi32, #tpu.memory_space<vmem>>
    %dma_start3A_1182 = tpu.memref_squeeze %dma_start3A_1181 : memref<1x8x128xi32, #tpu.memory_space<vmem>> -> memref<8x128xi32, #tpu.memory_space<vmem>>
    %dma_start3A_1183 = tpu.memref_slice %arg2[%mul3A_1175, %mul3A_1177] : memref<200x4096xi32, #tpu.memory_space<hbm>> -> memref<8x128xi32, #tpu.memory_space<hbm>>
    %dma_start3A_1184 = arith.constant 0 : i32
    %dma_start3A_1185 = arith.constant 0 : i32
    %dma_start3A_1186 = tpu.memref_slice %arg5[%dma_start3A_1178, %dma_start3A_1184, %dma_start3A_1185] : memref<25x8x128xi32, #tpu.memory_space<vmem>> -> memref<1x8x128xi32, #tpu.memory_space<vmem>>
    %dma_start3A_1187 = tpu.memref_squeeze %dma_start3A_1186 : memref<1x8x128xi32, #tpu.memory_space<vmem>> -> memref<8x128xi32, #tpu.memory_space<vmem>>
    %dma_start3A_1188 = tpu.memref_slice %arg2[%mul3A_1175, %mul3A_1177] : memref<200x4096xi32, #tpu.memory_space<hbm>> -> memref<8x128xi32, #tpu.memory_space<hbm>>
    tpu.enqueue_dma source(%dma_start3A_1188 : memref<8x128xi32, #tpu.memory_space<hbm>>) target(%dma_start3A_1187 : memref<8x128xi32, #tpu.memory_space<vmem>>) target_semaphore(%arg9 : memref<!tpu.dma_semaphore, #tpu.memory_space<semaphore_mem>>)
    %add3A_1189 = arith.constant 21 : i32
    %add3A_1190 = arith.addi %mul3A_2, %add3A_1189 : i32
    %jit3A_1191 = arith.constant 32 : i32
    %div3A_1192 = arith.divsi %add3A_1190, %jit3A_1191 : i32
    %sign3A_1193 = arith.constant 0 : i32
    %sign3A_1194 = arith.cmpi sgt, %add3A_1190, %sign3A_1193 : i32
    %sign3A_1195 = arith.extui %sign3A_1194 : i1 to i32
    %sign3A_1196 = arith.constant 0 : i32
    %sign3A_1197 = arith.cmpi slt, %add3A_1190, %sign3A_1196 : i32
    %sign3A_1198 = arith.extui %sign3A_1197 : i1 to i32
    %sign3A_1199 = arith.subi %sign3A_1195, %sign3A_1198 : i32
    %sign3A_1200 = arith.constant 0 : i32
    %sign3A_1201 = arith.cmpi sgt, %jit3A_1191, %sign3A_1200 : i32
    %sign3A_1202 = arith.extui %sign3A_1201 : i1 to i32
    %sign3A_1203 = arith.constant 0 : i32
    %sign3A_1204 = arith.cmpi slt, %jit3A_1191, %sign3A_1203 : i32
    %sign3A_1205 = arith.extui %sign3A_1204 : i1 to i32
    %sign3A_1206 = arith.subi %sign3A_1202, %sign3A_1205 : i32
    %ne3A_1207 = arith.cmpi ne, %sign3A_1199, %sign3A_1206 : i32
    %rem3A_1208 = arith.remsi %add3A_1190, %jit3A_1191 : i32
    %ne3A_1209 = arith.constant 0 : i32
    %ne3A_1210 = arith.cmpi ne, %rem3A_1208, %ne3A_1209 : i32
    %and3A_1211 = arith.andi %ne3A_1207, %ne3A_1210 : i1
    %sub3A_1212 = arith.constant 1 : i32
    %sub3A_1213 = arith.subi %div3A_1192, %sub3A_1212 : i32
    %select_n3A_1214 = arith.select %and3A_1211, %sub3A_1213, %div3A_1192 : i32
    %jit3A_1215 = arith.constant 32 : i32
    %eq3A_1216 = arith.constant 0 : i32
    %eq3A_1217 = arith.cmpi eq, %jit3A_1215, %eq3A_1216 : i32
    %jit3A_1218 = arith.constant 1 : i32
    %select_n3A_1219 = arith.select %eq3A_1217, %jit3A_1218, %jit3A_1215 : i32
    %rem3A_1220 = arith.remsi %add3A_1190, %select_n3A_1219 : i32
    %ne3A_1221 = arith.constant 0 : i32
    %ne3A_1222 = arith.cmpi ne, %rem3A_1220, %ne3A_1221 : i32
    %lt3A_1223 = arith.constant 0 : i32
    %lt3A_1224 = arith.cmpi slt, %rem3A_1220, %lt3A_1223 : i32
    %lt3A_1225 = arith.constant 0 : i32
    %lt3A_1226 = arith.cmpi slt, %select_n3A_1219, %lt3A_1225 : i32
    %ne3A_1227 = arith.xori %lt3A_1224, %lt3A_1226 : i1
    %and3A_1228 = arith.andi %ne3A_1227, %ne3A_1222 : i1
    %add3A_1229 = arith.addi %rem3A_1220, %select_n3A_1219 : i32
    %select_n3A_1230 = arith.select %and3A_1228, %add3A_1229, %rem3A_1220 : i32
    %mul3A_1231 = arith.constant 8 : i32
    %mul3A_1232 = arith.muli %select_n3A_1214, %mul3A_1231 : i32
    %mul3A_1233 = arith.constant 128 : i32
    %mul3A_1234 = arith.muli %select_n3A_1230, %mul3A_1233 : i32
    %dma_start3A_1235 = arith.constant 21 : i32
    %dma_start3A_1236 = arith.constant 0 : i32
    %dma_start3A_1237 = arith.constant 0 : i32
    %dma_start3A_1238 = tpu.memref_slice %arg5[%dma_start3A_1235, %dma_start3A_1236, %dma_start3A_1237] : memref<25x8x128xi32, #tpu.memory_space<vmem>> -> memref<1x8x128xi32, #tpu.memory_space<vmem>>
    %dma_start3A_1239 = tpu.memref_squeeze %dma_start3A_1238 : memref<1x8x128xi32, #tpu.memory_space<vmem>> -> memref<8x128xi32, #tpu.memory_space<vmem>>
    %dma_start3A_1240 = tpu.memref_slice %arg2[%mul3A_1232, %mul3A_1234] : memref<200x4096xi32, #tpu.memory_space<hbm>> -> memref<8x128xi32, #tpu.memory_space<hbm>>
    %dma_start3A_1241 = arith.constant 0 : i32
    %dma_start3A_1242 = arith.constant 0 : i32
    %dma_start3A_1243 = tpu.memref_slice %arg5[%dma_start3A_1235, %dma_start3A_1241, %dma_start3A_1242] : memref<25x8x128xi32, #tpu.memory_space<vmem>> -> memref<1x8x128xi32, #tpu.memory_space<vmem>>
    %dma_start3A_1244 = tpu.memref_squeeze %dma_start3A_1243 : memref<1x8x128xi32, #tpu.memory_space<vmem>> -> memref<8x128xi32, #tpu.memory_space<vmem>>
    %dma_start3A_1245 = tpu.memref_slice %arg2[%mul3A_1232, %mul3A_1234] : memref<200x4096xi32, #tpu.memory_space<hbm>> -> memref<8x128xi32, #tpu.memory_space<hbm>>
    tpu.enqueue_dma source(%dma_start3A_1245 : memref<8x128xi32, #tpu.memory_space<hbm>>) target(%dma_start3A_1244 : memref<8x128xi32, #tpu.memory_space<vmem>>) target_semaphore(%arg9 : memref<!tpu.dma_semaphore, #tpu.memory_space<semaphore_mem>>)
    %add3A_1246 = arith.constant 22 : i32
    %add3A_1247 = arith.addi %mul3A_2, %add3A_1246 : i32
    %jit3A_1248 = arith.constant 32 : i32
    %div3A_1249 = arith.divsi %add3A_1247, %jit3A_1248 : i32
    %sign3A_1250 = arith.constant 0 : i32
    %sign3A_1251 = arith.cmpi sgt, %add3A_1247, %sign3A_1250 : i32
    %sign3A_1252 = arith.extui %sign3A_1251 : i1 to i32
    %sign3A_1253 = arith.constant 0 : i32
    %sign3A_1254 = arith.cmpi slt, %add3A_1247, %sign3A_1253 : i32
    %sign3A_1255 = arith.extui %sign3A_1254 : i1 to i32
    %sign3A_1256 = arith.subi %sign3A_1252, %sign3A_1255 : i32
    %sign3A_1257 = arith.constant 0 : i32
    %sign3A_1258 = arith.cmpi sgt, %jit3A_1248, %sign3A_1257 : i32
    %sign3A_1259 = arith.extui %sign3A_1258 : i1 to i32
    %sign3A_1260 = arith.constant 0 : i32
    %sign3A_1261 = arith.cmpi slt, %jit3A_1248, %sign3A_1260 : i32
    %sign3A_1262 = arith.extui %sign3A_1261 : i1 to i32
    %sign3A_1263 = arith.subi %sign3A_1259, %sign3A_1262 : i32
    %ne3A_1264 = arith.cmpi ne, %sign3A_1256, %sign3A_1263 : i32
    %rem3A_1265 = arith.remsi %add3A_1247, %jit3A_1248 : i32
    %ne3A_1266 = arith.constant 0 : i32
    %ne3A_1267 = arith.cmpi ne, %rem3A_1265, %ne3A_1266 : i32
    %and3A_1268 = arith.andi %ne3A_1264, %ne3A_1267 : i1
    %sub3A_1269 = arith.constant 1 : i32
    %sub3A_1270 = arith.subi %div3A_1249, %sub3A_1269 : i32
    %select_n3A_1271 = arith.select %and3A_1268, %sub3A_1270, %div3A_1249 : i32
    %jit3A_1272 = arith.constant 32 : i32
    %eq3A_1273 = arith.constant 0 : i32
    %eq3A_1274 = arith.cmpi eq, %jit3A_1272, %eq3A_1273 : i32
    %jit3A_1275 = arith.constant 1 : i32
    %select_n3A_1276 = arith.select %eq3A_1274, %jit3A_1275, %jit3A_1272 : i32
    %rem3A_1277 = arith.remsi %add3A_1247, %select_n3A_1276 : i32
    %ne3A_1278 = arith.constant 0 : i32
    %ne3A_1279 = arith.cmpi ne, %rem3A_1277, %ne3A_1278 : i32
    %lt3A_1280 = arith.constant 0 : i32
    %lt3A_1281 = arith.cmpi slt, %rem3A_1277, %lt3A_1280 : i32
    %lt3A_1282 = arith.constant 0 : i32
    %lt3A_1283 = arith.cmpi slt, %select_n3A_1276, %lt3A_1282 : i32
    %ne3A_1284 = arith.xori %lt3A_1281, %lt3A_1283 : i1
    %and3A_1285 = arith.andi %ne3A_1284, %ne3A_1279 : i1
    %add3A_1286 = arith.addi %rem3A_1277, %select_n3A_1276 : i32
    %select_n3A_1287 = arith.select %and3A_1285, %add3A_1286, %rem3A_1277 : i32
    %mul3A_1288 = arith.constant 8 : i32
    %mul3A_1289 = arith.muli %select_n3A_1271, %mul3A_1288 : i32
    %mul3A_1290 = arith.constant 128 : i32
    %mul3A_1291 = arith.muli %select_n3A_1287, %mul3A_1290 : i32
    %dma_start3A_1292 = arith.constant 22 : i32
    %dma_start3A_1293 = arith.constant 0 : i32
    %dma_start3A_1294 = arith.constant 0 : i32
    %dma_start3A_1295 = tpu.memref_slice %arg5[%dma_start3A_1292, %dma_start3A_1293, %dma_start3A_1294] : memref<25x8x128xi32, #tpu.memory_space<vmem>> -> memref<1x8x128xi32, #tpu.memory_space<vmem>>
    %dma_start3A_1296 = tpu.memref_squeeze %dma_start3A_1295 : memref<1x8x128xi32, #tpu.memory_space<vmem>> -> memref<8x128xi32, #tpu.memory_space<vmem>>
    %dma_start3A_1297 = tpu.memref_slice %arg2[%mul3A_1289, %mul3A_1291] : memref<200x4096xi32, #tpu.memory_space<hbm>> -> memref<8x128xi32, #tpu.memory_space<hbm>>
    %dma_start3A_1298 = arith.constant 0 : i32
    %dma_start3A_1299 = arith.constant 0 : i32
    %dma_start3A_1300 = tpu.memref_slice %arg5[%dma_start3A_1292, %dma_start3A_1298, %dma_start3A_1299] : memref<25x8x128xi32, #tpu.memory_space<vmem>> -> memref<1x8x128xi32, #tpu.memory_space<vmem>>
    %dma_start3A_1301 = tpu.memref_squeeze %dma_start3A_1300 : memref<1x8x128xi32, #tpu.memory_space<vmem>> -> memref<8x128xi32, #tpu.memory_space<vmem>>
    %dma_start3A_1302 = tpu.memref_slice %arg2[%mul3A_1289, %mul3A_1291] : memref<200x4096xi32, #tpu.memory_space<hbm>> -> memref<8x128xi32, #tpu.memory_space<hbm>>
    tpu.enqueue_dma source(%dma_start3A_1302 : memref<8x128xi32, #tpu.memory_space<hbm>>) target(%dma_start3A_1301 : memref<8x128xi32, #tpu.memory_space<vmem>>) target_semaphore(%arg9 : memref<!tpu.dma_semaphore, #tpu.memory_space<semaphore_mem>>)
    %add3A_1303 = arith.constant 23 : i32
    %add3A_1304 = arith.addi %mul3A_2, %add3A_1303 : i32
    %jit3A_1305 = arith.constant 32 : i32
    %div3A_1306 = arith.divsi %add3A_1304, %jit3A_1305 : i32
    %sign3A_1307 = arith.constant 0 : i32
    %sign3A_1308 = arith.cmpi sgt, %add3A_1304, %sign3A_1307 : i32
    %sign3A_1309 = arith.extui %sign3A_1308 : i1 to i32
    %sign3A_1310 = arith.constant 0 : i32
    %sign3A_1311 = arith.cmpi slt, %add3A_1304, %sign3A_1310 : i32
    %sign3A_1312 = arith.extui %sign3A_1311 : i1 to i32
    %sign3A_1313 = arith.subi %sign3A_1309, %sign3A_1312 : i32
    %sign3A_1314 = arith.constant 0 : i32
    %sign3A_1315 = arith.cmpi sgt, %jit3A_1305, %sign3A_1314 : i32
    %sign3A_1316 = arith.extui %sign3A_1315 : i1 to i32
    %sign3A_1317 = arith.constant 0 : i32
    %sign3A_1318 = arith.cmpi slt, %jit3A_1305, %sign3A_1317 : i32
    %sign3A_1319 = arith.extui %sign3A_1318 : i1 to i32
    %sign3A_1320 = arith.subi %sign3A_1316, %sign3A_1319 : i32
    %ne3A_1321 = arith.cmpi ne, %sign3A_1313, %sign3A_1320 : i32
    %rem3A_1322 = arith.remsi %add3A_1304, %jit3A_1305 : i32
    %ne3A_1323 = arith.constant 0 : i32
    %ne3A_1324 = arith.cmpi ne, %rem3A_1322, %ne3A_1323 : i32
    %and3A_1325 = arith.andi %ne3A_1321, %ne3A_1324 : i1
    %sub3A_1326 = arith.constant 1 : i32
    %sub3A_1327 = arith.subi %div3A_1306, %sub3A_1326 : i32
    %select_n3A_1328 = arith.select %and3A_1325, %sub3A_1327, %div3A_1306 : i32
    %jit3A_1329 = arith.constant 32 : i32
    %eq3A_1330 = arith.constant 0 : i32
    %eq3A_1331 = arith.cmpi eq, %jit3A_1329, %eq3A_1330 : i32
    %jit3A_1332 = arith.constant 1 : i32
    %select_n3A_1333 = arith.select %eq3A_1331, %jit3A_1332, %jit3A_1329 : i32
    %rem3A_1334 = arith.remsi %add3A_1304, %select_n3A_1333 : i32
    %ne3A_1335 = arith.constant 0 : i32
    %ne3A_1336 = arith.cmpi ne, %rem3A_1334, %ne3A_1335 : i32
    %lt3A_1337 = arith.constant 0 : i32
    %lt3A_1338 = arith.cmpi slt, %rem3A_1334, %lt3A_1337 : i32
    %lt3A_1339 = arith.constant 0 : i32
    %lt3A_1340 = arith.cmpi slt, %select_n3A_1333, %lt3A_1339 : i32
    %ne3A_1341 = arith.xori %lt3A_1338, %lt3A_1340 : i1
    %and3A_1342 = arith.andi %ne3A_1341, %ne3A_1336 : i1
    %add3A_1343 = arith.addi %rem3A_1334, %select_n3A_1333 : i32
    %select_n3A_1344 = arith.select %and3A_1342, %add3A_1343, %rem3A_1334 : i32
    %mul3A_1345 = arith.constant 8 : i32
    %mul3A_1346 = arith.muli %select_n3A_1328, %mul3A_1345 : i32
    %mul3A_1347 = arith.constant 128 : i32
    %mul3A_1348 = arith.muli %select_n3A_1344, %mul3A_1347 : i32
    %dma_start3A_1349 = arith.constant 23 : i32
    %dma_start3A_1350 = arith.constant 0 : i32
    %dma_start3A_1351 = arith.constant 0 : i32
    %dma_start3A_1352 = tpu.memref_slice %arg5[%dma_start3A_1349, %dma_start3A_1350, %dma_start3A_1351] : memref<25x8x128xi32, #tpu.memory_space<vmem>> -> memref<1x8x128xi32, #tpu.memory_space<vmem>>
    %dma_start3A_1353 = tpu.memref_squeeze %dma_start3A_1352 : memref<1x8x128xi32, #tpu.memory_space<vmem>> -> memref<8x128xi32, #tpu.memory_space<vmem>>
    %dma_start3A_1354 = tpu.memref_slice %arg2[%mul3A_1346, %mul3A_1348] : memref<200x4096xi32, #tpu.memory_space<hbm>> -> memref<8x128xi32, #tpu.memory_space<hbm>>
    %dma_start3A_1355 = arith.constant 0 : i32
    %dma_start3A_1356 = arith.constant 0 : i32
    %dma_start3A_1357 = tpu.memref_slice %arg5[%dma_start3A_1349, %dma_start3A_1355, %dma_start3A_1356] : memref<25x8x128xi32, #tpu.memory_space<vmem>> -> memref<1x8x128xi32, #tpu.memory_space<vmem>>
    %dma_start3A_1358 = tpu.memref_squeeze %dma_start3A_1357 : memref<1x8x128xi32, #tpu.memory_space<vmem>> -> memref<8x128xi32, #tpu.memory_space<vmem>>
    %dma_start3A_1359 = tpu.memref_slice %arg2[%mul3A_1346, %mul3A_1348] : memref<200x4096xi32, #tpu.memory_space<hbm>> -> memref<8x128xi32, #tpu.memory_space<hbm>>
    tpu.enqueue_dma source(%dma_start3A_1359 : memref<8x128xi32, #tpu.memory_space<hbm>>) target(%dma_start3A_1358 : memref<8x128xi32, #tpu.memory_space<vmem>>) target_semaphore(%arg9 : memref<!tpu.dma_semaphore, #tpu.memory_space<semaphore_mem>>)
    %add3A_1360 = arith.constant 24 : i32
    %add3A_1361 = arith.addi %mul3A_2, %add3A_1360 : i32
    %jit3A_1362 = arith.constant 32 : i32
    %div3A_1363 = arith.divsi %add3A_1361, %jit3A_1362 : i32
    %sign3A_1364 = arith.constant 0 : i32
    %sign3A_1365 = arith.cmpi sgt, %add3A_1361, %sign3A_1364 : i32
    %sign3A_1366 = arith.extui %sign3A_1365 : i1 to i32
    %sign3A_1367 = arith.constant 0 : i32
    %sign3A_1368 = arith.cmpi slt, %add3A_1361, %sign3A_1367 : i32
    %sign3A_1369 = arith.extui %sign3A_1368 : i1 to i32
    %sign3A_1370 = arith.subi %sign3A_1366, %sign3A_1369 : i32
    %sign3A_1371 = arith.constant 0 : i32
    %sign3A_1372 = arith.cmpi sgt, %jit3A_1362, %sign3A_1371 : i32
    %sign3A_1373 = arith.extui %sign3A_1372 : i1 to i32
    %sign3A_1374 = arith.constant 0 : i32
    %sign3A_1375 = arith.cmpi slt, %jit3A_1362, %sign3A_1374 : i32
    %sign3A_1376 = arith.extui %sign3A_1375 : i1 to i32
    %sign3A_1377 = arith.subi %sign3A_1373, %sign3A_1376 : i32
    %ne3A_1378 = arith.cmpi ne, %sign3A_1370, %sign3A_1377 : i32
    %rem3A_1379 = arith.remsi %add3A_1361, %jit3A_1362 : i32
    %ne3A_1380 = arith.constant 0 : i32
    %ne3A_1381 = arith.cmpi ne, %rem3A_1379, %ne3A_1380 : i32
    %and3A_1382 = arith.andi %ne3A_1378, %ne3A_1381 : i1
    %sub3A_1383 = arith.constant 1 : i32
    %sub3A_1384 = arith.subi %div3A_1363, %sub3A_1383 : i32
    %select_n3A_1385 = arith.select %and3A_1382, %sub3A_1384, %div3A_1363 : i32
    %jit3A_1386 = arith.constant 32 : i32
    %eq3A_1387 = arith.constant 0 : i32
    %eq3A_1388 = arith.cmpi eq, %jit3A_1386, %eq3A_1387 : i32
    %jit3A_1389 = arith.constant 1 : i32
    %select_n3A_1390 = arith.select %eq3A_1388, %jit3A_1389, %jit3A_1386 : i32
    %rem3A_1391 = arith.remsi %add3A_1361, %select_n3A_1390 : i32
    %ne3A_1392 = arith.constant 0 : i32
    %ne3A_1393 = arith.cmpi ne, %rem3A_1391, %ne3A_1392 : i32
    %lt3A_1394 = arith.constant 0 : i32
    %lt3A_1395 = arith.cmpi slt, %rem3A_1391, %lt3A_1394 : i32
    %lt3A_1396 = arith.constant 0 : i32
    %lt3A_1397 = arith.cmpi slt, %select_n3A_1390, %lt3A_1396 : i32
    %ne3A_1398 = arith.xori %lt3A_1395, %lt3A_1397 : i1
    %and3A_1399 = arith.andi %ne3A_1398, %ne3A_1393 : i1
    %add3A_1400 = arith.addi %rem3A_1391, %select_n3A_1390 : i32
    %select_n3A_1401 = arith.select %and3A_1399, %add3A_1400, %rem3A_1391 : i32
    %mul3A_1402 = arith.constant 8 : i32
    %mul3A_1403 = arith.muli %select_n3A_1385, %mul3A_1402 : i32
    %mul3A_1404 = arith.constant 128 : i32
    %mul3A_1405 = arith.muli %select_n3A_1401, %mul3A_1404 : i32
    %dma_start3A_1406 = arith.constant 24 : i32
    %dma_start3A_1407 = arith.constant 0 : i32
    %dma_start3A_1408 = arith.constant 0 : i32
    %dma_start3A_1409 = tpu.memref_slice %arg5[%dma_start3A_1406, %dma_start3A_1407, %dma_start3A_1408] : memref<25x8x128xi32, #tpu.memory_space<vmem>> -> memref<1x8x128xi32, #tpu.memory_space<vmem>>
    %dma_start3A_1410 = tpu.memref_squeeze %dma_start3A_1409 : memref<1x8x128xi32, #tpu.memory_space<vmem>> -> memref<8x128xi32, #tpu.memory_space<vmem>>
    %dma_start3A_1411 = tpu.memref_slice %arg2[%mul3A_1403, %mul3A_1405] : memref<200x4096xi32, #tpu.memory_space<hbm>> -> memref<8x128xi32, #tpu.memory_space<hbm>>
    %dma_start3A_1412 = arith.constant 0 : i32
    %dma_start3A_1413 = arith.constant 0 : i32
    %dma_start3A_1414 = tpu.memref_slice %arg5[%dma_start3A_1406, %dma_start3A_1412, %dma_start3A_1413] : memref<25x8x128xi32, #tpu.memory_space<vmem>> -> memref<1x8x128xi32, #tpu.memory_space<vmem>>
    %dma_start3A_1415 = tpu.memref_squeeze %dma_start3A_1414 : memref<1x8x128xi32, #tpu.memory_space<vmem>> -> memref<8x128xi32, #tpu.memory_space<vmem>>
    %dma_start3A_1416 = tpu.memref_slice %arg2[%mul3A_1403, %mul3A_1405] : memref<200x4096xi32, #tpu.memory_space<hbm>> -> memref<8x128xi32, #tpu.memory_space<hbm>>
    tpu.enqueue_dma source(%dma_start3A_1416 : memref<8x128xi32, #tpu.memory_space<hbm>>) target(%dma_start3A_1415 : memref<8x128xi32, #tpu.memory_space<vmem>>) target_semaphore(%arg9 : memref<!tpu.dma_semaphore, #tpu.memory_space<semaphore_mem>>)
    %dma_wait3A = arith.constant 0 : i32
    %dma_wait3A_1417 = arith.constant 0 : i32
    %dma_wait3A_1418 = arith.constant 0 : i32
    %dma_wait3A_1419 = tpu.memref_slice %arg5[%dma_wait3A, %dma_wait3A_1417, %dma_wait3A_1418] : memref<25x8x128xi32, #tpu.memory_space<vmem>> -> memref<1x8x128xi32, #tpu.memory_space<vmem>>
    %dma_wait3A_1420 = tpu.memref_squeeze %dma_wait3A_1419 : memref<1x8x128xi32, #tpu.memory_space<vmem>> -> memref<8x128xi32, #tpu.memory_space<vmem>>
    %dma_wait3A_1421 = arith.constant 0 : i32
    %dma_wait3A_1422 = arith.constant 0 : i32
    %dma_wait3A_1423 = tpu.memref_slice %arg2[%dma_wait3A_1421, %dma_wait3A_1422] : memref<200x4096xi32, #tpu.memory_space<hbm>> -> memref<8x128xi32, #tpu.memory_space<hbm>>
    %dma_wait3A_1424 = arith.constant 0 : i32
    %dma_wait3A_1425 = arith.constant 0 : i32
    %dma_wait3A_1426 = tpu.memref_slice %arg5[%dma_wait3A, %dma_wait3A_1424, %dma_wait3A_1425] : memref<25x8x128xi32, #tpu.memory_space<vmem>> -> memref<1x8x128xi32, #tpu.memory_space<vmem>>
    %dma_wait3A_1427 = tpu.memref_squeeze %dma_wait3A_1426 : memref<1x8x128xi32, #tpu.memory_space<vmem>> -> memref<8x128xi32, #tpu.memory_space<vmem>>
    %dma_wait3A_1428 = arith.constant 0 : i32
    %dma_wait3A_1429 = arith.constant 0 : i32
    %dma_wait3A_1430 = tpu.memref_slice %arg2[%dma_wait3A_1428, %dma_wait3A_1429] : memref<200x4096xi32, #tpu.memory_space<hbm>> -> memref<8x128xi32, #tpu.memory_space<hbm>>
    tpu.wait_dma2 semaphore(%arg9 : memref<!tpu.dma_semaphore, #tpu.memory_space<semaphore_mem>>) src(%dma_wait3A_1430 : memref<8x128xi32, #tpu.memory_space<hbm>>) dst(%dma_wait3A_1427 : memref<8x128xi32, #tpu.memory_space<vmem>>)
    %dma_wait3A_1431 = arith.constant 1 : i32
    %dma_wait3A_1432 = arith.constant 0 : i32
    %dma_wait3A_1433 = arith.constant 0 : i32
    %dma_wait3A_1434 = tpu.memref_slice %arg5[%dma_wait3A_1431, %dma_wait3A_1432, %dma_wait3A_1433] : memref<25x8x128xi32, #tpu.memory_space<vmem>> -> memref<1x8x128xi32, #tpu.memory_space<vmem>>
    %dma_wait3A_1435 = tpu.memref_squeeze %dma_wait3A_1434 : memref<1x8x128xi32, #tpu.memory_space<vmem>> -> memref<8x128xi32, #tpu.memory_space<vmem>>
    %dma_wait3A_1436 = arith.constant 0 : i32
    %dma_wait3A_1437 = arith.constant 0 : i32
    %dma_wait3A_1438 = tpu.memref_slice %arg2[%dma_wait3A_1436, %dma_wait3A_1437] : memref<200x4096xi32, #tpu.memory_space<hbm>> -> memref<8x128xi32, #tpu.memory_space<hbm>>
    %dma_wait3A_1439 = arith.constant 0 : i32
    %dma_wait3A_1440 = arith.constant 0 : i32
    %dma_wait3A_1441 = tpu.memref_slice %arg5[%dma_wait3A_1431, %dma_wait3A_1439, %dma_wait3A_1440] : memref<25x8x128xi32, #tpu.memory_space<vmem>> -> memref<1x8x128xi32, #tpu.memory_space<vmem>>
    %dma_wait3A_1442 = tpu.memref_squeeze %dma_wait3A_1441 : memref<1x8x128xi32, #tpu.memory_space<vmem>> -> memref<8x128xi32, #tpu.memory_space<vmem>>
    %dma_wait3A_1443 = arith.constant 0 : i32
    %dma_wait3A_1444 = arith.constant 0 : i32
    %dma_wait3A_1445 = tpu.memref_slice %arg2[%dma_wait3A_1443, %dma_wait3A_1444] : memref<200x4096xi32, #tpu.memory_space<hbm>> -> memref<8x128xi32, #tpu.memory_space<hbm>>
    tpu.wait_dma2 semaphore(%arg9 : memref<!tpu.dma_semaphore, #tpu.memory_space<semaphore_mem>>) src(%dma_wait3A_1445 : memref<8x128xi32, #tpu.memory_space<hbm>>) dst(%dma_wait3A_1442 : memref<8x128xi32, #tpu.memory_space<vmem>>)
    %dma_wait3A_1446 = arith.constant 2 : i32
    %dma_wait3A_1447 = arith.constant 0 : i32
    %dma_wait3A_1448 = arith.constant 0 : i32
    %dma_wait3A_1449 = tpu.memref_slice %arg5[%dma_wait3A_1446, %dma_wait3A_1447, %dma_wait3A_1448] : memref<25x8x128xi32, #tpu.memory_space<vmem>> -> memref<1x8x128xi32, #tpu.memory_space<vmem>>
    %dma_wait3A_1450 = tpu.memref_squeeze %dma_wait3A_1449 : memref<1x8x128xi32, #tpu.memory_space<vmem>> -> memref<8x128xi32, #tpu.memory_space<vmem>>
    %dma_wait3A_1451 = arith.constant 0 : i32
    %dma_wait3A_1452 = arith.constant 0 : i32
    %dma_wait3A_1453 = tpu.memref_slice %arg2[%dma_wait3A_1451, %dma_wait3A_1452] : memref<200x4096xi32, #tpu.memory_space<hbm>> -> memref<8x128xi32, #tpu.memory_space<hbm>>
    %dma_wait3A_1454 = arith.constant 0 : i32
    %dma_wait3A_1455 = arith.constant 0 : i32
    %dma_wait3A_1456 = tpu.memref_slice %arg5[%dma_wait3A_1446, %dma_wait3A_1454, %dma_wait3A_1455] : memref<25x8x128xi32, #tpu.memory_space<vmem>> -> memref<1x8x128xi32, #tpu.memory_space<vmem>>
    %dma_wait3A_1457 = tpu.memref_squeeze %dma_wait3A_1456 : memref<1x8x128xi32, #tpu.memory_space<vmem>> -> memref<8x128xi32, #tpu.memory_space<vmem>>
    %dma_wait3A_1458 = arith.constant 0 : i32
    %dma_wait3A_1459 = arith.constant 0 : i32
    %dma_wait3A_1460 = tpu.memref_slice %arg2[%dma_wait3A_1458, %dma_wait3A_1459] : memref<200x4096xi32, #tpu.memory_space<hbm>> -> memref<8x128xi32, #tpu.memory_space<hbm>>
    tpu.wait_dma2 semaphore(%arg9 : memref<!tpu.dma_semaphore, #tpu.memory_space<semaphore_mem>>) src(%dma_wait3A_1460 : memref<8x128xi32, #tpu.memory_space<hbm>>) dst(%dma_wait3A_1457 : memref<8x128xi32, #tpu.memory_space<vmem>>)
    %dma_wait3A_1461 = arith.constant 3 : i32
    %dma_wait3A_1462 = arith.constant 0 : i32
    %dma_wait3A_1463 = arith.constant 0 : i32
    %dma_wait3A_1464 = tpu.memref_slice %arg5[%dma_wait3A_1461, %dma_wait3A_1462, %dma_wait3A_1463] : memref<25x8x128xi32, #tpu.memory_space<vmem>> -> memref<1x8x128xi32, #tpu.memory_space<vmem>>
    %dma_wait3A_1465 = tpu.memref_squeeze %dma_wait3A_1464 : memref<1x8x128xi32, #tpu.memory_space<vmem>> -> memref<8x128xi32, #tpu.memory_space<vmem>>
    %dma_wait3A_1466 = arith.constant 0 : i32
    %dma_wait3A_1467 = arith.constant 0 : i32
    %dma_wait3A_1468 = tpu.memref_slice %arg2[%dma_wait3A_1466, %dma_wait3A_1467] : memref<200x4096xi32, #tpu.memory_space<hbm>> -> memref<8x128xi32, #tpu.memory_space<hbm>>
    %dma_wait3A_1469 = arith.constant 0 : i32
    %dma_wait3A_1470 = arith.constant 0 : i32
    %dma_wait3A_1471 = tpu.memref_slice %arg5[%dma_wait3A_1461, %dma_wait3A_1469, %dma_wait3A_1470] : memref<25x8x128xi32, #tpu.memory_space<vmem>> -> memref<1x8x128xi32, #tpu.memory_space<vmem>>
    %dma_wait3A_1472 = tpu.memref_squeeze %dma_wait3A_1471 : memref<1x8x128xi32, #tpu.memory_space<vmem>> -> memref<8x128xi32, #tpu.memory_space<vmem>>
    %dma_wait3A_1473 = arith.constant 0 : i32
    %dma_wait3A_1474 = arith.constant 0 : i32
    %dma_wait3A_1475 = tpu.memref_slice %arg2[%dma_wait3A_1473, %dma_wait3A_1474] : memref<200x4096xi32, #tpu.memory_space<hbm>> -> memref<8x128xi32, #tpu.memory_space<hbm>>
    tpu.wait_dma2 semaphore(%arg9 : memref<!tpu.dma_semaphore, #tpu.memory_space<semaphore_mem>>) src(%dma_wait3A_1475 : memref<8x128xi32, #tpu.memory_space<hbm>>) dst(%dma_wait3A_1472 : memref<8x128xi32, #tpu.memory_space<vmem>>)
    %dma_wait3A_1476 = arith.constant 4 : i32
    %dma_wait3A_1477 = arith.constant 0 : i32
    %dma_wait3A_1478 = arith.constant 0 : i32
    %dma_wait3A_1479 = tpu.memref_slice %arg5[%dma_wait3A_1476, %dma_wait3A_1477, %dma_wait3A_1478] : memref<25x8x128xi32, #tpu.memory_space<vmem>> -> memref<1x8x128xi32, #tpu.memory_space<vmem>>
    %dma_wait3A_1480 = tpu.memref_squeeze %dma_wait3A_1479 : memref<1x8x128xi32, #tpu.memory_space<vmem>> -> memref<8x128xi32, #tpu.memory_space<vmem>>
    %dma_wait3A_1481 = arith.constant 0 : i32
    %dma_wait3A_1482 = arith.constant 0 : i32
    %dma_wait3A_1483 = tpu.memref_slice %arg2[%dma_wait3A_1481, %dma_wait3A_1482] : memref<200x4096xi32, #tpu.memory_space<hbm>> -> memref<8x128xi32, #tpu.memory_space<hbm>>
    %dma_wait3A_1484 = arith.constant 0 : i32
    %dma_wait3A_1485 = arith.constant 0 : i32
    %dma_wait3A_1486 = tpu.memref_slice %arg5[%dma_wait3A_1476, %dma_wait3A_1484, %dma_wait3A_1485] : memref<25x8x128xi32, #tpu.memory_space<vmem>> -> memref<1x8x128xi32, #tpu.memory_space<vmem>>
    %dma_wait3A_1487 = tpu.memref_squeeze %dma_wait3A_1486 : memref<1x8x128xi32, #tpu.memory_space<vmem>> -> memref<8x128xi32, #tpu.memory_space<vmem>>
    %dma_wait3A_1488 = arith.constant 0 : i32
    %dma_wait3A_1489 = arith.constant 0 : i32
    %dma_wait3A_1490 = tpu.memref_slice %arg2[%dma_wait3A_1488, %dma_wait3A_1489] : memref<200x4096xi32, #tpu.memory_space<hbm>> -> memref<8x128xi32, #tpu.memory_space<hbm>>
    tpu.wait_dma2 semaphore(%arg9 : memref<!tpu.dma_semaphore, #tpu.memory_space<semaphore_mem>>) src(%dma_wait3A_1490 : memref<8x128xi32, #tpu.memory_space<hbm>>) dst(%dma_wait3A_1487 : memref<8x128xi32, #tpu.memory_space<vmem>>)
    %dma_wait3A_1491 = arith.constant 5 : i32
    %dma_wait3A_1492 = arith.constant 0 : i32
    %dma_wait3A_1493 = arith.constant 0 : i32
    %dma_wait3A_1494 = tpu.memref_slice %arg5[%dma_wait3A_1491, %dma_wait3A_1492, %dma_wait3A_1493] : memref<25x8x128xi32, #tpu.memory_space<vmem>> -> memref<1x8x128xi32, #tpu.memory_space<vmem>>
    %dma_wait3A_1495 = tpu.memref_squeeze %dma_wait3A_1494 : memref<1x8x128xi32, #tpu.memory_space<vmem>> -> memref<8x128xi32, #tpu.memory_space<vmem>>
    %dma_wait3A_1496 = arith.constant 0 : i32
    %dma_wait3A_1497 = arith.constant 0 : i32
    %dma_wait3A_1498 = tpu.memref_slice %arg2[%dma_wait3A_1496, %dma_wait3A_1497] : memref<200x4096xi32, #tpu.memory_space<hbm>> -> memref<8x128xi32, #tpu.memory_space<hbm>>
    %dma_wait3A_1499 = arith.constant 0 : i32
    %dma_wait3A_1500 = arith.constant 0 : i32
    %dma_wait3A_1501 = tpu.memref_slice %arg5[%dma_wait3A_1491, %dma_wait3A_1499, %dma_wait3A_1500] : memref<25x8x128xi32, #tpu.memory_space<vmem>> -> memref<1x8x128xi32, #tpu.memory_space<vmem>>
    %dma_wait3A_1502 = tpu.memref_squeeze %dma_wait3A_1501 : memref<1x8x128xi32, #tpu.memory_space<vmem>> -> memref<8x128xi32, #tpu.memory_space<vmem>>
    %dma_wait3A_1503 = arith.constant 0 : i32
    %dma_wait3A_1504 = arith.constant 0 : i32
    %dma_wait3A_1505 = tpu.memref_slice %arg2[%dma_wait3A_1503, %dma_wait3A_1504] : memref<200x4096xi32, #tpu.memory_space<hbm>> -> memref<8x128xi32, #tpu.memory_space<hbm>>
    tpu.wait_dma2 semaphore(%arg9 : memref<!tpu.dma_semaphore, #tpu.memory_space<semaphore_mem>>) src(%dma_wait3A_1505 : memref<8x128xi32, #tpu.memory_space<hbm>>) dst(%dma_wait3A_1502 : memref<8x128xi32, #tpu.memory_space<vmem>>)
    %dma_wait3A_1506 = arith.constant 6 : i32
    %dma_wait3A_1507 = arith.constant 0 : i32
    %dma_wait3A_1508 = arith.constant 0 : i32
    %dma_wait3A_1509 = tpu.memref_slice %arg5[%dma_wait3A_1506, %dma_wait3A_1507, %dma_wait3A_1508] : memref<25x8x128xi32, #tpu.memory_space<vmem>> -> memref<1x8x128xi32, #tpu.memory_space<vmem>>
    %dma_wait3A_1510 = tpu.memref_squeeze %dma_wait3A_1509 : memref<1x8x128xi32, #tpu.memory_space<vmem>> -> memref<8x128xi32, #tpu.memory_space<vmem>>
    %dma_wait3A_1511 = arith.constant 0 : i32
    %dma_wait3A_1512 = arith.constant 0 : i32
    %dma_wait3A_1513 = tpu.memref_slice %arg2[%dma_wait3A_1511, %dma_wait3A_1512] : memref<200x4096xi32, #tpu.memory_space<hbm>> -> memref<8x128xi32, #tpu.memory_space<hbm>>
    %dma_wait3A_1514 = arith.constant 0 : i32
    %dma_wait3A_1515 = arith.constant 0 : i32
    %dma_wait3A_1516 = tpu.memref_slice %arg5[%dma_wait3A_1506, %dma_wait3A_1514, %dma_wait3A_1515] : memref<25x8x128xi32, #tpu.memory_space<vmem>> -> memref<1x8x128xi32, #tpu.memory_space<vmem>>
    %dma_wait3A_1517 = tpu.memref_squeeze %dma_wait3A_1516 : memref<1x8x128xi32, #tpu.memory_space<vmem>> -> memref<8x128xi32, #tpu.memory_space<vmem>>
    %dma_wait3A_1518 = arith.constant 0 : i32
    %dma_wait3A_1519 = arith.constant 0 : i32
    %dma_wait3A_1520 = tpu.memref_slice %arg2[%dma_wait3A_1518, %dma_wait3A_1519] : memref<200x4096xi32, #tpu.memory_space<hbm>> -> memref<8x128xi32, #tpu.memory_space<hbm>>
    tpu.wait_dma2 semaphore(%arg9 : memref<!tpu.dma_semaphore, #tpu.memory_space<semaphore_mem>>) src(%dma_wait3A_1520 : memref<8x128xi32, #tpu.memory_space<hbm>>) dst(%dma_wait3A_1517 : memref<8x128xi32, #tpu.memory_space<vmem>>)
    %dma_wait3A_1521 = arith.constant 7 : i32
    %dma_wait3A_1522 = arith.constant 0 : i32
    %dma_wait3A_1523 = arith.constant 0 : i32
    %dma_wait3A_1524 = tpu.memref_slice %arg5[%dma_wait3A_1521, %dma_wait3A_1522, %dma_wait3A_1523] : memref<25x8x128xi32, #tpu.memory_space<vmem>> -> memref<1x8x128xi32, #tpu.memory_space<vmem>>
    %dma_wait3A_1525 = tpu.memref_squeeze %dma_wait3A_1524 : memref<1x8x128xi32, #tpu.memory_space<vmem>> -> memref<8x128xi32, #tpu.memory_space<vmem>>
    %dma_wait3A_1526 = arith.constant 0 : i32
    %dma_wait3A_1527 = arith.constant 0 : i32
    %dma_wait3A_1528 = tpu.memref_slice %arg2[%dma_wait3A_1526, %dma_wait3A_1527] : memref<200x4096xi32, #tpu.memory_space<hbm>> -> memref<8x128xi32, #tpu.memory_space<hbm>>
    %dma_wait3A_1529 = arith.constant 0 : i32
    %dma_wait3A_1530 = arith.constant 0 : i32
    %dma_wait3A_1531 = tpu.memref_slice %arg5[%dma_wait3A_1521, %dma_wait3A_1529, %dma_wait3A_1530] : memref<25x8x128xi32, #tpu.memory_space<vmem>> -> memref<1x8x128xi32, #tpu.memory_space<vmem>>
    %dma_wait3A_1532 = tpu.memref_squeeze %dma_wait3A_1531 : memref<1x8x128xi32, #tpu.memory_space<vmem>> -> memref<8x128xi32, #tpu.memory_space<vmem>>
    %dma_wait3A_1533 = arith.constant 0 : i32
    %dma_wait3A_1534 = arith.constant 0 : i32
    %dma_wait3A_1535 = tpu.memref_slice %arg2[%dma_wait3A_1533, %dma_wait3A_1534] : memref<200x4096xi32, #tpu.memory_space<hbm>> -> memref<8x128xi32, #tpu.memory_space<hbm>>
    tpu.wait_dma2 semaphore(%arg9 : memref<!tpu.dma_semaphore, #tpu.memory_space<semaphore_mem>>) src(%dma_wait3A_1535 : memref<8x128xi32, #tpu.memory_space<hbm>>) dst(%dma_wait3A_1532 : memref<8x128xi32, #tpu.memory_space<vmem>>)
    %dma_wait3A_1536 = arith.constant 8 : i32
    %dma_wait3A_1537 = arith.constant 0 : i32
    %dma_wait3A_1538 = arith.constant 0 : i32
    %dma_wait3A_1539 = tpu.memref_slice %arg5[%dma_wait3A_1536, %dma_wait3A_1537, %dma_wait3A_1538] : memref<25x8x128xi32, #tpu.memory_space<vmem>> -> memref<1x8x128xi32, #tpu.memory_space<vmem>>
    %dma_wait3A_1540 = tpu.memref_squeeze %dma_wait3A_1539 : memref<1x8x128xi32, #tpu.memory_space<vmem>> -> memref<8x128xi32, #tpu.memory_space<vmem>>
    %dma_wait3A_1541 = arith.constant 0 : i32
    %dma_wait3A_1542 = arith.constant 0 : i32
    %dma_wait3A_1543 = tpu.memref_slice %arg2[%dma_wait3A_1541, %dma_wait3A_1542] : memref<200x4096xi32, #tpu.memory_space<hbm>> -> memref<8x128xi32, #tpu.memory_space<hbm>>
    %dma_wait3A_1544 = arith.constant 0 : i32
    %dma_wait3A_1545 = arith.constant 0 : i32
    %dma_wait3A_1546 = tpu.memref_slice %arg5[%dma_wait3A_1536, %dma_wait3A_1544, %dma_wait3A_1545] : memref<25x8x128xi32, #tpu.memory_space<vmem>> -> memref<1x8x128xi32, #tpu.memory_space<vmem>>
    %dma_wait3A_1547 = tpu.memref_squeeze %dma_wait3A_1546 : memref<1x8x128xi32, #tpu.memory_space<vmem>> -> memref<8x128xi32, #tpu.memory_space<vmem>>
    %dma_wait3A_1548 = arith.constant 0 : i32
    %dma_wait3A_1549 = arith.constant 0 : i32
    %dma_wait3A_1550 = tpu.memref_slice %arg2[%dma_wait3A_1548, %dma_wait3A_1549] : memref<200x4096xi32, #tpu.memory_space<hbm>> -> memref<8x128xi32, #tpu.memory_space<hbm>>
    tpu.wait_dma2 semaphore(%arg9 : memref<!tpu.dma_semaphore, #tpu.memory_space<semaphore_mem>>) src(%dma_wait3A_1550 : memref<8x128xi32, #tpu.memory_space<hbm>>) dst(%dma_wait3A_1547 : memref<8x128xi32, #tpu.memory_space<vmem>>)
    %dma_wait3A_1551 = arith.constant 9 : i32
    %dma_wait3A_1552 = arith.constant 0 : i32
    %dma_wait3A_1553 = arith.constant 0 : i32
    %dma_wait3A_1554 = tpu.memref_slice %arg5[%dma_wait3A_1551, %dma_wait3A_1552, %dma_wait3A_1553] : memref<25x8x128xi32, #tpu.memory_space<vmem>> -> memref<1x8x128xi32, #tpu.memory_space<vmem>>
    %dma_wait3A_1555 = tpu.memref_squeeze %dma_wait3A_1554 : memref<1x8x128xi32, #tpu.memory_space<vmem>> -> memref<8x128xi32, #tpu.memory_space<vmem>>
    %dma_wait3A_1556 = arith.constant 0 : i32
    %dma_wait3A_1557 = arith.constant 0 : i32
    %dma_wait3A_1558 = tpu.memref_slice %arg2[%dma_wait3A_1556, %dma_wait3A_1557] : memref<200x4096xi32, #tpu.memory_space<hbm>> -> memref<8x128xi32, #tpu.memory_space<hbm>>
    %dma_wait3A_1559 = arith.constant 0 : i32
    %dma_wait3A_1560 = arith.constant 0 : i32
    %dma_wait3A_1561 = tpu.memref_slice %arg5[%dma_wait3A_1551, %dma_wait3A_1559, %dma_wait3A_1560] : memref<25x8x128xi32, #tpu.memory_space<vmem>> -> memref<1x8x128xi32, #tpu.memory_space<vmem>>
    %dma_wait3A_1562 = tpu.memref_squeeze %dma_wait3A_1561 : memref<1x8x128xi32, #tpu.memory_space<vmem>> -> memref<8x128xi32, #tpu.memory_space<vmem>>
    %dma_wait3A_1563 = arith.constant 0 : i32
    %dma_wait3A_1564 = arith.constant 0 : i32
    %dma_wait3A_1565 = tpu.memref_slice %arg2[%dma_wait3A_1563, %dma_wait3A_1564] : memref<200x4096xi32, #tpu.memory_space<hbm>> -> memref<8x128xi32, #tpu.memory_space<hbm>>
    tpu.wait_dma2 semaphore(%arg9 : memref<!tpu.dma_semaphore, #tpu.memory_space<semaphore_mem>>) src(%dma_wait3A_1565 : memref<8x128xi32, #tpu.memory_space<hbm>>) dst(%dma_wait3A_1562 : memref<8x128xi32, #tpu.memory_space<vmem>>)
    %dma_wait3A_1566 = arith.constant 10 : i32
    %dma_wait3A_1567 = arith.constant 0 : i32
    %dma_wait3A_1568 = arith.constant 0 : i32
    %dma_wait3A_1569 = tpu.memref_slice %arg5[%dma_wait3A_1566, %dma_wait3A_1567, %dma_wait3A_1568] : memref<25x8x128xi32, #tpu.memory_space<vmem>> -> memref<1x8x128xi32, #tpu.memory_space<vmem>>
    %dma_wait3A_1570 = tpu.memref_squeeze %dma_wait3A_1569 : memref<1x8x128xi32, #tpu.memory_space<vmem>> -> memref<8x128xi32, #tpu.memory_space<vmem>>
    %dma_wait3A_1571 = arith.constant 0 : i32
    %dma_wait3A_1572 = arith.constant 0 : i32
    %dma_wait3A_1573 = tpu.memref_slice %arg2[%dma_wait3A_1571, %dma_wait3A_1572] : memref<200x4096xi32, #tpu.memory_space<hbm>> -> memref<8x128xi32, #tpu.memory_space<hbm>>
    %dma_wait3A_1574 = arith.constant 0 : i32
    %dma_wait3A_1575 = arith.constant 0 : i32
    %dma_wait3A_1576 = tpu.memref_slice %arg5[%dma_wait3A_1566, %dma_wait3A_1574, %dma_wait3A_1575] : memref<25x8x128xi32, #tpu.memory_space<vmem>> -> memref<1x8x128xi32, #tpu.memory_space<vmem>>
    %dma_wait3A_1577 = tpu.memref_squeeze %dma_wait3A_1576 : memref<1x8x128xi32, #tpu.memory_space<vmem>> -> memref<8x128xi32, #tpu.memory_space<vmem>>
    %dma_wait3A_1578 = arith.constant 0 : i32
    %dma_wait3A_1579 = arith.constant 0 : i32
    %dma_wait3A_1580 = tpu.memref_slice %arg2[%dma_wait3A_1578, %dma_wait3A_1579] : memref<200x4096xi32, #tpu.memory_space<hbm>> -> memref<8x128xi32, #tpu.memory_space<hbm>>
    tpu.wait_dma2 semaphore(%arg9 : memref<!tpu.dma_semaphore, #tpu.memory_space<semaphore_mem>>) src(%dma_wait3A_1580 : memref<8x128xi32, #tpu.memory_space<hbm>>) dst(%dma_wait3A_1577 : memref<8x128xi32, #tpu.memory_space<vmem>>)
    %dma_wait3A_1581 = arith.constant 11 : i32
    %dma_wait3A_1582 = arith.constant 0 : i32
    %dma_wait3A_1583 = arith.constant 0 : i32
    %dma_wait3A_1584 = tpu.memref_slice %arg5[%dma_wait3A_1581, %dma_wait3A_1582, %dma_wait3A_1583] : memref<25x8x128xi32, #tpu.memory_space<vmem>> -> memref<1x8x128xi32, #tpu.memory_space<vmem>>
    %dma_wait3A_1585 = tpu.memref_squeeze %dma_wait3A_1584 : memref<1x8x128xi32, #tpu.memory_space<vmem>> -> memref<8x128xi32, #tpu.memory_space<vmem>>
    %dma_wait3A_1586 = arith.constant 0 : i32
    %dma_wait3A_1587 = arith.constant 0 : i32
    %dma_wait3A_1588 = tpu.memref_slice %arg2[%dma_wait3A_1586, %dma_wait3A_1587] : memref<200x4096xi32, #tpu.memory_space<hbm>> -> memref<8x128xi32, #tpu.memory_space<hbm>>
    %dma_wait3A_1589 = arith.constant 0 : i32
    %dma_wait3A_1590 = arith.constant 0 : i32
    %dma_wait3A_1591 = tpu.memref_slice %arg5[%dma_wait3A_1581, %dma_wait3A_1589, %dma_wait3A_1590] : memref<25x8x128xi32, #tpu.memory_space<vmem>> -> memref<1x8x128xi32, #tpu.memory_space<vmem>>
    %dma_wait3A_1592 = tpu.memref_squeeze %dma_wait3A_1591 : memref<1x8x128xi32, #tpu.memory_space<vmem>> -> memref<8x128xi32, #tpu.memory_space<vmem>>
    %dma_wait3A_1593 = arith.constant 0 : i32
    %dma_wait3A_1594 = arith.constant 0 : i32
    %dma_wait3A_1595 = tpu.memref_slice %arg2[%dma_wait3A_1593, %dma_wait3A_1594] : memref<200x4096xi32, #tpu.memory_space<hbm>> -> memref<8x128xi32, #tpu.memory_space<hbm>>
    tpu.wait_dma2 semaphore(%arg9 : memref<!tpu.dma_semaphore, #tpu.memory_space<semaphore_mem>>) src(%dma_wait3A_1595 : memref<8x128xi32, #tpu.memory_space<hbm>>) dst(%dma_wait3A_1592 : memref<8x128xi32, #tpu.memory_space<vmem>>)
    %dma_wait3A_1596 = arith.constant 12 : i32
    %dma_wait3A_1597 = arith.constant 0 : i32
    %dma_wait3A_1598 = arith.constant 0 : i32
    %dma_wait3A_1599 = tpu.memref_slice %arg5[%dma_wait3A_1596, %dma_wait3A_1597, %dma_wait3A_1598] : memref<25x8x128xi32, #tpu.memory_space<vmem>> -> memref<1x8x128xi32, #tpu.memory_space<vmem>>
    %dma_wait3A_1600 = tpu.memref_squeeze %dma_wait3A_1599 : memref<1x8x128xi32, #tpu.memory_space<vmem>> -> memref<8x128xi32, #tpu.memory_space<vmem>>
    %dma_wait3A_1601 = arith.constant 0 : i32
    %dma_wait3A_1602 = arith.constant 0 : i32
    %dma_wait3A_1603 = tpu.memref_slice %arg2[%dma_wait3A_1601, %dma_wait3A_1602] : memref<200x4096xi32, #tpu.memory_space<hbm>> -> memref<8x128xi32, #tpu.memory_space<hbm>>
    %dma_wait3A_1604 = arith.constant 0 : i32
    %dma_wait3A_1605 = arith.constant 0 : i32
    %dma_wait3A_1606 = tpu.memref_slice %arg5[%dma_wait3A_1596, %dma_wait3A_1604, %dma_wait3A_1605] : memref<25x8x128xi32, #tpu.memory_space<vmem>> -> memref<1x8x128xi32, #tpu.memory_space<vmem>>
    %dma_wait3A_1607 = tpu.memref_squeeze %dma_wait3A_1606 : memref<1x8x128xi32, #tpu.memory_space<vmem>> -> memref<8x128xi32, #tpu.memory_space<vmem>>
    %dma_wait3A_1608 = arith.constant 0 : i32
    %dma_wait3A_1609 = arith.constant 0 : i32
    %dma_wait3A_1610 = tpu.memref_slice %arg2[%dma_wait3A_1608, %dma_wait3A_1609] : memref<200x4096xi32, #tpu.memory_space<hbm>> -> memref<8x128xi32, #tpu.memory_space<hbm>>
    tpu.wait_dma2 semaphore(%arg9 : memref<!tpu.dma_semaphore, #tpu.memory_space<semaphore_mem>>) src(%dma_wait3A_1610 : memref<8x128xi32, #tpu.memory_space<hbm>>) dst(%dma_wait3A_1607 : memref<8x128xi32, #tpu.memory_space<vmem>>)
    %dma_wait3A_1611 = arith.constant 13 : i32
    %dma_wait3A_1612 = arith.constant 0 : i32
    %dma_wait3A_1613 = arith.constant 0 : i32
    %dma_wait3A_1614 = tpu.memref_slice %arg5[%dma_wait3A_1611, %dma_wait3A_1612, %dma_wait3A_1613] : memref<25x8x128xi32, #tpu.memory_space<vmem>> -> memref<1x8x128xi32, #tpu.memory_space<vmem>>
    %dma_wait3A_1615 = tpu.memref_squeeze %dma_wait3A_1614 : memref<1x8x128xi32, #tpu.memory_space<vmem>> -> memref<8x128xi32, #tpu.memory_space<vmem>>
    %dma_wait3A_1616 = arith.constant 0 : i32
    %dma_wait3A_1617 = arith.constant 0 : i32
    %dma_wait3A_1618 = tpu.memref_slice %arg2[%dma_wait3A_1616, %dma_wait3A_1617] : memref<200x4096xi32, #tpu.memory_space<hbm>> -> memref<8x128xi32, #tpu.memory_space<hbm>>
    %dma_wait3A_1619 = arith.constant 0 : i32
    %dma_wait3A_1620 = arith.constant 0 : i32
    %dma_wait3A_1621 = tpu.memref_slice %arg5[%dma_wait3A_1611, %dma_wait3A_1619, %dma_wait3A_1620] : memref<25x8x128xi32, #tpu.memory_space<vmem>> -> memref<1x8x128xi32, #tpu.memory_space<vmem>>
    %dma_wait3A_1622 = tpu.memref_squeeze %dma_wait3A_1621 : memref<1x8x128xi32, #tpu.memory_space<vmem>> -> memref<8x128xi32, #tpu.memory_space<vmem>>
    %dma_wait3A_1623 = arith.constant 0 : i32
    %dma_wait3A_1624 = arith.constant 0 : i32
    %dma_wait3A_1625 = tpu.memref_slice %arg2[%dma_wait3A_1623, %dma_wait3A_1624] : memref<200x4096xi32, #tpu.memory_space<hbm>> -> memref<8x128xi32, #tpu.memory_space<hbm>>
    tpu.wait_dma2 semaphore(%arg9 : memref<!tpu.dma_semaphore, #tpu.memory_space<semaphore_mem>>) src(%dma_wait3A_1625 : memref<8x128xi32, #tpu.memory_space<hbm>>) dst(%dma_wait3A_1622 : memref<8x128xi32, #tpu.memory_space<vmem>>)
    %dma_wait3A_1626 = arith.constant 14 : i32
    %dma_wait3A_1627 = arith.constant 0 : i32
    %dma_wait3A_1628 = arith.constant 0 : i32
    %dma_wait3A_1629 = tpu.memref_slice %arg5[%dma_wait3A_1626, %dma_wait3A_1627, %dma_wait3A_1628] : memref<25x8x128xi32, #tpu.memory_space<vmem>> -> memref<1x8x128xi32, #tpu.memory_space<vmem>>
    %dma_wait3A_1630 = tpu.memref_squeeze %dma_wait3A_1629 : memref<1x8x128xi32, #tpu.memory_space<vmem>> -> memref<8x128xi32, #tpu.memory_space<vmem>>
    %dma_wait3A_1631 = arith.constant 0 : i32
    %dma_wait3A_1632 = arith.constant 0 : i32
    %dma_wait3A_1633 = tpu.memref_slice %arg2[%dma_wait3A_1631, %dma_wait3A_1632] : memref<200x4096xi32, #tpu.memory_space<hbm>> -> memref<8x128xi32, #tpu.memory_space<hbm>>
    %dma_wait3A_1634 = arith.constant 0 : i32
    %dma_wait3A_1635 = arith.constant 0 : i32
    %dma_wait3A_1636 = tpu.memref_slice %arg5[%dma_wait3A_1626, %dma_wait3A_1634, %dma_wait3A_1635] : memref<25x8x128xi32, #tpu.memory_space<vmem>> -> memref<1x8x128xi32, #tpu.memory_space<vmem>>
    %dma_wait3A_1637 = tpu.memref_squeeze %dma_wait3A_1636 : memref<1x8x128xi32, #tpu.memory_space<vmem>> -> memref<8x128xi32, #tpu.memory_space<vmem>>
    %dma_wait3A_1638 = arith.constant 0 : i32
    %dma_wait3A_1639 = arith.constant 0 : i32
    %dma_wait3A_1640 = tpu.memref_slice %arg2[%dma_wait3A_1638, %dma_wait3A_1639] : memref<200x4096xi32, #tpu.memory_space<hbm>> -> memref<8x128xi32, #tpu.memory_space<hbm>>
    tpu.wait_dma2 semaphore(%arg9 : memref<!tpu.dma_semaphore, #tpu.memory_space<semaphore_mem>>) src(%dma_wait3A_1640 : memref<8x128xi32, #tpu.memory_space<hbm>>) dst(%dma_wait3A_1637 : memref<8x128xi32, #tpu.memory_space<vmem>>)
    %dma_wait3A_1641 = arith.constant 15 : i32
    %dma_wait3A_1642 = arith.constant 0 : i32
    %dma_wait3A_1643 = arith.constant 0 : i32
    %dma_wait3A_1644 = tpu.memref_slice %arg5[%dma_wait3A_1641, %dma_wait3A_1642, %dma_wait3A_1643] : memref<25x8x128xi32, #tpu.memory_space<vmem>> -> memref<1x8x128xi32, #tpu.memory_space<vmem>>
    %dma_wait3A_1645 = tpu.memref_squeeze %dma_wait3A_1644 : memref<1x8x128xi32, #tpu.memory_space<vmem>> -> memref<8x128xi32, #tpu.memory_space<vmem>>
    %dma_wait3A_1646 = arith.constant 0 : i32
    %dma_wait3A_1647 = arith.constant 0 : i32
    %dma_wait3A_1648 = tpu.memref_slice %arg2[%dma_wait3A_1646, %dma_wait3A_1647] : memref<200x4096xi32, #tpu.memory_space<hbm>> -> memref<8x128xi32, #tpu.memory_space<hbm>>
    %dma_wait3A_1649 = arith.constant 0 : i32
    %dma_wait3A_1650 = arith.constant 0 : i32
    %dma_wait3A_1651 = tpu.memref_slice %arg5[%dma_wait3A_1641, %dma_wait3A_1649, %dma_wait3A_1650] : memref<25x8x128xi32, #tpu.memory_space<vmem>> -> memref<1x8x128xi32, #tpu.memory_space<vmem>>
    %dma_wait3A_1652 = tpu.memref_squeeze %dma_wait3A_1651 : memref<1x8x128xi32, #tpu.memory_space<vmem>> -> memref<8x128xi32, #tpu.memory_space<vmem>>
    %dma_wait3A_1653 = arith.constant 0 : i32
    %dma_wait3A_1654 = arith.constant 0 : i32
    %dma_wait3A_1655 = tpu.memref_slice %arg2[%dma_wait3A_1653, %dma_wait3A_1654] : memref<200x4096xi32, #tpu.memory_space<hbm>> -> memref<8x128xi32, #tpu.memory_space<hbm>>
    tpu.wait_dma2 semaphore(%arg9 : memref<!tpu.dma_semaphore, #tpu.memory_space<semaphore_mem>>) src(%dma_wait3A_1655 : memref<8x128xi32, #tpu.memory_space<hbm>>) dst(%dma_wait3A_1652 : memref<8x128xi32, #tpu.memory_space<vmem>>)
    %dma_wait3A_1656 = arith.constant 16 : i32
    %dma_wait3A_1657 = arith.constant 0 : i32
    %dma_wait3A_1658 = arith.constant 0 : i32
    %dma_wait3A_1659 = tpu.memref_slice %arg5[%dma_wait3A_1656, %dma_wait3A_1657, %dma_wait3A_1658] : memref<25x8x128xi32, #tpu.memory_space<vmem>> -> memref<1x8x128xi32, #tpu.memory_space<vmem>>
    %dma_wait3A_1660 = tpu.memref_squeeze %dma_wait3A_1659 : memref<1x8x128xi32, #tpu.memory_space<vmem>> -> memref<8x128xi32, #tpu.memory_space<vmem>>
    %dma_wait3A_1661 = arith.constant 0 : i32
    %dma_wait3A_1662 = arith.constant 0 : i32
    %dma_wait3A_1663 = tpu.memref_slice %arg2[%dma_wait3A_1661, %dma_wait3A_1662] : memref<200x4096xi32, #tpu.memory_space<hbm>> -> memref<8x128xi32, #tpu.memory_space<hbm>>
    %dma_wait3A_1664 = arith.constant 0 : i32
    %dma_wait3A_1665 = arith.constant 0 : i32
    %dma_wait3A_1666 = tpu.memref_slice %arg5[%dma_wait3A_1656, %dma_wait3A_1664, %dma_wait3A_1665] : memref<25x8x128xi32, #tpu.memory_space<vmem>> -> memref<1x8x128xi32, #tpu.memory_space<vmem>>
    %dma_wait3A_1667 = tpu.memref_squeeze %dma_wait3A_1666 : memref<1x8x128xi32, #tpu.memory_space<vmem>> -> memref<8x128xi32, #tpu.memory_space<vmem>>
    %dma_wait3A_1668 = arith.constant 0 : i32
    %dma_wait3A_1669 = arith.constant 0 : i32
    %dma_wait3A_1670 = tpu.memref_slice %arg2[%dma_wait3A_1668, %dma_wait3A_1669] : memref<200x4096xi32, #tpu.memory_space<hbm>> -> memref<8x128xi32, #tpu.memory_space<hbm>>
    tpu.wait_dma2 semaphore(%arg9 : memref<!tpu.dma_semaphore, #tpu.memory_space<semaphore_mem>>) src(%dma_wait3A_1670 : memref<8x128xi32, #tpu.memory_space<hbm>>) dst(%dma_wait3A_1667 : memref<8x128xi32, #tpu.memory_space<vmem>>)
    %dma_wait3A_1671 = arith.constant 17 : i32
    %dma_wait3A_1672 = arith.constant 0 : i32
    %dma_wait3A_1673 = arith.constant 0 : i32
    %dma_wait3A_1674 = tpu.memref_slice %arg5[%dma_wait3A_1671, %dma_wait3A_1672, %dma_wait3A_1673] : memref<25x8x128xi32, #tpu.memory_space<vmem>> -> memref<1x8x128xi32, #tpu.memory_space<vmem>>
    %dma_wait3A_1675 = tpu.memref_squeeze %dma_wait3A_1674 : memref<1x8x128xi32, #tpu.memory_space<vmem>> -> memref<8x128xi32, #tpu.memory_space<vmem>>
    %dma_wait3A_1676 = arith.constant 0 : i32
    %dma_wait3A_1677 = arith.constant 0 : i32
    %dma_wait3A_1678 = tpu.memref_slice %arg2[%dma_wait3A_1676, %dma_wait3A_1677] : memref<200x4096xi32, #tpu.memory_space<hbm>> -> memref<8x128xi32, #tpu.memory_space<hbm>>
    %dma_wait3A_1679 = arith.constant 0 : i32
    %dma_wait3A_1680 = arith.constant 0 : i32
    %dma_wait3A_1681 = tpu.memref_slice %arg5[%dma_wait3A_1671, %dma_wait3A_1679, %dma_wait3A_1680] : memref<25x8x128xi32, #tpu.memory_space<vmem>> -> memref<1x8x128xi32, #tpu.memory_space<vmem>>
    %dma_wait3A_1682 = tpu.memref_squeeze %dma_wait3A_1681 : memref<1x8x128xi32, #tpu.memory_space<vmem>> -> memref<8x128xi32, #tpu.memory_space<vmem>>
    %dma_wait3A_1683 = arith.constant 0 : i32
    %dma_wait3A_1684 = arith.constant 0 : i32
    %dma_wait3A_1685 = tpu.memref_slice %arg2[%dma_wait3A_1683, %dma_wait3A_1684] : memref<200x4096xi32, #tpu.memory_space<hbm>> -> memref<8x128xi32, #tpu.memory_space<hbm>>
    tpu.wait_dma2 semaphore(%arg9 : memref<!tpu.dma_semaphore, #tpu.memory_space<semaphore_mem>>) src(%dma_wait3A_1685 : memref<8x128xi32, #tpu.memory_space<hbm>>) dst(%dma_wait3A_1682 : memref<8x128xi32, #tpu.memory_space<vmem>>)
    %dma_wait3A_1686 = arith.constant 18 : i32
    %dma_wait3A_1687 = arith.constant 0 : i32
    %dma_wait3A_1688 = arith.constant 0 : i32
    %dma_wait3A_1689 = tpu.memref_slice %arg5[%dma_wait3A_1686, %dma_wait3A_1687, %dma_wait3A_1688] : memref<25x8x128xi32, #tpu.memory_space<vmem>> -> memref<1x8x128xi32, #tpu.memory_space<vmem>>
    %dma_wait3A_1690 = tpu.memref_squeeze %dma_wait3A_1689 : memref<1x8x128xi32, #tpu.memory_space<vmem>> -> memref<8x128xi32, #tpu.memory_space<vmem>>
    %dma_wait3A_1691 = arith.constant 0 : i32
    %dma_wait3A_1692 = arith.constant 0 : i32
    %dma_wait3A_1693 = tpu.memref_slice %arg2[%dma_wait3A_1691, %dma_wait3A_1692] : memref<200x4096xi32, #tpu.memory_space<hbm>> -> memref<8x128xi32, #tpu.memory_space<hbm>>
    %dma_wait3A_1694 = arith.constant 0 : i32
    %dma_wait3A_1695 = arith.constant 0 : i32
    %dma_wait3A_1696 = tpu.memref_slice %arg5[%dma_wait3A_1686, %dma_wait3A_1694, %dma_wait3A_1695] : memref<25x8x128xi32, #tpu.memory_space<vmem>> -> memref<1x8x128xi32, #tpu.memory_space<vmem>>
    %dma_wait3A_1697 = tpu.memref_squeeze %dma_wait3A_1696 : memref<1x8x128xi32, #tpu.memory_space<vmem>> -> memref<8x128xi32, #tpu.memory_space<vmem>>
    %dma_wait3A_1698 = arith.constant 0 : i32
    %dma_wait3A_1699 = arith.constant 0 : i32
    %dma_wait3A_1700 = tpu.memref_slice %arg2[%dma_wait3A_1698, %dma_wait3A_1699] : memref<200x4096xi32, #tpu.memory_space<hbm>> -> memref<8x128xi32, #tpu.memory_space<hbm>>
    tpu.wait_dma2 semaphore(%arg9 : memref<!tpu.dma_semaphore, #tpu.memory_space<semaphore_mem>>) src(%dma_wait3A_1700 : memref<8x128xi32, #tpu.memory_space<hbm>>) dst(%dma_wait3A_1697 : memref<8x128xi32, #tpu.memory_space<vmem>>)
    %dma_wait3A_1701 = arith.constant 19 : i32
    %dma_wait3A_1702 = arith.constant 0 : i32
    %dma_wait3A_1703 = arith.constant 0 : i32
    %dma_wait3A_1704 = tpu.memref_slice %arg5[%dma_wait3A_1701, %dma_wait3A_1702, %dma_wait3A_1703] : memref<25x8x128xi32, #tpu.memory_space<vmem>> -> memref<1x8x128xi32, #tpu.memory_space<vmem>>
    %dma_wait3A_1705 = tpu.memref_squeeze %dma_wait3A_1704 : memref<1x8x128xi32, #tpu.memory_space<vmem>> -> memref<8x128xi32, #tpu.memory_space<vmem>>
    %dma_wait3A_1706 = arith.constant 0 : i32
    %dma_wait3A_1707 = arith.constant 0 : i32
    %dma_wait3A_1708 = tpu.memref_slice %arg2[%dma_wait3A_1706, %dma_wait3A_1707] : memref<200x4096xi32, #tpu.memory_space<hbm>> -> memref<8x128xi32, #tpu.memory_space<hbm>>
    %dma_wait3A_1709 = arith.constant 0 : i32
    %dma_wait3A_1710 = arith.constant 0 : i32
    %dma_wait3A_1711 = tpu.memref_slice %arg5[%dma_wait3A_1701, %dma_wait3A_1709, %dma_wait3A_1710] : memref<25x8x128xi32, #tpu.memory_space<vmem>> -> memref<1x8x128xi32, #tpu.memory_space<vmem>>
    %dma_wait3A_1712 = tpu.memref_squeeze %dma_wait3A_1711 : memref<1x8x128xi32, #tpu.memory_space<vmem>> -> memref<8x128xi32, #tpu.memory_space<vmem>>
    %dma_wait3A_1713 = arith.constant 0 : i32
    %dma_wait3A_1714 = arith.constant 0 : i32
    %dma_wait3A_1715 = tpu.memref_slice %arg2[%dma_wait3A_1713, %dma_wait3A_1714] : memref<200x4096xi32, #tpu.memory_space<hbm>> -> memref<8x128xi32, #tpu.memory_space<hbm>>
    tpu.wait_dma2 semaphore(%arg9 : memref<!tpu.dma_semaphore, #tpu.memory_space<semaphore_mem>>) src(%dma_wait3A_1715 : memref<8x128xi32, #tpu.memory_space<hbm>>) dst(%dma_wait3A_1712 : memref<8x128xi32, #tpu.memory_space<vmem>>)
    %dma_wait3A_1716 = arith.constant 20 : i32
    %dma_wait3A_1717 = arith.constant 0 : i32
    %dma_wait3A_1718 = arith.constant 0 : i32
    %dma_wait3A_1719 = tpu.memref_slice %arg5[%dma_wait3A_1716, %dma_wait3A_1717, %dma_wait3A_1718] : memref<25x8x128xi32, #tpu.memory_space<vmem>> -> memref<1x8x128xi32, #tpu.memory_space<vmem>>
    %dma_wait3A_1720 = tpu.memref_squeeze %dma_wait3A_1719 : memref<1x8x128xi32, #tpu.memory_space<vmem>> -> memref<8x128xi32, #tpu.memory_space<vmem>>
    %dma_wait3A_1721 = arith.constant 0 : i32
    %dma_wait3A_1722 = arith.constant 0 : i32
    %dma_wait3A_1723 = tpu.memref_slice %arg2[%dma_wait3A_1721, %dma_wait3A_1722] : memref<200x4096xi32, #tpu.memory_space<hbm>> -> memref<8x128xi32, #tpu.memory_space<hbm>>
    %dma_wait3A_1724 = arith.constant 0 : i32
    %dma_wait3A_1725 = arith.constant 0 : i32
    %dma_wait3A_1726 = tpu.memref_slice %arg5[%dma_wait3A_1716, %dma_wait3A_1724, %dma_wait3A_1725] : memref<25x8x128xi32, #tpu.memory_space<vmem>> -> memref<1x8x128xi32, #tpu.memory_space<vmem>>
    %dma_wait3A_1727 = tpu.memref_squeeze %dma_wait3A_1726 : memref<1x8x128xi32, #tpu.memory_space<vmem>> -> memref<8x128xi32, #tpu.memory_space<vmem>>
    %dma_wait3A_1728 = arith.constant 0 : i32
    %dma_wait3A_1729 = arith.constant 0 : i32
    %dma_wait3A_1730 = tpu.memref_slice %arg2[%dma_wait3A_1728, %dma_wait3A_1729] : memref<200x4096xi32, #tpu.memory_space<hbm>> -> memref<8x128xi32, #tpu.memory_space<hbm>>
    tpu.wait_dma2 semaphore(%arg9 : memref<!tpu.dma_semaphore, #tpu.memory_space<semaphore_mem>>) src(%dma_wait3A_1730 : memref<8x128xi32, #tpu.memory_space<hbm>>) dst(%dma_wait3A_1727 : memref<8x128xi32, #tpu.memory_space<vmem>>)
    %dma_wait3A_1731 = arith.constant 21 : i32
    %dma_wait3A_1732 = arith.constant 0 : i32
    %dma_wait3A_1733 = arith.constant 0 : i32
    %dma_wait3A_1734 = tpu.memref_slice %arg5[%dma_wait3A_1731, %dma_wait3A_1732, %dma_wait3A_1733] : memref<25x8x128xi32, #tpu.memory_space<vmem>> -> memref<1x8x128xi32, #tpu.memory_space<vmem>>
    %dma_wait3A_1735 = tpu.memref_squeeze %dma_wait3A_1734 : memref<1x8x128xi32, #tpu.memory_space<vmem>> -> memref<8x128xi32, #tpu.memory_space<vmem>>
    %dma_wait3A_1736 = arith.constant 0 : i32
    %dma_wait3A_1737 = arith.constant 0 : i32
    %dma_wait3A_1738 = tpu.memref_slice %arg2[%dma_wait3A_1736, %dma_wait3A_1737] : memref<200x4096xi32, #tpu.memory_space<hbm>> -> memref<8x128xi32, #tpu.memory_space<hbm>>
    %dma_wait3A_1739 = arith.constant 0 : i32
    %dma_wait3A_1740 = arith.constant 0 : i32
    %dma_wait3A_1741 = tpu.memref_slice %arg5[%dma_wait3A_1731, %dma_wait3A_1739, %dma_wait3A_1740] : memref<25x8x128xi32, #tpu.memory_space<vmem>> -> memref<1x8x128xi32, #tpu.memory_space<vmem>>
    %dma_wait3A_1742 = tpu.memref_squeeze %dma_wait3A_1741 : memref<1x8x128xi32, #tpu.memory_space<vmem>> -> memref<8x128xi32, #tpu.memory_space<vmem>>
    %dma_wait3A_1743 = arith.constant 0 : i32
    %dma_wait3A_1744 = arith.constant 0 : i32
    %dma_wait3A_1745 = tpu.memref_slice %arg2[%dma_wait3A_1743, %dma_wait3A_1744] : memref<200x4096xi32, #tpu.memory_space<hbm>> -> memref<8x128xi32, #tpu.memory_space<hbm>>
    tpu.wait_dma2 semaphore(%arg9 : memref<!tpu.dma_semaphore, #tpu.memory_space<semaphore_mem>>) src(%dma_wait3A_1745 : memref<8x128xi32, #tpu.memory_space<hbm>>) dst(%dma_wait3A_1742 : memref<8x128xi32, #tpu.memory_space<vmem>>)
    %dma_wait3A_1746 = arith.constant 22 : i32
    %dma_wait3A_1747 = arith.constant 0 : i32
    %dma_wait3A_1748 = arith.constant 0 : i32
    %dma_wait3A_1749 = tpu.memref_slice %arg5[%dma_wait3A_1746, %dma_wait3A_1747, %dma_wait3A_1748] : memref<25x8x128xi32, #tpu.memory_space<vmem>> -> memref<1x8x128xi32, #tpu.memory_space<vmem>>
    %dma_wait3A_1750 = tpu.memref_squeeze %dma_wait3A_1749 : memref<1x8x128xi32, #tpu.memory_space<vmem>> -> memref<8x128xi32, #tpu.memory_space<vmem>>
    %dma_wait3A_1751 = arith.constant 0 : i32
    %dma_wait3A_1752 = arith.constant 0 : i32
    %dma_wait3A_1753 = tpu.memref_slice %arg2[%dma_wait3A_1751, %dma_wait3A_1752] : memref<200x4096xi32, #tpu.memory_space<hbm>> -> memref<8x128xi32, #tpu.memory_space<hbm>>
    %dma_wait3A_1754 = arith.constant 0 : i32
    %dma_wait3A_1755 = arith.constant 0 : i32
    %dma_wait3A_1756 = tpu.memref_slice %arg5[%dma_wait3A_1746, %dma_wait3A_1754, %dma_wait3A_1755] : memref<25x8x128xi32, #tpu.memory_space<vmem>> -> memref<1x8x128xi32, #tpu.memory_space<vmem>>
    %dma_wait3A_1757 = tpu.memref_squeeze %dma_wait3A_1756 : memref<1x8x128xi32, #tpu.memory_space<vmem>> -> memref<8x128xi32, #tpu.memory_space<vmem>>
    %dma_wait3A_1758 = arith.constant 0 : i32
    %dma_wait3A_1759 = arith.constant 0 : i32
    %dma_wait3A_1760 = tpu.memref_slice %arg2[%dma_wait3A_1758, %dma_wait3A_1759] : memref<200x4096xi32, #tpu.memory_space<hbm>> -> memref<8x128xi32, #tpu.memory_space<hbm>>
    tpu.wait_dma2 semaphore(%arg9 : memref<!tpu.dma_semaphore, #tpu.memory_space<semaphore_mem>>) src(%dma_wait3A_1760 : memref<8x128xi32, #tpu.memory_space<hbm>>) dst(%dma_wait3A_1757 : memref<8x128xi32, #tpu.memory_space<vmem>>)
    %dma_wait3A_1761 = arith.constant 23 : i32
    %dma_wait3A_1762 = arith.constant 0 : i32
    %dma_wait3A_1763 = arith.constant 0 : i32
    %dma_wait3A_1764 = tpu.memref_slice %arg5[%dma_wait3A_1761, %dma_wait3A_1762, %dma_wait3A_1763] : memref<25x8x128xi32, #tpu.memory_space<vmem>> -> memref<1x8x128xi32, #tpu.memory_space<vmem>>
    %dma_wait3A_1765 = tpu.memref_squeeze %dma_wait3A_1764 : memref<1x8x128xi32, #tpu.memory_space<vmem>> -> memref<8x128xi32, #tpu.memory_space<vmem>>
    %dma_wait3A_1766 = arith.constant 0 : i32
    %dma_wait3A_1767 = arith.constant 0 : i32
    %dma_wait3A_1768 = tpu.memref_slice %arg2[%dma_wait3A_1766, %dma_wait3A_1767] : memref<200x4096xi32, #tpu.memory_space<hbm>> -> memref<8x128xi32, #tpu.memory_space<hbm>>
    %dma_wait3A_1769 = arith.constant 0 : i32
    %dma_wait3A_1770 = arith.constant 0 : i32
    %dma_wait3A_1771 = tpu.memref_slice %arg5[%dma_wait3A_1761, %dma_wait3A_1769, %dma_wait3A_1770] : memref<25x8x128xi32, #tpu.memory_space<vmem>> -> memref<1x8x128xi32, #tpu.memory_space<vmem>>
    %dma_wait3A_1772 = tpu.memref_squeeze %dma_wait3A_1771 : memref<1x8x128xi32, #tpu.memory_space<vmem>> -> memref<8x128xi32, #tpu.memory_space<vmem>>
    %dma_wait3A_1773 = arith.constant 0 : i32
    %dma_wait3A_1774 = arith.constant 0 : i32
    %dma_wait3A_1775 = tpu.memref_slice %arg2[%dma_wait3A_1773, %dma_wait3A_1774] : memref<200x4096xi32, #tpu.memory_space<hbm>> -> memref<8x128xi32, #tpu.memory_space<hbm>>
    tpu.wait_dma2 semaphore(%arg9 : memref<!tpu.dma_semaphore, #tpu.memory_space<semaphore_mem>>) src(%dma_wait3A_1775 : memref<8x128xi32, #tpu.memory_space<hbm>>) dst(%dma_wait3A_1772 : memref<8x128xi32, #tpu.memory_space<vmem>>)
    %dma_wait3A_1776 = arith.constant 24 : i32
    %dma_wait3A_1777 = arith.constant 0 : i32
    %dma_wait3A_1778 = arith.constant 0 : i32
    %dma_wait3A_1779 = tpu.memref_slice %arg5[%dma_wait3A_1776, %dma_wait3A_1777, %dma_wait3A_1778] : memref<25x8x128xi32, #tpu.memory_space<vmem>> -> memref<1x8x128xi32, #tpu.memory_space<vmem>>
    %dma_wait3A_1780 = tpu.memref_squeeze %dma_wait3A_1779 : memref<1x8x128xi32, #tpu.memory_space<vmem>> -> memref<8x128xi32, #tpu.memory_space<vmem>>
    %dma_wait3A_1781 = arith.constant 0 : i32
    %dma_wait3A_1782 = arith.constant 0 : i32
    %dma_wait3A_1783 = tpu.memref_slice %arg2[%dma_wait3A_1781, %dma_wait3A_1782] : memref<200x4096xi32, #tpu.memory_space<hbm>> -> memref<8x128xi32, #tpu.memory_space<hbm>>
    %dma_wait3A_1784 = arith.constant 0 : i32
    %dma_wait3A_1785 = arith.constant 0 : i32
    %dma_wait3A_1786 = tpu.memref_slice %arg5[%dma_wait3A_1776, %dma_wait3A_1784, %dma_wait3A_1785] : memref<25x8x128xi32, #tpu.memory_space<vmem>> -> memref<1x8x128xi32, #tpu.memory_space<vmem>>
    %dma_wait3A_1787 = tpu.memref_squeeze %dma_wait3A_1786 : memref<1x8x128xi32, #tpu.memory_space<vmem>> -> memref<8x128xi32, #tpu.memory_space<vmem>>
    %dma_wait3A_1788 = arith.constant 0 : i32
    %dma_wait3A_1789 = arith.constant 0 : i32
    %dma_wait3A_1790 = tpu.memref_slice %arg2[%dma_wait3A_1788, %dma_wait3A_1789] : memref<200x4096xi32, #tpu.memory_space<hbm>> -> memref<8x128xi32, #tpu.memory_space<hbm>>
    tpu.wait_dma2 semaphore(%arg9 : memref<!tpu.dma_semaphore, #tpu.memory_space<semaphore_mem>>) src(%dma_wait3A_1790 : memref<8x128xi32, #tpu.memory_space<hbm>>) dst(%dma_wait3A_1787 : memref<8x128xi32, #tpu.memory_space<vmem>>)
    %iota3A = tpu.iota {dimensions = array<i32: 0>} : vector<16xi32>
    %add3A_1791 = arith.constant 0 : i32
    %add3A_1792 = vector.broadcast %add3A_1791 : i32 to vector<16xi32>
    %add3A_1793 = arith.addi %iota3A, %add3A_1792 : vector<16xi32>
    %add3A_1794 = arith.constant 16 : i32
    %add3A_1795 = vector.broadcast %add3A_1794 : i32 to vector<16xi32>
    %add3A_1796 = arith.addi %iota3A, %add3A_1795 : vector<16xi32>
    %add3A_1797 = arith.constant 32 : i32
    %add3A_1798 = vector.broadcast %add3A_1797 : i32 to vector<16xi32>
    %add3A_1799 = arith.addi %iota3A, %add3A_1798 : vector<16xi32>
    %add3A_1800 = arith.constant 48 : i32
    %add3A_1801 = vector.broadcast %add3A_1800 : i32 to vector<16xi32>
    %add3A_1802 = arith.addi %iota3A, %add3A_1801 : vector<16xi32>
    %add3A_1803 = arith.constant 64 : i32
    %add3A_1804 = vector.broadcast %add3A_1803 : i32 to vector<16xi32>
    %add3A_1805 = arith.addi %iota3A, %add3A_1804 : vector<16xi32>
    %add3A_1806 = arith.constant 80 : i32
    %add3A_1807 = vector.broadcast %add3A_1806 : i32 to vector<16xi32>
    %add3A_1808 = arith.addi %iota3A, %add3A_1807 : vector<16xi32>
    %add3A_1809 = arith.constant 96 : i32
    %add3A_1810 = vector.broadcast %add3A_1809 : i32 to vector<16xi32>
    %add3A_1811 = arith.addi %iota3A, %add3A_1810 : vector<16xi32>
    %add3A_1812 = arith.constant 112 : i32
    %add3A_1813 = vector.broadcast %add3A_1812 : i32 to vector<16xi32>
    %add3A_1814 = arith.addi %iota3A, %add3A_1813 : vector<16xi32>
    %get3A = arith.constant 0 : i32
    %get3A_1815 = arith.constant 0 : i32
    %get3A_1816 = arith.index_cast %get3A : i32 to index
    %get3A_1817 = arith.index_cast %get3A_1815 : i32 to index
    %get3A_1818 = arith.constant 0 : index
    %get3A_1819 = tpu.vector_load %arg5[%get3A_1816, %get3A_1817, %get3A_1818] {strides = array<i32>} : memref<25x8x128xi32, #tpu.memory_space<vmem>>, vector<16xi32>,
    %shift_right_logical3A = arith.constant 1 : i32
    %shift_right_logical3A_1820 = vector.broadcast %shift_right_logical3A : i32 to vector<16xi32>
    %shift_right_logical3A_1821 = arith.shrui %get3A_1819, %shift_right_logical3A_1820 : vector<16xi32>
    %swap3A = arith.constant 0 : i32
    %swap3A_1822 = arith.index_cast %swap3A : i32 to index
    %swap3A_1823 = arith.constant 0 : index
    %swap3A_1824 = tpu.vector_load %arg6[%swap3A_1822, %swap3A_1823] {strides = array<i32>} : memref<2x128xi32, #tpu.memory_space<vmem>>, vector<16xi32>,
    tpu.vector_store %arg6[%swap3A_1822, %swap3A_1823], %shift_right_logical3A_1821 {strides = array<i32>} : memref<2x128xi32, #tpu.memory_space<vmem>>, vector<16xi32>,
    %get3A_1825 = arith.constant 0 : i32
    %get3A_1826 = arith.constant 0 : i32
    %get3A_1827 = arith.index_cast %get3A_1825 : i32 to index
    %get3A_1828 = arith.index_cast %get3A_1826 : i32 to index
    %get3A_1829 = arith.constant 16 : index
    %get3A_1830 = tpu.vector_load %arg5[%get3A_1827, %get3A_1828, %get3A_1829] {strides = array<i32>} : memref<25x8x128xi32, #tpu.memory_space<vmem>>, vector<16xi32>,
    %shift_right_logical3A_1831 = arith.constant 1 : i32
    %shift_right_logical3A_1832 = vector.broadcast %shift_right_logical3A_1831 : i32 to vector<16xi32>
    %shift_right_logical3A_1833 = arith.shrui %get3A_1830, %shift_right_logical3A_1832 : vector<16xi32>
    %swap3A_1834 = arith.constant 0 : i32
    %swap3A_1835 = arith.index_cast %swap3A_1834 : i32 to index
    %swap3A_1836 = arith.constant 16 : index
    %swap3A_1837 = tpu.vector_load %arg6[%swap3A_1835, %swap3A_1836] {strides = array<i32>} : memref<2x128xi32, #tpu.memory_space<vmem>>, vector<16xi32>,
    tpu.vector_store %arg6[%swap3A_1835, %swap3A_1836], %shift_right_logical3A_1833 {strides = array<i32>} : memref<2x128xi32, #tpu.memory_space<vmem>>, vector<16xi32>,
    %get3A_1838 = arith.constant 0 : i32
    %get3A_1839 = arith.constant 0 : i32
    %get3A_1840 = arith.index_cast %get3A_1838 : i32 to index
    %get3A_1841 = arith.index_cast %get3A_1839 : i32 to index
    %get3A_1842 = arith.constant 32 : index
    %get3A_1843 = tpu.vector_load %arg5[%get3A_1840, %get3A_1841, %get3A_1842] {strides = array<i32>} : memref<25x8x128xi32, #tpu.memory_space<vmem>>, vector<16xi32>,
    %shift_right_logical3A_1844 = arith.constant 1 : i32
    %shift_right_logical3A_1845 = vector.broadcast %shift_right_logical3A_1844 : i32 to vector<16xi32>
    %shift_right_logical3A_1846 = arith.shrui %get3A_1843, %shift_right_logical3A_1845 : vector<16xi32>
    %swap3A_1847 = arith.constant 0 : i32
    %swap3A_1848 = arith.index_cast %swap3A_1847 : i32 to index
    %swap3A_1849 = arith.constant 32 : index
    %swap3A_1850 = tpu.vector_load %arg6[%swap3A_1848, %swap3A_1849] {strides = array<i32>} : memref<2x128xi32, #tpu.memory_space<vmem>>, vector<16xi32>,
    tpu.vector_store %arg6[%swap3A_1848, %swap3A_1849], %shift_right_logical3A_1846 {strides = array<i32>} : memref<2x128xi32, #tpu.memory_space<vmem>>, vector<16xi32>,
    %get3A_1851 = arith.constant 0 : i32
    %get3A_1852 = arith.constant 0 : i32
    %get3A_1853 = arith.index_cast %get3A_1851 : i32 to index
    %get3A_1854 = arith.index_cast %get3A_1852 : i32 to index
    %get3A_1855 = arith.constant 48 : index
    %get3A_1856 = tpu.vector_load %arg5[%get3A_1853, %get3A_1854, %get3A_1855] {strides = array<i32>} : memref<25x8x128xi32, #tpu.memory_space<vmem>>, vector<16xi32>,
    %shift_right_logical3A_1857 = arith.constant 1 : i32
    %shift_right_logical3A_1858 = vector.broadcast %shift_right_logical3A_1857 : i32 to vector<16xi32>
    %shift_right_logical3A_1859 = arith.shrui %get3A_1856, %shift_right_logical3A_1858 : vector<16xi32>
    %swap3A_1860 = arith.constant 0 : i32
    %swap3A_1861 = arith.index_cast %swap3A_1860 : i32 to index
    %swap3A_1862 = arith.constant 48 : index
    %swap3A_1863 = tpu.vector_load %arg6[%swap3A_1861, %swap3A_1862] {strides = array<i32>} : memref<2x128xi32, #tpu.memory_space<vmem>>, vector<16xi32>,
    tpu.vector_store %arg6[%swap3A_1861, %swap3A_1862], %shift_right_logical3A_1859 {strides = array<i32>} : memref<2x128xi32, #tpu.memory_space<vmem>>, vector<16xi32>,
    %get3A_1864 = arith.constant 0 : i32
    %get3A_1865 = arith.constant 0 : i32
    %get3A_1866 = arith.index_cast %get3A_1864 : i32 to index
    %get3A_1867 = arith.index_cast %get3A_1865 : i32 to index
    %get3A_1868 = arith.constant 64 : index
    %get3A_1869 = tpu.vector_load %arg5[%get3A_1866, %get3A_1867, %get3A_1868] {strides = array<i32>} : memref<25x8x128xi32, #tpu.memory_space<vmem>>, vector<16xi32>,
    %shift_right_logical3A_1870 = arith.constant 1 : i32
    %shift_right_logical3A_1871 = vector.broadcast %shift_right_logical3A_1870 : i32 to vector<16xi32>
    %shift_right_logical3A_1872 = arith.shrui %get3A_1869, %shift_right_logical3A_1871 : vector<16xi32>
    %swap3A_1873 = arith.constant 0 : i32
    %swap3A_1874 = arith.index_cast %swap3A_1873 : i32 to index
    %swap3A_1875 = arith.constant 64 : index
    %swap3A_1876 = tpu.vector_load %arg6[%swap3A_1874, %swap3A_1875] {strides = array<i32>} : memref<2x128xi32, #tpu.memory_space<vmem>>, vector<16xi32>,
    tpu.vector_store %arg6[%swap3A_1874, %swap3A_1875], %shift_right_logical3A_1872 {strides = array<i32>} : memref<2x128xi32, #tpu.memory_space<vmem>>, vector<16xi32>,
    %get3A_1877 = arith.constant 0 : i32
    %get3A_1878 = arith.constant 0 : i32
    %get3A_1879 = arith.index_cast %get3A_1877 : i32 to index
    %get3A_1880 = arith.index_cast %get3A_1878 : i32 to index
    %get3A_1881 = arith.constant 80 : index
    %get3A_1882 = tpu.vector_load %arg5[%get3A_1879, %get3A_1880, %get3A_1881] {strides = array<i32>} : memref<25x8x128xi32, #tpu.memory_space<vmem>>, vector<16xi32>,
    %shift_right_logical3A_1883 = arith.constant 1 : i32
    %shift_right_logical3A_1884 = vector.broadcast %shift_right_logical3A_1883 : i32 to vector<16xi32>
    %shift_right_logical3A_1885 = arith.shrui %get3A_1882, %shift_right_logical3A_1884 : vector<16xi32>
    %swap3A_1886 = arith.constant 0 : i32
    %swap3A_1887 = arith.index_cast %swap3A_1886 : i32 to index
    %swap3A_1888 = arith.constant 80 : index
    %swap3A_1889 = tpu.vector_load %arg6[%swap3A_1887, %swap3A_1888] {strides = array<i32>} : memref<2x128xi32, #tpu.memory_space<vmem>>, vector<16xi32>,
    tpu.vector_store %arg6[%swap3A_1887, %swap3A_1888], %shift_right_logical3A_1885 {strides = array<i32>} : memref<2x128xi32, #tpu.memory_space<vmem>>, vector<16xi32>,
    %get3A_1890 = arith.constant 0 : i32
    %get3A_1891 = arith.constant 0 : i32
    %get3A_1892 = arith.index_cast %get3A_1890 : i32 to index
    %get3A_1893 = arith.index_cast %get3A_1891 : i32 to index
    %get3A_1894 = arith.constant 96 : index
    %get3A_1895 = tpu.vector_load %arg5[%get3A_1892, %get3A_1893, %get3A_1894] {strides = array<i32>} : memref<25x8x128xi32, #tpu.memory_space<vmem>>, vector<16xi32>,
    %shift_right_logical3A_1896 = arith.constant 1 : i32
    %shift_right_logical3A_1897 = vector.broadcast %shift_right_logical3A_1896 : i32 to vector<16xi32>
    %shift_right_logical3A_1898 = arith.shrui %get3A_1895, %shift_right_logical3A_1897 : vector<16xi32>
    %swap3A_1899 = arith.constant 0 : i32
    %swap3A_1900 = arith.index_cast %swap3A_1899 : i32 to index
    %swap3A_1901 = arith.constant 96 : index
    %swap3A_1902 = tpu.vector_load %arg6[%swap3A_1900, %swap3A_1901] {strides = array<i32>} : memref<2x128xi32, #tpu.memory_space<vmem>>, vector<16xi32>,
    tpu.vector_store %arg6[%swap3A_1900, %swap3A_1901], %shift_right_logical3A_1898 {strides = array<i32>} : memref<2x128xi32, #tpu.memory_space<vmem>>, vector<16xi32>,
    %get3A_1903 = arith.constant 0 : i32
    %get3A_1904 = arith.constant 0 : i32
    %get3A_1905 = arith.index_cast %get3A_1903 : i32 to index
    %get3A_1906 = arith.index_cast %get3A_1904 : i32 to index
    %get3A_1907 = arith.constant 112 : index
    %get3A_1908 = tpu.vector_load %arg5[%get3A_1905, %get3A_1906, %get3A_1907] {strides = array<i32>} : memref<25x8x128xi32, #tpu.memory_space<vmem>>, vector<16xi32>,
    %shift_right_logical3A_1909 = arith.constant 1 : i32
    %shift_right_logical3A_1910 = vector.broadcast %shift_right_logical3A_1909 : i32 to vector<16xi32>
    %shift_right_logical3A_1911 = arith.shrui %get3A_1908, %shift_right_logical3A_1910 : vector<16xi32>
    %swap3A_1912 = arith.constant 0 : i32
    %swap3A_1913 = arith.index_cast %swap3A_1912 : i32 to index
    %swap3A_1914 = arith.constant 112 : index
    %swap3A_1915 = tpu.vector_load %arg6[%swap3A_1913, %swap3A_1914] {strides = array<i32>} : memref<2x128xi32, #tpu.memory_space<vmem>>, vector<16xi32>,
    tpu.vector_store %arg6[%swap3A_1913, %swap3A_1914], %shift_right_logical3A_1911 {strides = array<i32>} : memref<2x128xi32, #tpu.memory_space<vmem>>, vector<16xi32>,
    %dma_start3A_1916 = arith.constant 0 : i32
    %dma_start3A_1917 = arith.constant 0 : i32
    %dma_start3A_1918 = arith.constant 0 : i32
    %dma_start3A_1919 = arith.constant 0 : i32
    %dma_start3A_1920 = tpu.memref_slice %arg7[%dma_start3A_1917, %dma_start3A_1918, %dma_start3A_1919] : memref<2x128x129xf32, #tpu.memory_space<vmem>> -> memref<1x128x128xf32, #tpu.memory_space<vmem>>
    %dma_start3A_1921 = tpu.memref_squeeze %dma_start3A_1920 : memref<1x128x128xf32, #tpu.memory_space<vmem>> -> memref<128x128xf32, #tpu.memory_space<vmem>>
    %dma_start3A_1922 = arith.constant 0 : i32
    %dma_start3A_1923 = tpu.memref_slice %arg6[%dma_start3A_1916, %dma_start3A_1922] : memref<2x128xi32, #tpu.memory_space<vmem>> -> memref<1x128xi32, #tpu.memory_space<vmem>>
    %dma_start3A_1924 = tpu.memref_squeeze %dma_start3A_1923 : memref<1x128xi32, #tpu.memory_space<vmem>> -> memref<128xi32, #tpu.memory_space<vmem>>
    %dma_start3A_1925 = arith.constant 0 : i32
    %dma_start3A_1926 = arith.constant 0 : i32
    %dma_start3A_1927 = tpu.memref_slice %arg3[%dma_start3A_1925, %dma_start3A_1926] : memref<500000x128xf32, #tpu.memory_space<hbm>> -> memref<500000x128xf32, #tpu.memory_space<hbm>>
    tpu.enqueue_indirect_dma source(%dma_start3A_1927 : memref<500000x128xf32, #tpu.memory_space<hbm>>) target(%dma_start3A_1921 : memref<128x128xf32, #tpu.memory_space<vmem>>) offsets(%dma_start3A_1924 : memref<128xi32, #tpu.memory_space<vmem>>) semaphore(%arg10 : memref<!tpu.dma_semaphore, #tpu.memory_space<semaphore_mem>>)
    %scan3A = arith.constant 0 : i32
    %scan3A_1928 = arith.constant 100 : i32
    %scan3A_1929 = arith.addi %scan3A, %scan3A_1928 : i32
    %scan3A_1930 = arith.constant 1 : i32
    scf.for %scan3A_1968 = %scan3A to %scan3A_1929 step %scan3A_1930  : i32 {
      %mul3A_1969 = arith.constant 2 : i32
      %mul3A_1970 = arith.muli %scan3A_1968, %mul3A_1969 : i32
      %add3A_1971 = arith.constant 0 : i32
      %add3A_1972 = arith.addi %add3A_1971, %mul3A_1970 : i32
      %add3A_1973 = arith.constant 0 : i32
      %add3A_1974 = arith.addi %add3A_1972, %add3A_1973 : i32
      %add3A_1975 = arith.constant 1 : i32
      %add3A_1976 = arith.addi %add3A_1974, %add3A_1975 : i32
      %lt3A_1977 = arith.constant 200 : i32
      %lt3A_1978 = arith.cmpi slt, %add3A_1976, %lt3A_1977 : i32
      %convert_element_type3A = arith.extui %lt3A_1978 : i1 to i32
      %cond3A = arith.constant 0 : i32
      %cond3A_1979 = arith.cmpi ne, %convert_element_type3A, %cond3A : i32
      scf.if %cond3A_1979 {
        %add3A_3028 = arith.constant 1 : i32
        %add3A_3029 = arith.addi %add3A_1974, %add3A_3028 : i32
        %jit3A_3030 = arith.constant 8 : i32
        %div3A_3031 = arith.divsi %add3A_3029, %jit3A_3030 : i32
        %sign3A_3032 = arith.constant 0 : i32
        %sign3A_3033 = arith.cmpi sgt, %add3A_3029, %sign3A_3032 : i32
        %sign3A_3034 = arith.extui %sign3A_3033 : i1 to i32
        %sign3A_3035 = arith.constant 0 : i32
        %sign3A_3036 = arith.cmpi slt, %add3A_3029, %sign3A_3035 : i32
        %sign3A_3037 = arith.extui %sign3A_3036 : i1 to i32
        %sign3A_3038 = arith.subi %sign3A_3034, %sign3A_3037 : i32
        %sign3A_3039 = arith.constant 0 : i32
        %sign3A_3040 = arith.cmpi sgt, %jit3A_3030, %sign3A_3039 : i32
        %sign3A_3041 = arith.extui %sign3A_3040 : i1 to i32
        %sign3A_3042 = arith.constant 0 : i32
        %sign3A_3043 = arith.cmpi slt, %jit3A_3030, %sign3A_3042 : i32
        %sign3A_3044 = arith.extui %sign3A_3043 : i1 to i32
        %sign3A_3045 = arith.subi %sign3A_3041, %sign3A_3044 : i32
        %ne3A_3046 = arith.cmpi ne, %sign3A_3038, %sign3A_3045 : i32
        %rem3A_3047 = arith.remsi %add3A_3029, %jit3A_3030 : i32
        %ne3A_3048 = arith.constant 0 : i32
        %ne3A_3049 = arith.cmpi ne, %rem3A_3047, %ne3A_3048 : i32
        %and3A_3050 = arith.andi %ne3A_3046, %ne3A_3049 : i1
        %sub3A_3051 = arith.constant 1 : i32
        %sub3A_3052 = arith.subi %div3A_3031, %sub3A_3051 : i32
        %select_n3A_3053 = arith.select %and3A_3050, %sub3A_3052, %div3A_3031 : i32
        %jit3A_3054 = arith.constant 8 : i32
        %eq3A_3055 = arith.constant 0 : i32
        %eq3A_3056 = arith.cmpi eq, %jit3A_3054, %eq3A_3055 : i32
        %jit3A_3057 = arith.constant 1 : i32
        %select_n3A_3058 = arith.select %eq3A_3056, %jit3A_3057, %jit3A_3054 : i32
        %rem3A_3059 = arith.remsi %add3A_3029, %select_n3A_3058 : i32
        %ne3A_3060 = arith.constant 0 : i32
        %ne3A_3061 = arith.cmpi ne, %rem3A_3059, %ne3A_3060 : i32
        %lt3A_3062 = arith.constant 0 : i32
        %lt3A_3063 = arith.cmpi slt, %rem3A_3059, %lt3A_3062 : i32
        %lt3A_3064 = arith.constant 0 : i32
        %lt3A_3065 = arith.cmpi slt, %select_n3A_3058, %lt3A_3064 : i32
        %ne3A_3066 = arith.xori %lt3A_3063, %lt3A_3065 : i1
        %and3A_3067 = arith.andi %ne3A_3066, %ne3A_3061 : i1
        %add3A_3068 = arith.addi %rem3A_3059, %select_n3A_3058 : i32
        %select_n3A_3069 = arith.select %and3A_3067, %add3A_3068, %rem3A_3059 : i32
        %get3A_3070 = arith.index_cast %select_n3A_3053 : i32 to index
        %get3A_3071 = arith.index_cast %select_n3A_3069 : i32 to index
        %get3A_3072 = arith.constant 0 : index
        %get3A_3073 = tpu.vector_load %arg5[%get3A_3070, %get3A_3071, %get3A_3072] {strides = array<i32>} : memref<25x8x128xi32, #tpu.memory_space<vmem>>, vector<16xi32>,
        %shift_right_logical3A_3074 = arith.constant 1 : i32
        %shift_right_logical3A_3075 = vector.broadcast %shift_right_logical3A_3074 : i32 to vector<16xi32>
        %shift_right_logical3A_3076 = arith.shrui %get3A_3073, %shift_right_logical3A_3075 : vector<16xi32>
        %swap3A_3077 = arith.constant 1 : i32
        %swap3A_3078 = arith.index_cast %swap3A_3077 : i32 to index
        %swap3A_3079 = arith.constant 0 : index
        %swap3A_3080 = tpu.vector_load %arg6[%swap3A_3078, %swap3A_3079] {strides = array<i32>} : memref<2x128xi32, #tpu.memory_space<vmem>>, vector<16xi32>,
        tpu.vector_store %arg6[%swap3A_3078, %swap3A_3079], %shift_right_logical3A_3076 {strides = array<i32>} : memref<2x128xi32, #tpu.memory_space<vmem>>, vector<16xi32>,
        %jit3A_3081 = arith.constant 8 : i32
        %div3A_3082 = arith.divsi %add3A_3029, %jit3A_3081 : i32
        %sign3A_3083 = arith.constant 0 : i32
        %sign3A_3084 = arith.cmpi sgt, %add3A_3029, %sign3A_3083 : i32
        %sign3A_3085 = arith.extui %sign3A_3084 : i1 to i32
        %sign3A_3086 = arith.constant 0 : i32
        %sign3A_3087 = arith.cmpi slt, %add3A_3029, %sign3A_3086 : i32
        %sign3A_3088 = arith.extui %sign3A_3087 : i1 to i32
        %sign3A_3089 = arith.subi %sign3A_3085, %sign3A_3088 : i32
        %sign3A_3090 = arith.constant 0 : i32
        %sign3A_3091 = arith.cmpi sgt, %jit3A_3081, %sign3A_3090 : i32
        %sign3A_3092 = arith.extui %sign3A_3091 : i1 to i32
        %sign3A_3093 = arith.constant 0 : i32
        %sign3A_3094 = arith.cmpi slt, %jit3A_3081, %sign3A_3093 : i32
        %sign3A_3095 = arith.extui %sign3A_3094 : i1 to i32
        %sign3A_3096 = arith.subi %sign3A_3092, %sign3A_3095 : i32
        %ne3A_3097 = arith.cmpi ne, %sign3A_3089, %sign3A_3096 : i32
        %rem3A_3098 = arith.remsi %add3A_3029, %jit3A_3081 : i32
        %ne3A_3099 = arith.constant 0 : i32
        %ne3A_3100 = arith.cmpi ne, %rem3A_3098, %ne3A_3099 : i32
        %and3A_3101 = arith.andi %ne3A_3097, %ne3A_3100 : i1
        %sub3A_3102 = arith.constant 1 : i32
        %sub3A_3103 = arith.subi %div3A_3082, %sub3A_3102 : i32
        %select_n3A_3104 = arith.select %and3A_3101, %sub3A_3103, %div3A_3082 : i32
        %jit3A_3105 = arith.constant 8 : i32
        %eq3A_3106 = arith.constant 0 : i32
        %eq3A_3107 = arith.cmpi eq, %jit3A_3105, %eq3A_3106 : i32
        %jit3A_3108 = arith.constant 1 : i32
        %select_n3A_3109 = arith.select %eq3A_3107, %jit3A_3108, %jit3A_3105 : i32
        %rem3A_3110 = arith.remsi %add3A_3029, %select_n3A_3109 : i32
        %ne3A_3111 = arith.constant 0 : i32
        %ne3A_3112 = arith.cmpi ne, %rem3A_3110, %ne3A_3111 : i32
        %lt3A_3113 = arith.constant 0 : i32
        %lt3A_3114 = arith.cmpi slt, %rem3A_3110, %lt3A_3113 : i32
        %lt3A_3115 = arith.constant 0 : i32
        %lt3A_3116 = arith.cmpi slt, %select_n3A_3109, %lt3A_3115 : i32
        %ne3A_3117 = arith.xori %lt3A_3114, %lt3A_3116 : i1
        %and3A_3118 = arith.andi %ne3A_3117, %ne3A_3112 : i1
        %add3A_3119 = arith.addi %rem3A_3110, %select_n3A_3109 : i32
        %select_n3A_3120 = arith.select %and3A_3118, %add3A_3119, %rem3A_3110 : i32
        %get3A_3121 = arith.index_cast %select_n3A_3104 : i32 to index
        %get3A_3122 = arith.index_cast %select_n3A_3120 : i32 to index
        %get3A_3123 = arith.constant 16 : index
        %get3A_3124 = tpu.vector_load %arg5[%get3A_3121, %get3A_3122, %get3A_3123] {strides = array<i32>} : memref<25x8x128xi32, #tpu.memory_space<vmem>>, vector<16xi32>,
        %shift_right_logical3A_3125 = arith.constant 1 : i32
        %shift_right_logical3A_3126 = vector.broadcast %shift_right_logical3A_3125 : i32 to vector<16xi32>
        %shift_right_logical3A_3127 = arith.shrui %get3A_3124, %shift_right_logical3A_3126 : vector<16xi32>
        %swap3A_3128 = arith.constant 1 : i32
        %swap3A_3129 = arith.index_cast %swap3A_3128 : i32 to index
        %swap3A_3130 = arith.constant 16 : index
        %swap3A_3131 = tpu.vector_load %arg6[%swap3A_3129, %swap3A_3130] {strides = array<i32>} : memref<2x128xi32, #tpu.memory_space<vmem>>, vector<16xi32>,
        tpu.vector_store %arg6[%swap3A_3129, %swap3A_3130], %shift_right_logical3A_3127 {strides = array<i32>} : memref<2x128xi32, #tpu.memory_space<vmem>>, vector<16xi32>,
        %jit3A_3132 = arith.constant 8 : i32
        %div3A_3133 = arith.divsi %add3A_3029, %jit3A_3132 : i32
        %sign3A_3134 = arith.constant 0 : i32
        %sign3A_3135 = arith.cmpi sgt, %add3A_3029, %sign3A_3134 : i32
        %sign3A_3136 = arith.extui %sign3A_3135 : i1 to i32
        %sign3A_3137 = arith.constant 0 : i32
        %sign3A_3138 = arith.cmpi slt, %add3A_3029, %sign3A_3137 : i32
        %sign3A_3139 = arith.extui %sign3A_3138 : i1 to i32
        %sign3A_3140 = arith.subi %sign3A_3136, %sign3A_3139 : i32
        %sign3A_3141 = arith.constant 0 : i32
        %sign3A_3142 = arith.cmpi sgt, %jit3A_3132, %sign3A_3141 : i32
        %sign3A_3143 = arith.extui %sign3A_3142 : i1 to i32
        %sign3A_3144 = arith.constant 0 : i32
        %sign3A_3145 = arith.cmpi slt, %jit3A_3132, %sign3A_3144 : i32
        %sign3A_3146 = arith.extui %sign3A_3145 : i1 to i32
        %sign3A_3147 = arith.subi %sign3A_3143, %sign3A_3146 : i32
        %ne3A_3148 = arith.cmpi ne, %sign3A_3140, %sign3A_3147 : i32
        %rem3A_3149 = arith.remsi %add3A_3029, %jit3A_3132 : i32
        %ne3A_3150 = arith.constant 0 : i32
        %ne3A_3151 = arith.cmpi ne, %rem3A_3149, %ne3A_3150 : i32
        %and3A_3152 = arith.andi %ne3A_3148, %ne3A_3151 : i1
        %sub3A_3153 = arith.constant 1 : i32
        %sub3A_3154 = arith.subi %div3A_3133, %sub3A_3153 : i32
        %select_n3A_3155 = arith.select %and3A_3152, %sub3A_3154, %div3A_3133 : i32
        %jit3A_3156 = arith.constant 8 : i32
        %eq3A_3157 = arith.constant 0 : i32
        %eq3A_3158 = arith.cmpi eq, %jit3A_3156, %eq3A_3157 : i32
        %jit3A_3159 = arith.constant 1 : i32
        %select_n3A_3160 = arith.select %eq3A_3158, %jit3A_3159, %jit3A_3156 : i32
        %rem3A_3161 = arith.remsi %add3A_3029, %select_n3A_3160 : i32
        %ne3A_3162 = arith.constant 0 : i32
        %ne3A_3163 = arith.cmpi ne, %rem3A_3161, %ne3A_3162 : i32
        %lt3A_3164 = arith.constant 0 : i32
        %lt3A_3165 = arith.cmpi slt, %rem3A_3161, %lt3A_3164 : i32
        %lt3A_3166 = arith.constant 0 : i32
        %lt3A_3167 = arith.cmpi slt, %select_n3A_3160, %lt3A_3166 : i32
        %ne3A_3168 = arith.xori %lt3A_3165, %lt3A_3167 : i1
        %and3A_3169 = arith.andi %ne3A_3168, %ne3A_3163 : i1
        %add3A_3170 = arith.addi %rem3A_3161, %select_n3A_3160 : i32
        %select_n3A_3171 = arith.select %and3A_3169, %add3A_3170, %rem3A_3161 : i32
        %get3A_3172 = arith.index_cast %select_n3A_3155 : i32 to index
        %get3A_3173 = arith.index_cast %select_n3A_3171 : i32 to index
        %get3A_3174 = arith.constant 32 : index
        %get3A_3175 = tpu.vector_load %arg5[%get3A_3172, %get3A_3173, %get3A_3174] {strides = array<i32>} : memref<25x8x128xi32, #tpu.memory_space<vmem>>, vector<16xi32>,
        %shift_right_logical3A_3176 = arith.constant 1 : i32
        %shift_right_logical3A_3177 = vector.broadcast %shift_right_logical3A_3176 : i32 to vector<16xi32>
        %shift_right_logical3A_3178 = arith.shrui %get3A_3175, %shift_right_logical3A_3177 : vector<16xi32>
        %swap3A_3179 = arith.constant 1 : i32
        %swap3A_3180 = arith.index_cast %swap3A_3179 : i32 to index
        %swap3A_3181 = arith.constant 32 : index
        %swap3A_3182 = tpu.vector_load %arg6[%swap3A_3180, %swap3A_3181] {strides = array<i32>} : memref<2x128xi32, #tpu.memory_space<vmem>>, vector<16xi32>,
        tpu.vector_store %arg6[%swap3A_3180, %swap3A_3181], %shift_right_logical3A_3178 {strides = array<i32>} : memref<2x128xi32, #tpu.memory_space<vmem>>, vector<16xi32>,
        %jit3A_3183 = arith.constant 8 : i32
        %div3A_3184 = arith.divsi %add3A_3029, %jit3A_3183 : i32
        %sign3A_3185 = arith.constant 0 : i32
        %sign3A_3186 = arith.cmpi sgt, %add3A_3029, %sign3A_3185 : i32
        %sign3A_3187 = arith.extui %sign3A_3186 : i1 to i32
        %sign3A_3188 = arith.constant 0 : i32
        %sign3A_3189 = arith.cmpi slt, %add3A_3029, %sign3A_3188 : i32
        %sign3A_3190 = arith.extui %sign3A_3189 : i1 to i32
        %sign3A_3191 = arith.subi %sign3A_3187, %sign3A_3190 : i32
        %sign3A_3192 = arith.constant 0 : i32
        %sign3A_3193 = arith.cmpi sgt, %jit3A_3183, %sign3A_3192 : i32
        %sign3A_3194 = arith.extui %sign3A_3193 : i1 to i32
        %sign3A_3195 = arith.constant 0 : i32
        %sign3A_3196 = arith.cmpi slt, %jit3A_3183, %sign3A_3195 : i32
        %sign3A_3197 = arith.extui %sign3A_3196 : i1 to i32
        %sign3A_3198 = arith.subi %sign3A_3194, %sign3A_3197 : i32
        %ne3A_3199 = arith.cmpi ne, %sign3A_3191, %sign3A_3198 : i32
        %rem3A_3200 = arith.remsi %add3A_3029, %jit3A_3183 : i32
        %ne3A_3201 = arith.constant 0 : i32
        %ne3A_3202 = arith.cmpi ne, %rem3A_3200, %ne3A_3201 : i32
        %and3A_3203 = arith.andi %ne3A_3199, %ne3A_3202 : i1
        %sub3A_3204 = arith.constant 1 : i32
        %sub3A_3205 = arith.subi %div3A_3184, %sub3A_3204 : i32
        %select_n3A_3206 = arith.select %and3A_3203, %sub3A_3205, %div3A_3184 : i32
        %jit3A_3207 = arith.constant 8 : i32
        %eq3A_3208 = arith.constant 0 : i32
        %eq3A_3209 = arith.cmpi eq, %jit3A_3207, %eq3A_3208 : i32
        %jit3A_3210 = arith.constant 1 : i32
        %select_n3A_3211 = arith.select %eq3A_3209, %jit3A_3210, %jit3A_3207 : i32
        %rem3A_3212 = arith.remsi %add3A_3029, %select_n3A_3211 : i32
        %ne3A_3213 = arith.constant 0 : i32
        %ne3A_3214 = arith.cmpi ne, %rem3A_3212, %ne3A_3213 : i32
        %lt3A_3215 = arith.constant 0 : i32
        %lt3A_3216 = arith.cmpi slt, %rem3A_3212, %lt3A_3215 : i32
        %lt3A_3217 = arith.constant 0 : i32
        %lt3A_3218 = arith.cmpi slt, %select_n3A_3211, %lt3A_3217 : i32
        %ne3A_3219 = arith.xori %lt3A_3216, %lt3A_3218 : i1
        %and3A_3220 = arith.andi %ne3A_3219, %ne3A_3214 : i1
        %add3A_3221 = arith.addi %rem3A_3212, %select_n3A_3211 : i32
        %select_n3A_3222 = arith.select %and3A_3220, %add3A_3221, %rem3A_3212 : i32
        %get3A_3223 = arith.index_cast %select_n3A_3206 : i32 to index
        %get3A_3224 = arith.index_cast %select_n3A_3222 : i32 to index
        %get3A_3225 = arith.constant 48 : index
        %get3A_3226 = tpu.vector_load %arg5[%get3A_3223, %get3A_3224, %get3A_3225] {strides = array<i32>} : memref<25x8x128xi32, #tpu.memory_space<vmem>>, vector<16xi32>,
        %shift_right_logical3A_3227 = arith.constant 1 : i32
        %shift_right_logical3A_3228 = vector.broadcast %shift_right_logical3A_3227 : i32 to vector<16xi32>
        %shift_right_logical3A_3229 = arith.shrui %get3A_3226, %shift_right_logical3A_3228 : vector<16xi32>
        %swap3A_3230 = arith.constant 1 : i32
        %swap3A_3231 = arith.index_cast %swap3A_3230 : i32 to index
        %swap3A_3232 = arith.constant 48 : index
        %swap3A_3233 = tpu.vector_load %arg6[%swap3A_3231, %swap3A_3232] {strides = array<i32>} : memref<2x128xi32, #tpu.memory_space<vmem>>, vector<16xi32>,
        tpu.vector_store %arg6[%swap3A_3231, %swap3A_3232], %shift_right_logical3A_3229 {strides = array<i32>} : memref<2x128xi32, #tpu.memory_space<vmem>>, vector<16xi32>,
        %jit3A_3234 = arith.constant 8 : i32
        %div3A_3235 = arith.divsi %add3A_3029, %jit3A_3234 : i32
        %sign3A_3236 = arith.constant 0 : i32
        %sign3A_3237 = arith.cmpi sgt, %add3A_3029, %sign3A_3236 : i32
        %sign3A_3238 = arith.extui %sign3A_3237 : i1 to i32
        %sign3A_3239 = arith.constant 0 : i32
        %sign3A_3240 = arith.cmpi slt, %add3A_3029, %sign3A_3239 : i32
        %sign3A_3241 = arith.extui %sign3A_3240 : i1 to i32
        %sign3A_3242 = arith.subi %sign3A_3238, %sign3A_3241 : i32
        %sign3A_3243 = arith.constant 0 : i32
        %sign3A_3244 = arith.cmpi sgt, %jit3A_3234, %sign3A_3243 : i32
        %sign3A_3245 = arith.extui %sign3A_3244 : i1 to i32
        %sign3A_3246 = arith.constant 0 : i32
        %sign3A_3247 = arith.cmpi slt, %jit3A_3234, %sign3A_3246 : i32
        %sign3A_3248 = arith.extui %sign3A_3247 : i1 to i32
        %sign3A_3249 = arith.subi %sign3A_3245, %sign3A_3248 : i32
        %ne3A_3250 = arith.cmpi ne, %sign3A_3242, %sign3A_3249 : i32
        %rem3A_3251 = arith.remsi %add3A_3029, %jit3A_3234 : i32
        %ne3A_3252 = arith.constant 0 : i32
        %ne3A_3253 = arith.cmpi ne, %rem3A_3251, %ne3A_3252 : i32
        %and3A_3254 = arith.andi %ne3A_3250, %ne3A_3253 : i1
        %sub3A_3255 = arith.constant 1 : i32
        %sub3A_3256 = arith.subi %div3A_3235, %sub3A_3255 : i32
        %select_n3A_3257 = arith.select %and3A_3254, %sub3A_3256, %div3A_3235 : i32
        %jit3A_3258 = arith.constant 8 : i32
        %eq3A_3259 = arith.constant 0 : i32
        %eq3A_3260 = arith.cmpi eq, %jit3A_3258, %eq3A_3259 : i32
        %jit3A_3261 = arith.constant 1 : i32
        %select_n3A_3262 = arith.select %eq3A_3260, %jit3A_3261, %jit3A_3258 : i32
        %rem3A_3263 = arith.remsi %add3A_3029, %select_n3A_3262 : i32
        %ne3A_3264 = arith.constant 0 : i32
        %ne3A_3265 = arith.cmpi ne, %rem3A_3263, %ne3A_3264 : i32
        %lt3A_3266 = arith.constant 0 : i32
        %lt3A_3267 = arith.cmpi slt, %rem3A_3263, %lt3A_3266 : i32
        %lt3A_3268 = arith.constant 0 : i32
        %lt3A_3269 = arith.cmpi slt, %select_n3A_3262, %lt3A_3268 : i32
        %ne3A_3270 = arith.xori %lt3A_3267, %lt3A_3269 : i1
        %and3A_3271 = arith.andi %ne3A_3270, %ne3A_3265 : i1
        %add3A_3272 = arith.addi %rem3A_3263, %select_n3A_3262 : i32
        %select_n3A_3273 = arith.select %and3A_3271, %add3A_3272, %rem3A_3263 : i32
        %get3A_3274 = arith.index_cast %select_n3A_3257 : i32 to index
        %get3A_3275 = arith.index_cast %select_n3A_3273 : i32 to index
        %get3A_3276 = arith.constant 64 : index
        %get3A_3277 = tpu.vector_load %arg5[%get3A_3274, %get3A_3275, %get3A_3276] {strides = array<i32>} : memref<25x8x128xi32, #tpu.memory_space<vmem>>, vector<16xi32>,
        %shift_right_logical3A_3278 = arith.constant 1 : i32
        %shift_right_logical3A_3279 = vector.broadcast %shift_right_logical3A_3278 : i32 to vector<16xi32>
        %shift_right_logical3A_3280 = arith.shrui %get3A_3277, %shift_right_logical3A_3279 : vector<16xi32>
        %swap3A_3281 = arith.constant 1 : i32
        %swap3A_3282 = arith.index_cast %swap3A_3281 : i32 to index
        %swap3A_3283 = arith.constant 64 : index
        %swap3A_3284 = tpu.vector_load %arg6[%swap3A_3282, %swap3A_3283] {strides = array<i32>} : memref<2x128xi32, #tpu.memory_space<vmem>>, vector<16xi32>,
        tpu.vector_store %arg6[%swap3A_3282, %swap3A_3283], %shift_right_logical3A_3280 {strides = array<i32>} : memref<2x128xi32, #tpu.memory_space<vmem>>, vector<16xi32>,
        %jit3A_3285 = arith.constant 8 : i32
        %div3A_3286 = arith.divsi %add3A_3029, %jit3A_3285 : i32
        %sign3A_3287 = arith.constant 0 : i32
        %sign3A_3288 = arith.cmpi sgt, %add3A_3029, %sign3A_3287 : i32
        %sign3A_3289 = arith.extui %sign3A_3288 : i1 to i32
        %sign3A_3290 = arith.constant 0 : i32
        %sign3A_3291 = arith.cmpi slt, %add3A_3029, %sign3A_3290 : i32
        %sign3A_3292 = arith.extui %sign3A_3291 : i1 to i32
        %sign3A_3293 = arith.subi %sign3A_3289, %sign3A_3292 : i32
        %sign3A_3294 = arith.constant 0 : i32
        %sign3A_3295 = arith.cmpi sgt, %jit3A_3285, %sign3A_3294 : i32
        %sign3A_3296 = arith.extui %sign3A_3295 : i1 to i32
        %sign3A_3297 = arith.constant 0 : i32
        %sign3A_3298 = arith.cmpi slt, %jit3A_3285, %sign3A_3297 : i32
        %sign3A_3299 = arith.extui %sign3A_3298 : i1 to i32
        %sign3A_3300 = arith.subi %sign3A_3296, %sign3A_3299 : i32
        %ne3A_3301 = arith.cmpi ne, %sign3A_3293, %sign3A_3300 : i32
        %rem3A_3302 = arith.remsi %add3A_3029, %jit3A_3285 : i32
        %ne3A_3303 = arith.constant 0 : i32
        %ne3A_3304 = arith.cmpi ne, %rem3A_3302, %ne3A_3303 : i32
        %and3A_3305 = arith.andi %ne3A_3301, %ne3A_3304 : i1
        %sub3A_3306 = arith.constant 1 : i32
        %sub3A_3307 = arith.subi %div3A_3286, %sub3A_3306 : i32
        %select_n3A_3308 = arith.select %and3A_3305, %sub3A_3307, %div3A_3286 : i32
        %jit3A_3309 = arith.constant 8 : i32
        %eq3A_3310 = arith.constant 0 : i32
        %eq3A_3311 = arith.cmpi eq, %jit3A_3309, %eq3A_3310 : i32
        %jit3A_3312 = arith.constant 1 : i32
        %select_n3A_3313 = arith.select %eq3A_3311, %jit3A_3312, %jit3A_3309 : i32
        %rem3A_3314 = arith.remsi %add3A_3029, %select_n3A_3313 : i32
        %ne3A_3315 = arith.constant 0 : i32
        %ne3A_3316 = arith.cmpi ne, %rem3A_3314, %ne3A_3315 : i32
        %lt3A_3317 = arith.constant 0 : i32
        %lt3A_3318 = arith.cmpi slt, %rem3A_3314, %lt3A_3317 : i32
        %lt3A_3319 = arith.constant 0 : i32
        %lt3A_3320 = arith.cmpi slt, %select_n3A_3313, %lt3A_3319 : i32
        %ne3A_3321 = arith.xori %lt3A_3318, %lt3A_3320 : i1
        %and3A_3322 = arith.andi %ne3A_3321, %ne3A_3316 : i1
        %add3A_3323 = arith.addi %rem3A_3314, %select_n3A_3313 : i32
        %select_n3A_3324 = arith.select %and3A_3322, %add3A_3323, %rem3A_3314 : i32
        %get3A_3325 = arith.index_cast %select_n3A_3308 : i32 to index
        %get3A_3326 = arith.index_cast %select_n3A_3324 : i32 to index
        %get3A_3327 = arith.constant 80 : index
        %get3A_3328 = tpu.vector_load %arg5[%get3A_3325, %get3A_3326, %get3A_3327] {strides = array<i32>} : memref<25x8x128xi32, #tpu.memory_space<vmem>>, vector<16xi32>,
        %shift_right_logical3A_3329 = arith.constant 1 : i32
        %shift_right_logical3A_3330 = vector.broadcast %shift_right_logical3A_3329 : i32 to vector<16xi32>
        %shift_right_logical3A_3331 = arith.shrui %get3A_3328, %shift_right_logical3A_3330 : vector<16xi32>
        %swap3A_3332 = arith.constant 1 : i32
        %swap3A_3333 = arith.index_cast %swap3A_3332 : i32 to index
        %swap3A_3334 = arith.constant 80 : index
        %swap3A_3335 = tpu.vector_load %arg6[%swap3A_3333, %swap3A_3334] {strides = array<i32>} : memref<2x128xi32, #tpu.memory_space<vmem>>, vector<16xi32>,
        tpu.vector_store %arg6[%swap3A_3333, %swap3A_3334], %shift_right_logical3A_3331 {strides = array<i32>} : memref<2x128xi32, #tpu.memory_space<vmem>>, vector<16xi32>,
        %jit3A_3336 = arith.constant 8 : i32
        %div3A_3337 = arith.divsi %add3A_3029, %jit3A_3336 : i32
        %sign3A_3338 = arith.constant 0 : i32
        %sign3A_3339 = arith.cmpi sgt, %add3A_3029, %sign3A_3338 : i32
        %sign3A_3340 = arith.extui %sign3A_3339 : i1 to i32
        %sign3A_3341 = arith.constant 0 : i32
        %sign3A_3342 = arith.cmpi slt, %add3A_3029, %sign3A_3341 : i32
        %sign3A_3343 = arith.extui %sign3A_3342 : i1 to i32
        %sign3A_3344 = arith.subi %sign3A_3340, %sign3A_3343 : i32
        %sign3A_3345 = arith.constant 0 : i32
        %sign3A_3346 = arith.cmpi sgt, %jit3A_3336, %sign3A_3345 : i32
        %sign3A_3347 = arith.extui %sign3A_3346 : i1 to i32
        %sign3A_3348 = arith.constant 0 : i32
        %sign3A_3349 = arith.cmpi slt, %jit3A_3336, %sign3A_3348 : i32
        %sign3A_3350 = arith.extui %sign3A_3349 : i1 to i32
        %sign3A_3351 = arith.subi %sign3A_3347, %sign3A_3350 : i32
        %ne3A_3352 = arith.cmpi ne, %sign3A_3344, %sign3A_3351 : i32
        %rem3A_3353 = arith.remsi %add3A_3029, %jit3A_3336 : i32
        %ne3A_3354 = arith.constant 0 : i32
        %ne3A_3355 = arith.cmpi ne, %rem3A_3353, %ne3A_3354 : i32
        %and3A_3356 = arith.andi %ne3A_3352, %ne3A_3355 : i1
        %sub3A_3357 = arith.constant 1 : i32
        %sub3A_3358 = arith.subi %div3A_3337, %sub3A_3357 : i32
        %select_n3A_3359 = arith.select %and3A_3356, %sub3A_3358, %div3A_3337 : i32
        %jit3A_3360 = arith.constant 8 : i32
        %eq3A_3361 = arith.constant 0 : i32
        %eq3A_3362 = arith.cmpi eq, %jit3A_3360, %eq3A_3361 : i32
        %jit3A_3363 = arith.constant 1 : i32
        %select_n3A_3364 = arith.select %eq3A_3362, %jit3A_3363, %jit3A_3360 : i32
        %rem3A_3365 = arith.remsi %add3A_3029, %select_n3A_3364 : i32
        %ne3A_3366 = arith.constant 0 : i32
        %ne3A_3367 = arith.cmpi ne, %rem3A_3365, %ne3A_3366 : i32
        %lt3A_3368 = arith.constant 0 : i32
        %lt3A_3369 = arith.cmpi slt, %rem3A_3365, %lt3A_3368 : i32
        %lt3A_3370 = arith.constant 0 : i32
        %lt3A_3371 = arith.cmpi slt, %select_n3A_3364, %lt3A_3370 : i32
        %ne3A_3372 = arith.xori %lt3A_3369, %lt3A_3371 : i1
        %and3A_3373 = arith.andi %ne3A_3372, %ne3A_3367 : i1
        %add3A_3374 = arith.addi %rem3A_3365, %select_n3A_3364 : i32
        %select_n3A_3375 = arith.select %and3A_3373, %add3A_3374, %rem3A_3365 : i32
        %get3A_3376 = arith.index_cast %select_n3A_3359 : i32 to index
        %get3A_3377 = arith.index_cast %select_n3A_3375 : i32 to index
        %get3A_3378 = arith.constant 96 : index
        %get3A_3379 = tpu.vector_load %arg5[%get3A_3376, %get3A_3377, %get3A_3378] {strides = array<i32>} : memref<25x8x128xi32, #tpu.memory_space<vmem>>, vector<16xi32>,
        %shift_right_logical3A_3380 = arith.constant 1 : i32
        %shift_right_logical3A_3381 = vector.broadcast %shift_right_logical3A_3380 : i32 to vector<16xi32>
        %shift_right_logical3A_3382 = arith.shrui %get3A_3379, %shift_right_logical3A_3381 : vector<16xi32>
        %swap3A_3383 = arith.constant 1 : i32
        %swap3A_3384 = arith.index_cast %swap3A_3383 : i32 to index
        %swap3A_3385 = arith.constant 96 : index
        %swap3A_3386 = tpu.vector_load %arg6[%swap3A_3384, %swap3A_3385] {strides = array<i32>} : memref<2x128xi32, #tpu.memory_space<vmem>>, vector<16xi32>,
        tpu.vector_store %arg6[%swap3A_3384, %swap3A_3385], %shift_right_logical3A_3382 {strides = array<i32>} : memref<2x128xi32, #tpu.memory_space<vmem>>, vector<16xi32>,
        %jit3A_3387 = arith.constant 8 : i32
        %div3A_3388 = arith.divsi %add3A_3029, %jit3A_3387 : i32
        %sign3A_3389 = arith.constant 0 : i32
        %sign3A_3390 = arith.cmpi sgt, %add3A_3029, %sign3A_3389 : i32
        %sign3A_3391 = arith.extui %sign3A_3390 : i1 to i32
        %sign3A_3392 = arith.constant 0 : i32
        %sign3A_3393 = arith.cmpi slt, %add3A_3029, %sign3A_3392 : i32
        %sign3A_3394 = arith.extui %sign3A_3393 : i1 to i32
        %sign3A_3395 = arith.subi %sign3A_3391, %sign3A_3394 : i32
        %sign3A_3396 = arith.constant 0 : i32
        %sign3A_3397 = arith.cmpi sgt, %jit3A_3387, %sign3A_3396 : i32
        %sign3A_3398 = arith.extui %sign3A_3397 : i1 to i32
        %sign3A_3399 = arith.constant 0 : i32
        %sign3A_3400 = arith.cmpi slt, %jit3A_3387, %sign3A_3399 : i32
        %sign3A_3401 = arith.extui %sign3A_3400 : i1 to i32
        %sign3A_3402 = arith.subi %sign3A_3398, %sign3A_3401 : i32
        %ne3A_3403 = arith.cmpi ne, %sign3A_3395, %sign3A_3402 : i32
        %rem3A_3404 = arith.remsi %add3A_3029, %jit3A_3387 : i32
        %ne3A_3405 = arith.constant 0 : i32
        %ne3A_3406 = arith.cmpi ne, %rem3A_3404, %ne3A_3405 : i32
        %and3A_3407 = arith.andi %ne3A_3403, %ne3A_3406 : i1
        %sub3A_3408 = arith.constant 1 : i32
        %sub3A_3409 = arith.subi %div3A_3388, %sub3A_3408 : i32
        %select_n3A_3410 = arith.select %and3A_3407, %sub3A_3409, %div3A_3388 : i32
        %jit3A_3411 = arith.constant 8 : i32
        %eq3A_3412 = arith.constant 0 : i32
        %eq3A_3413 = arith.cmpi eq, %jit3A_3411, %eq3A_3412 : i32
        %jit3A_3414 = arith.constant 1 : i32
        %select_n3A_3415 = arith.select %eq3A_3413, %jit3A_3414, %jit3A_3411 : i32
        %rem3A_3416 = arith.remsi %add3A_3029, %select_n3A_3415 : i32
        %ne3A_3417 = arith.constant 0 : i32
        %ne3A_3418 = arith.cmpi ne, %rem3A_3416, %ne3A_3417 : i32
        %lt3A_3419 = arith.constant 0 : i32
        %lt3A_3420 = arith.cmpi slt, %rem3A_3416, %lt3A_3419 : i32
        %lt3A_3421 = arith.constant 0 : i32
        %lt3A_3422 = arith.cmpi slt, %select_n3A_3415, %lt3A_3421 : i32
        %ne3A_3423 = arith.xori %lt3A_3420, %lt3A_3422 : i1
        %and3A_3424 = arith.andi %ne3A_3423, %ne3A_3418 : i1
        %add3A_3425 = arith.addi %rem3A_3416, %select_n3A_3415 : i32
        %select_n3A_3426 = arith.select %and3A_3424, %add3A_3425, %rem3A_3416 : i32
        %get3A_3427 = arith.index_cast %select_n3A_3410 : i32 to index
        %get3A_3428 = arith.index_cast %select_n3A_3426 : i32 to index
        %get3A_3429 = arith.constant 112 : index
        %get3A_3430 = tpu.vector_load %arg5[%get3A_3427, %get3A_3428, %get3A_3429] {strides = array<i32>} : memref<25x8x128xi32, #tpu.memory_space<vmem>>, vector<16xi32>,
        %shift_right_logical3A_3431 = arith.constant 1 : i32
        %shift_right_logical3A_3432 = vector.broadcast %shift_right_logical3A_3431 : i32 to vector<16xi32>
        %shift_right_logical3A_3433 = arith.shrui %get3A_3430, %shift_right_logical3A_3432 : vector<16xi32>
        %swap3A_3434 = arith.constant 1 : i32
        %swap3A_3435 = arith.index_cast %swap3A_3434 : i32 to index
        %swap3A_3436 = arith.constant 112 : index
        %swap3A_3437 = tpu.vector_load %arg6[%swap3A_3435, %swap3A_3436] {strides = array<i32>} : memref<2x128xi32, #tpu.memory_space<vmem>>, vector<16xi32>,
        tpu.vector_store %arg6[%swap3A_3435, %swap3A_3436], %shift_right_logical3A_3433 {strides = array<i32>} : memref<2x128xi32, #tpu.memory_space<vmem>>, vector<16xi32>,
        %dma_start3A_3438 = arith.constant 1 : i32
        %dma_start3A_3439 = arith.constant 1 : i32
        %dma_start3A_3440 = arith.constant 0 : i32
        %dma_start3A_3441 = arith.constant 0 : i32
        %dma_start3A_3442 = tpu.memref_slice %arg7[%dma_start3A_3439, %dma_start3A_3440, %dma_start3A_3441] : memref<2x128x129xf32, #tpu.memory_space<vmem>> -> memref<1x128x128xf32, #tpu.memory_space<vmem>>
        %dma_start3A_3443 = tpu.memref_squeeze %dma_start3A_3442 : memref<1x128x128xf32, #tpu.memory_space<vmem>> -> memref<128x128xf32, #tpu.memory_space<vmem>>
        %dma_start3A_3444 = arith.constant 0 : i32
        %dma_start3A_3445 = tpu.memref_slice %arg6[%dma_start3A_3438, %dma_start3A_3444] : memref<2x128xi32, #tpu.memory_space<vmem>> -> memref<1x128xi32, #tpu.memory_space<vmem>>
        %dma_start3A_3446 = tpu.memref_squeeze %dma_start3A_3445 : memref<1x128xi32, #tpu.memory_space<vmem>> -> memref<128xi32, #tpu.memory_space<vmem>>
        %dma_start3A_3447 = arith.constant 0 : i32
        %dma_start3A_3448 = arith.constant 0 : i32
        %dma_start3A_3449 = tpu.memref_slice %arg3[%dma_start3A_3447, %dma_start3A_3448] : memref<500000x128xf32, #tpu.memory_space<hbm>> -> memref<500000x128xf32, #tpu.memory_space<hbm>>
        tpu.enqueue_indirect_dma source(%dma_start3A_3449 : memref<500000x128xf32, #tpu.memory_space<hbm>>) target(%dma_start3A_3443 : memref<128x128xf32, #tpu.memory_space<vmem>>) offsets(%dma_start3A_3446 : memref<128xi32, #tpu.memory_space<vmem>>) semaphore(%arg11 : memref<!tpu.dma_semaphore, #tpu.memory_space<semaphore_mem>>)
      } else {
      }
      %dma_wait3A_1980 = arith.constant 0 : i32
      %dma_wait3A_1981 = arith.constant 0 : i32
      %dma_wait3A_1982 = arith.constant 0 : i32
      %dma_wait3A_1983 = arith.constant 0 : i32
      %dma_wait3A_1984 = tpu.memref_slice %arg7[%dma_wait3A_1981, %dma_wait3A_1982, %dma_wait3A_1983] : memref<2x128x129xf32, #tpu.memory_space<vmem>> -> memref<1x128x128xf32, #tpu.memory_space<vmem>>
      %dma_wait3A_1985 = tpu.memref_squeeze %dma_wait3A_1984 : memref<1x128x128xf32, #tpu.memory_space<vmem>> -> memref<128x128xf32, #tpu.memory_space<vmem>>
      %dma_wait3A_1986 = arith.constant 0 : i32
      %dma_wait3A_1987 = tpu.memref_slice %arg6[%dma_wait3A_1980, %dma_wait3A_1986] : memref<2x128xi32, #tpu.memory_space<vmem>> -> memref<1x128xi32, #tpu.memory_space<vmem>>
      %dma_wait3A_1988 = tpu.memref_squeeze %dma_wait3A_1987 : memref<1x128xi32, #tpu.memory_space<vmem>> -> memref<128xi32, #tpu.memory_space<vmem>>
      %dma_wait3A_1989 = arith.constant 0 : i32
      %dma_wait3A_1990 = arith.constant 0 : i32
      %dma_wait3A_1991 = tpu.memref_slice %arg3[%dma_wait3A_1989, %dma_wait3A_1990] : memref<500000x128xf32, #tpu.memory_space<hbm>> -> memref<500000x128xf32, #tpu.memory_space<hbm>>
      tpu.wait_indirect_dma semaphore(%arg10 : memref<!tpu.dma_semaphore, #tpu.memory_space<semaphore_mem>>) src(%dma_wait3A_1991 : memref<500000x128xf32, #tpu.memory_space<hbm>>) dst(%dma_wait3A_1985 : memref<128x128xf32, #tpu.memory_space<vmem>>)
      %ge3A = arith.constant 2 : i32
      %ge3A_1992 = arith.cmpi sge, %add3A_1972, %ge3A : i32
      %convert_element_type3A_1993 = arith.extui %ge3A_1992 : i1 to i32
      %cond3A_1994 = arith.constant 0 : i32
      %cond3A_1995 = arith.cmpi ne, %convert_element_type3A_1993, %cond3A_1994 : i32
      scf.if %cond3A_1995 {
        %dma_wait3A_3028 = arith.constant 0 : i32
        %dma_wait3A_3029 = arith.constant 0 : i32
        %dma_wait3A_3030 = arith.constant 0 : i32
        %dma_wait3A_3031 = arith.constant 0 : i32
        %dma_wait3A_3032 = tpu.memref_slice %arg8[%dma_wait3A_3028, %dma_wait3A_3030, %dma_wait3A_3031] : memref<2x64x128xf32, #tpu.memory_space<vmem>> -> memref<1x64x128xf32, #tpu.memory_space<vmem>>
        %dma_wait3A_3033 = tpu.memref_squeeze %dma_wait3A_3032 : memref<1x64x128xf32, #tpu.memory_space<vmem>> -> memref<64x128xf32, #tpu.memory_space<vmem>>
        %dma_wait3A_3034 = arith.constant 0 : i32
        %dma_wait3A_3035 = arith.constant 0 : i32
        %dma_wait3A_3036 = tpu.memref_slice %arg4[%dma_wait3A_3029, %dma_wait3A_3034, %dma_wait3A_3035] : memref<200x64x4096xf32, #tpu.memory_space<hbm>> -> memref<1x64x128xf32, #tpu.memory_space<hbm>>
        %dma_wait3A_3037 = tpu.memref_squeeze %dma_wait3A_3036 : memref<1x64x128xf32, #tpu.memory_space<hbm>> -> memref<64x128xf32, #tpu.memory_space<hbm>>
        %dma_wait3A_3038 = arith.constant 0 : i32
        %dma_wait3A_3039 = arith.constant 0 : i32
        %dma_wait3A_3040 = tpu.memref_slice %arg4[%dma_wait3A_3029, %dma_wait3A_3038, %dma_wait3A_3039] : memref<200x64x4096xf32, #tpu.memory_space<hbm>> -> memref<1x64x128xf32, #tpu.memory_space<hbm>>
        %dma_wait3A_3041 = tpu.memref_squeeze %dma_wait3A_3040 : memref<1x64x128xf32, #tpu.memory_space<hbm>> -> memref<64x128xf32, #tpu.memory_space<hbm>>
        %dma_wait3A_3042 = arith.constant 0 : i32
        %dma_wait3A_3043 = arith.constant 0 : i32
        %dma_wait3A_3044 = tpu.memref_slice %arg8[%dma_wait3A_3028, %dma_wait3A_3042, %dma_wait3A_3043] : memref<2x64x128xf32, #tpu.memory_space<vmem>> -> memref<1x64x128xf32, #tpu.memory_space<vmem>>
        %dma_wait3A_3045 = tpu.memref_squeeze %dma_wait3A_3044 : memref<1x64x128xf32, #tpu.memory_space<vmem>> -> memref<64x128xf32, #tpu.memory_space<vmem>>
        tpu.wait_dma2 semaphore(%arg12 : memref<!tpu.dma_semaphore, #tpu.memory_space<semaphore_mem>>) src(%dma_wait3A_3045 : memref<64x128xf32, #tpu.memory_space<vmem>>) dst(%dma_wait3A_3041 : memref<64x128xf32, #tpu.memory_space<hbm>>)
      } else {
      }
      %jit3A_1996 = arith.constant 8 : i32
      %div3A_1997 = arith.divsi %add3A_1974, %jit3A_1996 : i32
      %sign3A_1998 = arith.constant 0 : i32
      %sign3A_1999 = arith.cmpi sgt, %add3A_1974, %sign3A_1998 : i32
      %sign3A_2000 = arith.extui %sign3A_1999 : i1 to i32
      %sign3A_2001 = arith.constant 0 : i32
      %sign3A_2002 = arith.cmpi slt, %add3A_1974, %sign3A_2001 : i32
      %sign3A_2003 = arith.extui %sign3A_2002 : i1 to i32
      %sign3A_2004 = arith.subi %sign3A_2000, %sign3A_2003 : i32
      %sign3A_2005 = arith.constant 0 : i32
      %sign3A_2006 = arith.cmpi sgt, %jit3A_1996, %sign3A_2005 : i32
      %sign3A_2007 = arith.extui %sign3A_2006 : i1 to i32
      %sign3A_2008 = arith.constant 0 : i32
      %sign3A_2009 = arith.cmpi slt, %jit3A_1996, %sign3A_2008 : i32
      %sign3A_2010 = arith.extui %sign3A_2009 : i1 to i32
      %sign3A_2011 = arith.subi %sign3A_2007, %sign3A_2010 : i32
      %ne3A_2012 = arith.cmpi ne, %sign3A_2004, %sign3A_2011 : i32
      %rem3A_2013 = arith.remsi %add3A_1974, %jit3A_1996 : i32
      %ne3A_2014 = arith.constant 0 : i32
      %ne3A_2015 = arith.cmpi ne, %rem3A_2013, %ne3A_2014 : i32
      %and3A_2016 = arith.andi %ne3A_2012, %ne3A_2015 : i1
      %sub3A_2017 = arith.constant 1 : i32
      %sub3A_2018 = arith.subi %div3A_1997, %sub3A_2017 : i32
      %select_n3A_2019 = arith.select %and3A_2016, %sub3A_2018, %div3A_1997 : i32
      %jit3A_2020 = arith.constant 8 : i32
      %eq3A_2021 = arith.constant 0 : i32
      %eq3A_2022 = arith.cmpi eq, %jit3A_2020, %eq3A_2021 : i32
      %jit3A_2023 = arith.constant 1 : i32
      %select_n3A_2024 = arith.select %eq3A_2022, %jit3A_2023, %jit3A_2020 : i32
      %rem3A_2025 = arith.remsi %add3A_1974, %select_n3A_2024 : i32
      %ne3A_2026 = arith.constant 0 : i32
      %ne3A_2027 = arith.cmpi ne, %rem3A_2025, %ne3A_2026 : i32
      %lt3A_2028 = arith.constant 0 : i32
      %lt3A_2029 = arith.cmpi slt, %rem3A_2025, %lt3A_2028 : i32
      %lt3A_2030 = arith.constant 0 : i32
      %lt3A_2031 = arith.cmpi slt, %select_n3A_2024, %lt3A_2030 : i32
      %ne3A_2032 = arith.xori %lt3A_2029, %lt3A_2031 : i1
      %and3A_2033 = arith.andi %ne3A_2032, %ne3A_2027 : i1
      %add3A_2034 = arith.addi %rem3A_2025, %select_n3A_2024 : i32
      %select_n3A_2035 = arith.select %and3A_2033, %add3A_2034, %rem3A_2025 : i32
      %get3A_2036 = arith.index_cast %select_n3A_2019 : i32 to index
      %get3A_2037 = arith.index_cast %select_n3A_2035 : i32 to index
      %get3A_2038 = arith.constant 0 : index
      %get3A_2039 = tpu.vector_load %arg5[%get3A_2036, %get3A_2037, %get3A_2038] {strides = array<i32>} : memref<25x8x128xi32, #tpu.memory_space<vmem>>, vector<16xi32>,
      %and3A_2040 = arith.constant 1 : i32
      %and3A_2041 = vector.broadcast %and3A_2040 : i32 to vector<16xi32>
      %and3A_2042 = arith.andi %get3A_2039, %and3A_2041 : vector<16xi32>
      %shift_left3A = arith.constant 6 : i32
      %shift_left3A_2043 = vector.broadcast %shift_left3A : i32 to vector<16xi32>
      %shift_left3A_2044 = arith.shli %and3A_2042, %shift_left3A_2043 : vector<16xi32>
      %jit3A_2045 = arith.constant 8 : i32
      %div3A_2046 = arith.divsi %add3A_1974, %jit3A_2045 : i32
      %sign3A_2047 = arith.constant 0 : i32
      %sign3A_2048 = arith.cmpi sgt, %add3A_1974, %sign3A_2047 : i32
      %sign3A_2049 = arith.extui %sign3A_2048 : i1 to i32
      %sign3A_2050 = arith.constant 0 : i32
      %sign3A_2051 = arith.cmpi slt, %add3A_1974, %sign3A_2050 : i32
      %sign3A_2052 = arith.extui %sign3A_2051 : i1 to i32
      %sign3A_2053 = arith.subi %sign3A_2049, %sign3A_2052 : i32
      %sign3A_2054 = arith.constant 0 : i32
      %sign3A_2055 = arith.cmpi sgt, %jit3A_2045, %sign3A_2054 : i32
      %sign3A_2056 = arith.extui %sign3A_2055 : i1 to i32
      %sign3A_2057 = arith.constant 0 : i32
      %sign3A_2058 = arith.cmpi slt, %jit3A_2045, %sign3A_2057 : i32
      %sign3A_2059 = arith.extui %sign3A_2058 : i1 to i32
      %sign3A_2060 = arith.subi %sign3A_2056, %sign3A_2059 : i32
      %ne3A_2061 = arith.cmpi ne, %sign3A_2053, %sign3A_2060 : i32
      %rem3A_2062 = arith.remsi %add3A_1974, %jit3A_2045 : i32
      %ne3A_2063 = arith.constant 0 : i32
      %ne3A_2064 = arith.cmpi ne, %rem3A_2062, %ne3A_2063 : i32
      %and3A_2065 = arith.andi %ne3A_2061, %ne3A_2064 : i1
      %sub3A_2066 = arith.constant 1 : i32
      %sub3A_2067 = arith.subi %div3A_2046, %sub3A_2066 : i32
      %select_n3A_2068 = arith.select %and3A_2065, %sub3A_2067, %div3A_2046 : i32
      %jit3A_2069 = arith.constant 8 : i32
      %eq3A_2070 = arith.constant 0 : i32
      %eq3A_2071 = arith.cmpi eq, %jit3A_2069, %eq3A_2070 : i32
      %jit3A_2072 = arith.constant 1 : i32
      %select_n3A_2073 = arith.select %eq3A_2071, %jit3A_2072, %jit3A_2069 : i32
      %rem3A_2074 = arith.remsi %add3A_1974, %select_n3A_2073 : i32
      %ne3A_2075 = arith.constant 0 : i32
      %ne3A_2076 = arith.cmpi ne, %rem3A_2074, %ne3A_2075 : i32
      %lt3A_2077 = arith.constant 0 : i32
      %lt3A_2078 = arith.cmpi slt, %rem3A_2074, %lt3A_2077 : i32
      %lt3A_2079 = arith.constant 0 : i32
      %lt3A_2080 = arith.cmpi slt, %select_n3A_2073, %lt3A_2079 : i32
      %ne3A_2081 = arith.xori %lt3A_2078, %lt3A_2080 : i1
      %and3A_2082 = arith.andi %ne3A_2081, %ne3A_2076 : i1
      %add3A_2083 = arith.addi %rem3A_2074, %select_n3A_2073 : i32
      %select_n3A_2084 = arith.select %and3A_2082, %add3A_2083, %rem3A_2074 : i32
      %get3A_2085 = arith.index_cast %select_n3A_2068 : i32 to index
      %get3A_2086 = arith.index_cast %select_n3A_2084 : i32 to index
      %get3A_2087 = arith.constant 16 : index
      %get3A_2088 = tpu.vector_load %arg5[%get3A_2085, %get3A_2086, %get3A_2087] {strides = array<i32>} : memref<25x8x128xi32, #tpu.memory_space<vmem>>, vector<16xi32>,
      %and3A_2089 = arith.constant 1 : i32
      %and3A_2090 = vector.broadcast %and3A_2089 : i32 to vector<16xi32>
      %and3A_2091 = arith.andi %get3A_2088, %and3A_2090 : vector<16xi32>
      %shift_left3A_2092 = arith.constant 6 : i32
      %shift_left3A_2093 = vector.broadcast %shift_left3A_2092 : i32 to vector<16xi32>
      %shift_left3A_2094 = arith.shli %and3A_2091, %shift_left3A_2093 : vector<16xi32>
      %jit3A_2095 = arith.constant 8 : i32
      %div3A_2096 = arith.divsi %add3A_1974, %jit3A_2095 : i32
      %sign3A_2097 = arith.constant 0 : i32
      %sign3A_2098 = arith.cmpi sgt, %add3A_1974, %sign3A_2097 : i32
      %sign3A_2099 = arith.extui %sign3A_2098 : i1 to i32
      %sign3A_2100 = arith.constant 0 : i32
      %sign3A_2101 = arith.cmpi slt, %add3A_1974, %sign3A_2100 : i32
      %sign3A_2102 = arith.extui %sign3A_2101 : i1 to i32
      %sign3A_2103 = arith.subi %sign3A_2099, %sign3A_2102 : i32
      %sign3A_2104 = arith.constant 0 : i32
      %sign3A_2105 = arith.cmpi sgt, %jit3A_2095, %sign3A_2104 : i32
      %sign3A_2106 = arith.extui %sign3A_2105 : i1 to i32
      %sign3A_2107 = arith.constant 0 : i32
      %sign3A_2108 = arith.cmpi slt, %jit3A_2095, %sign3A_2107 : i32
      %sign3A_2109 = arith.extui %sign3A_2108 : i1 to i32
      %sign3A_2110 = arith.subi %sign3A_2106, %sign3A_2109 : i32
      %ne3A_2111 = arith.cmpi ne, %sign3A_2103, %sign3A_2110 : i32
      %rem3A_2112 = arith.remsi %add3A_1974, %jit3A_2095 : i32
      %ne3A_2113 = arith.constant 0 : i32
      %ne3A_2114 = arith.cmpi ne, %rem3A_2112, %ne3A_2113 : i32
      %and3A_2115 = arith.andi %ne3A_2111, %ne3A_2114 : i1
      %sub3A_2116 = arith.constant 1 : i32
      %sub3A_2117 = arith.subi %div3A_2096, %sub3A_2116 : i32
      %select_n3A_2118 = arith.select %and3A_2115, %sub3A_2117, %div3A_2096 : i32
      %jit3A_2119 = arith.constant 8 : i32
      %eq3A_2120 = arith.constant 0 : i32
      %eq3A_2121 = arith.cmpi eq, %jit3A_2119, %eq3A_2120 : i32
      %jit3A_2122 = arith.constant 1 : i32
      %select_n3A_2123 = arith.select %eq3A_2121, %jit3A_2122, %jit3A_2119 : i32
      %rem3A_2124 = arith.remsi %add3A_1974, %select_n3A_2123 : i32
      %ne3A_2125 = arith.constant 0 : i32
      %ne3A_2126 = arith.cmpi ne, %rem3A_2124, %ne3A_2125 : i32
      %lt3A_2127 = arith.constant 0 : i32
      %lt3A_2128 = arith.cmpi slt, %rem3A_2124, %lt3A_2127 : i32
      %lt3A_2129 = arith.constant 0 : i32
      %lt3A_2130 = arith.cmpi slt, %select_n3A_2123, %lt3A_2129 : i32
      %ne3A_2131 = arith.xori %lt3A_2128, %lt3A_2130 : i1
      %and3A_2132 = arith.andi %ne3A_2131, %ne3A_2126 : i1
      %add3A_2133 = arith.addi %rem3A_2124, %select_n3A_2123 : i32
      %select_n3A_2134 = arith.select %and3A_2132, %add3A_2133, %rem3A_2124 : i32
      %get3A_2135 = arith.index_cast %select_n3A_2118 : i32 to index
      %get3A_2136 = arith.index_cast %select_n3A_2134 : i32 to index
      %get3A_2137 = arith.constant 32 : index
      %get3A_2138 = tpu.vector_load %arg5[%get3A_2135, %get3A_2136, %get3A_2137] {strides = array<i32>} : memref<25x8x128xi32, #tpu.memory_space<vmem>>, vector<16xi32>,
      %and3A_2139 = arith.constant 1 : i32
      %and3A_2140 = vector.broadcast %and3A_2139 : i32 to vector<16xi32>
      %and3A_2141 = arith.andi %get3A_2138, %and3A_2140 : vector<16xi32>
      %shift_left3A_2142 = arith.constant 6 : i32
      %shift_left3A_2143 = vector.broadcast %shift_left3A_2142 : i32 to vector<16xi32>
      %shift_left3A_2144 = arith.shli %and3A_2141, %shift_left3A_2143 : vector<16xi32>
      %jit3A_2145 = arith.constant 8 : i32
      %div3A_2146 = arith.divsi %add3A_1974, %jit3A_2145 : i32
      %sign3A_2147 = arith.constant 0 : i32
      %sign3A_2148 = arith.cmpi sgt, %add3A_1974, %sign3A_2147 : i32
      %sign3A_2149 = arith.extui %sign3A_2148 : i1 to i32
      %sign3A_2150 = arith.constant 0 : i32
      %sign3A_2151 = arith.cmpi slt, %add3A_1974, %sign3A_2150 : i32
      %sign3A_2152 = arith.extui %sign3A_2151 : i1 to i32
      %sign3A_2153 = arith.subi %sign3A_2149, %sign3A_2152 : i32
      %sign3A_2154 = arith.constant 0 : i32
      %sign3A_2155 = arith.cmpi sgt, %jit3A_2145, %sign3A_2154 : i32
      %sign3A_2156 = arith.extui %sign3A_2155 : i1 to i32
      %sign3A_2157 = arith.constant 0 : i32
      %sign3A_2158 = arith.cmpi slt, %jit3A_2145, %sign3A_2157 : i32
      %sign3A_2159 = arith.extui %sign3A_2158 : i1 to i32
      %sign3A_2160 = arith.subi %sign3A_2156, %sign3A_2159 : i32
      %ne3A_2161 = arith.cmpi ne, %sign3A_2153, %sign3A_2160 : i32
      %rem3A_2162 = arith.remsi %add3A_1974, %jit3A_2145 : i32
      %ne3A_2163 = arith.constant 0 : i32
      %ne3A_2164 = arith.cmpi ne, %rem3A_2162, %ne3A_2163 : i32
      %and3A_2165 = arith.andi %ne3A_2161, %ne3A_2164 : i1
      %sub3A_2166 = arith.constant 1 : i32
      %sub3A_2167 = arith.subi %div3A_2146, %sub3A_2166 : i32
      %select_n3A_2168 = arith.select %and3A_2165, %sub3A_2167, %div3A_2146 : i32
      %jit3A_2169 = arith.constant 8 : i32
      %eq3A_2170 = arith.constant 0 : i32
      %eq3A_2171 = arith.cmpi eq, %jit3A_2169, %eq3A_2170 : i32
      %jit3A_2172 = arith.constant 1 : i32
      %select_n3A_2173 = arith.select %eq3A_2171, %jit3A_2172, %jit3A_2169 : i32
      %rem3A_2174 = arith.remsi %add3A_1974, %select_n3A_2173 : i32
      %ne3A_2175 = arith.constant 0 : i32
      %ne3A_2176 = arith.cmpi ne, %rem3A_2174, %ne3A_2175 : i32
      %lt3A_2177 = arith.constant 0 : i32
      %lt3A_2178 = arith.cmpi slt, %rem3A_2174, %lt3A_2177 : i32
      %lt3A_2179 = arith.constant 0 : i32
      %lt3A_2180 = arith.cmpi slt, %select_n3A_2173, %lt3A_2179 : i32
      %ne3A_2181 = arith.xori %lt3A_2178, %lt3A_2180 : i1
      %and3A_2182 = arith.andi %ne3A_2181, %ne3A_2176 : i1
      %add3A_2183 = arith.addi %rem3A_2174, %select_n3A_2173 : i32
      %select_n3A_2184 = arith.select %and3A_2182, %add3A_2183, %rem3A_2174 : i32
      %get3A_2185 = arith.index_cast %select_n3A_2168 : i32 to index
      %get3A_2186 = arith.index_cast %select_n3A_2184 : i32 to index
      %get3A_2187 = arith.constant 48 : index
      %get3A_2188 = tpu.vector_load %arg5[%get3A_2185, %get3A_2186, %get3A_2187] {strides = array<i32>} : memref<25x8x128xi32, #tpu.memory_space<vmem>>, vector<16xi32>,
      %and3A_2189 = arith.constant 1 : i32
      %and3A_2190 = vector.broadcast %and3A_2189 : i32 to vector<16xi32>
      %and3A_2191 = arith.andi %get3A_2188, %and3A_2190 : vector<16xi32>
      %shift_left3A_2192 = arith.constant 6 : i32
      %shift_left3A_2193 = vector.broadcast %shift_left3A_2192 : i32 to vector<16xi32>
      %shift_left3A_2194 = arith.shli %and3A_2191, %shift_left3A_2193 : vector<16xi32>
      %jit3A_2195 = arith.constant 8 : i32
      %div3A_2196 = arith.divsi %add3A_1974, %jit3A_2195 : i32
      %sign3A_2197 = arith.constant 0 : i32
      %sign3A_2198 = arith.cmpi sgt, %add3A_1974, %sign3A_2197 : i32
      %sign3A_2199 = arith.extui %sign3A_2198 : i1 to i32
      %sign3A_2200 = arith.constant 0 : i32
      %sign3A_2201 = arith.cmpi slt, %add3A_1974, %sign3A_2200 : i32
      %sign3A_2202 = arith.extui %sign3A_2201 : i1 to i32
      %sign3A_2203 = arith.subi %sign3A_2199, %sign3A_2202 : i32
      %sign3A_2204 = arith.constant 0 : i32
      %sign3A_2205 = arith.cmpi sgt, %jit3A_2195, %sign3A_2204 : i32
      %sign3A_2206 = arith.extui %sign3A_2205 : i1 to i32
      %sign3A_2207 = arith.constant 0 : i32
      %sign3A_2208 = arith.cmpi slt, %jit3A_2195, %sign3A_2207 : i32
      %sign3A_2209 = arith.extui %sign3A_2208 : i1 to i32
      %sign3A_2210 = arith.subi %sign3A_2206, %sign3A_2209 : i32
      %ne3A_2211 = arith.cmpi ne, %sign3A_2203, %sign3A_2210 : i32
      %rem3A_2212 = arith.remsi %add3A_1974, %jit3A_2195 : i32
      %ne3A_2213 = arith.constant 0 : i32
      %ne3A_2214 = arith.cmpi ne, %rem3A_2212, %ne3A_2213 : i32
      %and3A_2215 = arith.andi %ne3A_2211, %ne3A_2214 : i1
      %sub3A_2216 = arith.constant 1 : i32
      %sub3A_2217 = arith.subi %div3A_2196, %sub3A_2216 : i32
      %select_n3A_2218 = arith.select %and3A_2215, %sub3A_2217, %div3A_2196 : i32
      %jit3A_2219 = arith.constant 8 : i32
      %eq3A_2220 = arith.constant 0 : i32
      %eq3A_2221 = arith.cmpi eq, %jit3A_2219, %eq3A_2220 : i32
      %jit3A_2222 = arith.constant 1 : i32
      %select_n3A_2223 = arith.select %eq3A_2221, %jit3A_2222, %jit3A_2219 : i32
      %rem3A_2224 = arith.remsi %add3A_1974, %select_n3A_2223 : i32
      %ne3A_2225 = arith.constant 0 : i32
      %ne3A_2226 = arith.cmpi ne, %rem3A_2224, %ne3A_2225 : i32
      %lt3A_2227 = arith.constant 0 : i32
      %lt3A_2228 = arith.cmpi slt, %rem3A_2224, %lt3A_2227 : i32
      %lt3A_2229 = arith.constant 0 : i32
      %lt3A_2230 = arith.cmpi slt, %select_n3A_2223, %lt3A_2229 : i32
      %ne3A_2231 = arith.xori %lt3A_2228, %lt3A_2230 : i1
      %and3A_2232 = arith.andi %ne3A_2231, %ne3A_2226 : i1
      %add3A_2233 = arith.addi %rem3A_2224, %select_n3A_2223 : i32
      %select_n3A_2234 = arith.select %and3A_2232, %add3A_2233, %rem3A_2224 : i32
      %get3A_2235 = arith.index_cast %select_n3A_2218 : i32 to index
      %get3A_2236 = arith.index_cast %select_n3A_2234 : i32 to index
      %get3A_2237 = arith.constant 64 : index
      %get3A_2238 = tpu.vector_load %arg5[%get3A_2235, %get3A_2236, %get3A_2237] {strides = array<i32>} : memref<25x8x128xi32, #tpu.memory_space<vmem>>, vector<16xi32>,
      %and3A_2239 = arith.constant 1 : i32
      %and3A_2240 = vector.broadcast %and3A_2239 : i32 to vector<16xi32>
      %and3A_2241 = arith.andi %get3A_2238, %and3A_2240 : vector<16xi32>
      %shift_left3A_2242 = arith.constant 6 : i32
      %shift_left3A_2243 = vector.broadcast %shift_left3A_2242 : i32 to vector<16xi32>
      %shift_left3A_2244 = arith.shli %and3A_2241, %shift_left3A_2243 : vector<16xi32>
      %jit3A_2245 = arith.constant 8 : i32
      %div3A_2246 = arith.divsi %add3A_1974, %jit3A_2245 : i32
      %sign3A_2247 = arith.constant 0 : i32
      %sign3A_2248 = arith.cmpi sgt, %add3A_1974, %sign3A_2247 : i32
      %sign3A_2249 = arith.extui %sign3A_2248 : i1 to i32
      %sign3A_2250 = arith.constant 0 : i32
      %sign3A_2251 = arith.cmpi slt, %add3A_1974, %sign3A_2250 : i32
      %sign3A_2252 = arith.extui %sign3A_2251 : i1 to i32
      %sign3A_2253 = arith.subi %sign3A_2249, %sign3A_2252 : i32
      %sign3A_2254 = arith.constant 0 : i32
      %sign3A_2255 = arith.cmpi sgt, %jit3A_2245, %sign3A_2254 : i32
      %sign3A_2256 = arith.extui %sign3A_2255 : i1 to i32
      %sign3A_2257 = arith.constant 0 : i32
      %sign3A_2258 = arith.cmpi slt, %jit3A_2245, %sign3A_2257 : i32
      %sign3A_2259 = arith.extui %sign3A_2258 : i1 to i32
      %sign3A_2260 = arith.subi %sign3A_2256, %sign3A_2259 : i32
      %ne3A_2261 = arith.cmpi ne, %sign3A_2253, %sign3A_2260 : i32
      %rem3A_2262 = arith.remsi %add3A_1974, %jit3A_2245 : i32
      %ne3A_2263 = arith.constant 0 : i32
      %ne3A_2264 = arith.cmpi ne, %rem3A_2262, %ne3A_2263 : i32
      %and3A_2265 = arith.andi %ne3A_2261, %ne3A_2264 : i1
      %sub3A_2266 = arith.constant 1 : i32
      %sub3A_2267 = arith.subi %div3A_2246, %sub3A_2266 : i32
      %select_n3A_2268 = arith.select %and3A_2265, %sub3A_2267, %div3A_2246 : i32
      %jit3A_2269 = arith.constant 8 : i32
      %eq3A_2270 = arith.constant 0 : i32
      %eq3A_2271 = arith.cmpi eq, %jit3A_2269, %eq3A_2270 : i32
      %jit3A_2272 = arith.constant 1 : i32
      %select_n3A_2273 = arith.select %eq3A_2271, %jit3A_2272, %jit3A_2269 : i32
      %rem3A_2274 = arith.remsi %add3A_1974, %select_n3A_2273 : i32
      %ne3A_2275 = arith.constant 0 : i32
      %ne3A_2276 = arith.cmpi ne, %rem3A_2274, %ne3A_2275 : i32
      %lt3A_2277 = arith.constant 0 : i32
      %lt3A_2278 = arith.cmpi slt, %rem3A_2274, %lt3A_2277 : i32
      %lt3A_2279 = arith.constant 0 : i32
      %lt3A_2280 = arith.cmpi slt, %select_n3A_2273, %lt3A_2279 : i32
      %ne3A_2281 = arith.xori %lt3A_2278, %lt3A_2280 : i1
      %and3A_2282 = arith.andi %ne3A_2281, %ne3A_2276 : i1
      %add3A_2283 = arith.addi %rem3A_2274, %select_n3A_2273 : i32
      %select_n3A_2284 = arith.select %and3A_2282, %add3A_2283, %rem3A_2274 : i32
      %get3A_2285 = arith.index_cast %select_n3A_2268 : i32 to index
      %get3A_2286 = arith.index_cast %select_n3A_2284 : i32 to index
      %get3A_2287 = arith.constant 80 : index
      %get3A_2288 = tpu.vector_load %arg5[%get3A_2285, %get3A_2286, %get3A_2287] {strides = array<i32>} : memref<25x8x128xi32, #tpu.memory_space<vmem>>, vector<16xi32>,
      %and3A_2289 = arith.constant 1 : i32
      %and3A_2290 = vector.broadcast %and3A_2289 : i32 to vector<16xi32>
      %and3A_2291 = arith.andi %get3A_2288, %and3A_2290 : vector<16xi32>
      %shift_left3A_2292 = arith.constant 6 : i32
      %shift_left3A_2293 = vector.broadcast %shift_left3A_2292 : i32 to vector<16xi32>
      %shift_left3A_2294 = arith.shli %and3A_2291, %shift_left3A_2293 : vector<16xi32>
      %jit3A_2295 = arith.constant 8 : i32
      %div3A_2296 = arith.divsi %add3A_1974, %jit3A_2295 : i32
      %sign3A_2297 = arith.constant 0 : i32
      %sign3A_2298 = arith.cmpi sgt, %add3A_1974, %sign3A_2297 : i32
      %sign3A_2299 = arith.extui %sign3A_2298 : i1 to i32
      %sign3A_2300 = arith.constant 0 : i32
      %sign3A_2301 = arith.cmpi slt, %add3A_1974, %sign3A_2300 : i32
      %sign3A_2302 = arith.extui %sign3A_2301 : i1 to i32
      %sign3A_2303 = arith.subi %sign3A_2299, %sign3A_2302 : i32
      %sign3A_2304 = arith.constant 0 : i32
      %sign3A_2305 = arith.cmpi sgt, %jit3A_2295, %sign3A_2304 : i32
      %sign3A_2306 = arith.extui %sign3A_2305 : i1 to i32
      %sign3A_2307 = arith.constant 0 : i32
      %sign3A_2308 = arith.cmpi slt, %jit3A_2295, %sign3A_2307 : i32
      %sign3A_2309 = arith.extui %sign3A_2308 : i1 to i32
      %sign3A_2310 = arith.subi %sign3A_2306, %sign3A_2309 : i32
      %ne3A_2311 = arith.cmpi ne, %sign3A_2303, %sign3A_2310 : i32
      %rem3A_2312 = arith.remsi %add3A_1974, %jit3A_2295 : i32
      %ne3A_2313 = arith.constant 0 : i32
      %ne3A_2314 = arith.cmpi ne, %rem3A_2312, %ne3A_2313 : i32
      %and3A_2315 = arith.andi %ne3A_2311, %ne3A_2314 : i1
      %sub3A_2316 = arith.constant 1 : i32
      %sub3A_2317 = arith.subi %div3A_2296, %sub3A_2316 : i32
      %select_n3A_2318 = arith.select %and3A_2315, %sub3A_2317, %div3A_2296 : i32
      %jit3A_2319 = arith.constant 8 : i32
      %eq3A_2320 = arith.constant 0 : i32
      %eq3A_2321 = arith.cmpi eq, %jit3A_2319, %eq3A_2320 : i32
      %jit3A_2322 = arith.constant 1 : i32
      %select_n3A_2323 = arith.select %eq3A_2321, %jit3A_2322, %jit3A_2319 : i32
      %rem3A_2324 = arith.remsi %add3A_1974, %select_n3A_2323 : i32
      %ne3A_2325 = arith.constant 0 : i32
      %ne3A_2326 = arith.cmpi ne, %rem3A_2324, %ne3A_2325 : i32
      %lt3A_2327 = arith.constant 0 : i32
      %lt3A_2328 = arith.cmpi slt, %rem3A_2324, %lt3A_2327 : i32
      %lt3A_2329 = arith.constant 0 : i32
      %lt3A_2330 = arith.cmpi slt, %select_n3A_2323, %lt3A_2329 : i32
      %ne3A_2331 = arith.xori %lt3A_2328, %lt3A_2330 : i1
      %and3A_2332 = arith.andi %ne3A_2331, %ne3A_2326 : i1
      %add3A_2333 = arith.addi %rem3A_2324, %select_n3A_2323 : i32
      %select_n3A_2334 = arith.select %and3A_2332, %add3A_2333, %rem3A_2324 : i32
      %get3A_2335 = arith.index_cast %select_n3A_2318 : i32 to index
      %get3A_2336 = arith.index_cast %select_n3A_2334 : i32 to index
      %get3A_2337 = arith.constant 96 : index
      %get3A_2338 = tpu.vector_load %arg5[%get3A_2335, %get3A_2336, %get3A_2337] {strides = array<i32>} : memref<25x8x128xi32, #tpu.memory_space<vmem>>, vector<16xi32>,
      %and3A_2339 = arith.constant 1 : i32
      %and3A_2340 = vector.broadcast %and3A_2339 : i32 to vector<16xi32>
      %and3A_2341 = arith.andi %get3A_2338, %and3A_2340 : vector<16xi32>
      %shift_left3A_2342 = arith.constant 6 : i32
      %shift_left3A_2343 = vector.broadcast %shift_left3A_2342 : i32 to vector<16xi32>
      %shift_left3A_2344 = arith.shli %and3A_2341, %shift_left3A_2343 : vector<16xi32>
      %jit3A_2345 = arith.constant 8 : i32
      %div3A_2346 = arith.divsi %add3A_1974, %jit3A_2345 : i32
      %sign3A_2347 = arith.constant 0 : i32
      %sign3A_2348 = arith.cmpi sgt, %add3A_1974, %sign3A_2347 : i32
      %sign3A_2349 = arith.extui %sign3A_2348 : i1 to i32
      %sign3A_2350 = arith.constant 0 : i32
      %sign3A_2351 = arith.cmpi slt, %add3A_1974, %sign3A_2350 : i32
      %sign3A_2352 = arith.extui %sign3A_2351 : i1 to i32
      %sign3A_2353 = arith.subi %sign3A_2349, %sign3A_2352 : i32
      %sign3A_2354 = arith.constant 0 : i32
      %sign3A_2355 = arith.cmpi sgt, %jit3A_2345, %sign3A_2354 : i32
      %sign3A_2356 = arith.extui %sign3A_2355 : i1 to i32
      %sign3A_2357 = arith.constant 0 : i32
      %sign3A_2358 = arith.cmpi slt, %jit3A_2345, %sign3A_2357 : i32
      %sign3A_2359 = arith.extui %sign3A_2358 : i1 to i32
      %sign3A_2360 = arith.subi %sign3A_2356, %sign3A_2359 : i32
      %ne3A_2361 = arith.cmpi ne, %sign3A_2353, %sign3A_2360 : i32
      %rem3A_2362 = arith.remsi %add3A_1974, %jit3A_2345 : i32
      %ne3A_2363 = arith.constant 0 : i32
      %ne3A_2364 = arith.cmpi ne, %rem3A_2362, %ne3A_2363 : i32
      %and3A_2365 = arith.andi %ne3A_2361, %ne3A_2364 : i1
      %sub3A_2366 = arith.constant 1 : i32
      %sub3A_2367 = arith.subi %div3A_2346, %sub3A_2366 : i32
      %select_n3A_2368 = arith.select %and3A_2365, %sub3A_2367, %div3A_2346 : i32
      %jit3A_2369 = arith.constant 8 : i32
      %eq3A_2370 = arith.constant 0 : i32
      %eq3A_2371 = arith.cmpi eq, %jit3A_2369, %eq3A_2370 : i32
      %jit3A_2372 = arith.constant 1 : i32
      %select_n3A_2373 = arith.select %eq3A_2371, %jit3A_2372, %jit3A_2369 : i32
      %rem3A_2374 = arith.remsi %add3A_1974, %select_n3A_2373 : i32
      %ne3A_2375 = arith.constant 0 : i32
      %ne3A_2376 = arith.cmpi ne, %rem3A_2374, %ne3A_2375 : i32
      %lt3A_2377 = arith.constant 0 : i32
      %lt3A_2378 = arith.cmpi slt, %rem3A_2374, %lt3A_2377 : i32
      %lt3A_2379 = arith.constant 0 : i32
      %lt3A_2380 = arith.cmpi slt, %select_n3A_2373, %lt3A_2379 : i32
      %ne3A_2381 = arith.xori %lt3A_2378, %lt3A_2380 : i1
      %and3A_2382 = arith.andi %ne3A_2381, %ne3A_2376 : i1
      %add3A_2383 = arith.addi %rem3A_2374, %select_n3A_2373 : i32
      %select_n3A_2384 = arith.select %and3A_2382, %add3A_2383, %rem3A_2374 : i32
      %get3A_2385 = arith.index_cast %select_n3A_2368 : i32 to index
      %get3A_2386 = arith.index_cast %select_n3A_2384 : i32 to index
      %get3A_2387 = arith.constant 112 : index
      %get3A_2388 = tpu.vector_load %arg5[%get3A_2385, %get3A_2386, %get3A_2387] {strides = array<i32>} : memref<25x8x128xi32, #tpu.memory_space<vmem>>, vector<16xi32>,
      %and3A_2389 = arith.constant 1 : i32
      %and3A_2390 = vector.broadcast %and3A_2389 : i32 to vector<16xi32>
      %and3A_2391 = arith.andi %get3A_2388, %and3A_2390 : vector<16xi32>
      %shift_left3A_2392 = arith.constant 6 : i32
      %shift_left3A_2393 = vector.broadcast %shift_left3A_2392 : i32 to vector<16xi32>
      %shift_left3A_2394 = arith.shli %and3A_2391, %shift_left3A_2393 : vector<16xi32>
      %parallel_loop3A = arith.constant 0 : i32
      %parallel_loop3A_2395 = arith.constant 64 : i32
      %parallel_loop3A_2396 = arith.constant 1 : i32
      scf.for %parallel_loop3A_3028 = %parallel_loop3A to %parallel_loop3A_2395 step %parallel_loop3A_2396  : i32 {
        %parallel_loop3A_3029 = vector.broadcast %parallel_loop3A_3028 : i32 to vector<16xi32>
        %parallel_loop3A_3030 = arith.addi %shift_left3A_2044, %parallel_loop3A_3029 : vector<16xi32>
        %parallel_loop3A_3031 = arith.constant 0 : i32
        %parallel_loop3A_3032 = arith.constant 0 : i32
        %parallel_loop3A_3033 = arith.constant 0 : i32
        %parallel_loop3A_3034 = tpu.memref_slice %arg7[%parallel_loop3A_3031, %parallel_loop3A_3032, %parallel_loop3A_3033] : memref<2x128x129xf32, #tpu.memory_space<vmem>> -> memref<1x128x129xf32, #tpu.memory_space<vmem>>
        %parallel_loop3A_3035 = tpu.memref_squeeze %parallel_loop3A_3034 : memref<1x128x129xf32, #tpu.memory_space<vmem>> -> memref<128x129xf32, #tpu.memory_space<vmem>>
        %parallel_loop3A_3036 = tpu.vector_load_idx %parallel_loop3A_3035[%add3A_1793, %parallel_loop3A_3030] : memref<128x129xf32, #tpu.memory_space<vmem>>[vector<16xi32>, vector<16xi32>], vector<16xf32>,
        %parallel_loop3A_3037 = arith.constant 8.000000e+00 : f32
        %parallel_loop3A_3038 = vector.broadcast %parallel_loop3A_3037 : f32 to vector<16xf32>
        %parallel_loop3A_3039 = arith.mulf %parallel_loop3A_3036, %parallel_loop3A_3038 : vector<16xf32>
        %parallel_loop3A_3040 = arith.constant 0 : i32
        %parallel_loop3A_3041 = arith.index_cast %parallel_loop3A_3040 : i32 to index
        %parallel_loop3A_3042 = arith.index_cast %parallel_loop3A_3028 : i32 to index
        %parallel_loop3A_3043 = arith.constant 0 : index
        %parallel_loop3A_3044 = tpu.vector_load %arg8[%parallel_loop3A_3041, %parallel_loop3A_3042, %parallel_loop3A_3043] {strides = array<i32>} : memref<2x64x128xf32, #tpu.memory_space<vmem>>, vector<16xf32>,
        tpu.vector_store %arg8[%parallel_loop3A_3041, %parallel_loop3A_3042, %parallel_loop3A_3043], %parallel_loop3A_3039 {strides = array<i32>} : memref<2x64x128xf32, #tpu.memory_space<vmem>>, vector<16xf32>,
        %parallel_loop3A_3045 = vector.broadcast %parallel_loop3A_3028 : i32 to vector<16xi32>
        %parallel_loop3A_3046 = arith.addi %shift_left3A_2094, %parallel_loop3A_3045 : vector<16xi32>
        %parallel_loop3A_3047 = arith.constant 0 : i32
        %parallel_loop3A_3048 = arith.constant 0 : i32
        %parallel_loop3A_3049 = arith.constant 0 : i32
        %parallel_loop3A_3050 = tpu.memref_slice %arg7[%parallel_loop3A_3047, %parallel_loop3A_3048, %parallel_loop3A_3049] : memref<2x128x129xf32, #tpu.memory_space<vmem>> -> memref<1x128x129xf32, #tpu.memory_space<vmem>>
        %parallel_loop3A_3051 = tpu.memref_squeeze %parallel_loop3A_3050 : memref<1x128x129xf32, #tpu.memory_space<vmem>> -> memref<128x129xf32, #tpu.memory_space<vmem>>
        %parallel_loop3A_3052 = tpu.vector_load_idx %parallel_loop3A_3051[%add3A_1796, %parallel_loop3A_3046] : memref<128x129xf32, #tpu.memory_space<vmem>>[vector<16xi32>, vector<16xi32>], vector<16xf32>,
        %parallel_loop3A_3053 = arith.constant 8.000000e+00 : f32
        %parallel_loop3A_3054 = vector.broadcast %parallel_loop3A_3053 : f32 to vector<16xf32>
        %parallel_loop3A_3055 = arith.mulf %parallel_loop3A_3052, %parallel_loop3A_3054 : vector<16xf32>
        %parallel_loop3A_3056 = arith.constant 0 : i32
        %parallel_loop3A_3057 = arith.index_cast %parallel_loop3A_3056 : i32 to index
        %parallel_loop3A_3058 = arith.index_cast %parallel_loop3A_3028 : i32 to index
        %parallel_loop3A_3059 = arith.constant 16 : index
        %parallel_loop3A_3060 = tpu.vector_load %arg8[%parallel_loop3A_3057, %parallel_loop3A_3058, %parallel_loop3A_3059] {strides = array<i32>} : memref<2x64x128xf32, #tpu.memory_space<vmem>>, vector<16xf32>,
        tpu.vector_store %arg8[%parallel_loop3A_3057, %parallel_loop3A_3058, %parallel_loop3A_3059], %parallel_loop3A_3055 {strides = array<i32>} : memref<2x64x128xf32, #tpu.memory_space<vmem>>, vector<16xf32>,
        %parallel_loop3A_3061 = vector.broadcast %parallel_loop3A_3028 : i32 to vector<16xi32>
        %parallel_loop3A_3062 = arith.addi %shift_left3A_2144, %parallel_loop3A_3061 : vector<16xi32>
        %parallel_loop3A_3063 = arith.constant 0 : i32
        %parallel_loop3A_3064 = arith.constant 0 : i32
        %parallel_loop3A_3065 = arith.constant 0 : i32
        %parallel_loop3A_3066 = tpu.memref_slice %arg7[%parallel_loop3A_3063, %parallel_loop3A_3064, %parallel_loop3A_3065] : memref<2x128x129xf32, #tpu.memory_space<vmem>> -> memref<1x128x129xf32, #tpu.memory_space<vmem>>
        %parallel_loop3A_3067 = tpu.memref_squeeze %parallel_loop3A_3066 : memref<1x128x129xf32, #tpu.memory_space<vmem>> -> memref<128x129xf32, #tpu.memory_space<vmem>>
        %parallel_loop3A_3068 = tpu.vector_load_idx %parallel_loop3A_3067[%add3A_1799, %parallel_loop3A_3062] : memref<128x129xf32, #tpu.memory_space<vmem>>[vector<16xi32>, vector<16xi32>], vector<16xf32>,
        %parallel_loop3A_3069 = arith.constant 8.000000e+00 : f32
        %parallel_loop3A_3070 = vector.broadcast %parallel_loop3A_3069 : f32 to vector<16xf32>
        %parallel_loop3A_3071 = arith.mulf %parallel_loop3A_3068, %parallel_loop3A_3070 : vector<16xf32>
        %parallel_loop3A_3072 = arith.constant 0 : i32
        %parallel_loop3A_3073 = arith.index_cast %parallel_loop3A_3072 : i32 to index
        %parallel_loop3A_3074 = arith.index_cast %parallel_loop3A_3028 : i32 to index
        %parallel_loop3A_3075 = arith.constant 32 : index
        %parallel_loop3A_3076 = tpu.vector_load %arg8[%parallel_loop3A_3073, %parallel_loop3A_3074, %parallel_loop3A_3075] {strides = array<i32>} : memref<2x64x128xf32, #tpu.memory_space<vmem>>, vector<16xf32>,
        tpu.vector_store %arg8[%parallel_loop3A_3073, %parallel_loop3A_3074, %parallel_loop3A_3075], %parallel_loop3A_3071 {strides = array<i32>} : memref<2x64x128xf32, #tpu.memory_space<vmem>>, vector<16xf32>,
        %parallel_loop3A_3077 = vector.broadcast %parallel_loop3A_3028 : i32 to vector<16xi32>
        %parallel_loop3A_3078 = arith.addi %shift_left3A_2194, %parallel_loop3A_3077 : vector<16xi32>
        %parallel_loop3A_3079 = arith.constant 0 : i32
        %parallel_loop3A_3080 = arith.constant 0 : i32
        %parallel_loop3A_3081 = arith.constant 0 : i32
        %parallel_loop3A_3082 = tpu.memref_slice %arg7[%parallel_loop3A_3079, %parallel_loop3A_3080, %parallel_loop3A_3081] : memref<2x128x129xf32, #tpu.memory_space<vmem>> -> memref<1x128x129xf32, #tpu.memory_space<vmem>>
        %parallel_loop3A_3083 = tpu.memref_squeeze %parallel_loop3A_3082 : memref<1x128x129xf32, #tpu.memory_space<vmem>> -> memref<128x129xf32, #tpu.memory_space<vmem>>
        %parallel_loop3A_3084 = tpu.vector_load_idx %parallel_loop3A_3083[%add3A_1802, %parallel_loop3A_3078] : memref<128x129xf32, #tpu.memory_space<vmem>>[vector<16xi32>, vector<16xi32>], vector<16xf32>,
        %parallel_loop3A_3085 = arith.constant 8.000000e+00 : f32
        %parallel_loop3A_3086 = vector.broadcast %parallel_loop3A_3085 : f32 to vector<16xf32>
        %parallel_loop3A_3087 = arith.mulf %parallel_loop3A_3084, %parallel_loop3A_3086 : vector<16xf32>
        %parallel_loop3A_3088 = arith.constant 0 : i32
        %parallel_loop3A_3089 = arith.index_cast %parallel_loop3A_3088 : i32 to index
        %parallel_loop3A_3090 = arith.index_cast %parallel_loop3A_3028 : i32 to index
        %parallel_loop3A_3091 = arith.constant 48 : index
        %parallel_loop3A_3092 = tpu.vector_load %arg8[%parallel_loop3A_3089, %parallel_loop3A_3090, %parallel_loop3A_3091] {strides = array<i32>} : memref<2x64x128xf32, #tpu.memory_space<vmem>>, vector<16xf32>,
        tpu.vector_store %arg8[%parallel_loop3A_3089, %parallel_loop3A_3090, %parallel_loop3A_3091], %parallel_loop3A_3087 {strides = array<i32>} : memref<2x64x128xf32, #tpu.memory_space<vmem>>, vector<16xf32>,
        %parallel_loop3A_3093 = vector.broadcast %parallel_loop3A_3028 : i32 to vector<16xi32>
        %parallel_loop3A_3094 = arith.addi %shift_left3A_2244, %parallel_loop3A_3093 : vector<16xi32>
        %parallel_loop3A_3095 = arith.constant 0 : i32
        %parallel_loop3A_3096 = arith.constant 0 : i32
        %parallel_loop3A_3097 = arith.constant 0 : i32
        %parallel_loop3A_3098 = tpu.memref_slice %arg7[%parallel_loop3A_3095, %parallel_loop3A_3096, %parallel_loop3A_3097] : memref<2x128x129xf32, #tpu.memory_space<vmem>> -> memref<1x128x129xf32, #tpu.memory_space<vmem>>
        %parallel_loop3A_3099 = tpu.memref_squeeze %parallel_loop3A_3098 : memref<1x128x129xf32, #tpu.memory_space<vmem>> -> memref<128x129xf32, #tpu.memory_space<vmem>>
        %parallel_loop3A_3100 = tpu.vector_load_idx %parallel_loop3A_3099[%add3A_1805, %parallel_loop3A_3094] : memref<128x129xf32, #tpu.memory_space<vmem>>[vector<16xi32>, vector<16xi32>], vector<16xf32>,
        %parallel_loop3A_3101 = arith.constant 8.000000e+00 : f32
        %parallel_loop3A_3102 = vector.broadcast %parallel_loop3A_3101 : f32 to vector<16xf32>
        %parallel_loop3A_3103 = arith.mulf %parallel_loop3A_3100, %parallel_loop3A_3102 : vector<16xf32>
        %parallel_loop3A_3104 = arith.constant 0 : i32
        %parallel_loop3A_3105 = arith.index_cast %parallel_loop3A_3104 : i32 to index
        %parallel_loop3A_3106 = arith.index_cast %parallel_loop3A_3028 : i32 to index
        %parallel_loop3A_3107 = arith.constant 64 : index
        %parallel_loop3A_3108 = tpu.vector_load %arg8[%parallel_loop3A_3105, %parallel_loop3A_3106, %parallel_loop3A_3107] {strides = array<i32>} : memref<2x64x128xf32, #tpu.memory_space<vmem>>, vector<16xf32>,
        tpu.vector_store %arg8[%parallel_loop3A_3105, %parallel_loop3A_3106, %parallel_loop3A_3107], %parallel_loop3A_3103 {strides = array<i32>} : memref<2x64x128xf32, #tpu.memory_space<vmem>>, vector<16xf32>,
        %parallel_loop3A_3109 = vector.broadcast %parallel_loop3A_3028 : i32 to vector<16xi32>
        %parallel_loop3A_3110 = arith.addi %shift_left3A_2294, %parallel_loop3A_3109 : vector<16xi32>
        %parallel_loop3A_3111 = arith.constant 0 : i32
        %parallel_loop3A_3112 = arith.constant 0 : i32
        %parallel_loop3A_3113 = arith.constant 0 : i32
        %parallel_loop3A_3114 = tpu.memref_slice %arg7[%parallel_loop3A_3111, %parallel_loop3A_3112, %parallel_loop3A_3113] : memref<2x128x129xf32, #tpu.memory_space<vmem>> -> memref<1x128x129xf32, #tpu.memory_space<vmem>>
        %parallel_loop3A_3115 = tpu.memref_squeeze %parallel_loop3A_3114 : memref<1x128x129xf32, #tpu.memory_space<vmem>> -> memref<128x129xf32, #tpu.memory_space<vmem>>
        %parallel_loop3A_3116 = tpu.vector_load_idx %parallel_loop3A_3115[%add3A_1808, %parallel_loop3A_3110] : memref<128x129xf32, #tpu.memory_space<vmem>>[vector<16xi32>, vector<16xi32>], vector<16xf32>,
        %parallel_loop3A_3117 = arith.constant 8.000000e+00 : f32
        %parallel_loop3A_3118 = vector.broadcast %parallel_loop3A_3117 : f32 to vector<16xf32>
        %parallel_loop3A_3119 = arith.mulf %parallel_loop3A_3116, %parallel_loop3A_3118 : vector<16xf32>
        %parallel_loop3A_3120 = arith.constant 0 : i32
        %parallel_loop3A_3121 = arith.index_cast %parallel_loop3A_3120 : i32 to index
        %parallel_loop3A_3122 = arith.index_cast %parallel_loop3A_3028 : i32 to index
        %parallel_loop3A_3123 = arith.constant 80 : index
        %parallel_loop3A_3124 = tpu.vector_load %arg8[%parallel_loop3A_3121, %parallel_loop3A_3122, %parallel_loop3A_3123] {strides = array<i32>} : memref<2x64x128xf32, #tpu.memory_space<vmem>>, vector<16xf32>,
        tpu.vector_store %arg8[%parallel_loop3A_3121, %parallel_loop3A_3122, %parallel_loop3A_3123], %parallel_loop3A_3119 {strides = array<i32>} : memref<2x64x128xf32, #tpu.memory_space<vmem>>, vector<16xf32>,
        %parallel_loop3A_3125 = vector.broadcast %parallel_loop3A_3028 : i32 to vector<16xi32>
        %parallel_loop3A_3126 = arith.addi %shift_left3A_2344, %parallel_loop3A_3125 : vector<16xi32>
        %parallel_loop3A_3127 = arith.constant 0 : i32
        %parallel_loop3A_3128 = arith.constant 0 : i32
        %parallel_loop3A_3129 = arith.constant 0 : i32
        %parallel_loop3A_3130 = tpu.memref_slice %arg7[%parallel_loop3A_3127, %parallel_loop3A_3128, %parallel_loop3A_3129] : memref<2x128x129xf32, #tpu.memory_space<vmem>> -> memref<1x128x129xf32, #tpu.memory_space<vmem>>
        %parallel_loop3A_3131 = tpu.memref_squeeze %parallel_loop3A_3130 : memref<1x128x129xf32, #tpu.memory_space<vmem>> -> memref<128x129xf32, #tpu.memory_space<vmem>>
        %parallel_loop3A_3132 = tpu.vector_load_idx %parallel_loop3A_3131[%add3A_1811, %parallel_loop3A_3126] : memref<128x129xf32, #tpu.memory_space<vmem>>[vector<16xi32>, vector<16xi32>], vector<16xf32>,
        %parallel_loop3A_3133 = arith.constant 8.000000e+00 : f32
        %parallel_loop3A_3134 = vector.broadcast %parallel_loop3A_3133 : f32 to vector<16xf32>
        %parallel_loop3A_3135 = arith.mulf %parallel_loop3A_3132, %parallel_loop3A_3134 : vector<16xf32>
        %parallel_loop3A_3136 = arith.constant 0 : i32
        %parallel_loop3A_3137 = arith.index_cast %parallel_loop3A_3136 : i32 to index
        %parallel_loop3A_3138 = arith.index_cast %parallel_loop3A_3028 : i32 to index
        %parallel_loop3A_3139 = arith.constant 96 : index
        %parallel_loop3A_3140 = tpu.vector_load %arg8[%parallel_loop3A_3137, %parallel_loop3A_3138, %parallel_loop3A_3139] {strides = array<i32>} : memref<2x64x128xf32, #tpu.memory_space<vmem>>, vector<16xf32>,
        tpu.vector_store %arg8[%parallel_loop3A_3137, %parallel_loop3A_3138, %parallel_loop3A_3139], %parallel_loop3A_3135 {strides = array<i32>} : memref<2x64x128xf32, #tpu.memory_space<vmem>>, vector<16xf32>,
        %parallel_loop3A_3141 = vector.broadcast %parallel_loop3A_3028 : i32 to vector<16xi32>
        %parallel_loop3A_3142 = arith.addi %shift_left3A_2394, %parallel_loop3A_3141 : vector<16xi32>
        %parallel_loop3A_3143 = arith.constant 0 : i32
        %parallel_loop3A_3144 = arith.constant 0 : i32
        %parallel_loop3A_3145 = arith.constant 0 : i32
        %parallel_loop3A_3146 = tpu.memref_slice %arg7[%parallel_loop3A_3143, %parallel_loop3A_3144, %parallel_loop3A_3145] : memref<2x128x129xf32, #tpu.memory_space<vmem>> -> memref<1x128x129xf32, #tpu.memory_space<vmem>>
        %parallel_loop3A_3147 = tpu.memref_squeeze %parallel_loop3A_3146 : memref<1x128x129xf32, #tpu.memory_space<vmem>> -> memref<128x129xf32, #tpu.memory_space<vmem>>
        %parallel_loop3A_3148 = tpu.vector_load_idx %parallel_loop3A_3147[%add3A_1814, %parallel_loop3A_3142] : memref<128x129xf32, #tpu.memory_space<vmem>>[vector<16xi32>, vector<16xi32>], vector<16xf32>,
        %parallel_loop3A_3149 = arith.constant 8.000000e+00 : f32
        %parallel_loop3A_3150 = vector.broadcast %parallel_loop3A_3149 : f32 to vector<16xf32>
        %parallel_loop3A_3151 = arith.mulf %parallel_loop3A_3148, %parallel_loop3A_3150 : vector<16xf32>
        %parallel_loop3A_3152 = arith.constant 0 : i32
        %parallel_loop3A_3153 = arith.index_cast %parallel_loop3A_3152 : i32 to index
        %parallel_loop3A_3154 = arith.index_cast %parallel_loop3A_3028 : i32 to index
        %parallel_loop3A_3155 = arith.constant 112 : index
        %parallel_loop3A_3156 = tpu.vector_load %arg8[%parallel_loop3A_3153, %parallel_loop3A_3154, %parallel_loop3A_3155] {strides = array<i32>} : memref<2x64x128xf32, #tpu.memory_space<vmem>>, vector<16xf32>,
        tpu.vector_store %arg8[%parallel_loop3A_3153, %parallel_loop3A_3154, %parallel_loop3A_3155], %parallel_loop3A_3151 {strides = array<i32>} : memref<2x64x128xf32, #tpu.memory_space<vmem>>, vector<16xf32>,
      } {sc.loop_unroll_factor = 4 : i64, sc.parallel_access}
      %jit3A_2397 = arith.constant 8 : i32
      %div3A_2398 = arith.divsi %add3A_1974, %jit3A_2397 : i32
      %sign3A_2399 = arith.constant 0 : i32
      %sign3A_2400 = arith.cmpi sgt, %add3A_1974, %sign3A_2399 : i32
      %sign3A_2401 = arith.extui %sign3A_2400 : i1 to i32
      %sign3A_2402 = arith.constant 0 : i32
      %sign3A_2403 = arith.cmpi slt, %add3A_1974, %sign3A_2402 : i32
      %sign3A_2404 = arith.extui %sign3A_2403 : i1 to i32
      %sign3A_2405 = arith.subi %sign3A_2401, %sign3A_2404 : i32
      %sign3A_2406 = arith.constant 0 : i32
      %sign3A_2407 = arith.cmpi sgt, %jit3A_2397, %sign3A_2406 : i32
      %sign3A_2408 = arith.extui %sign3A_2407 : i1 to i32
      %sign3A_2409 = arith.constant 0 : i32
      %sign3A_2410 = arith.cmpi slt, %jit3A_2397, %sign3A_2409 : i32
      %sign3A_2411 = arith.extui %sign3A_2410 : i1 to i32
      %sign3A_2412 = arith.subi %sign3A_2408, %sign3A_2411 : i32
      %ne3A_2413 = arith.cmpi ne, %sign3A_2405, %sign3A_2412 : i32
      %rem3A_2414 = arith.remsi %add3A_1974, %jit3A_2397 : i32
      %ne3A_2415 = arith.constant 0 : i32
      %ne3A_2416 = arith.cmpi ne, %rem3A_2414, %ne3A_2415 : i32
      %and3A_2417 = arith.andi %ne3A_2413, %ne3A_2416 : i1
      %sub3A_2418 = arith.constant 1 : i32
      %sub3A_2419 = arith.subi %div3A_2398, %sub3A_2418 : i32
      %select_n3A_2420 = arith.select %and3A_2417, %sub3A_2419, %div3A_2398 : i32
      %add3A_2421 = arith.addi %mul3A_2, %select_n3A_2420 : i32
      %jit3A_2422 = arith.constant 32 : i32
      %div3A_2423 = arith.divsi %add3A_2421, %jit3A_2422 : i32
      %sign3A_2424 = arith.constant 0 : i32
      %sign3A_2425 = arith.cmpi sgt, %add3A_2421, %sign3A_2424 : i32
      %sign3A_2426 = arith.extui %sign3A_2425 : i1 to i32
      %sign3A_2427 = arith.constant 0 : i32
      %sign3A_2428 = arith.cmpi slt, %add3A_2421, %sign3A_2427 : i32
      %sign3A_2429 = arith.extui %sign3A_2428 : i1 to i32
      %sign3A_2430 = arith.subi %sign3A_2426, %sign3A_2429 : i32
      %sign3A_2431 = arith.constant 0 : i32
      %sign3A_2432 = arith.cmpi sgt, %jit3A_2422, %sign3A_2431 : i32
      %sign3A_2433 = arith.extui %sign3A_2432 : i1 to i32
      %sign3A_2434 = arith.constant 0 : i32
      %sign3A_2435 = arith.cmpi slt, %jit3A_2422, %sign3A_2434 : i32
      %sign3A_2436 = arith.extui %sign3A_2435 : i1 to i32
      %sign3A_2437 = arith.subi %sign3A_2433, %sign3A_2436 : i32
      %ne3A_2438 = arith.cmpi ne, %sign3A_2430, %sign3A_2437 : i32
      %rem3A_2439 = arith.remsi %add3A_2421, %jit3A_2422 : i32
      %ne3A_2440 = arith.constant 0 : i32
      %ne3A_2441 = arith.cmpi ne, %rem3A_2439, %ne3A_2440 : i32
      %and3A_2442 = arith.andi %ne3A_2438, %ne3A_2441 : i1
      %sub3A_2443 = arith.constant 1 : i32
      %sub3A_2444 = arith.subi %div3A_2423, %sub3A_2443 : i32
      %select_n3A_2445 = arith.select %and3A_2442, %sub3A_2444, %div3A_2423 : i32
      %mul3A_2446 = arith.constant 8 : i32
      %mul3A_2447 = arith.muli %select_n3A_2445, %mul3A_2446 : i32
      %jit3A_2448 = arith.constant 8 : i32
      %eq3A_2449 = arith.constant 0 : i32
      %eq3A_2450 = arith.cmpi eq, %jit3A_2448, %eq3A_2449 : i32
      %jit3A_2451 = arith.constant 1 : i32
      %select_n3A_2452 = arith.select %eq3A_2450, %jit3A_2451, %jit3A_2448 : i32
      %rem3A_2453 = arith.remsi %add3A_1974, %select_n3A_2452 : i32
      %ne3A_2454 = arith.constant 0 : i32
      %ne3A_2455 = arith.cmpi ne, %rem3A_2453, %ne3A_2454 : i32
      %lt3A_2456 = arith.constant 0 : i32
      %lt3A_2457 = arith.cmpi slt, %rem3A_2453, %lt3A_2456 : i32
      %lt3A_2458 = arith.constant 0 : i32
      %lt3A_2459 = arith.cmpi slt, %select_n3A_2452, %lt3A_2458 : i32
      %ne3A_2460 = arith.xori %lt3A_2457, %lt3A_2459 : i1
      %and3A_2461 = arith.andi %ne3A_2460, %ne3A_2455 : i1
      %add3A_2462 = arith.addi %rem3A_2453, %select_n3A_2452 : i32
      %select_n3A_2463 = arith.select %and3A_2461, %add3A_2462, %rem3A_2453 : i32
      %add3A_2464 = arith.addi %mul3A_2447, %select_n3A_2463 : i32
      %jit3A_2465 = arith.constant 32 : i32
      %eq3A_2466 = arith.constant 0 : i32
      %eq3A_2467 = arith.cmpi eq, %jit3A_2465, %eq3A_2466 : i32
      %jit3A_2468 = arith.constant 1 : i32
      %select_n3A_2469 = arith.select %eq3A_2467, %jit3A_2468, %jit3A_2465 : i32
      %rem3A_2470 = arith.remsi %add3A_2421, %select_n3A_2469 : i32
      %ne3A_2471 = arith.constant 0 : i32
      %ne3A_2472 = arith.cmpi ne, %rem3A_2470, %ne3A_2471 : i32
      %lt3A_2473 = arith.constant 0 : i32
      %lt3A_2474 = arith.cmpi slt, %rem3A_2470, %lt3A_2473 : i32
      %lt3A_2475 = arith.constant 0 : i32
      %lt3A_2476 = arith.cmpi slt, %select_n3A_2469, %lt3A_2475 : i32
      %ne3A_2477 = arith.xori %lt3A_2474, %lt3A_2476 : i1
      %and3A_2478 = arith.andi %ne3A_2477, %ne3A_2472 : i1
      %add3A_2479 = arith.addi %rem3A_2470, %select_n3A_2469 : i32
      %select_n3A_2480 = arith.select %and3A_2478, %add3A_2479, %rem3A_2470 : i32
      %mul3A_2481 = arith.constant 128 : i32
      %mul3A_2482 = arith.muli %select_n3A_2480, %mul3A_2481 : i32
      %dma_start3A_2483 = arith.constant 0 : i32
      %dma_start3A_2484 = arith.constant 0 : i32
      %dma_start3A_2485 = arith.constant 0 : i32
      %dma_start3A_2486 = tpu.memref_slice %arg8[%dma_start3A_2483, %dma_start3A_2484, %dma_start3A_2485] : memref<2x64x128xf32, #tpu.memory_space<vmem>> -> memref<1x64x128xf32, #tpu.memory_space<vmem>>
      %dma_start3A_2487 = tpu.memref_squeeze %dma_start3A_2486 : memref<1x64x128xf32, #tpu.memory_space<vmem>> -> memref<64x128xf32, #tpu.memory_space<vmem>>
      %dma_start3A_2488 = arith.constant 0 : i32
      %dma_start3A_2489 = tpu.memref_slice %arg4[%add3A_2464, %dma_start3A_2488, %mul3A_2482] : memref<200x64x4096xf32, #tpu.memory_space<hbm>> -> memref<1x64x128xf32, #tpu.memory_space<hbm>>
      %dma_start3A_2490 = tpu.memref_squeeze %dma_start3A_2489 : memref<1x64x128xf32, #tpu.memory_space<hbm>> -> memref<64x128xf32, #tpu.memory_space<hbm>>
      %dma_start3A_2491 = arith.constant 0 : i32
      %dma_start3A_2492 = tpu.memref_slice %arg4[%add3A_2464, %dma_start3A_2491, %mul3A_2482] : memref<200x64x4096xf32, #tpu.memory_space<hbm>> -> memref<1x64x128xf32, #tpu.memory_space<hbm>>
      %dma_start3A_2493 = tpu.memref_squeeze %dma_start3A_2492 : memref<1x64x128xf32, #tpu.memory_space<hbm>> -> memref<64x128xf32, #tpu.memory_space<hbm>>
      %dma_start3A_2494 = arith.constant 0 : i32
      %dma_start3A_2495 = arith.constant 0 : i32
      %dma_start3A_2496 = tpu.memref_slice %arg8[%dma_start3A_2483, %dma_start3A_2494, %dma_start3A_2495] : memref<2x64x128xf32, #tpu.memory_space<vmem>> -> memref<1x64x128xf32, #tpu.memory_space<vmem>>
      %dma_start3A_2497 = tpu.memref_squeeze %dma_start3A_2496 : memref<1x64x128xf32, #tpu.memory_space<vmem>> -> memref<64x128xf32, #tpu.memory_space<vmem>>
      tpu.enqueue_dma source(%dma_start3A_2497 : memref<64x128xf32, #tpu.memory_space<vmem>>) target(%dma_start3A_2493 : memref<64x128xf32, #tpu.memory_space<hbm>>) target_semaphore(%arg12 : memref<!tpu.dma_semaphore, #tpu.memory_space<semaphore_mem>>)
      %add3A_2498 = arith.constant 1 : i32
      %add3A_2499 = arith.addi %add3A_1972, %add3A_2498 : i32
      %add3A_2500 = arith.constant 1 : i32
      %add3A_2501 = arith.addi %add3A_2499, %add3A_2500 : i32
      %lt3A_2502 = arith.constant 200 : i32
      %lt3A_2503 = arith.cmpi slt, %add3A_2501, %lt3A_2502 : i32
      %convert_element_type3A_2504 = arith.extui %lt3A_2503 : i1 to i32
      %cond3A_2505 = arith.constant 0 : i32
      %cond3A_2506 = arith.cmpi ne, %convert_element_type3A_2504, %cond3A_2505 : i32
      scf.if %cond3A_2506 {
        %add3A_3028 = arith.constant 1 : i32
        %add3A_3029 = arith.addi %add3A_2499, %add3A_3028 : i32
        %jit3A_3030 = arith.constant 8 : i32
        %div3A_3031 = arith.divsi %add3A_3029, %jit3A_3030 : i32
        %sign3A_3032 = arith.constant 0 : i32
        %sign3A_3033 = arith.cmpi sgt, %add3A_3029, %sign3A_3032 : i32
        %sign3A_3034 = arith.extui %sign3A_3033 : i1 to i32
        %sign3A_3035 = arith.constant 0 : i32
        %sign3A_3036 = arith.cmpi slt, %add3A_3029, %sign3A_3035 : i32
        %sign3A_3037 = arith.extui %sign3A_3036 : i1 to i32
        %sign3A_3038 = arith.subi %sign3A_3034, %sign3A_3037 : i32
        %sign3A_3039 = arith.constant 0 : i32
        %sign3A_3040 = arith.cmpi sgt, %jit3A_3030, %sign3A_3039 : i32
        %sign3A_3041 = arith.extui %sign3A_3040 : i1 to i32
        %sign3A_3042 = arith.constant 0 : i32
        %sign3A_3043 = arith.cmpi slt, %jit3A_3030, %sign3A_3042 : i32
        %sign3A_3044 = arith.extui %sign3A_3043 : i1 to i32
        %sign3A_3045 = arith.subi %sign3A_3041, %sign3A_3044 : i32
        %ne3A_3046 = arith.cmpi ne, %sign3A_3038, %sign3A_3045 : i32
        %rem3A_3047 = arith.remsi %add3A_3029, %jit3A_3030 : i32
        %ne3A_3048 = arith.constant 0 : i32
        %ne3A_3049 = arith.cmpi ne, %rem3A_3047, %ne3A_3048 : i32
        %and3A_3050 = arith.andi %ne3A_3046, %ne3A_3049 : i1
        %sub3A_3051 = arith.constant 1 : i32
        %sub3A_3052 = arith.subi %div3A_3031, %sub3A_3051 : i32
        %select_n3A_3053 = arith.select %and3A_3050, %sub3A_3052, %div3A_3031 : i32
        %jit3A_3054 = arith.constant 8 : i32
        %eq3A_3055 = arith.constant 0 : i32
        %eq3A_3056 = arith.cmpi eq, %jit3A_3054, %eq3A_3055 : i32
        %jit3A_3057 = arith.constant 1 : i32
        %select_n3A_3058 = arith.select %eq3A_3056, %jit3A_3057, %jit3A_3054 : i32
        %rem3A_3059 = arith.remsi %add3A_3029, %select_n3A_3058 : i32
        %ne3A_3060 = arith.constant 0 : i32
        %ne3A_3061 = arith.cmpi ne, %rem3A_3059, %ne3A_3060 : i32
        %lt3A_3062 = arith.constant 0 : i32
        %lt3A_3063 = arith.cmpi slt, %rem3A_3059, %lt3A_3062 : i32
        %lt3A_3064 = arith.constant 0 : i32
        %lt3A_3065 = arith.cmpi slt, %select_n3A_3058, %lt3A_3064 : i32
        %ne3A_3066 = arith.xori %lt3A_3063, %lt3A_3065 : i1
        %and3A_3067 = arith.andi %ne3A_3066, %ne3A_3061 : i1
        %add3A_3068 = arith.addi %rem3A_3059, %select_n3A_3058 : i32
        %select_n3A_3069 = arith.select %and3A_3067, %add3A_3068, %rem3A_3059 : i32
        %get3A_3070 = arith.index_cast %select_n3A_3053 : i32 to index
        %get3A_3071 = arith.index_cast %select_n3A_3069 : i32 to index
        %get3A_3072 = arith.constant 0 : index
        %get3A_3073 = tpu.vector_load %arg5[%get3A_3070, %get3A_3071, %get3A_3072] {strides = array<i32>} : memref<25x8x128xi32, #tpu.memory_space<vmem>>, vector<16xi32>,
        %shift_right_logical3A_3074 = arith.constant 1 : i32
        %shift_right_logical3A_3075 = vector.broadcast %shift_right_logical3A_3074 : i32 to vector<16xi32>
        %shift_right_logical3A_3076 = arith.shrui %get3A_3073, %shift_right_logical3A_3075 : vector<16xi32>
        %swap3A_3077 = arith.constant 0 : i32
        %swap3A_3078 = arith.index_cast %swap3A_3077 : i32 to index
        %swap3A_3079 = arith.constant 0 : index
        %swap3A_3080 = tpu.vector_load %arg6[%swap3A_3078, %swap3A_3079] {strides = array<i32>} : memref<2x128xi32, #tpu.memory_space<vmem>>, vector<16xi32>,
        tpu.vector_store %arg6[%swap3A_3078, %swap3A_3079], %shift_right_logical3A_3076 {strides = array<i32>} : memref<2x128xi32, #tpu.memory_space<vmem>>, vector<16xi32>,
        %jit3A_3081 = arith.constant 8 : i32
        %div3A_3082 = arith.divsi %add3A_3029, %jit3A_3081 : i32
        %sign3A_3083 = arith.constant 0 : i32
        %sign3A_3084 = arith.cmpi sgt, %add3A_3029, %sign3A_3083 : i32
        %sign3A_3085 = arith.extui %sign3A_3084 : i1 to i32
        %sign3A_3086 = arith.constant 0 : i32
        %sign3A_3087 = arith.cmpi slt, %add3A_3029, %sign3A_3086 : i32
        %sign3A_3088 = arith.extui %sign3A_3087 : i1 to i32
        %sign3A_3089 = arith.subi %sign3A_3085, %sign3A_3088 : i32
        %sign3A_3090 = arith.constant 0 : i32
        %sign3A_3091 = arith.cmpi sgt, %jit3A_3081, %sign3A_3090 : i32
        %sign3A_3092 = arith.extui %sign3A_3091 : i1 to i32
        %sign3A_3093 = arith.constant 0 : i32
        %sign3A_3094 = arith.cmpi slt, %jit3A_3081, %sign3A_3093 : i32
        %sign3A_3095 = arith.extui %sign3A_3094 : i1 to i32
        %sign3A_3096 = arith.subi %sign3A_3092, %sign3A_3095 : i32
        %ne3A_3097 = arith.cmpi ne, %sign3A_3089, %sign3A_3096 : i32
        %rem3A_3098 = arith.remsi %add3A_3029, %jit3A_3081 : i32
        %ne3A_3099 = arith.constant 0 : i32
        %ne3A_3100 = arith.cmpi ne, %rem3A_3098, %ne3A_3099 : i32
        %and3A_3101 = arith.andi %ne3A_3097, %ne3A_3100 : i1
        %sub3A_3102 = arith.constant 1 : i32
        %sub3A_3103 = arith.subi %div3A_3082, %sub3A_3102 : i32
        %select_n3A_3104 = arith.select %and3A_3101, %sub3A_3103, %div3A_3082 : i32
        %jit3A_3105 = arith.constant 8 : i32
        %eq3A_3106 = arith.constant 0 : i32
        %eq3A_3107 = arith.cmpi eq, %jit3A_3105, %eq3A_3106 : i32
        %jit3A_3108 = arith.constant 1 : i32
        %select_n3A_3109 = arith.select %eq3A_3107, %jit3A_3108, %jit3A_3105 : i32
        %rem3A_3110 = arith.remsi %add3A_3029, %select_n3A_3109 : i32
        %ne3A_3111 = arith.constant 0 : i32
        %ne3A_3112 = arith.cmpi ne, %rem3A_3110, %ne3A_3111 : i32
        %lt3A_3113 = arith.constant 0 : i32
        %lt3A_3114 = arith.cmpi slt, %rem3A_3110, %lt3A_3113 : i32
        %lt3A_3115 = arith.constant 0 : i32
        %lt3A_3116 = arith.cmpi slt, %select_n3A_3109, %lt3A_3115 : i32
        %ne3A_3117 = arith.xori %lt3A_3114, %lt3A_3116 : i1
        %and3A_3118 = arith.andi %ne3A_3117, %ne3A_3112 : i1
        %add3A_3119 = arith.addi %rem3A_3110, %select_n3A_3109 : i32
        %select_n3A_3120 = arith.select %and3A_3118, %add3A_3119, %rem3A_3110 : i32
        %get3A_3121 = arith.index_cast %select_n3A_3104 : i32 to index
        %get3A_3122 = arith.index_cast %select_n3A_3120 : i32 to index
        %get3A_3123 = arith.constant 16 : index
        %get3A_3124 = tpu.vector_load %arg5[%get3A_3121, %get3A_3122, %get3A_3123] {strides = array<i32>} : memref<25x8x128xi32, #tpu.memory_space<vmem>>, vector<16xi32>,
        %shift_right_logical3A_3125 = arith.constant 1 : i32
        %shift_right_logical3A_3126 = vector.broadcast %shift_right_logical3A_3125 : i32 to vector<16xi32>
        %shift_right_logical3A_3127 = arith.shrui %get3A_3124, %shift_right_logical3A_3126 : vector<16xi32>
        %swap3A_3128 = arith.constant 0 : i32
        %swap3A_3129 = arith.index_cast %swap3A_3128 : i32 to index
        %swap3A_3130 = arith.constant 16 : index
        %swap3A_3131 = tpu.vector_load %arg6[%swap3A_3129, %swap3A_3130] {strides = array<i32>} : memref<2x128xi32, #tpu.memory_space<vmem>>, vector<16xi32>,
        tpu.vector_store %arg6[%swap3A_3129, %swap3A_3130], %shift_right_logical3A_3127 {strides = array<i32>} : memref<2x128xi32, #tpu.memory_space<vmem>>, vector<16xi32>,
        %jit3A_3132 = arith.constant 8 : i32
        %div3A_3133 = arith.divsi %add3A_3029, %jit3A_3132 : i32
        %sign3A_3134 = arith.constant 0 : i32
        %sign3A_3135 = arith.cmpi sgt, %add3A_3029, %sign3A_3134 : i32
        %sign3A_3136 = arith.extui %sign3A_3135 : i1 to i32
        %sign3A_3137 = arith.constant 0 : i32
        %sign3A_3138 = arith.cmpi slt, %add3A_3029, %sign3A_3137 : i32
        %sign3A_3139 = arith.extui %sign3A_3138 : i1 to i32
        %sign3A_3140 = arith.subi %sign3A_3136, %sign3A_3139 : i32
        %sign3A_3141 = arith.constant 0 : i32
        %sign3A_3142 = arith.cmpi sgt, %jit3A_3132, %sign3A_3141 : i32
        %sign3A_3143 = arith.extui %sign3A_3142 : i1 to i32
        %sign3A_3144 = arith.constant 0 : i32
        %sign3A_3145 = arith.cmpi slt, %jit3A_3132, %sign3A_3144 : i32
        %sign3A_3146 = arith.extui %sign3A_3145 : i1 to i32
        %sign3A_3147 = arith.subi %sign3A_3143, %sign3A_3146 : i32
        %ne3A_3148 = arith.cmpi ne, %sign3A_3140, %sign3A_3147 : i32
        %rem3A_3149 = arith.remsi %add3A_3029, %jit3A_3132 : i32
        %ne3A_3150 = arith.constant 0 : i32
        %ne3A_3151 = arith.cmpi ne, %rem3A_3149, %ne3A_3150 : i32
        %and3A_3152 = arith.andi %ne3A_3148, %ne3A_3151 : i1
        %sub3A_3153 = arith.constant 1 : i32
        %sub3A_3154 = arith.subi %div3A_3133, %sub3A_3153 : i32
        %select_n3A_3155 = arith.select %and3A_3152, %sub3A_3154, %div3A_3133 : i32
        %jit3A_3156 = arith.constant 8 : i32
        %eq3A_3157 = arith.constant 0 : i32
        %eq3A_3158 = arith.cmpi eq, %jit3A_3156, %eq3A_3157 : i32
        %jit3A_3159 = arith.constant 1 : i32
        %select_n3A_3160 = arith.select %eq3A_3158, %jit3A_3159, %jit3A_3156 : i32
        %rem3A_3161 = arith.remsi %add3A_3029, %select_n3A_3160 : i32
        %ne3A_3162 = arith.constant 0 : i32
        %ne3A_3163 = arith.cmpi ne, %rem3A_3161, %ne3A_3162 : i32
        %lt3A_3164 = arith.constant 0 : i32
        %lt3A_3165 = arith.cmpi slt, %rem3A_3161, %lt3A_3164 : i32
        %lt3A_3166 = arith.constant 0 : i32
        %lt3A_3167 = arith.cmpi slt, %select_n3A_3160, %lt3A_3166 : i32
        %ne3A_3168 = arith.xori %lt3A_3165, %lt3A_3167 : i1
        %and3A_3169 = arith.andi %ne3A_3168, %ne3A_3163 : i1
        %add3A_3170 = arith.addi %rem3A_3161, %select_n3A_3160 : i32
        %select_n3A_3171 = arith.select %and3A_3169, %add3A_3170, %rem3A_3161 : i32
        %get3A_3172 = arith.index_cast %select_n3A_3155 : i32 to index
        %get3A_3173 = arith.index_cast %select_n3A_3171 : i32 to index
        %get3A_3174 = arith.constant 32 : index
        %get3A_3175 = tpu.vector_load %arg5[%get3A_3172, %get3A_3173, %get3A_3174] {strides = array<i32>} : memref<25x8x128xi32, #tpu.memory_space<vmem>>, vector<16xi32>,
        %shift_right_logical3A_3176 = arith.constant 1 : i32
        %shift_right_logical3A_3177 = vector.broadcast %shift_right_logical3A_3176 : i32 to vector<16xi32>
        %shift_right_logical3A_3178 = arith.shrui %get3A_3175, %shift_right_logical3A_3177 : vector<16xi32>
        %swap3A_3179 = arith.constant 0 : i32
        %swap3A_3180 = arith.index_cast %swap3A_3179 : i32 to index
        %swap3A_3181 = arith.constant 32 : index
        %swap3A_3182 = tpu.vector_load %arg6[%swap3A_3180, %swap3A_3181] {strides = array<i32>} : memref<2x128xi32, #tpu.memory_space<vmem>>, vector<16xi32>,
        tpu.vector_store %arg6[%swap3A_3180, %swap3A_3181], %shift_right_logical3A_3178 {strides = array<i32>} : memref<2x128xi32, #tpu.memory_space<vmem>>, vector<16xi32>,
        %jit3A_3183 = arith.constant 8 : i32
        %div3A_3184 = arith.divsi %add3A_3029, %jit3A_3183 : i32
        %sign3A_3185 = arith.constant 0 : i32
        %sign3A_3186 = arith.cmpi sgt, %add3A_3029, %sign3A_3185 : i32
        %sign3A_3187 = arith.extui %sign3A_3186 : i1 to i32
        %sign3A_3188 = arith.constant 0 : i32
        %sign3A_3189 = arith.cmpi slt, %add3A_3029, %sign3A_3188 : i32
        %sign3A_3190 = arith.extui %sign3A_3189 : i1 to i32
        %sign3A_3191 = arith.subi %sign3A_3187, %sign3A_3190 : i32
        %sign3A_3192 = arith.constant 0 : i32
        %sign3A_3193 = arith.cmpi sgt, %jit3A_3183, %sign3A_3192 : i32
        %sign3A_3194 = arith.extui %sign3A_3193 : i1 to i32
        %sign3A_3195 = arith.constant 0 : i32
        %sign3A_3196 = arith.cmpi slt, %jit3A_3183, %sign3A_3195 : i32
        %sign3A_3197 = arith.extui %sign3A_3196 : i1 to i32
        %sign3A_3198 = arith.subi %sign3A_3194, %sign3A_3197 : i32
        %ne3A_3199 = arith.cmpi ne, %sign3A_3191, %sign3A_3198 : i32
        %rem3A_3200 = arith.remsi %add3A_3029, %jit3A_3183 : i32
        %ne3A_3201 = arith.constant 0 : i32
        %ne3A_3202 = arith.cmpi ne, %rem3A_3200, %ne3A_3201 : i32
        %and3A_3203 = arith.andi %ne3A_3199, %ne3A_3202 : i1
        %sub3A_3204 = arith.constant 1 : i32
        %sub3A_3205 = arith.subi %div3A_3184, %sub3A_3204 : i32
        %select_n3A_3206 = arith.select %and3A_3203, %sub3A_3205, %div3A_3184 : i32
        %jit3A_3207 = arith.constant 8 : i32
        %eq3A_3208 = arith.constant 0 : i32
        %eq3A_3209 = arith.cmpi eq, %jit3A_3207, %eq3A_3208 : i32
        %jit3A_3210 = arith.constant 1 : i32
        %select_n3A_3211 = arith.select %eq3A_3209, %jit3A_3210, %jit3A_3207 : i32
        %rem3A_3212 = arith.remsi %add3A_3029, %select_n3A_3211 : i32
        %ne3A_3213 = arith.constant 0 : i32
        %ne3A_3214 = arith.cmpi ne, %rem3A_3212, %ne3A_3213 : i32
        %lt3A_3215 = arith.constant 0 : i32
        %lt3A_3216 = arith.cmpi slt, %rem3A_3212, %lt3A_3215 : i32
        %lt3A_3217 = arith.constant 0 : i32
        %lt3A_3218 = arith.cmpi slt, %select_n3A_3211, %lt3A_3217 : i32
        %ne3A_3219 = arith.xori %lt3A_3216, %lt3A_3218 : i1
        %and3A_3220 = arith.andi %ne3A_3219, %ne3A_3214 : i1
        %add3A_3221 = arith.addi %rem3A_3212, %select_n3A_3211 : i32
        %select_n3A_3222 = arith.select %and3A_3220, %add3A_3221, %rem3A_3212 : i32
        %get3A_3223 = arith.index_cast %select_n3A_3206 : i32 to index
        %get3A_3224 = arith.index_cast %select_n3A_3222 : i32 to index
        %get3A_3225 = arith.constant 48 : index
        %get3A_3226 = tpu.vector_load %arg5[%get3A_3223, %get3A_3224, %get3A_3225] {strides = array<i32>} : memref<25x8x128xi32, #tpu.memory_space<vmem>>, vector<16xi32>,
        %shift_right_logical3A_3227 = arith.constant 1 : i32
        %shift_right_logical3A_3228 = vector.broadcast %shift_right_logical3A_3227 : i32 to vector<16xi32>
        %shift_right_logical3A_3229 = arith.shrui %get3A_3226, %shift_right_logical3A_3228 : vector<16xi32>
        %swap3A_3230 = arith.constant 0 : i32
        %swap3A_3231 = arith.index_cast %swap3A_3230 : i32 to index
        %swap3A_3232 = arith.constant 48 : index
        %swap3A_3233 = tpu.vector_load %arg6[%swap3A_3231, %swap3A_3232] {strides = array<i32>} : memref<2x128xi32, #tpu.memory_space<vmem>>, vector<16xi32>,
        tpu.vector_store %arg6[%swap3A_3231, %swap3A_3232], %shift_right_logical3A_3229 {strides = array<i32>} : memref<2x128xi32, #tpu.memory_space<vmem>>, vector<16xi32>,
        %jit3A_3234 = arith.constant 8 : i32
        %div3A_3235 = arith.divsi %add3A_3029, %jit3A_3234 : i32
        %sign3A_3236 = arith.constant 0 : i32
        %sign3A_3237 = arith.cmpi sgt, %add3A_3029, %sign3A_3236 : i32
        %sign3A_3238 = arith.extui %sign3A_3237 : i1 to i32
        %sign3A_3239 = arith.constant 0 : i32
        %sign3A_3240 = arith.cmpi slt, %add3A_3029, %sign3A_3239 : i32
        %sign3A_3241 = arith.extui %sign3A_3240 : i1 to i32
        %sign3A_3242 = arith.subi %sign3A_3238, %sign3A_3241 : i32
        %sign3A_3243 = arith.constant 0 : i32
        %sign3A_3244 = arith.cmpi sgt, %jit3A_3234, %sign3A_3243 : i32
        %sign3A_3245 = arith.extui %sign3A_3244 : i1 to i32
        %sign3A_3246 = arith.constant 0 : i32
        %sign3A_3247 = arith.cmpi slt, %jit3A_3234, %sign3A_3246 : i32
        %sign3A_3248 = arith.extui %sign3A_3247 : i1 to i32
        %sign3A_3249 = arith.subi %sign3A_3245, %sign3A_3248 : i32
        %ne3A_3250 = arith.cmpi ne, %sign3A_3242, %sign3A_3249 : i32
        %rem3A_3251 = arith.remsi %add3A_3029, %jit3A_3234 : i32
        %ne3A_3252 = arith.constant 0 : i32
        %ne3A_3253 = arith.cmpi ne, %rem3A_3251, %ne3A_3252 : i32
        %and3A_3254 = arith.andi %ne3A_3250, %ne3A_3253 : i1
        %sub3A_3255 = arith.constant 1 : i32
        %sub3A_3256 = arith.subi %div3A_3235, %sub3A_3255 : i32
        %select_n3A_3257 = arith.select %and3A_3254, %sub3A_3256, %div3A_3235 : i32
        %jit3A_3258 = arith.constant 8 : i32
        %eq3A_3259 = arith.constant 0 : i32
        %eq3A_3260 = arith.cmpi eq, %jit3A_3258, %eq3A_3259 : i32
        %jit3A_3261 = arith.constant 1 : i32
        %select_n3A_3262 = arith.select %eq3A_3260, %jit3A_3261, %jit3A_3258 : i32
        %rem3A_3263 = arith.remsi %add3A_3029, %select_n3A_3262 : i32
        %ne3A_3264 = arith.constant 0 : i32
        %ne3A_3265 = arith.cmpi ne, %rem3A_3263, %ne3A_3264 : i32
        %lt3A_3266 = arith.constant 0 : i32
        %lt3A_3267 = arith.cmpi slt, %rem3A_3263, %lt3A_3266 : i32
        %lt3A_3268 = arith.constant 0 : i32
        %lt3A_3269 = arith.cmpi slt, %select_n3A_3262, %lt3A_3268 : i32
        %ne3A_3270 = arith.xori %lt3A_3267, %lt3A_3269 : i1
        %and3A_3271 = arith.andi %ne3A_3270, %ne3A_3265 : i1
        %add3A_3272 = arith.addi %rem3A_3263, %select_n3A_3262 : i32
        %select_n3A_3273 = arith.select %and3A_3271, %add3A_3272, %rem3A_3263 : i32
        %get3A_3274 = arith.index_cast %select_n3A_3257 : i32 to index
        %get3A_3275 = arith.index_cast %select_n3A_3273 : i32 to index
        %get3A_3276 = arith.constant 64 : index
        %get3A_3277 = tpu.vector_load %arg5[%get3A_3274, %get3A_3275, %get3A_3276] {strides = array<i32>} : memref<25x8x128xi32, #tpu.memory_space<vmem>>, vector<16xi32>,
        %shift_right_logical3A_3278 = arith.constant 1 : i32
        %shift_right_logical3A_3279 = vector.broadcast %shift_right_logical3A_3278 : i32 to vector<16xi32>
        %shift_right_logical3A_3280 = arith.shrui %get3A_3277, %shift_right_logical3A_3279 : vector<16xi32>
        %swap3A_3281 = arith.constant 0 : i32
        %swap3A_3282 = arith.index_cast %swap3A_3281 : i32 to index
        %swap3A_3283 = arith.constant 64 : index
        %swap3A_3284 = tpu.vector_load %arg6[%swap3A_3282, %swap3A_3283] {strides = array<i32>} : memref<2x128xi32, #tpu.memory_space<vmem>>, vector<16xi32>,
        tpu.vector_store %arg6[%swap3A_3282, %swap3A_3283], %shift_right_logical3A_3280 {strides = array<i32>} : memref<2x128xi32, #tpu.memory_space<vmem>>, vector<16xi32>,
        %jit3A_3285 = arith.constant 8 : i32
        %div3A_3286 = arith.divsi %add3A_3029, %jit3A_3285 : i32
        %sign3A_3287 = arith.constant 0 : i32
        %sign3A_3288 = arith.cmpi sgt, %add3A_3029, %sign3A_3287 : i32
        %sign3A_3289 = arith.extui %sign3A_3288 : i1 to i32
        %sign3A_3290 = arith.constant 0 : i32
        %sign3A_3291 = arith.cmpi slt, %add3A_3029, %sign3A_3290 : i32
        %sign3A_3292 = arith.extui %sign3A_3291 : i1 to i32
        %sign3A_3293 = arith.subi %sign3A_3289, %sign3A_3292 : i32
        %sign3A_3294 = arith.constant 0 : i32
        %sign3A_3295 = arith.cmpi sgt, %jit3A_3285, %sign3A_3294 : i32
        %sign3A_3296 = arith.extui %sign3A_3295 : i1 to i32
        %sign3A_3297 = arith.constant 0 : i32
        %sign3A_3298 = arith.cmpi slt, %jit3A_3285, %sign3A_3297 : i32
        %sign3A_3299 = arith.extui %sign3A_3298 : i1 to i32
        %sign3A_3300 = arith.subi %sign3A_3296, %sign3A_3299 : i32
        %ne3A_3301 = arith.cmpi ne, %sign3A_3293, %sign3A_3300 : i32
        %rem3A_3302 = arith.remsi %add3A_3029, %jit3A_3285 : i32
        %ne3A_3303 = arith.constant 0 : i32
        %ne3A_3304 = arith.cmpi ne, %rem3A_3302, %ne3A_3303 : i32
        %and3A_3305 = arith.andi %ne3A_3301, %ne3A_3304 : i1
        %sub3A_3306 = arith.constant 1 : i32
        %sub3A_3307 = arith.subi %div3A_3286, %sub3A_3306 : i32
        %select_n3A_3308 = arith.select %and3A_3305, %sub3A_3307, %div3A_3286 : i32
        %jit3A_3309 = arith.constant 8 : i32
        %eq3A_3310 = arith.constant 0 : i32
        %eq3A_3311 = arith.cmpi eq, %jit3A_3309, %eq3A_3310 : i32
        %jit3A_3312 = arith.constant 1 : i32
        %select_n3A_3313 = arith.select %eq3A_3311, %jit3A_3312, %jit3A_3309 : i32
        %rem3A_3314 = arith.remsi %add3A_3029, %select_n3A_3313 : i32
        %ne3A_3315 = arith.constant 0 : i32
        %ne3A_3316 = arith.cmpi ne, %rem3A_3314, %ne3A_3315 : i32
        %lt3A_3317 = arith.constant 0 : i32
        %lt3A_3318 = arith.cmpi slt, %rem3A_3314, %lt3A_3317 : i32
        %lt3A_3319 = arith.constant 0 : i32
        %lt3A_3320 = arith.cmpi slt, %select_n3A_3313, %lt3A_3319 : i32
        %ne3A_3321 = arith.xori %lt3A_3318, %lt3A_3320 : i1
        %and3A_3322 = arith.andi %ne3A_3321, %ne3A_3316 : i1
        %add3A_3323 = arith.addi %rem3A_3314, %select_n3A_3313 : i32
        %select_n3A_3324 = arith.select %and3A_3322, %add3A_3323, %rem3A_3314 : i32
        %get3A_3325 = arith.index_cast %select_n3A_3308 : i32 to index
        %get3A_3326 = arith.index_cast %select_n3A_3324 : i32 to index
        %get3A_3327 = arith.constant 80 : index
        %get3A_3328 = tpu.vector_load %arg5[%get3A_3325, %get3A_3326, %get3A_3327] {strides = array<i32>} : memref<25x8x128xi32, #tpu.memory_space<vmem>>, vector<16xi32>,
        %shift_right_logical3A_3329 = arith.constant 1 : i32
        %shift_right_logical3A_3330 = vector.broadcast %shift_right_logical3A_3329 : i32 to vector<16xi32>
        %shift_right_logical3A_3331 = arith.shrui %get3A_3328, %shift_right_logical3A_3330 : vector<16xi32>
        %swap3A_3332 = arith.constant 0 : i32
        %swap3A_3333 = arith.index_cast %swap3A_3332 : i32 to index
        %swap3A_3334 = arith.constant 80 : index
        %swap3A_3335 = tpu.vector_load %arg6[%swap3A_3333, %swap3A_3334] {strides = array<i32>} : memref<2x128xi32, #tpu.memory_space<vmem>>, vector<16xi32>,
        tpu.vector_store %arg6[%swap3A_3333, %swap3A_3334], %shift_right_logical3A_3331 {strides = array<i32>} : memref<2x128xi32, #tpu.memory_space<vmem>>, vector<16xi32>,
        %jit3A_3336 = arith.constant 8 : i32
        %div3A_3337 = arith.divsi %add3A_3029, %jit3A_3336 : i32
        %sign3A_3338 = arith.constant 0 : i32
        %sign3A_3339 = arith.cmpi sgt, %add3A_3029, %sign3A_3338 : i32
        %sign3A_3340 = arith.extui %sign3A_3339 : i1 to i32
        %sign3A_3341 = arith.constant 0 : i32
        %sign3A_3342 = arith.cmpi slt, %add3A_3029, %sign3A_3341 : i32
        %sign3A_3343 = arith.extui %sign3A_3342 : i1 to i32
        %sign3A_3344 = arith.subi %sign3A_3340, %sign3A_3343 : i32
        %sign3A_3345 = arith.constant 0 : i32
        %sign3A_3346 = arith.cmpi sgt, %jit3A_3336, %sign3A_3345 : i32
        %sign3A_3347 = arith.extui %sign3A_3346 : i1 to i32
        %sign3A_3348 = arith.constant 0 : i32
        %sign3A_3349 = arith.cmpi slt, %jit3A_3336, %sign3A_3348 : i32
        %sign3A_3350 = arith.extui %sign3A_3349 : i1 to i32
        %sign3A_3351 = arith.subi %sign3A_3347, %sign3A_3350 : i32
        %ne3A_3352 = arith.cmpi ne, %sign3A_3344, %sign3A_3351 : i32
        %rem3A_3353 = arith.remsi %add3A_3029, %jit3A_3336 : i32
        %ne3A_3354 = arith.constant 0 : i32
        %ne3A_3355 = arith.cmpi ne, %rem3A_3353, %ne3A_3354 : i32
        %and3A_3356 = arith.andi %ne3A_3352, %ne3A_3355 : i1
        %sub3A_3357 = arith.constant 1 : i32
        %sub3A_3358 = arith.subi %div3A_3337, %sub3A_3357 : i32
        %select_n3A_3359 = arith.select %and3A_3356, %sub3A_3358, %div3A_3337 : i32
        %jit3A_3360 = arith.constant 8 : i32
        %eq3A_3361 = arith.constant 0 : i32
        %eq3A_3362 = arith.cmpi eq, %jit3A_3360, %eq3A_3361 : i32
        %jit3A_3363 = arith.constant 1 : i32
        %select_n3A_3364 = arith.select %eq3A_3362, %jit3A_3363, %jit3A_3360 : i32
        %rem3A_3365 = arith.remsi %add3A_3029, %select_n3A_3364 : i32
        %ne3A_3366 = arith.constant 0 : i32
        %ne3A_3367 = arith.cmpi ne, %rem3A_3365, %ne3A_3366 : i32
        %lt3A_3368 = arith.constant 0 : i32
        %lt3A_3369 = arith.cmpi slt, %rem3A_3365, %lt3A_3368 : i32
        %lt3A_3370 = arith.constant 0 : i32
        %lt3A_3371 = arith.cmpi slt, %select_n3A_3364, %lt3A_3370 : i32
        %ne3A_3372 = arith.xori %lt3A_3369, %lt3A_3371 : i1
        %and3A_3373 = arith.andi %ne3A_3372, %ne3A_3367 : i1
        %add3A_3374 = arith.addi %rem3A_3365, %select_n3A_3364 : i32
        %select_n3A_3375 = arith.select %and3A_3373, %add3A_3374, %rem3A_3365 : i32
        %get3A_3376 = arith.index_cast %select_n3A_3359 : i32 to index
        %get3A_3377 = arith.index_cast %select_n3A_3375 : i32 to index
        %get3A_3378 = arith.constant 96 : index
        %get3A_3379 = tpu.vector_load %arg5[%get3A_3376, %get3A_3377, %get3A_3378] {strides = array<i32>} : memref<25x8x128xi32, #tpu.memory_space<vmem>>, vector<16xi32>,
        %shift_right_logical3A_3380 = arith.constant 1 : i32
        %shift_right_logical3A_3381 = vector.broadcast %shift_right_logical3A_3380 : i32 to vector<16xi32>
        %shift_right_logical3A_3382 = arith.shrui %get3A_3379, %shift_right_logical3A_3381 : vector<16xi32>
        %swap3A_3383 = arith.constant 0 : i32
        %swap3A_3384 = arith.index_cast %swap3A_3383 : i32 to index
        %swap3A_3385 = arith.constant 96 : index
        %swap3A_3386 = tpu.vector_load %arg6[%swap3A_3384, %swap3A_3385] {strides = array<i32>} : memref<2x128xi32, #tpu.memory_space<vmem>>, vector<16xi32>,
        tpu.vector_store %arg6[%swap3A_3384, %swap3A_3385], %shift_right_logical3A_3382 {strides = array<i32>} : memref<2x128xi32, #tpu.memory_space<vmem>>, vector<16xi32>,
        %jit3A_3387 = arith.constant 8 : i32
        %div3A_3388 = arith.divsi %add3A_3029, %jit3A_3387 : i32
        %sign3A_3389 = arith.constant 0 : i32
        %sign3A_3390 = arith.cmpi sgt, %add3A_3029, %sign3A_3389 : i32
        %sign3A_3391 = arith.extui %sign3A_3390 : i1 to i32
        %sign3A_3392 = arith.constant 0 : i32
        %sign3A_3393 = arith.cmpi slt, %add3A_3029, %sign3A_3392 : i32
        %sign3A_3394 = arith.extui %sign3A_3393 : i1 to i32
        %sign3A_3395 = arith.subi %sign3A_3391, %sign3A_3394 : i32
        %sign3A_3396 = arith.constant 0 : i32
        %sign3A_3397 = arith.cmpi sgt, %jit3A_3387, %sign3A_3396 : i32
        %sign3A_3398 = arith.extui %sign3A_3397 : i1 to i32
        %sign3A_3399 = arith.constant 0 : i32
        %sign3A_3400 = arith.cmpi slt, %jit3A_3387, %sign3A_3399 : i32
        %sign3A_3401 = arith.extui %sign3A_3400 : i1 to i32
        %sign3A_3402 = arith.subi %sign3A_3398, %sign3A_3401 : i32
        %ne3A_3403 = arith.cmpi ne, %sign3A_3395, %sign3A_3402 : i32
        %rem3A_3404 = arith.remsi %add3A_3029, %jit3A_3387 : i32
        %ne3A_3405 = arith.constant 0 : i32
        %ne3A_3406 = arith.cmpi ne, %rem3A_3404, %ne3A_3405 : i32
        %and3A_3407 = arith.andi %ne3A_3403, %ne3A_3406 : i1
        %sub3A_3408 = arith.constant 1 : i32
        %sub3A_3409 = arith.subi %div3A_3388, %sub3A_3408 : i32
        %select_n3A_3410 = arith.select %and3A_3407, %sub3A_3409, %div3A_3388 : i32
        %jit3A_3411 = arith.constant 8 : i32
        %eq3A_3412 = arith.constant 0 : i32
        %eq3A_3413 = arith.cmpi eq, %jit3A_3411, %eq3A_3412 : i32
        %jit3A_3414 = arith.constant 1 : i32
        %select_n3A_3415 = arith.select %eq3A_3413, %jit3A_3414, %jit3A_3411 : i32
        %rem3A_3416 = arith.remsi %add3A_3029, %select_n3A_3415 : i32
        %ne3A_3417 = arith.constant 0 : i32
        %ne3A_3418 = arith.cmpi ne, %rem3A_3416, %ne3A_3417 : i32
        %lt3A_3419 = arith.constant 0 : i32
        %lt3A_3420 = arith.cmpi slt, %rem3A_3416, %lt3A_3419 : i32
        %lt3A_3421 = arith.constant 0 : i32
        %lt3A_3422 = arith.cmpi slt, %select_n3A_3415, %lt3A_3421 : i32
        %ne3A_3423 = arith.xori %lt3A_3420, %lt3A_3422 : i1
        %and3A_3424 = arith.andi %ne3A_3423, %ne3A_3418 : i1
        %add3A_3425 = arith.addi %rem3A_3416, %select_n3A_3415 : i32
        %select_n3A_3426 = arith.select %and3A_3424, %add3A_3425, %rem3A_3416 : i32
        %get3A_3427 = arith.index_cast %select_n3A_3410 : i32 to index
        %get3A_3428 = arith.index_cast %select_n3A_3426 : i32 to index
        %get3A_3429 = arith.constant 112 : index
        %get3A_3430 = tpu.vector_load %arg5[%get3A_3427, %get3A_3428, %get3A_3429] {strides = array<i32>} : memref<25x8x128xi32, #tpu.memory_space<vmem>>, vector<16xi32>,
        %shift_right_logical3A_3431 = arith.constant 1 : i32
        %shift_right_logical3A_3432 = vector.broadcast %shift_right_logical3A_3431 : i32 to vector<16xi32>
        %shift_right_logical3A_3433 = arith.shrui %get3A_3430, %shift_right_logical3A_3432 : vector<16xi32>
        %swap3A_3434 = arith.constant 0 : i32
        %swap3A_3435 = arith.index_cast %swap3A_3434 : i32 to index
        %swap3A_3436 = arith.constant 112 : index
        %swap3A_3437 = tpu.vector_load %arg6[%swap3A_3435, %swap3A_3436] {strides = array<i32>} : memref<2x128xi32, #tpu.memory_space<vmem>>, vector<16xi32>,
        tpu.vector_store %arg6[%swap3A_3435, %swap3A_3436], %shift_right_logical3A_3433 {strides = array<i32>} : memref<2x128xi32, #tpu.memory_space<vmem>>, vector<16xi32>,
        %dma_start3A_3438 = arith.constant 0 : i32
        %dma_start3A_3439 = arith.constant 0 : i32
        %dma_start3A_3440 = arith.constant 0 : i32
        %dma_start3A_3441 = arith.constant 0 : i32
        %dma_start3A_3442 = tpu.memref_slice %arg7[%dma_start3A_3439, %dma_start3A_3440, %dma_start3A_3441] : memref<2x128x129xf32, #tpu.memory_space<vmem>> -> memref<1x128x128xf32, #tpu.memory_space<vmem>>
        %dma_start3A_3443 = tpu.memref_squeeze %dma_start3A_3442 : memref<1x128x128xf32, #tpu.memory_space<vmem>> -> memref<128x128xf32, #tpu.memory_space<vmem>>
        %dma_start3A_3444 = arith.constant 0 : i32
        %dma_start3A_3445 = tpu.memref_slice %arg6[%dma_start3A_3438, %dma_start3A_3444] : memref<2x128xi32, #tpu.memory_space<vmem>> -> memref<1x128xi32, #tpu.memory_space<vmem>>
        %dma_start3A_3446 = tpu.memref_squeeze %dma_start3A_3445 : memref<1x128xi32, #tpu.memory_space<vmem>> -> memref<128xi32, #tpu.memory_space<vmem>>
        %dma_start3A_3447 = arith.constant 0 : i32
        %dma_start3A_3448 = arith.constant 0 : i32
        %dma_start3A_3449 = tpu.memref_slice %arg3[%dma_start3A_3447, %dma_start3A_3448] : memref<500000x128xf32, #tpu.memory_space<hbm>> -> memref<500000x128xf32, #tpu.memory_space<hbm>>
        tpu.enqueue_indirect_dma source(%dma_start3A_3449 : memref<500000x128xf32, #tpu.memory_space<hbm>>) target(%dma_start3A_3443 : memref<128x128xf32, #tpu.memory_space<vmem>>) offsets(%dma_start3A_3446 : memref<128xi32, #tpu.memory_space<vmem>>) semaphore(%arg10 : memref<!tpu.dma_semaphore, #tpu.memory_space<semaphore_mem>>)
      } else {
      }
      %dma_wait3A_2507 = arith.constant 1 : i32
      %dma_wait3A_2508 = arith.constant 1 : i32
      %dma_wait3A_2509 = arith.constant 0 : i32
      %dma_wait3A_2510 = arith.constant 0 : i32
      %dma_wait3A_2511 = tpu.memref_slice %arg7[%dma_wait3A_2508, %dma_wait3A_2509, %dma_wait3A_2510] : memref<2x128x129xf32, #tpu.memory_space<vmem>> -> memref<1x128x128xf32, #tpu.memory_space<vmem>>
      %dma_wait3A_2512 = tpu.memref_squeeze %dma_wait3A_2511 : memref<1x128x128xf32, #tpu.memory_space<vmem>> -> memref<128x128xf32, #tpu.memory_space<vmem>>
      %dma_wait3A_2513 = arith.constant 0 : i32
      %dma_wait3A_2514 = tpu.memref_slice %arg6[%dma_wait3A_2507, %dma_wait3A_2513] : memref<2x128xi32, #tpu.memory_space<vmem>> -> memref<1x128xi32, #tpu.memory_space<vmem>>
      %dma_wait3A_2515 = tpu.memref_squeeze %dma_wait3A_2514 : memref<1x128xi32, #tpu.memory_space<vmem>> -> memref<128xi32, #tpu.memory_space<vmem>>
      %dma_wait3A_2516 = arith.constant 0 : i32
      %dma_wait3A_2517 = arith.constant 0 : i32
      %dma_wait3A_2518 = tpu.memref_slice %arg3[%dma_wait3A_2516, %dma_wait3A_2517] : memref<500000x128xf32, #tpu.memory_space<hbm>> -> memref<500000x128xf32, #tpu.memory_space<hbm>>
      tpu.wait_indirect_dma semaphore(%arg11 : memref<!tpu.dma_semaphore, #tpu.memory_space<semaphore_mem>>) src(%dma_wait3A_2518 : memref<500000x128xf32, #tpu.memory_space<hbm>>) dst(%dma_wait3A_2512 : memref<128x128xf32, #tpu.memory_space<vmem>>)
      %ge3A_2519 = arith.constant 2 : i32
      %ge3A_2520 = arith.cmpi sge, %add3A_1972, %ge3A_2519 : i32
      %convert_element_type3A_2521 = arith.extui %ge3A_2520 : i1 to i32
      %cond3A_2522 = arith.constant 0 : i32
      %cond3A_2523 = arith.cmpi ne, %convert_element_type3A_2521, %cond3A_2522 : i32
      scf.if %cond3A_2523 {
        %dma_wait3A_3028 = arith.constant 1 : i32
        %dma_wait3A_3029 = arith.constant 0 : i32
        %dma_wait3A_3030 = arith.constant 0 : i32
        %dma_wait3A_3031 = arith.constant 0 : i32
        %dma_wait3A_3032 = tpu.memref_slice %arg8[%dma_wait3A_3028, %dma_wait3A_3030, %dma_wait3A_3031] : memref<2x64x128xf32, #tpu.memory_space<vmem>> -> memref<1x64x128xf32, #tpu.memory_space<vmem>>
        %dma_wait3A_3033 = tpu.memref_squeeze %dma_wait3A_3032 : memref<1x64x128xf32, #tpu.memory_space<vmem>> -> memref<64x128xf32, #tpu.memory_space<vmem>>
        %dma_wait3A_3034 = arith.constant 0 : i32
        %dma_wait3A_3035 = arith.constant 0 : i32
        %dma_wait3A_3036 = tpu.memref_slice %arg4[%dma_wait3A_3029, %dma_wait3A_3034, %dma_wait3A_3035] : memref<200x64x4096xf32, #tpu.memory_space<hbm>> -> memref<1x64x128xf32, #tpu.memory_space<hbm>>
        %dma_wait3A_3037 = tpu.memref_squeeze %dma_wait3A_3036 : memref<1x64x128xf32, #tpu.memory_space<hbm>> -> memref<64x128xf32, #tpu.memory_space<hbm>>
        %dma_wait3A_3038 = arith.constant 0 : i32
        %dma_wait3A_3039 = arith.constant 0 : i32
        %dma_wait3A_3040 = tpu.memref_slice %arg4[%dma_wait3A_3029, %dma_wait3A_3038, %dma_wait3A_3039] : memref<200x64x4096xf32, #tpu.memory_space<hbm>> -> memref<1x64x128xf32, #tpu.memory_space<hbm>>
        %dma_wait3A_3041 = tpu.memref_squeeze %dma_wait3A_3040 : memref<1x64x128xf32, #tpu.memory_space<hbm>> -> memref<64x128xf32, #tpu.memory_space<hbm>>
        %dma_wait3A_3042 = arith.constant 0 : i32
        %dma_wait3A_3043 = arith.constant 0 : i32
        %dma_wait3A_3044 = tpu.memref_slice %arg8[%dma_wait3A_3028, %dma_wait3A_3042, %dma_wait3A_3043] : memref<2x64x128xf32, #tpu.memory_space<vmem>> -> memref<1x64x128xf32, #tpu.memory_space<vmem>>
        %dma_wait3A_3045 = tpu.memref_squeeze %dma_wait3A_3044 : memref<1x64x128xf32, #tpu.memory_space<vmem>> -> memref<64x128xf32, #tpu.memory_space<vmem>>
        tpu.wait_dma2 semaphore(%arg13 : memref<!tpu.dma_semaphore, #tpu.memory_space<semaphore_mem>>) src(%dma_wait3A_3045 : memref<64x128xf32, #tpu.memory_space<vmem>>) dst(%dma_wait3A_3041 : memref<64x128xf32, #tpu.memory_space<hbm>>)
      } else {
      }
      %jit3A_2524 = arith.constant 8 : i32
      %div3A_2525 = arith.divsi %add3A_2499, %jit3A_2524 : i32
      %sign3A_2526 = arith.constant 0 : i32
      %sign3A_2527 = arith.cmpi sgt, %add3A_2499, %sign3A_2526 : i32
      %sign3A_2528 = arith.extui %sign3A_2527 : i1 to i32
      %sign3A_2529 = arith.constant 0 : i32
      %sign3A_2530 = arith.cmpi slt, %add3A_2499, %sign3A_2529 : i32
      %sign3A_2531 = arith.extui %sign3A_2530 : i1 to i32
      %sign3A_2532 = arith.subi %sign3A_2528, %sign3A_2531 : i32
      %sign3A_2533 = arith.constant 0 : i32
      %sign3A_2534 = arith.cmpi sgt, %jit3A_2524, %sign3A_2533 : i32
      %sign3A_2535 = arith.extui %sign3A_2534 : i1 to i32
      %sign3A_2536 = arith.constant 0 : i32
      %sign3A_2537 = arith.cmpi slt, %jit3A_2524, %sign3A_2536 : i32
      %sign3A_2538 = arith.extui %sign3A_2537 : i1 to i32
      %sign3A_2539 = arith.subi %sign3A_2535, %sign3A_2538 : i32
      %ne3A_2540 = arith.cmpi ne, %sign3A_2532, %sign3A_2539 : i32
      %rem3A_2541 = arith.remsi %add3A_2499, %jit3A_2524 : i32
      %ne3A_2542 = arith.constant 0 : i32
      %ne3A_2543 = arith.cmpi ne, %rem3A_2541, %ne3A_2542 : i32
      %and3A_2544 = arith.andi %ne3A_2540, %ne3A_2543 : i1
      %sub3A_2545 = arith.constant 1 : i32
      %sub3A_2546 = arith.subi %div3A_2525, %sub3A_2545 : i32
      %select_n3A_2547 = arith.select %and3A_2544, %sub3A_2546, %div3A_2525 : i32
      %jit3A_2548 = arith.constant 8 : i32
      %eq3A_2549 = arith.constant 0 : i32
      %eq3A_2550 = arith.cmpi eq, %jit3A_2548, %eq3A_2549 : i32
      %jit3A_2551 = arith.constant 1 : i32
      %select_n3A_2552 = arith.select %eq3A_2550, %jit3A_2551, %jit3A_2548 : i32
      %rem3A_2553 = arith.remsi %add3A_2499, %select_n3A_2552 : i32
      %ne3A_2554 = arith.constant 0 : i32
      %ne3A_2555 = arith.cmpi ne, %rem3A_2553, %ne3A_2554 : i32
      %lt3A_2556 = arith.constant 0 : i32
      %lt3A_2557 = arith.cmpi slt, %rem3A_2553, %lt3A_2556 : i32
      %lt3A_2558 = arith.constant 0 : i32
      %lt3A_2559 = arith.cmpi slt, %select_n3A_2552, %lt3A_2558 : i32
      %ne3A_2560 = arith.xori %lt3A_2557, %lt3A_2559 : i1
      %and3A_2561 = arith.andi %ne3A_2560, %ne3A_2555 : i1
      %add3A_2562 = arith.addi %rem3A_2553, %select_n3A_2552 : i32
      %select_n3A_2563 = arith.select %and3A_2561, %add3A_2562, %rem3A_2553 : i32
      %get3A_2564 = arith.index_cast %select_n3A_2547 : i32 to index
      %get3A_2565 = arith.index_cast %select_n3A_2563 : i32 to index
      %get3A_2566 = arith.constant 0 : index
      %get3A_2567 = tpu.vector_load %arg5[%get3A_2564, %get3A_2565, %get3A_2566] {strides = array<i32>} : memref<25x8x128xi32, #tpu.memory_space<vmem>>, vector<16xi32>,
      %and3A_2568 = arith.constant 1 : i32
      %and3A_2569 = vector.broadcast %and3A_2568 : i32 to vector<16xi32>
      %and3A_2570 = arith.andi %get3A_2567, %and3A_2569 : vector<16xi32>
      %shift_left3A_2571 = arith.constant 6 : i32
      %shift_left3A_2572 = vector.broadcast %shift_left3A_2571 : i32 to vector<16xi32>
      %shift_left3A_2573 = arith.shli %and3A_2570, %shift_left3A_2572 : vector<16xi32>
      %jit3A_2574 = arith.constant 8 : i32
      %div3A_2575 = arith.divsi %add3A_2499, %jit3A_2574 : i32
      %sign3A_2576 = arith.constant 0 : i32
      %sign3A_2577 = arith.cmpi sgt, %add3A_2499, %sign3A_2576 : i32
      %sign3A_2578 = arith.extui %sign3A_2577 : i1 to i32
      %sign3A_2579 = arith.constant 0 : i32
      %sign3A_2580 = arith.cmpi slt, %add3A_2499, %sign3A_2579 : i32
      %sign3A_2581 = arith.extui %sign3A_2580 : i1 to i32
      %sign3A_2582 = arith.subi %sign3A_2578, %sign3A_2581 : i32
      %sign3A_2583 = arith.constant 0 : i32
      %sign3A_2584 = arith.cmpi sgt, %jit3A_2574, %sign3A_2583 : i32
      %sign3A_2585 = arith.extui %sign3A_2584 : i1 to i32
      %sign3A_2586 = arith.constant 0 : i32
      %sign3A_2587 = arith.cmpi slt, %jit3A_2574, %sign3A_2586 : i32
      %sign3A_2588 = arith.extui %sign3A_2587 : i1 to i32
      %sign3A_2589 = arith.subi %sign3A_2585, %sign3A_2588 : i32
      %ne3A_2590 = arith.cmpi ne, %sign3A_2582, %sign3A_2589 : i32
      %rem3A_2591 = arith.remsi %add3A_2499, %jit3A_2574 : i32
      %ne3A_2592 = arith.constant 0 : i32
      %ne3A_2593 = arith.cmpi ne, %rem3A_2591, %ne3A_2592 : i32
      %and3A_2594 = arith.andi %ne3A_2590, %ne3A_2593 : i1
      %sub3A_2595 = arith.constant 1 : i32
      %sub3A_2596 = arith.subi %div3A_2575, %sub3A_2595 : i32
      %select_n3A_2597 = arith.select %and3A_2594, %sub3A_2596, %div3A_2575 : i32
      %jit3A_2598 = arith.constant 8 : i32
      %eq3A_2599 = arith.constant 0 : i32
      %eq3A_2600 = arith.cmpi eq, %jit3A_2598, %eq3A_2599 : i32
      %jit3A_2601 = arith.constant 1 : i32
      %select_n3A_2602 = arith.select %eq3A_2600, %jit3A_2601, %jit3A_2598 : i32
      %rem3A_2603 = arith.remsi %add3A_2499, %select_n3A_2602 : i32
      %ne3A_2604 = arith.constant 0 : i32
      %ne3A_2605 = arith.cmpi ne, %rem3A_2603, %ne3A_2604 : i32
      %lt3A_2606 = arith.constant 0 : i32
      %lt3A_2607 = arith.cmpi slt, %rem3A_2603, %lt3A_2606 : i32
      %lt3A_2608 = arith.constant 0 : i32
      %lt3A_2609 = arith.cmpi slt, %select_n3A_2602, %lt3A_2608 : i32
      %ne3A_2610 = arith.xori %lt3A_2607, %lt3A_2609 : i1
      %and3A_2611 = arith.andi %ne3A_2610, %ne3A_2605 : i1
      %add3A_2612 = arith.addi %rem3A_2603, %select_n3A_2602 : i32
      %select_n3A_2613 = arith.select %and3A_2611, %add3A_2612, %rem3A_2603 : i32
      %get3A_2614 = arith.index_cast %select_n3A_2597 : i32 to index
      %get3A_2615 = arith.index_cast %select_n3A_2613 : i32 to index
      %get3A_2616 = arith.constant 16 : index
      %get3A_2617 = tpu.vector_load %arg5[%get3A_2614, %get3A_2615, %get3A_2616] {strides = array<i32>} : memref<25x8x128xi32, #tpu.memory_space<vmem>>, vector<16xi32>,
      %and3A_2618 = arith.constant 1 : i32
      %and3A_2619 = vector.broadcast %and3A_2618 : i32 to vector<16xi32>
      %and3A_2620 = arith.andi %get3A_2617, %and3A_2619 : vector<16xi32>
      %shift_left3A_2621 = arith.constant 6 : i32
      %shift_left3A_2622 = vector.broadcast %shift_left3A_2621 : i32 to vector<16xi32>
      %shift_left3A_2623 = arith.shli %and3A_2620, %shift_left3A_2622 : vector<16xi32>
      %jit3A_2624 = arith.constant 8 : i32
      %div3A_2625 = arith.divsi %add3A_2499, %jit3A_2624 : i32
      %sign3A_2626 = arith.constant 0 : i32
      %sign3A_2627 = arith.cmpi sgt, %add3A_2499, %sign3A_2626 : i32
      %sign3A_2628 = arith.extui %sign3A_2627 : i1 to i32
      %sign3A_2629 = arith.constant 0 : i32
      %sign3A_2630 = arith.cmpi slt, %add3A_2499, %sign3A_2629 : i32
      %sign3A_2631 = arith.extui %sign3A_2630 : i1 to i32
      %sign3A_2632 = arith.subi %sign3A_2628, %sign3A_2631 : i32
      %sign3A_2633 = arith.constant 0 : i32
      %sign3A_2634 = arith.cmpi sgt, %jit3A_2624, %sign3A_2633 : i32
      %sign3A_2635 = arith.extui %sign3A_2634 : i1 to i32
      %sign3A_2636 = arith.constant 0 : i32
      %sign3A_2637 = arith.cmpi slt, %jit3A_2624, %sign3A_2636 : i32
      %sign3A_2638 = arith.extui %sign3A_2637 : i1 to i32
      %sign3A_2639 = arith.subi %sign3A_2635, %sign3A_2638 : i32
      %ne3A_2640 = arith.cmpi ne, %sign3A_2632, %sign3A_2639 : i32
      %rem3A_2641 = arith.remsi %add3A_2499, %jit3A_2624 : i32
      %ne3A_2642 = arith.constant 0 : i32
      %ne3A_2643 = arith.cmpi ne, %rem3A_2641, %ne3A_2642 : i32
      %and3A_2644 = arith.andi %ne3A_2640, %ne3A_2643 : i1
      %sub3A_2645 = arith.constant 1 : i32
      %sub3A_2646 = arith.subi %div3A_2625, %sub3A_2645 : i32
      %select_n3A_2647 = arith.select %and3A_2644, %sub3A_2646, %div3A_2625 : i32
      %jit3A_2648 = arith.constant 8 : i32
      %eq3A_2649 = arith.constant 0 : i32
      %eq3A_2650 = arith.cmpi eq, %jit3A_2648, %eq3A_2649 : i32
      %jit3A_2651 = arith.constant 1 : i32
      %select_n3A_2652 = arith.select %eq3A_2650, %jit3A_2651, %jit3A_2648 : i32
      %rem3A_2653 = arith.remsi %add3A_2499, %select_n3A_2652 : i32
      %ne3A_2654 = arith.constant 0 : i32
      %ne3A_2655 = arith.cmpi ne, %rem3A_2653, %ne3A_2654 : i32
      %lt3A_2656 = arith.constant 0 : i32
      %lt3A_2657 = arith.cmpi slt, %rem3A_2653, %lt3A_2656 : i32
      %lt3A_2658 = arith.constant 0 : i32
      %lt3A_2659 = arith.cmpi slt, %select_n3A_2652, %lt3A_2658 : i32
      %ne3A_2660 = arith.xori %lt3A_2657, %lt3A_2659 : i1
      %and3A_2661 = arith.andi %ne3A_2660, %ne3A_2655 : i1
      %add3A_2662 = arith.addi %rem3A_2653, %select_n3A_2652 : i32
      %select_n3A_2663 = arith.select %and3A_2661, %add3A_2662, %rem3A_2653 : i32
      %get3A_2664 = arith.index_cast %select_n3A_2647 : i32 to index
      %get3A_2665 = arith.index_cast %select_n3A_2663 : i32 to index
      %get3A_2666 = arith.constant 32 : index
      %get3A_2667 = tpu.vector_load %arg5[%get3A_2664, %get3A_2665, %get3A_2666] {strides = array<i32>} : memref<25x8x128xi32, #tpu.memory_space<vmem>>, vector<16xi32>,
      %and3A_2668 = arith.constant 1 : i32
      %and3A_2669 = vector.broadcast %and3A_2668 : i32 to vector<16xi32>
      %and3A_2670 = arith.andi %get3A_2667, %and3A_2669 : vector<16xi32>
      %shift_left3A_2671 = arith.constant 6 : i32
      %shift_left3A_2672 = vector.broadcast %shift_left3A_2671 : i32 to vector<16xi32>
      %shift_left3A_2673 = arith.shli %and3A_2670, %shift_left3A_2672 : vector<16xi32>
      %jit3A_2674 = arith.constant 8 : i32
      %div3A_2675 = arith.divsi %add3A_2499, %jit3A_2674 : i32
      %sign3A_2676 = arith.constant 0 : i32
      %sign3A_2677 = arith.cmpi sgt, %add3A_2499, %sign3A_2676 : i32
      %sign3A_2678 = arith.extui %sign3A_2677 : i1 to i32
      %sign3A_2679 = arith.constant 0 : i32
      %sign3A_2680 = arith.cmpi slt, %add3A_2499, %sign3A_2679 : i32
      %sign3A_2681 = arith.extui %sign3A_2680 : i1 to i32
      %sign3A_2682 = arith.subi %sign3A_2678, %sign3A_2681 : i32
      %sign3A_2683 = arith.constant 0 : i32
      %sign3A_2684 = arith.cmpi sgt, %jit3A_2674, %sign3A_2683 : i32
      %sign3A_2685 = arith.extui %sign3A_2684 : i1 to i32
      %sign3A_2686 = arith.constant 0 : i32
      %sign3A_2687 = arith.cmpi slt, %jit3A_2674, %sign3A_2686 : i32
      %sign3A_2688 = arith.extui %sign3A_2687 : i1 to i32
      %sign3A_2689 = arith.subi %sign3A_2685, %sign3A_2688 : i32
      %ne3A_2690 = arith.cmpi ne, %sign3A_2682, %sign3A_2689 : i32
      %rem3A_2691 = arith.remsi %add3A_2499, %jit3A_2674 : i32
      %ne3A_2692 = arith.constant 0 : i32
      %ne3A_2693 = arith.cmpi ne, %rem3A_2691, %ne3A_2692 : i32
      %and3A_2694 = arith.andi %ne3A_2690, %ne3A_2693 : i1
      %sub3A_2695 = arith.constant 1 : i32
      %sub3A_2696 = arith.subi %div3A_2675, %sub3A_2695 : i32
      %select_n3A_2697 = arith.select %and3A_2694, %sub3A_2696, %div3A_2675 : i32
      %jit3A_2698 = arith.constant 8 : i32
      %eq3A_2699 = arith.constant 0 : i32
      %eq3A_2700 = arith.cmpi eq, %jit3A_2698, %eq3A_2699 : i32
      %jit3A_2701 = arith.constant 1 : i32
      %select_n3A_2702 = arith.select %eq3A_2700, %jit3A_2701, %jit3A_2698 : i32
      %rem3A_2703 = arith.remsi %add3A_2499, %select_n3A_2702 : i32
      %ne3A_2704 = arith.constant 0 : i32
      %ne3A_2705 = arith.cmpi ne, %rem3A_2703, %ne3A_2704 : i32
      %lt3A_2706 = arith.constant 0 : i32
      %lt3A_2707 = arith.cmpi slt, %rem3A_2703, %lt3A_2706 : i32
      %lt3A_2708 = arith.constant 0 : i32
      %lt3A_2709 = arith.cmpi slt, %select_n3A_2702, %lt3A_2708 : i32
      %ne3A_2710 = arith.xori %lt3A_2707, %lt3A_2709 : i1
      %and3A_2711 = arith.andi %ne3A_2710, %ne3A_2705 : i1
      %add3A_2712 = arith.addi %rem3A_2703, %select_n3A_2702 : i32
      %select_n3A_2713 = arith.select %and3A_2711, %add3A_2712, %rem3A_2703 : i32
      %get3A_2714 = arith.index_cast %select_n3A_2697 : i32 to index
      %get3A_2715 = arith.index_cast %select_n3A_2713 : i32 to index
      %get3A_2716 = arith.constant 48 : index
      %get3A_2717 = tpu.vector_load %arg5[%get3A_2714, %get3A_2715, %get3A_2716] {strides = array<i32>} : memref<25x8x128xi32, #tpu.memory_space<vmem>>, vector<16xi32>,
      %and3A_2718 = arith.constant 1 : i32
      %and3A_2719 = vector.broadcast %and3A_2718 : i32 to vector<16xi32>
      %and3A_2720 = arith.andi %get3A_2717, %and3A_2719 : vector<16xi32>
      %shift_left3A_2721 = arith.constant 6 : i32
      %shift_left3A_2722 = vector.broadcast %shift_left3A_2721 : i32 to vector<16xi32>
      %shift_left3A_2723 = arith.shli %and3A_2720, %shift_left3A_2722 : vector<16xi32>
      %jit3A_2724 = arith.constant 8 : i32
      %div3A_2725 = arith.divsi %add3A_2499, %jit3A_2724 : i32
      %sign3A_2726 = arith.constant 0 : i32
      %sign3A_2727 = arith.cmpi sgt, %add3A_2499, %sign3A_2726 : i32
      %sign3A_2728 = arith.extui %sign3A_2727 : i1 to i32
      %sign3A_2729 = arith.constant 0 : i32
      %sign3A_2730 = arith.cmpi slt, %add3A_2499, %sign3A_2729 : i32
      %sign3A_2731 = arith.extui %sign3A_2730 : i1 to i32
      %sign3A_2732 = arith.subi %sign3A_2728, %sign3A_2731 : i32
      %sign3A_2733 = arith.constant 0 : i32
      %sign3A_2734 = arith.cmpi sgt, %jit3A_2724, %sign3A_2733 : i32
      %sign3A_2735 = arith.extui %sign3A_2734 : i1 to i32
      %sign3A_2736 = arith.constant 0 : i32
      %sign3A_2737 = arith.cmpi slt, %jit3A_2724, %sign3A_2736 : i32
      %sign3A_2738 = arith.extui %sign3A_2737 : i1 to i32
      %sign3A_2739 = arith.subi %sign3A_2735, %sign3A_2738 : i32
      %ne3A_2740 = arith.cmpi ne, %sign3A_2732, %sign3A_2739 : i32
      %rem3A_2741 = arith.remsi %add3A_2499, %jit3A_2724 : i32
      %ne3A_2742 = arith.constant 0 : i32
      %ne3A_2743 = arith.cmpi ne, %rem3A_2741, %ne3A_2742 : i32
      %and3A_2744 = arith.andi %ne3A_2740, %ne3A_2743 : i1
      %sub3A_2745 = arith.constant 1 : i32
      %sub3A_2746 = arith.subi %div3A_2725, %sub3A_2745 : i32
      %select_n3A_2747 = arith.select %and3A_2744, %sub3A_2746, %div3A_2725 : i32
      %jit3A_2748 = arith.constant 8 : i32
      %eq3A_2749 = arith.constant 0 : i32
      %eq3A_2750 = arith.cmpi eq, %jit3A_2748, %eq3A_2749 : i32
      %jit3A_2751 = arith.constant 1 : i32
      %select_n3A_2752 = arith.select %eq3A_2750, %jit3A_2751, %jit3A_2748 : i32
      %rem3A_2753 = arith.remsi %add3A_2499, %select_n3A_2752 : i32
      %ne3A_2754 = arith.constant 0 : i32
      %ne3A_2755 = arith.cmpi ne, %rem3A_2753, %ne3A_2754 : i32
      %lt3A_2756 = arith.constant 0 : i32
      %lt3A_2757 = arith.cmpi slt, %rem3A_2753, %lt3A_2756 : i32
      %lt3A_2758 = arith.constant 0 : i32
      %lt3A_2759 = arith.cmpi slt, %select_n3A_2752, %lt3A_2758 : i32
      %ne3A_2760 = arith.xori %lt3A_2757, %lt3A_2759 : i1
      %and3A_2761 = arith.andi %ne3A_2760, %ne3A_2755 : i1
      %add3A_2762 = arith.addi %rem3A_2753, %select_n3A_2752 : i32
      %select_n3A_2763 = arith.select %and3A_2761, %add3A_2762, %rem3A_2753 : i32
      %get3A_2764 = arith.index_cast %select_n3A_2747 : i32 to index
      %get3A_2765 = arith.index_cast %select_n3A_2763 : i32 to index
      %get3A_2766 = arith.constant 64 : index
      %get3A_2767 = tpu.vector_load %arg5[%get3A_2764, %get3A_2765, %get3A_2766] {strides = array<i32>} : memref<25x8x128xi32, #tpu.memory_space<vmem>>, vector<16xi32>,
      %and3A_2768 = arith.constant 1 : i32
      %and3A_2769 = vector.broadcast %and3A_2768 : i32 to vector<16xi32>
      %and3A_2770 = arith.andi %get3A_2767, %and3A_2769 : vector<16xi32>
      %shift_left3A_2771 = arith.constant 6 : i32
      %shift_left3A_2772 = vector.broadcast %shift_left3A_2771 : i32 to vector<16xi32>
      %shift_left3A_2773 = arith.shli %and3A_2770, %shift_left3A_2772 : vector<16xi32>
      %jit3A_2774 = arith.constant 8 : i32
      %div3A_2775 = arith.divsi %add3A_2499, %jit3A_2774 : i32
      %sign3A_2776 = arith.constant 0 : i32
      %sign3A_2777 = arith.cmpi sgt, %add3A_2499, %sign3A_2776 : i32
      %sign3A_2778 = arith.extui %sign3A_2777 : i1 to i32
      %sign3A_2779 = arith.constant 0 : i32
      %sign3A_2780 = arith.cmpi slt, %add3A_2499, %sign3A_2779 : i32
      %sign3A_2781 = arith.extui %sign3A_2780 : i1 to i32
      %sign3A_2782 = arith.subi %sign3A_2778, %sign3A_2781 : i32
      %sign3A_2783 = arith.constant 0 : i32
      %sign3A_2784 = arith.cmpi sgt, %jit3A_2774, %sign3A_2783 : i32
      %sign3A_2785 = arith.extui %sign3A_2784 : i1 to i32
      %sign3A_2786 = arith.constant 0 : i32
      %sign3A_2787 = arith.cmpi slt, %jit3A_2774, %sign3A_2786 : i32
      %sign3A_2788 = arith.extui %sign3A_2787 : i1 to i32
      %sign3A_2789 = arith.subi %sign3A_2785, %sign3A_2788 : i32
      %ne3A_2790 = arith.cmpi ne, %sign3A_2782, %sign3A_2789 : i32
      %rem3A_2791 = arith.remsi %add3A_2499, %jit3A_2774 : i32
      %ne3A_2792 = arith.constant 0 : i32
      %ne3A_2793 = arith.cmpi ne, %rem3A_2791, %ne3A_2792 : i32
      %and3A_2794 = arith.andi %ne3A_2790, %ne3A_2793 : i1
      %sub3A_2795 = arith.constant 1 : i32
      %sub3A_2796 = arith.subi %div3A_2775, %sub3A_2795 : i32
      %select_n3A_2797 = arith.select %and3A_2794, %sub3A_2796, %div3A_2775 : i32
      %jit3A_2798 = arith.constant 8 : i32
      %eq3A_2799 = arith.constant 0 : i32
      %eq3A_2800 = arith.cmpi eq, %jit3A_2798, %eq3A_2799 : i32
      %jit3A_2801 = arith.constant 1 : i32
      %select_n3A_2802 = arith.select %eq3A_2800, %jit3A_2801, %jit3A_2798 : i32
      %rem3A_2803 = arith.remsi %add3A_2499, %select_n3A_2802 : i32
      %ne3A_2804 = arith.constant 0 : i32
      %ne3A_2805 = arith.cmpi ne, %rem3A_2803, %ne3A_2804 : i32
      %lt3A_2806 = arith.constant 0 : i32
      %lt3A_2807 = arith.cmpi slt, %rem3A_2803, %lt3A_2806 : i32
      %lt3A_2808 = arith.constant 0 : i32
      %lt3A_2809 = arith.cmpi slt, %select_n3A_2802, %lt3A_2808 : i32
      %ne3A_2810 = arith.xori %lt3A_2807, %lt3A_2809 : i1
      %and3A_2811 = arith.andi %ne3A_2810, %ne3A_2805 : i1
      %add3A_2812 = arith.addi %rem3A_2803, %select_n3A_2802 : i32
      %select_n3A_2813 = arith.select %and3A_2811, %add3A_2812, %rem3A_2803 : i32
      %get3A_2814 = arith.index_cast %select_n3A_2797 : i32 to index
      %get3A_2815 = arith.index_cast %select_n3A_2813 : i32 to index
      %get3A_2816 = arith.constant 80 : index
      %get3A_2817 = tpu.vector_load %arg5[%get3A_2814, %get3A_2815, %get3A_2816] {strides = array<i32>} : memref<25x8x128xi32, #tpu.memory_space<vmem>>, vector<16xi32>,
      %and3A_2818 = arith.constant 1 : i32
      %and3A_2819 = vector.broadcast %and3A_2818 : i32 to vector<16xi32>
      %and3A_2820 = arith.andi %get3A_2817, %and3A_2819 : vector<16xi32>
      %shift_left3A_2821 = arith.constant 6 : i32
      %shift_left3A_2822 = vector.broadcast %shift_left3A_2821 : i32 to vector<16xi32>
      %shift_left3A_2823 = arith.shli %and3A_2820, %shift_left3A_2822 : vector<16xi32>
      %jit3A_2824 = arith.constant 8 : i32
      %div3A_2825 = arith.divsi %add3A_2499, %jit3A_2824 : i32
      %sign3A_2826 = arith.constant 0 : i32
      %sign3A_2827 = arith.cmpi sgt, %add3A_2499, %sign3A_2826 : i32
      %sign3A_2828 = arith.extui %sign3A_2827 : i1 to i32
      %sign3A_2829 = arith.constant 0 : i32
      %sign3A_2830 = arith.cmpi slt, %add3A_2499, %sign3A_2829 : i32
      %sign3A_2831 = arith.extui %sign3A_2830 : i1 to i32
      %sign3A_2832 = arith.subi %sign3A_2828, %sign3A_2831 : i32
      %sign3A_2833 = arith.constant 0 : i32
      %sign3A_2834 = arith.cmpi sgt, %jit3A_2824, %sign3A_2833 : i32
      %sign3A_2835 = arith.extui %sign3A_2834 : i1 to i32
      %sign3A_2836 = arith.constant 0 : i32
      %sign3A_2837 = arith.cmpi slt, %jit3A_2824, %sign3A_2836 : i32
      %sign3A_2838 = arith.extui %sign3A_2837 : i1 to i32
      %sign3A_2839 = arith.subi %sign3A_2835, %sign3A_2838 : i32
      %ne3A_2840 = arith.cmpi ne, %sign3A_2832, %sign3A_2839 : i32
      %rem3A_2841 = arith.remsi %add3A_2499, %jit3A_2824 : i32
      %ne3A_2842 = arith.constant 0 : i32
      %ne3A_2843 = arith.cmpi ne, %rem3A_2841, %ne3A_2842 : i32
      %and3A_2844 = arith.andi %ne3A_2840, %ne3A_2843 : i1
      %sub3A_2845 = arith.constant 1 : i32
      %sub3A_2846 = arith.subi %div3A_2825, %sub3A_2845 : i32
      %select_n3A_2847 = arith.select %and3A_2844, %sub3A_2846, %div3A_2825 : i32
      %jit3A_2848 = arith.constant 8 : i32
      %eq3A_2849 = arith.constant 0 : i32
      %eq3A_2850 = arith.cmpi eq, %jit3A_2848, %eq3A_2849 : i32
      %jit3A_2851 = arith.constant 1 : i32
      %select_n3A_2852 = arith.select %eq3A_2850, %jit3A_2851, %jit3A_2848 : i32
      %rem3A_2853 = arith.remsi %add3A_2499, %select_n3A_2852 : i32
      %ne3A_2854 = arith.constant 0 : i32
      %ne3A_2855 = arith.cmpi ne, %rem3A_2853, %ne3A_2854 : i32
      %lt3A_2856 = arith.constant 0 : i32
      %lt3A_2857 = arith.cmpi slt, %rem3A_2853, %lt3A_2856 : i32
      %lt3A_2858 = arith.constant 0 : i32
      %lt3A_2859 = arith.cmpi slt, %select_n3A_2852, %lt3A_2858 : i32
      %ne3A_2860 = arith.xori %lt3A_2857, %lt3A_2859 : i1
      %and3A_2861 = arith.andi %ne3A_2860, %ne3A_2855 : i1
      %add3A_2862 = arith.addi %rem3A_2853, %select_n3A_2852 : i32
      %select_n3A_2863 = arith.select %and3A_2861, %add3A_2862, %rem3A_2853 : i32
      %get3A_2864 = arith.index_cast %select_n3A_2847 : i32 to index
      %get3A_2865 = arith.index_cast %select_n3A_2863 : i32 to index
      %get3A_2866 = arith.constant 96 : index
      %get3A_2867 = tpu.vector_load %arg5[%get3A_2864, %get3A_2865, %get3A_2866] {strides = array<i32>} : memref<25x8x128xi32, #tpu.memory_space<vmem>>, vector<16xi32>,
      %and3A_2868 = arith.constant 1 : i32
      %and3A_2869 = vector.broadcast %and3A_2868 : i32 to vector<16xi32>
      %and3A_2870 = arith.andi %get3A_2867, %and3A_2869 : vector<16xi32>
      %shift_left3A_2871 = arith.constant 6 : i32
      %shift_left3A_2872 = vector.broadcast %shift_left3A_2871 : i32 to vector<16xi32>
      %shift_left3A_2873 = arith.shli %and3A_2870, %shift_left3A_2872 : vector<16xi32>
      %jit3A_2874 = arith.constant 8 : i32
      %div3A_2875 = arith.divsi %add3A_2499, %jit3A_2874 : i32
      %sign3A_2876 = arith.constant 0 : i32
      %sign3A_2877 = arith.cmpi sgt, %add3A_2499, %sign3A_2876 : i32
      %sign3A_2878 = arith.extui %sign3A_2877 : i1 to i32
      %sign3A_2879 = arith.constant 0 : i32
      %sign3A_2880 = arith.cmpi slt, %add3A_2499, %sign3A_2879 : i32
      %sign3A_2881 = arith.extui %sign3A_2880 : i1 to i32
      %sign3A_2882 = arith.subi %sign3A_2878, %sign3A_2881 : i32
      %sign3A_2883 = arith.constant 0 : i32
      %sign3A_2884 = arith.cmpi sgt, %jit3A_2874, %sign3A_2883 : i32
      %sign3A_2885 = arith.extui %sign3A_2884 : i1 to i32
      %sign3A_2886 = arith.constant 0 : i32
      %sign3A_2887 = arith.cmpi slt, %jit3A_2874, %sign3A_2886 : i32
      %sign3A_2888 = arith.extui %sign3A_2887 : i1 to i32
      %sign3A_2889 = arith.subi %sign3A_2885, %sign3A_2888 : i32
      %ne3A_2890 = arith.cmpi ne, %sign3A_2882, %sign3A_2889 : i32
      %rem3A_2891 = arith.remsi %add3A_2499, %jit3A_2874 : i32
      %ne3A_2892 = arith.constant 0 : i32
      %ne3A_2893 = arith.cmpi ne, %rem3A_2891, %ne3A_2892 : i32
      %and3A_2894 = arith.andi %ne3A_2890, %ne3A_2893 : i1
      %sub3A_2895 = arith.constant 1 : i32
      %sub3A_2896 = arith.subi %div3A_2875, %sub3A_2895 : i32
      %select_n3A_2897 = arith.select %and3A_2894, %sub3A_2896, %div3A_2875 : i32
      %jit3A_2898 = arith.constant 8 : i32
      %eq3A_2899 = arith.constant 0 : i32
      %eq3A_2900 = arith.cmpi eq, %jit3A_2898, %eq3A_2899 : i32
      %jit3A_2901 = arith.constant 1 : i32
      %select_n3A_2902 = arith.select %eq3A_2900, %jit3A_2901, %jit3A_2898 : i32
      %rem3A_2903 = arith.remsi %add3A_2499, %select_n3A_2902 : i32
      %ne3A_2904 = arith.constant 0 : i32
      %ne3A_2905 = arith.cmpi ne, %rem3A_2903, %ne3A_2904 : i32
      %lt3A_2906 = arith.constant 0 : i32
      %lt3A_2907 = arith.cmpi slt, %rem3A_2903, %lt3A_2906 : i32
      %lt3A_2908 = arith.constant 0 : i32
      %lt3A_2909 = arith.cmpi slt, %select_n3A_2902, %lt3A_2908 : i32
      %ne3A_2910 = arith.xori %lt3A_2907, %lt3A_2909 : i1
      %and3A_2911 = arith.andi %ne3A_2910, %ne3A_2905 : i1
      %add3A_2912 = arith.addi %rem3A_2903, %select_n3A_2902 : i32
      %select_n3A_2913 = arith.select %and3A_2911, %add3A_2912, %rem3A_2903 : i32
      %get3A_2914 = arith.index_cast %select_n3A_2897 : i32 to index
      %get3A_2915 = arith.index_cast %select_n3A_2913 : i32 to index
      %get3A_2916 = arith.constant 112 : index
      %get3A_2917 = tpu.vector_load %arg5[%get3A_2914, %get3A_2915, %get3A_2916] {strides = array<i32>} : memref<25x8x128xi32, #tpu.memory_space<vmem>>, vector<16xi32>,
      %and3A_2918 = arith.constant 1 : i32
      %and3A_2919 = vector.broadcast %and3A_2918 : i32 to vector<16xi32>
      %and3A_2920 = arith.andi %get3A_2917, %and3A_2919 : vector<16xi32>
      %shift_left3A_2921 = arith.constant 6 : i32
      %shift_left3A_2922 = vector.broadcast %shift_left3A_2921 : i32 to vector<16xi32>
      %shift_left3A_2923 = arith.shli %and3A_2920, %shift_left3A_2922 : vector<16xi32>
      %parallel_loop3A_2924 = arith.constant 0 : i32
      %parallel_loop3A_2925 = arith.constant 64 : i32
      %parallel_loop3A_2926 = arith.constant 1 : i32
      scf.for %parallel_loop3A_3028 = %parallel_loop3A_2924 to %parallel_loop3A_2925 step %parallel_loop3A_2926  : i32 {
        %parallel_loop3A_3029 = vector.broadcast %parallel_loop3A_3028 : i32 to vector<16xi32>
        %parallel_loop3A_3030 = arith.addi %shift_left3A_2573, %parallel_loop3A_3029 : vector<16xi32>
        %parallel_loop3A_3031 = arith.constant 1 : i32
        %parallel_loop3A_3032 = arith.constant 0 : i32
        %parallel_loop3A_3033 = arith.constant 0 : i32
        %parallel_loop3A_3034 = tpu.memref_slice %arg7[%parallel_loop3A_3031, %parallel_loop3A_3032, %parallel_loop3A_3033] : memref<2x128x129xf32, #tpu.memory_space<vmem>> -> memref<1x128x129xf32, #tpu.memory_space<vmem>>
        %parallel_loop3A_3035 = tpu.memref_squeeze %parallel_loop3A_3034 : memref<1x128x129xf32, #tpu.memory_space<vmem>> -> memref<128x129xf32, #tpu.memory_space<vmem>>
        %parallel_loop3A_3036 = tpu.vector_load_idx %parallel_loop3A_3035[%add3A_1793, %parallel_loop3A_3030] : memref<128x129xf32, #tpu.memory_space<vmem>>[vector<16xi32>, vector<16xi32>], vector<16xf32>,
        %parallel_loop3A_3037 = arith.constant 8.000000e+00 : f32
        %parallel_loop3A_3038 = vector.broadcast %parallel_loop3A_3037 : f32 to vector<16xf32>
        %parallel_loop3A_3039 = arith.mulf %parallel_loop3A_3036, %parallel_loop3A_3038 : vector<16xf32>
        %parallel_loop3A_3040 = arith.constant 1 : i32
        %parallel_loop3A_3041 = arith.index_cast %parallel_loop3A_3040 : i32 to index
        %parallel_loop3A_3042 = arith.index_cast %parallel_loop3A_3028 : i32 to index
        %parallel_loop3A_3043 = arith.constant 0 : index
        %parallel_loop3A_3044 = tpu.vector_load %arg8[%parallel_loop3A_3041, %parallel_loop3A_3042, %parallel_loop3A_3043] {strides = array<i32>} : memref<2x64x128xf32, #tpu.memory_space<vmem>>, vector<16xf32>,
        tpu.vector_store %arg8[%parallel_loop3A_3041, %parallel_loop3A_3042, %parallel_loop3A_3043], %parallel_loop3A_3039 {strides = array<i32>} : memref<2x64x128xf32, #tpu.memory_space<vmem>>, vector<16xf32>,
        %parallel_loop3A_3045 = vector.broadcast %parallel_loop3A_3028 : i32 to vector<16xi32>
        %parallel_loop3A_3046 = arith.addi %shift_left3A_2623, %parallel_loop3A_3045 : vector<16xi32>
        %parallel_loop3A_3047 = arith.constant 1 : i32
        %parallel_loop3A_3048 = arith.constant 0 : i32
        %parallel_loop3A_3049 = arith.constant 0 : i32
        %parallel_loop3A_3050 = tpu.memref_slice %arg7[%parallel_loop3A_3047, %parallel_loop3A_3048, %parallel_loop3A_3049] : memref<2x128x129xf32, #tpu.memory_space<vmem>> -> memref<1x128x129xf32, #tpu.memory_space<vmem>>
        %parallel_loop3A_3051 = tpu.memref_squeeze %parallel_loop3A_3050 : memref<1x128x129xf32, #tpu.memory_space<vmem>> -> memref<128x129xf32, #tpu.memory_space<vmem>>
        %parallel_loop3A_3052 = tpu.vector_load_idx %parallel_loop3A_3051[%add3A_1796, %parallel_loop3A_3046] : memref<128x129xf32, #tpu.memory_space<vmem>>[vector<16xi32>, vector<16xi32>], vector<16xf32>,
        %parallel_loop3A_3053 = arith.constant 8.000000e+00 : f32
        %parallel_loop3A_3054 = vector.broadcast %parallel_loop3A_3053 : f32 to vector<16xf32>
        %parallel_loop3A_3055 = arith.mulf %parallel_loop3A_3052, %parallel_loop3A_3054 : vector<16xf32>
        %parallel_loop3A_3056 = arith.constant 1 : i32
        %parallel_loop3A_3057 = arith.index_cast %parallel_loop3A_3056 : i32 to index
        %parallel_loop3A_3058 = arith.index_cast %parallel_loop3A_3028 : i32 to index
        %parallel_loop3A_3059 = arith.constant 16 : index
        %parallel_loop3A_3060 = tpu.vector_load %arg8[%parallel_loop3A_3057, %parallel_loop3A_3058, %parallel_loop3A_3059] {strides = array<i32>} : memref<2x64x128xf32, #tpu.memory_space<vmem>>, vector<16xf32>,
        tpu.vector_store %arg8[%parallel_loop3A_3057, %parallel_loop3A_3058, %parallel_loop3A_3059], %parallel_loop3A_3055 {strides = array<i32>} : memref<2x64x128xf32, #tpu.memory_space<vmem>>, vector<16xf32>,
        %parallel_loop3A_3061 = vector.broadcast %parallel_loop3A_3028 : i32 to vector<16xi32>
        %parallel_loop3A_3062 = arith.addi %shift_left3A_2673, %parallel_loop3A_3061 : vector<16xi32>
        %parallel_loop3A_3063 = arith.constant 1 : i32
        %parallel_loop3A_3064 = arith.constant 0 : i32
        %parallel_loop3A_3065 = arith.constant 0 : i32
        %parallel_loop3A_3066 = tpu.memref_slice %arg7[%parallel_loop3A_3063, %parallel_loop3A_3064, %parallel_loop3A_3065] : memref<2x128x129xf32, #tpu.memory_space<vmem>> -> memref<1x128x129xf32, #tpu.memory_space<vmem>>
        %parallel_loop3A_3067 = tpu.memref_squeeze %parallel_loop3A_3066 : memref<1x128x129xf32, #tpu.memory_space<vmem>> -> memref<128x129xf32, #tpu.memory_space<vmem>>
        %parallel_loop3A_3068 = tpu.vector_load_idx %parallel_loop3A_3067[%add3A_1799, %parallel_loop3A_3062] : memref<128x129xf32, #tpu.memory_space<vmem>>[vector<16xi32>, vector<16xi32>], vector<16xf32>,
        %parallel_loop3A_3069 = arith.constant 8.000000e+00 : f32
        %parallel_loop3A_3070 = vector.broadcast %parallel_loop3A_3069 : f32 to vector<16xf32>
        %parallel_loop3A_3071 = arith.mulf %parallel_loop3A_3068, %parallel_loop3A_3070 : vector<16xf32>
        %parallel_loop3A_3072 = arith.constant 1 : i32
        %parallel_loop3A_3073 = arith.index_cast %parallel_loop3A_3072 : i32 to index
        %parallel_loop3A_3074 = arith.index_cast %parallel_loop3A_3028 : i32 to index
        %parallel_loop3A_3075 = arith.constant 32 : index
        %parallel_loop3A_3076 = tpu.vector_load %arg8[%parallel_loop3A_3073, %parallel_loop3A_3074, %parallel_loop3A_3075] {strides = array<i32>} : memref<2x64x128xf32, #tpu.memory_space<vmem>>, vector<16xf32>,
        tpu.vector_store %arg8[%parallel_loop3A_3073, %parallel_loop3A_3074, %parallel_loop3A_3075], %parallel_loop3A_3071 {strides = array<i32>} : memref<2x64x128xf32, #tpu.memory_space<vmem>>, vector<16xf32>,
        %parallel_loop3A_3077 = vector.broadcast %parallel_loop3A_3028 : i32 to vector<16xi32>
        %parallel_loop3A_3078 = arith.addi %shift_left3A_2723, %parallel_loop3A_3077 : vector<16xi32>
        %parallel_loop3A_3079 = arith.constant 1 : i32
        %parallel_loop3A_3080 = arith.constant 0 : i32
        %parallel_loop3A_3081 = arith.constant 0 : i32
        %parallel_loop3A_3082 = tpu.memref_slice %arg7[%parallel_loop3A_3079, %parallel_loop3A_3080, %parallel_loop3A_3081] : memref<2x128x129xf32, #tpu.memory_space<vmem>> -> memref<1x128x129xf32, #tpu.memory_space<vmem>>
        %parallel_loop3A_3083 = tpu.memref_squeeze %parallel_loop3A_3082 : memref<1x128x129xf32, #tpu.memory_space<vmem>> -> memref<128x129xf32, #tpu.memory_space<vmem>>
        %parallel_loop3A_3084 = tpu.vector_load_idx %parallel_loop3A_3083[%add3A_1802, %parallel_loop3A_3078] : memref<128x129xf32, #tpu.memory_space<vmem>>[vector<16xi32>, vector<16xi32>], vector<16xf32>,
        %parallel_loop3A_3085 = arith.constant 8.000000e+00 : f32
        %parallel_loop3A_3086 = vector.broadcast %parallel_loop3A_3085 : f32 to vector<16xf32>
        %parallel_loop3A_3087 = arith.mulf %parallel_loop3A_3084, %parallel_loop3A_3086 : vector<16xf32>
        %parallel_loop3A_3088 = arith.constant 1 : i32
        %parallel_loop3A_3089 = arith.index_cast %parallel_loop3A_3088 : i32 to index
        %parallel_loop3A_3090 = arith.index_cast %parallel_loop3A_3028 : i32 to index
        %parallel_loop3A_3091 = arith.constant 48 : index
        %parallel_loop3A_3092 = tpu.vector_load %arg8[%parallel_loop3A_3089, %parallel_loop3A_3090, %parallel_loop3A_3091] {strides = array<i32>} : memref<2x64x128xf32, #tpu.memory_space<vmem>>, vector<16xf32>,
        tpu.vector_store %arg8[%parallel_loop3A_3089, %parallel_loop3A_3090, %parallel_loop3A_3091], %parallel_loop3A_3087 {strides = array<i32>} : memref<2x64x128xf32, #tpu.memory_space<vmem>>, vector<16xf32>,
        %parallel_loop3A_3093 = vector.broadcast %parallel_loop3A_3028 : i32 to vector<16xi32>
        %parallel_loop3A_3094 = arith.addi %shift_left3A_2773, %parallel_loop3A_3093 : vector<16xi32>
        %parallel_loop3A_3095 = arith.constant 1 : i32
        %parallel_loop3A_3096 = arith.constant 0 : i32
        %parallel_loop3A_3097 = arith.constant 0 : i32
        %parallel_loop3A_3098 = tpu.memref_slice %arg7[%parallel_loop3A_3095, %parallel_loop3A_3096, %parallel_loop3A_3097] : memref<2x128x129xf32, #tpu.memory_space<vmem>> -> memref<1x128x129xf32, #tpu.memory_space<vmem>>
        %parallel_loop3A_3099 = tpu.memref_squeeze %parallel_loop3A_3098 : memref<1x128x129xf32, #tpu.memory_space<vmem>> -> memref<128x129xf32, #tpu.memory_space<vmem>>
        %parallel_loop3A_3100 = tpu.vector_load_idx %parallel_loop3A_3099[%add3A_1805, %parallel_loop3A_3094] : memref<128x129xf32, #tpu.memory_space<vmem>>[vector<16xi32>, vector<16xi32>], vector<16xf32>,
        %parallel_loop3A_3101 = arith.constant 8.000000e+00 : f32
        %parallel_loop3A_3102 = vector.broadcast %parallel_loop3A_3101 : f32 to vector<16xf32>
        %parallel_loop3A_3103 = arith.mulf %parallel_loop3A_3100, %parallel_loop3A_3102 : vector<16xf32>
        %parallel_loop3A_3104 = arith.constant 1 : i32
        %parallel_loop3A_3105 = arith.index_cast %parallel_loop3A_3104 : i32 to index
        %parallel_loop3A_3106 = arith.index_cast %parallel_loop3A_3028 : i32 to index
        %parallel_loop3A_3107 = arith.constant 64 : index
        %parallel_loop3A_3108 = tpu.vector_load %arg8[%parallel_loop3A_3105, %parallel_loop3A_3106, %parallel_loop3A_3107] {strides = array<i32>} : memref<2x64x128xf32, #tpu.memory_space<vmem>>, vector<16xf32>,
        tpu.vector_store %arg8[%parallel_loop3A_3105, %parallel_loop3A_3106, %parallel_loop3A_3107], %parallel_loop3A_3103 {strides = array<i32>} : memref<2x64x128xf32, #tpu.memory_space<vmem>>, vector<16xf32>,
        %parallel_loop3A_3109 = vector.broadcast %parallel_loop3A_3028 : i32 to vector<16xi32>
        %parallel_loop3A_3110 = arith.addi %shift_left3A_2823, %parallel_loop3A_3109 : vector<16xi32>
        %parallel_loop3A_3111 = arith.constant 1 : i32
        %parallel_loop3A_3112 = arith.constant 0 : i32
        %parallel_loop3A_3113 = arith.constant 0 : i32
        %parallel_loop3A_3114 = tpu.memref_slice %arg7[%parallel_loop3A_3111, %parallel_loop3A_3112, %parallel_loop3A_3113] : memref<2x128x129xf32, #tpu.memory_space<vmem>> -> memref<1x128x129xf32, #tpu.memory_space<vmem>>
        %parallel_loop3A_3115 = tpu.memref_squeeze %parallel_loop3A_3114 : memref<1x128x129xf32, #tpu.memory_space<vmem>> -> memref<128x129xf32, #tpu.memory_space<vmem>>
        %parallel_loop3A_3116 = tpu.vector_load_idx %parallel_loop3A_3115[%add3A_1808, %parallel_loop3A_3110] : memref<128x129xf32, #tpu.memory_space<vmem>>[vector<16xi32>, vector<16xi32>], vector<16xf32>,
        %parallel_loop3A_3117 = arith.constant 8.000000e+00 : f32
        %parallel_loop3A_3118 = vector.broadcast %parallel_loop3A_3117 : f32 to vector<16xf32>
        %parallel_loop3A_3119 = arith.mulf %parallel_loop3A_3116, %parallel_loop3A_3118 : vector<16xf32>
        %parallel_loop3A_3120 = arith.constant 1 : i32
        %parallel_loop3A_3121 = arith.index_cast %parallel_loop3A_3120 : i32 to index
        %parallel_loop3A_3122 = arith.index_cast %parallel_loop3A_3028 : i32 to index
        %parallel_loop3A_3123 = arith.constant 80 : index
        %parallel_loop3A_3124 = tpu.vector_load %arg8[%parallel_loop3A_3121, %parallel_loop3A_3122, %parallel_loop3A_3123] {strides = array<i32>} : memref<2x64x128xf32, #tpu.memory_space<vmem>>, vector<16xf32>,
        tpu.vector_store %arg8[%parallel_loop3A_3121, %parallel_loop3A_3122, %parallel_loop3A_3123], %parallel_loop3A_3119 {strides = array<i32>} : memref<2x64x128xf32, #tpu.memory_space<vmem>>, vector<16xf32>,
        %parallel_loop3A_3125 = vector.broadcast %parallel_loop3A_3028 : i32 to vector<16xi32>
        %parallel_loop3A_3126 = arith.addi %shift_left3A_2873, %parallel_loop3A_3125 : vector<16xi32>
        %parallel_loop3A_3127 = arith.constant 1 : i32
        %parallel_loop3A_3128 = arith.constant 0 : i32
        %parallel_loop3A_3129 = arith.constant 0 : i32
        %parallel_loop3A_3130 = tpu.memref_slice %arg7[%parallel_loop3A_3127, %parallel_loop3A_3128, %parallel_loop3A_3129] : memref<2x128x129xf32, #tpu.memory_space<vmem>> -> memref<1x128x129xf32, #tpu.memory_space<vmem>>
        %parallel_loop3A_3131 = tpu.memref_squeeze %parallel_loop3A_3130 : memref<1x128x129xf32, #tpu.memory_space<vmem>> -> memref<128x129xf32, #tpu.memory_space<vmem>>
        %parallel_loop3A_3132 = tpu.vector_load_idx %parallel_loop3A_3131[%add3A_1811, %parallel_loop3A_3126] : memref<128x129xf32, #tpu.memory_space<vmem>>[vector<16xi32>, vector<16xi32>], vector<16xf32>,
        %parallel_loop3A_3133 = arith.constant 8.000000e+00 : f32
        %parallel_loop3A_3134 = vector.broadcast %parallel_loop3A_3133 : f32 to vector<16xf32>
        %parallel_loop3A_3135 = arith.mulf %parallel_loop3A_3132, %parallel_loop3A_3134 : vector<16xf32>
        %parallel_loop3A_3136 = arith.constant 1 : i32
        %parallel_loop3A_3137 = arith.index_cast %parallel_loop3A_3136 : i32 to index
        %parallel_loop3A_3138 = arith.index_cast %parallel_loop3A_3028 : i32 to index
        %parallel_loop3A_3139 = arith.constant 96 : index
        %parallel_loop3A_3140 = tpu.vector_load %arg8[%parallel_loop3A_3137, %parallel_loop3A_3138, %parallel_loop3A_3139] {strides = array<i32>} : memref<2x64x128xf32, #tpu.memory_space<vmem>>, vector<16xf32>,
        tpu.vector_store %arg8[%parallel_loop3A_3137, %parallel_loop3A_3138, %parallel_loop3A_3139], %parallel_loop3A_3135 {strides = array<i32>} : memref<2x64x128xf32, #tpu.memory_space<vmem>>, vector<16xf32>,
        %parallel_loop3A_3141 = vector.broadcast %parallel_loop3A_3028 : i32 to vector<16xi32>
        %parallel_loop3A_3142 = arith.addi %shift_left3A_2923, %parallel_loop3A_3141 : vector<16xi32>
        %parallel_loop3A_3143 = arith.constant 1 : i32
        %parallel_loop3A_3144 = arith.constant 0 : i32
        %parallel_loop3A_3145 = arith.constant 0 : i32
        %parallel_loop3A_3146 = tpu.memref_slice %arg7[%parallel_loop3A_3143, %parallel_loop3A_3144, %parallel_loop3A_3145] : memref<2x128x129xf32, #tpu.memory_space<vmem>> -> memref<1x128x129xf32, #tpu.memory_space<vmem>>
        %parallel_loop3A_3147 = tpu.memref_squeeze %parallel_loop3A_3146 : memref<1x128x129xf32, #tpu.memory_space<vmem>> -> memref<128x129xf32, #tpu.memory_space<vmem>>
        %parallel_loop3A_3148 = tpu.vector_load_idx %parallel_loop3A_3147[%add3A_1814, %parallel_loop3A_3142] : memref<128x129xf32, #tpu.memory_space<vmem>>[vector<16xi32>, vector<16xi32>], vector<16xf32>,
        %parallel_loop3A_3149 = arith.constant 8.000000e+00 : f32
        %parallel_loop3A_3150 = vector.broadcast %parallel_loop3A_3149 : f32 to vector<16xf32>
        %parallel_loop3A_3151 = arith.mulf %parallel_loop3A_3148, %parallel_loop3A_3150 : vector<16xf32>
        %parallel_loop3A_3152 = arith.constant 1 : i32
        %parallel_loop3A_3153 = arith.index_cast %parallel_loop3A_3152 : i32 to index
        %parallel_loop3A_3154 = arith.index_cast %parallel_loop3A_3028 : i32 to index
        %parallel_loop3A_3155 = arith.constant 112 : index
        %parallel_loop3A_3156 = tpu.vector_load %arg8[%parallel_loop3A_3153, %parallel_loop3A_3154, %parallel_loop3A_3155] {strides = array<i32>} : memref<2x64x128xf32, #tpu.memory_space<vmem>>, vector<16xf32>,
        tpu.vector_store %arg8[%parallel_loop3A_3153, %parallel_loop3A_3154, %parallel_loop3A_3155], %parallel_loop3A_3151 {strides = array<i32>} : memref<2x64x128xf32, #tpu.memory_space<vmem>>, vector<16xf32>,
      } {sc.loop_unroll_factor = 4 : i64, sc.parallel_access}
      %jit3A_2927 = arith.constant 8 : i32
      %div3A_2928 = arith.divsi %add3A_2499, %jit3A_2927 : i32
      %sign3A_2929 = arith.constant 0 : i32
      %sign3A_2930 = arith.cmpi sgt, %add3A_2499, %sign3A_2929 : i32
      %sign3A_2931 = arith.extui %sign3A_2930 : i1 to i32
      %sign3A_2932 = arith.constant 0 : i32
      %sign3A_2933 = arith.cmpi slt, %add3A_2499, %sign3A_2932 : i32
      %sign3A_2934 = arith.extui %sign3A_2933 : i1 to i32
      %sign3A_2935 = arith.subi %sign3A_2931, %sign3A_2934 : i32
      %sign3A_2936 = arith.constant 0 : i32
      %sign3A_2937 = arith.cmpi sgt, %jit3A_2927, %sign3A_2936 : i32
      %sign3A_2938 = arith.extui %sign3A_2937 : i1 to i32
      %sign3A_2939 = arith.constant 0 : i32
      %sign3A_2940 = arith.cmpi slt, %jit3A_2927, %sign3A_2939 : i32
      %sign3A_2941 = arith.extui %sign3A_2940 : i1 to i32
      %sign3A_2942 = arith.subi %sign3A_2938, %sign3A_2941 : i32
      %ne3A_2943 = arith.cmpi ne, %sign3A_2935, %sign3A_2942 : i32
      %rem3A_2944 = arith.remsi %add3A_2499, %jit3A_2927 : i32
      %ne3A_2945 = arith.constant 0 : i32
      %ne3A_2946 = arith.cmpi ne, %rem3A_2944, %ne3A_2945 : i32
      %and3A_2947 = arith.andi %ne3A_2943, %ne3A_2946 : i1
      %sub3A_2948 = arith.constant 1 : i32
      %sub3A_2949 = arith.subi %div3A_2928, %sub3A_2948 : i32
      %select_n3A_2950 = arith.select %and3A_2947, %sub3A_2949, %div3A_2928 : i32
      %add3A_2951 = arith.addi %mul3A_2, %select_n3A_2950 : i32
      %jit3A_2952 = arith.constant 32 : i32
      %div3A_2953 = arith.divsi %add3A_2951, %jit3A_2952 : i32
      %sign3A_2954 = arith.constant 0 : i32
      %sign3A_2955 = arith.cmpi sgt, %add3A_2951, %sign3A_2954 : i32
      %sign3A_2956 = arith.extui %sign3A_2955 : i1 to i32
      %sign3A_2957 = arith.constant 0 : i32
      %sign3A_2958 = arith.cmpi slt, %add3A_2951, %sign3A_2957 : i32
      %sign3A_2959 = arith.extui %sign3A_2958 : i1 to i32
      %sign3A_2960 = arith.subi %sign3A_2956, %sign3A_2959 : i32
      %sign3A_2961 = arith.constant 0 : i32
      %sign3A_2962 = arith.cmpi sgt, %jit3A_2952, %sign3A_2961 : i32
      %sign3A_2963 = arith.extui %sign3A_2962 : i1 to i32
      %sign3A_2964 = arith.constant 0 : i32
      %sign3A_2965 = arith.cmpi slt, %jit3A_2952, %sign3A_2964 : i32
      %sign3A_2966 = arith.extui %sign3A_2965 : i1 to i32
      %sign3A_2967 = arith.subi %sign3A_2963, %sign3A_2966 : i32
      %ne3A_2968 = arith.cmpi ne, %sign3A_2960, %sign3A_2967 : i32
      %rem3A_2969 = arith.remsi %add3A_2951, %jit3A_2952 : i32
      %ne3A_2970 = arith.constant 0 : i32
      %ne3A_2971 = arith.cmpi ne, %rem3A_2969, %ne3A_2970 : i32
      %and3A_2972 = arith.andi %ne3A_2968, %ne3A_2971 : i1
      %sub3A_2973 = arith.constant 1 : i32
      %sub3A_2974 = arith.subi %div3A_2953, %sub3A_2973 : i32
      %select_n3A_2975 = arith.select %and3A_2972, %sub3A_2974, %div3A_2953 : i32
      %mul3A_2976 = arith.constant 8 : i32
      %mul3A_2977 = arith.muli %select_n3A_2975, %mul3A_2976 : i32
      %jit3A_2978 = arith.constant 8 : i32
      %eq3A_2979 = arith.constant 0 : i32
      %eq3A_2980 = arith.cmpi eq, %jit3A_2978, %eq3A_2979 : i32
      %jit3A_2981 = arith.constant 1 : i32
      %select_n3A_2982 = arith.select %eq3A_2980, %jit3A_2981, %jit3A_2978 : i32
      %rem3A_2983 = arith.remsi %add3A_2499, %select_n3A_2982 : i32
      %ne3A_2984 = arith.constant 0 : i32
      %ne3A_2985 = arith.cmpi ne, %rem3A_2983, %ne3A_2984 : i32
      %lt3A_2986 = arith.constant 0 : i32
      %lt3A_2987 = arith.cmpi slt, %rem3A_2983, %lt3A_2986 : i32
      %lt3A_2988 = arith.constant 0 : i32
      %lt3A_2989 = arith.cmpi slt, %select_n3A_2982, %lt3A_2988 : i32
      %ne3A_2990 = arith.xori %lt3A_2987, %lt3A_2989 : i1
      %and3A_2991 = arith.andi %ne3A_2990, %ne3A_2985 : i1
      %add3A_2992 = arith.addi %rem3A_2983, %select_n3A_2982 : i32
      %select_n3A_2993 = arith.select %and3A_2991, %add3A_2992, %rem3A_2983 : i32
      %add3A_2994 = arith.addi %mul3A_2977, %select_n3A_2993 : i32
      %jit3A_2995 = arith.constant 32 : i32
      %eq3A_2996 = arith.constant 0 : i32
      %eq3A_2997 = arith.cmpi eq, %jit3A_2995, %eq3A_2996 : i32
      %jit3A_2998 = arith.constant 1 : i32
      %select_n3A_2999 = arith.select %eq3A_2997, %jit3A_2998, %jit3A_2995 : i32
      %rem3A_3000 = arith.remsi %add3A_2951, %select_n3A_2999 : i32
      %ne3A_3001 = arith.constant 0 : i32
      %ne3A_3002 = arith.cmpi ne, %rem3A_3000, %ne3A_3001 : i32
      %lt3A_3003 = arith.constant 0 : i32
      %lt3A_3004 = arith.cmpi slt, %rem3A_3000, %lt3A_3003 : i32
      %lt3A_3005 = arith.constant 0 : i32
      %lt3A_3006 = arith.cmpi slt, %select_n3A_2999, %lt3A_3005 : i32
      %ne3A_3007 = arith.xori %lt3A_3004, %lt3A_3006 : i1
      %and3A_3008 = arith.andi %ne3A_3007, %ne3A_3002 : i1
      %add3A_3009 = arith.addi %rem3A_3000, %select_n3A_2999 : i32
      %select_n3A_3010 = arith.select %and3A_3008, %add3A_3009, %rem3A_3000 : i32
      %mul3A_3011 = arith.constant 128 : i32
      %mul3A_3012 = arith.muli %select_n3A_3010, %mul3A_3011 : i32
      %dma_start3A_3013 = arith.constant 1 : i32
      %dma_start3A_3014 = arith.constant 0 : i32
      %dma_start3A_3015 = arith.constant 0 : i32
      %dma_start3A_3016 = tpu.memref_slice %arg8[%dma_start3A_3013, %dma_start3A_3014, %dma_start3A_3015] : memref<2x64x128xf32, #tpu.memory_space<vmem>> -> memref<1x64x128xf32, #tpu.memory_space<vmem>>
      %dma_start3A_3017 = tpu.memref_squeeze %dma_start3A_3016 : memref<1x64x128xf32, #tpu.memory_space<vmem>> -> memref<64x128xf32, #tpu.memory_space<vmem>>
      %dma_start3A_3018 = arith.constant 0 : i32
      %dma_start3A_3019 = tpu.memref_slice %arg4[%add3A_2994, %dma_start3A_3018, %mul3A_3012] : memref<200x64x4096xf32, #tpu.memory_space<hbm>> -> memref<1x64x128xf32, #tpu.memory_space<hbm>>
      %dma_start3A_3020 = tpu.memref_squeeze %dma_start3A_3019 : memref<1x64x128xf32, #tpu.memory_space<hbm>> -> memref<64x128xf32, #tpu.memory_space<hbm>>
      %dma_start3A_3021 = arith.constant 0 : i32
      %dma_start3A_3022 = tpu.memref_slice %arg4[%add3A_2994, %dma_start3A_3021, %mul3A_3012] : memref<200x64x4096xf32, #tpu.memory_space<hbm>> -> memref<1x64x128xf32, #tpu.memory_space<hbm>>
      %dma_start3A_3023 = tpu.memref_squeeze %dma_start3A_3022 : memref<1x64x128xf32, #tpu.memory_space<hbm>> -> memref<64x128xf32, #tpu.memory_space<hbm>>
      %dma_start3A_3024 = arith.constant 0 : i32
      %dma_start3A_3025 = arith.constant 0 : i32
      %dma_start3A_3026 = tpu.memref_slice %arg8[%dma_start3A_3013, %dma_start3A_3024, %dma_start3A_3025] : memref<2x64x128xf32, #tpu.memory_space<vmem>> -> memref<1x64x128xf32, #tpu.memory_space<vmem>>
      %dma_start3A_3027 = tpu.memref_squeeze %dma_start3A_3026 : memref<1x64x128xf32, #tpu.memory_space<vmem>> -> memref<64x128xf32, #tpu.memory_space<vmem>>
      tpu.enqueue_dma source(%dma_start3A_3027 : memref<64x128xf32, #tpu.memory_space<vmem>>) target(%dma_start3A_3023 : memref<64x128xf32, #tpu.memory_space<hbm>>) target_semaphore(%arg13 : memref<!tpu.dma_semaphore, #tpu.memory_space<semaphore_mem>>)
    }
    %scan3A_1931 = arith.constant 100 : i32
    %dma_wait3A_1932 = arith.constant 0 : i32
    %dma_wait3A_1933 = arith.constant 0 : i32
    %dma_wait3A_1934 = arith.constant 0 : i32
    %dma_wait3A_1935 = arith.constant 0 : i32
    %dma_wait3A_1936 = tpu.memref_slice %arg8[%dma_wait3A_1932, %dma_wait3A_1934, %dma_wait3A_1935] : memref<2x64x128xf32, #tpu.memory_space<vmem>> -> memref<1x64x128xf32, #tpu.memory_space<vmem>>
    %dma_wait3A_1937 = tpu.memref_squeeze %dma_wait3A_1936 : memref<1x64x128xf32, #tpu.memory_space<vmem>> -> memref<64x128xf32, #tpu.memory_space<vmem>>
    %dma_wait3A_1938 = arith.constant 0 : i32
    %dma_wait3A_1939 = arith.constant 0 : i32
    %dma_wait3A_1940 = tpu.memref_slice %arg4[%dma_wait3A_1933, %dma_wait3A_1938, %dma_wait3A_1939] : memref<200x64x4096xf32, #tpu.memory_space<hbm>> -> memref<1x64x128xf32, #tpu.memory_space<hbm>>
    %dma_wait3A_1941 = tpu.memref_squeeze %dma_wait3A_1940 : memref<1x64x128xf32, #tpu.memory_space<hbm>> -> memref<64x128xf32, #tpu.memory_space<hbm>>
    %dma_wait3A_1942 = arith.constant 0 : i32
    %dma_wait3A_1943 = arith.constant 0 : i32
    %dma_wait3A_1944 = tpu.memref_slice %arg4[%dma_wait3A_1933, %dma_wait3A_1942, %dma_wait3A_1943] : memref<200x64x4096xf32, #tpu.memory_space<hbm>> -> memref<1x64x128xf32, #tpu.memory_space<hbm>>
    %dma_wait3A_1945 = tpu.memref_squeeze %dma_wait3A_1944 : memref<1x64x128xf32, #tpu.memory_space<hbm>> -> memref<64x128xf32, #tpu.memory_space<hbm>>
    %dma_wait3A_1946 = arith.constant 0 : i32
    %dma_wait3A_1947 = arith.constant 0 : i32
    %dma_wait3A_1948 = tpu.memref_slice %arg8[%dma_wait3A_1932, %dma_wait3A_1946, %dma_wait3A_1947] : memref<2x64x128xf32, #tpu.memory_space<vmem>> -> memref<1x64x128xf32, #tpu.memory_space<vmem>>
    %dma_wait3A_1949 = tpu.memref_squeeze %dma_wait3A_1948 : memref<1x64x128xf32, #tpu.memory_space<vmem>> -> memref<64x128xf32, #tpu.memory_space<vmem>>
    tpu.wait_dma2 semaphore(%arg12 : memref<!tpu.dma_semaphore, #tpu.memory_space<semaphore_mem>>) src(%dma_wait3A_1949 : memref<64x128xf32, #tpu.memory_space<vmem>>) dst(%dma_wait3A_1945 : memref<64x128xf32, #tpu.memory_space<hbm>>)
    %dma_wait3A_1950 = arith.constant 1 : i32
    %dma_wait3A_1951 = arith.constant 0 : i32
    %dma_wait3A_1952 = arith.constant 0 : i32
    %dma_wait3A_1953 = arith.constant 0 : i32
    %dma_wait3A_1954 = tpu.memref_slice %arg8[%dma_wait3A_1950, %dma_wait3A_1952, %dma_wait3A_1953] : memref<2x64x128xf32, #tpu.memory_space<vmem>> -> memref<1x64x128xf32, #tpu.memory_space<vmem>>
    %dma_wait3A_1955 = tpu.memref_squeeze %dma_wait3A_1954 : memref<1x64x128xf32, #tpu.memory_space<vmem>> -> memref<64x128xf32, #tpu.memory_space<vmem>>
    %dma_wait3A_1956 = arith.constant 0 : i32
    %dma_wait3A_1957 = arith.constant 0 : i32
    %dma_wait3A_1958 = tpu.memref_slice %arg4[%dma_wait3A_1951, %dma_wait3A_1956, %dma_wait3A_1957] : memref<200x64x4096xf32, #tpu.memory_space<hbm>> -> memref<1x64x128xf32, #tpu.memory_space<hbm>>
    %dma_wait3A_1959 = tpu.memref_squeeze %dma_wait3A_1958 : memref<1x64x128xf32, #tpu.memory_space<hbm>> -> memref<64x128xf32, #tpu.memory_space<hbm>>
    %dma_wait3A_1960 = arith.constant 0 : i32
    %dma_wait3A_1961 = arith.constant 0 : i32
    %dma_wait3A_1962 = tpu.memref_slice %arg4[%dma_wait3A_1951, %dma_wait3A_1960, %dma_wait3A_1961] : memref<200x64x4096xf32, #tpu.memory_space<hbm>> -> memref<1x64x128xf32, #tpu.memory_space<hbm>>
    %dma_wait3A_1963 = tpu.memref_squeeze %dma_wait3A_1962 : memref<1x64x128xf32, #tpu.memory_space<hbm>> -> memref<64x128xf32, #tpu.memory_space<hbm>>
    %dma_wait3A_1964 = arith.constant 0 : i32
    %dma_wait3A_1965 = arith.constant 0 : i32
    %dma_wait3A_1966 = tpu.memref_slice %arg8[%dma_wait3A_1950, %dma_wait3A_1964, %dma_wait3A_1965] : memref<2x64x128xf32, #tpu.memory_space<vmem>> -> memref<1x64x128xf32, #tpu.memory_space<vmem>>
    %dma_wait3A_1967 = tpu.memref_squeeze %dma_wait3A_1966 : memref<1x64x128xf32, #tpu.memory_space<vmem>> -> memref<64x128xf32, #tpu.memory_space<vmem>>
    tpu.wait_dma2 semaphore(%arg13 : memref<!tpu.dma_semaphore, #tpu.memory_space<semaphore_mem>>) src(%dma_wait3A_1967 : memref<64x128xf32, #tpu.memory_space<vmem>>) dst(%dma_wait3A_1963 : memref<64x128xf32, #tpu.memory_space<hbm>>)
    return
  }
}

</mosaic_0001>

<sc_bundles>
// kernel: kernel.3.cloned.1.call-start
scs
__scs_entry_jumppad:
0x0: {  	(pc) =	sbr.rel $0x88, $3  }
0x1: {  	(tag) =	ssettag $0x0;
	lr =	simm.s32 $0x1  }
0x2: {  	[smem:$0x3F9F] =	sst lr;
	_ =	strace $0xD0000000  }
0x3: {  	_ = 	snop  }
0x4: {  	_ = 	snop  }
0x5: {  	_ = 	snop  }
0x6: {  	_ = 	snop  }
0x7: {  	_ = 	snop  }
__scs_overlays_trampoline_lowered:
0x8: {  	[smem:$0x3FAE] =	sst s0  }
0x9: {  	[smem:$0x3FAF] =	sst s1  }
0xa: {  	[smem:$0x3FB0] =	sst s2  }
0xb: {  	[smem:$0x3FB1] =	sst s3  }
0xc: {  	[smem:$0x3FB2] =	sst s4  }
0xd: {  	[smem:$0x3FB3] =	sst s5  }
0xe: {  	[smem:$0x3FB4] =	sst s6  }
0xf: {  	[smem:$0x3FB5] =	sst s7  }
0x10: {  	[smem:$0x3FB6] =	sst s8  }
0x11: {  	[smem:$0x3FB7] =	sst s9;
	s0 =	simm.s32 @!p0 $0x0  }
0x12: {  	s1 =	sld [smem:$0x3F9D];
	s0 =	simm.s32 @p0 $0x1  }
0x13: {  	[smem:$0x3FB8] =	sst s0;
	s0 =	simm.s32 @!p1 $0x0  }
0x14: {  	s2 =	sld [smem:$0x3F9C];
	s0 =	simm.s32 @p1 $0x1  }
0x15: {  	[smem:$0x3FB9] =	sst s0;
	s0 =	simm.s32 @!p2 $0x0  }
0x16: {  	s3 =	sld [smem:$0x3FDB];
	s0 =	simm.s32 @p2 $0x1  }
0x17: {  	s4 =	simm.s32 $0x1BF5;
	[smem:$0x3FBB] =	sst s0  }
0x18: {  	s0 =	sld [smem:$0x3F9E];
	_ =	swait.ge [sflag:s4], $0x0  }
0x19: {  	s7 =	sld [smem:$0x3F9F]  }
0x1a: {  	s8 =	sadd.s32 $0xFFFFE003, lr  }
0x1b: {  	s9 =	sadd.s32 $0xFFFFFEF7, lr;
	s5 =	simm.s32 $0xFFFFFFFF;
	p2 =	slt.u32 s8, $0xFFFFF086  }
0x1c: {  	p1 =	slt.u32 s9, $0xF7A;
	s5 =	simm.s32 @!p2 $0x0  }
0x1d: {  	s5 =	simm.s32 @p1 $0x1;
	p0 =	seq.s32 s7, s2  }
0x1e: {  	s7 =	smul.u32 @!p0 $0xF7A, s2;
	p2 =	seq.s32 @!p0 s5, $0x0  }
0x1f: {  	s9 =	smul.u32 $0xF7A, s1;
	s8 =	simm.s32 @!p0 $0x1BF5;
	p2 =	por !p2, p0  }
0x20: {  	[sflag:s8] =	ssyncset.s32 @!p0 $0xFFFFF086;
	s6 =	sadd.s32 @!p0 s3, s7;
	s7 =	simm.s32 @!p0 $0x108  }
0x21: {  	s3 =	sadd.s32 s3, s9;
	s6 =	sadd.s32 @!p0 $0x88, s6;
	s7 =	simm.s32 @p2 $0x1082  }
0x22: {  	[simem:s7], [sflag:s8] =	dma.local @!p0 [hbm:s6], $0xF7A  }
0x23: {  	s9 =	sor.u32 $0xD0000000, s2;
	s6 =	simm.s32 $0x108;
	_ =	swait.ge @!p0 [sflag:s8], $0x0  }
0x24: {  	s3 =	sadd.s32 $0x88, s3;
	s6 =	simm.s32 @!p1 $0x1082;
	[sflag:s4] =	ssyncset.s32 $0xFFFFF086  }
0x25: {  	[simem:s6], [sflag:s4] =	dma.local [hbm:s3], $0xF7A  }
0x26: {  	[smem:$0x3F9F] =	sst s1;
	(tag) =	ssettag s2;
	_ =	strace s9  }
0x27: {  	s1 =	sld [smem:$0x3FAF]  }
0x28: {  	s2 =	sld [smem:$0x3FB0]  }
0x29: {  	s4 =	sld [smem:$0x3FB2]  }
0x2a: {  	p0 =	seq.s32 s5, $0x0;
	s5 =	sld [smem:$0x3FB3]  }
0x2b: {  	s6 =	sld [smem:$0x3FB4]  }
0x2c: {  	s7 =	sld [smem:$0x3FB5]  }
0x2d: {  	s3 =	simm.s32 $0x108;
	s8 =	sld [smem:$0x3FB6]  }
0x2e: {  	s3 =	simm.s32 @!p0 $0x1082;
	s9 =	sld [smem:$0x3FB7]  }
0x2f: {  	lr =	sadd.s32 s0, s3;
	s0 =	sld [smem:$0x3FAE]  }
0x30: {  	s3 =	sld [smem:$0x3FB1]  }
0x31: {  	[smem:$0x3FBA] =	sst s10  }
0x32: {  	s10 =	sld [smem:$0x3FB8];
	_ =	sdelay $0x3  }
0x33: {  	p0 =	seq.s32 s10, $0x1;
	s10 =	sld [smem:$0x3FBA];
	_ =	sdelay $0x3  }
0x34: {  	[smem:$0x3FBA] =	sst s10  }
0x35: {  	s10 =	sld [smem:$0x3FB9];
	_ =	sdelay $0x3  }
0x36: {  	p1 =	seq.s32 s10, $0x1;
	s10 =	sld [smem:$0x3FBA];
	_ =	sdelay $0x3  }
0x37: {  	[smem:$0x3FBA] =	sst s10  }
0x38: {  	s10 =	sld [smem:$0x3FBB]  }
0x39: {  	_ = 	snop;
	(pc) =	sbr.ind lr, $3  }
0x3a: {  	_ = 	snop  }
0x3b: {  	_ = 	snop  }
0x3c: {  	p2 =	seq.s32 s10, $0x1;
	s10 =	sld [smem:$0x3FBA]  }
0x3d: {  	_ =	shalt  }
0x3e: {  	_ =	shalt  }
0x3f: {  	_ =	shalt  }
0x40: {  	_ =	shalt  }
0x41: {  	_ =	shalt  }
0x42: {  	_ =	shalt  }
0x43: {  	_ =	shalt  }
0x44: {  	_ =	shalt  }
0x45: {  	_ =	shalt  }
0x46: {  	_ =	shalt  }
0x47: {  	_ =	shalt  }
0x48: {  	_ =	shalt  }
0x49: {  	_ =	shalt  }
0x4a: {  	_ =	shalt  }
0x4b: {  	_ =	shalt  }
0x4c: {  	_ =	shalt  }
0x4d: {  	_ =	shalt  }
0x4e: {  	_ =	shalt  }
0x4f: {  	_ =	shalt  }
0x50: {  	_ =	shalt  }
0x51: {  	_ =	shalt  }
0x52: {  	_ =	shalt  }
0x53: {  	_ =	shalt  }
0x54: {  	_ =	shalt  }
0x55: {  	_ =	shalt  }
0x56: {  	_ =	shalt  }
0x57: {  	_ =	shalt  }
0x58: {  	_ =	shalt  }
0x59: {  	_ =	shalt  }
0x5a: {  	_ =	shalt  }
0x5b: {  	_ =	shalt  }
0x5c: {  	_ =	shalt  }
0x5d: {  	_ =	shalt  }
0x5e: {  	_ =	shalt  }
0x5f: {  	_ =	shalt  }
0x60: {  	_ =	shalt  }
0x61: {  	_ =	shalt  }
0x62: {  	_ =	shalt  }
0x63: {  	_ =	shalt  }
0x64: {  	_ =	shalt  }
0x65: {  	_ =	shalt  }
0x66: {  	_ =	shalt  }
0x67: {  	_ =	shalt  }
0x68: {  	_ =	shalt  }
0x69: {  	_ =	shalt  }
0x6a: {  	_ =	shalt  }
0x6b: {  	_ =	shalt  }
0x6c: {  	_ =	shalt  }
0x6d: {  	_ =	shalt  }
0x6e: {  	_ =	shalt  }
0x6f: {  	_ =	shalt  }
0x70: {  	_ =	shalt  }
0x71: {  	_ =	shalt  }
0x72: {  	_ =	shalt  }
0x73: {  	_ =	shalt  }
0x74: {  	_ =	shalt  }
0x75: {  	_ =	shalt  }
0x76: {  	_ =	shalt  }
0x77: {  	_ =	shalt  }
0x78: {  	_ =	shalt  }
0x79: {  	_ =	shalt  }
0x7a: {  	_ =	shalt  }
0x7b: {  	_ =	shalt  }
0x7c: {  	_ =	shalt  }
0x7d: {  	_ =	shalt  }
0x7e: {  	_ =	shalt  }
0x7f: {  	_ =	shalt  }
0x80: {  	_ =	shalt  }
0x81: {  	_ =	shalt  }
0x82: {  	_ =	shalt  }
0x83: {  	_ =	shalt  }
0x84: {  	_ =	shalt  }
0x85: {  	_ =	shalt  }
0x86: {  	_ =	shalt  }
0x87: {  	_ =	shalt  }
.Lfunc_end0:
.L_simem_size_0:
called_computation_lowered:
.L_overlay_start_0:
0x88: {  	s2 =	sld [smem:$0x3FD9]  }
0x89: {  	s3 =	sld [smem:$0x3FFE];
	_ =	sdelay $0x1  }
0x8a: {  	s1 =	srdreg.scid  }
0x8b: {  	s0 =	sand.u32 $0x1, s1  }
0x8c: {  	s17 =	sshll.u32 s0, $0xA;
	s2 =	sadd.s32 s3, s2  }
0x8d: {  	s2 =	sadd.s32 s2, s17  }
0x8e: {  	[smem:$0x3FC6] =	sst s2  }
0x8f: {  	_ = 	snop  }
0x90: {  	s2 =	sld [smem:$0x3FC9]  }
0x91: {  	s18 =	sld [smem:$0x3FD0];
	(tm) =	ssettm $0x1  }
0x92: {  	s4 =	sld [smem:$0x3FFB];
	_ =	sdelay $0x3  }
0x93: {  	_ =	strace s4  }
0x94: {  	s4 =	sld [smem:$0x3FFC];
	_ =	sdelay $0x3  }
0x95: {  	_ =	strace s4  }
0x96: {  	s4 =	sld [smem:$0x3FFD];
	_ =	sdelay $0x3  }
0x97: {  	_ =	strace s4  }
0x98: {  	_ =	strace $0x8FFFFFFF  }
0x99: {  	s19 =	sld [smem:$0x3FDB];
	_ =	sdelay $0x1  }
0x9a: {  	s5 =	simm.s32 $_scs_section_size  }
0x9b: {  	s6 =	simm.s32 $_size__tile_overlayer_lowered;
	s7 =	simm.s32 $_tile_overlayer_lowered  }
0x9c: {  	s22 =	simm.s32 $0x1BFF;
	s21 =	sshll.u32 s7, $0x1;
	s4 =	sadd.s32 s5, s19  }
0x9d: {  	s8 =	simm.s32 $0x0;
	s20 =	sshll.u32 s6, $0x1;
	s6 =	sadd.s32 s21, s4  }
0x9e: {  	[timem:s8], [sflag:s22] =	dma.local [hbm:s6], s20  }
0x9f: {  	_ =	swait.ge [sflag:s22], s20  }
0xa0: {  	s5 =	ssub.s32 $0x0, s20;
	[sflag:s22] =	ssyncset.done $0x0  }
0xa1: {  	[sflag:s22] =	ssyncadd.s32 s5;
	_ =	sdelay $0x1  }
0xa2: {  	s23 =	simm.s32 $0x1B8B  }
0xa3: {  	_ =	swait.ge [sflag:s23], $0x1  }
0xa4: {  	[sflag:s23] =	ssyncset.done $0x0  }
0xa5: {  	s25 =	simm.s32 $0x1B8E;
	s24 =	sld [smem:$0x3FFE];
	[sflag:s23] =	ssyncadd.s32 $0xFFFFFFFF  }
0xa6: {  	s26 =	simm.s32 $execute0_lowered;
	[smem:$0x3FD2] =	sst s25  }
0xa7: {  	s6 =	sshll.u32 s26, $0x1;
	_ =	strace $0x80000046;
	[dreg:$0x1] =	wrdreg $0xFFFFFFFF  }
0xa8: {  	s28 =	simm.s32 $_size_execute0_lowered;
	s4 =	sadd.s32 s4, s6;
	[dreg:$0x0] =	wrdreg $0x0  }
0xa9: {  	s6 =	sshll.u32 s28, $0x1;
	[dreg:$0x2] =	wrdreg s4  }
0xaa: {  	[dreg:$0x3] =	wrdreg s6  }
0xab: {  	[dreg:$0x4] =	wrdreg $0xC0  }
0xac: {  	_ =	task [dreg:s8], $0x5FFFF  }
0xad: {  	[dreg:$0x1] =	wrdreg $0xFFFFFFFF  }
0xae: {  	[dreg:$0x0] =	wrdreg $0x60  }
0xaf: {  	[dreg:$0x2] =	wrdreg s2  }
0xb0: {  	[dreg:$0x3] =	wrdreg s24  }
0xb1: {  	[dreg:$0x4] =	wrdreg s18  }
0xb2: {  	[dreg:$0x5] =	wrdreg $0x9  }
0xb3: {  	_ =	task.clear_ibuf [dreg:s8], $0x6FFFF;
	_ =	strace $0x90000046  }
0xb4: {  	s29 =	simm.s32 $0x9;
	_ =	strace $0x80000048  }
0xb5: {  	_ =	swait.ge [sflag:s29], $0x1  }
0xb6: {  	[sflag:s29] =	ssyncadd.s32 $0xFFFFFFFF  }
0xb7: {  	_ =	strace $0x90000048  }
0xb8: {  	_ =	sfence  }
0xb9: {  	s30 =	sld [smem:$0x0];
	_ =	sdelay $0x2  }
0xba: {  	s31 =	sshll.u32 s1, $0xD;
	s1 =	sshrl.u32 s1, $0x2  }
0xbb: {  	s3 =	sand.u32 $0x4000, s31;
	s1 =	sadd.s32 s1, s30  }
0xbc: {  	s0 =	sor.u32 s3, s0;
	s1 =	sshll.u32 s1, $0x11  }
0xbd: {  	s0 =	sor.u32 s1, s0  }
0xbe: {  	s0 =	sadd.s32 $0x8F2B, s0  }
0xbf: {  	[sflag:s0] =	ssyncadd.remote.s32 $0x1  }
0xc0: {  	_ =	sfence.sel $0xFFFF  }
0xc1: {  	[dreg:$0x0] =	wrdreg $0xFFFFFFFF;
	(pc) =	sbr.abs _section_cstart, $3  }
0xc2: {  	[dreg:$0x1] =	wrdreg $0xFFFFFFFF  }
0xc3: {  	_ =	task.clear_ibuf [dreg:s8], $0x2FFFF;
	_ =	strace $0x9FFFFFFF  }
0xc4: {  	(tm) =	ssettm $0x7FFFFFFF  }
0xc5: {  	_ =	shalt  }
tec
execute0_lowered:
.L_overlay_start_1:
0x0: {  	(tag) =	ssettag $0x1  }
0x1: {  	v2 =	vlaneseq.u32;
	vm0 =	vmmov $0xff  }
0x2: {  	v3 =	vimm.s32 $0xB80;
	vm15 =	vcmask $0x300;
	v4 =	vimm.s32 $0x1B80  }
0x3: {  	vm14 =	vcmask $0x704;
	vm13 =	vcmask $0xB08;
	vm12 =	vcmask $0xF0C  }
0x4: {  	vm11 =	vcmask $0x1310;
	vm10 =	vcmask $0x1714;
	vm9 =	vcmask $0x1B18  }
0x5: {  	vm8 =	vcmask $0x1F1C;
	vm7 =	vcmask $0x2320;
	vm6 =	vcmask $0x2724  }
0x6: {  	vm5 =	vcmask $0x2B28;
	vm1 =	vcmask $0x2F2C;
	vm2 =	vcmask $0x3330  }
0x7: {  	vm3 =	vcmask $0x3734;
	vm4 =	vcmask $0x3B38;
	v5 =	vimm.s32 $0x2B80  }
0x8: {  	v6 =	vimm.s32 $0x3B80;
	v7 =	vimm.s32 $0x4B80;
	v8 =	vimm.s32 $0x5B80  }
0x9: {  	v9 =	vimm.s32 $0x6B80;
	v10 =	vimm.s32 $0x7B80;
	v1 =	vshrl.u32 v2, $0x3  }
0xa: {  	v0 =	vand.u32 $0x7, v2;
	v3 =	vsel vm15, $0x0, v3;
	v4 =	vsel vm15, $0x1000, v4  }
0xb: {  	v2 =	vor.u32 $0x8, v2;
	v5 =	vsel vm15, $0x2000, v5;
	v6 =	vsel vm15, $0x3000, v6  }
0xc: {  	v7 =	vsel vm15, $0x4000, v7;
	v8 =	vsel vm15, $0x5000, v8;
	v9 =	vsel vm15, $0x6000, v9  }
0xd: {  	v10 =	vsel vm15, $0x7000, v10;
	v1 =	vmul.u32 $0x8, v1;
	v3 =	vsel vm14, $0x80, v3  }
0xe: {  	v4 =	vsel vm14, $0x1080, v4;
	v5 =	vsel vm14, $0x2080, v5;
	v6 =	vsel vm14, $0x3080, v6  }
0xf: {  	s2 =	srdreg.scid;
	s3 =	stileid.u32;
	v7 =	vsel vm14, $0x4080, v7;
	v8 =	vsel vm14, $0x5080, v8;
	v9 =	vsel vm14, $0x6080, v9  }
0x10: {  	s2 =	sand.u32 $0x1, s2;
	s4 =	sshll.u32 s3, $0x1;
	v10 =	vsel vm14, $0x7080, v10;
	v3 =	vsel vm13, $0x100, v3;
	v4 =	vsel vm13, $0x1100, v4  }
0x11: {  	s0 =	rddreg [dreg:$0x0];
	s5 =	sor.u32 s2, s4;
	v5 =	vsel vm13, $0x2100, v5;
	v6 =	vsel vm13, $0x3100, v6;
	v7 =	vsel vm13, $0x4100, v7  }
0x12: {  	s1 =	rddreg [dreg:$0x1];
	s3 =	simm.s32 $0x0;
	s6 =	smul.u32 $0x6400, s5;
	v8 =	vsel vm13, $0x5100, v8;
	v9 =	vsel vm13, $0x6100, v9;
	v10 =	vsel vm13, $0x7100, v10  }
0x13: {  	[smem:$0x7FF] =	sst s3;
	s2 =	ssub.s32 $0x2, s2;
	s8 =	smul.u32 $0xC80, s5;
	v3 =	vsel vm12, $0x180, v3;
	v4 =	vsel vm12, $0x1180, v4;
	v5 =	vsel vm12, $0x2180, v5  }
0x14: {  	s4 =	sadd.s32 $0xF42800, s1;
	s7 =	sshrl.u32 s2, $0x1;
	s5 =	smul.u32 $0x19, s5;
	v6 =	vsel vm12, $0x3180, v6;
	v7 =	vsel vm12, $0x4180, v7;
	v8 =	vsel vm12, $0x5180, v8  }
0x15: {  	s31 =	rddreg [dreg:$0x2];
	_ =	strace $0x80000047;
	s1 =	ssub.s32 s2, s7;
	v9 =	vsel vm12, $0x6180, v9;
	v10 =	vsel vm12, $0x7180, v10;
	v3 =	vsel vm11, $0x200, v3  }
0x16: {  	v4 =	vsel vm11, $0x1200, v4;
	s30 =	sshrl.u32 s6, $0x3;
	[dreg:$0x4] =	wrdreg s5;
	s6 =	sadd.s32 s0, s8;
	v5 =	vsel vm11, $0x2200, v5;
	v6 =	vsel vm11, $0x3200, v6  }
0x17: {  	v7 =	vsel vm11, $0x4200, v7;
	v8 =	vsel vm11, $0x5200, v8;
	v9 =	vsel vm11, $0x6200, v9;
	[dreg:$0x5] =	wrdreg s6;
	s0 =	sadd.s32 s0, s30;
	s30 =	smax.u32 s1, $0x1  }
0x18: {  	v10 =	vsel vm11, $0x7200, v10;
	v3 =	vsel vm10, $0x280, v3;
	v4 =	vsel vm10, $0x1280, v4;
	s2 =	sadd.s32 $0x80, s0;
	[dreg:$0x1e] =	wrdreg s30  }
0x19: {  	v5 =	vsel vm10, $0x2280, v5;
	v6 =	vsel vm10, $0x3280, v6;
	v7 =	vsel vm10, $0x4280, v7;
	s7 =	sadd.s32 $0x100, s0;
	[dreg:$0x6] =	wrdreg s2  }
0x1a: {  	v8 =	vsel vm10, $0x5280, v8;
	v9 =	vsel vm10, $0x6280, v9;
	v10 =	vsel vm10, $0x7280, v10;
	s8 =	sadd.s32 $0x180, s0;
	[dreg:$0x7] =	wrdreg s7  }
0x1b: {  	v3 =	vsel vm9, $0x300, v3;
	v4 =	vsel vm9, $0x1300, v4;
	s9 =	sadd.s32 $0x200, s0;
	v5 =	vsel vm9, $0x2300, v5;
	[dreg:$0x8] =	wrdreg s8  }
0x1c: {  	s10 =	sadd.s32 $0x280, s0;
	v6 =	vsel vm9, $0x3300, v6;
	v7 =	vsel vm9, $0x4300, v7;
	v8 =	vsel vm9, $0x5300, v8;
	[dreg:$0x9] =	wrdreg s9  }
0x1d: {  	s11 =	sadd.s32 $0x300, s0;
	v9 =	vsel vm9, $0x6300, v9;
	v10 =	vsel vm9, $0x7300, v10;
	v3 =	vsel vm8, $0x380, v3;
	[dreg:$0xa] =	wrdreg s10  }
0x1e: {  	s12 =	sadd.s32 $0x380, s0;
	v4 =	vsel vm8, $0x1380, v4;
	[dreg:$0xb] =	wrdreg s11;
	v5 =	vsel vm8, $0x2380, v5;
	v6 =	vsel vm8, $0x3380, v6  }
0x1f: {  	s13 =	sadd.s32 $0x400, s0;
	[dreg:$0xc] =	wrdreg s12;
	v7 =	vsel vm8, $0x4380, v7;
	v8 =	vsel vm8, $0x5380, v8;
	v9 =	vsel vm8, $0x6380, v9  }
0x20: {  	s14 =	sadd.s32 $0x480, s0;
	[dreg:$0xd] =	wrdreg s13;
	v10 =	vsel vm8, $0x7380, v10;
	v3 =	vsel vm7, $0x800, v3;
	v4 =	vsel vm7, $0x1800, v4  }
0x21: {  	s15 =	sadd.s32 $0x500, s0;
	[dreg:$0xe] =	wrdreg s14;
	v5 =	vsel vm7, $0x2800, v5;
	v6 =	vsel vm7, $0x3800, v6;
	v7 =	vsel vm7, $0x4800, v7  }
0x22: {  	s16 =	sadd.s32 $0x580, s0;
	[dreg:$0xf] =	wrdreg s15;
	v8 =	vsel vm7, $0x5800, v8;
	v9 =	vsel vm7, $0x6800, v9;
	v10 =	vsel vm7, $0x7800, v10  }
0x23: {  	s17 =	sadd.s32 $0x600, s0;
	[dreg:$0x10] =	wrdreg s16;
	v3 =	vsel vm6, $0x880, v3;
	v4 =	vsel vm6, $0x1880, v4;
	v5 =	vsel vm6, $0x2880, v5  }
0x24: {  	s18 =	sadd.s32 $0x680, s0;
	[dreg:$0x11] =	wrdreg s17;
	v6 =	vsel vm6, $0x3880, v6;
	v7 =	vsel vm6, $0x4880, v7;
	v8 =	vsel vm6, $0x5880, v8  }
0x25: {  	s19 =	sadd.s32 $0x700, s0;
	[dreg:$0x12] =	wrdreg s18;
	v9 =	vsel vm6, $0x6880, v9;
	v10 =	vsel vm6, $0x7880, v10;
	v3 =	vsel vm5, $0x900, v3  }
0x26: {  	s20 =	sadd.s32 $0x780, s0;
	[dreg:$0x13] =	wrdreg s19;
	v4 =	vsel vm5, $0x1900, v4;
	v5 =	vsel vm5, $0x2900, v5;
	v6 =	vsel vm5, $0x3900, v6  }
0x27: {  	s21 =	sadd.s32 $0x800, s0;
	[dreg:$0x14] =	wrdreg s20;
	v7 =	vsel vm5, $0x4900, v7;
	v8 =	vsel vm5, $0x5900, v8;
	v9 =	vsel vm5, $0x6900, v9  }
0x28: {  	s22 =	sadd.s32 $0x880, s0;
	[dreg:$0x15] =	wrdreg s21;
	v10 =	vsel vm5, $0x7900, v10;
	v3 =	vsel vm1, $0x980, v3;
	v4 =	vsel vm1, $0x1980, v4  }
0x29: {  	s23 =	sadd.s32 $0x900, s0;
	[dreg:$0x16] =	wrdreg s22;
	v5 =	vsel vm1, $0x2980, v5;
	v6 =	vsel vm1, $0x3980, v6;
	v7 =	vsel vm1, $0x4980, v7  }
0x2a: {  	s24 =	sadd.s32 $0x980, s0;
	[dreg:$0x17] =	wrdreg s23;
	v8 =	vsel vm1, $0x5980, v8;
	v9 =	vsel vm1, $0x6980, v9;
	v10 =	vsel vm1, $0x7980, v10  }
0x2b: {  	s25 =	sadd.s32 $0xA00, s0;
	[dreg:$0x18] =	wrdreg s24;
	v3 =	vsel vm2, $0xA00, v3;
	v4 =	vsel vm2, $0x1A00, v4;
	v5 =	vsel vm2, $0x2A00, v5  }
0x2c: {  	s26 =	sadd.s32 $0xA80, s0;
	[dreg:$0x19] =	wrdreg s25;
	v6 =	vsel vm2, $0x3A00, v6;
	v7 =	vsel vm2, $0x4A00, v7;
	v8 =	vsel vm2, $0x5A00, v8  }
0x2d: {  	s28 =	sadd.s32 $0xB00, s0;
	[dreg:$0x1a] =	wrdreg s26;
	v9 =	vsel vm2, $0x6A00, v9;
	v10 =	vsel vm2, $0x7A00, v10;
	v3 =	vsel vm3, $0xA80, v3  }
0x2e: {  	s29 =	sadd.s32 $0xB80, s0;
	[dreg:$0x1b] =	wrdreg s28;
	v4 =	vsel vm3, $0x1A80, v4;
	v5 =	vsel vm3, $0x2A80, v5;
	v6 =	vsel vm3, $0x3A80, v6  }
0x2f: {  	s0 =	sadd.s32 $0xC00, s0;
	[dreg:$0x1c] =	wrdreg s29;
	v7 =	vsel vm3, $0x4A80, v7;
	v8 =	vsel vm3, $0x5A80, v8;
	v9 =	vsel vm3, $0x6A80, v9  }
0x30: {  	s6 =	simm.s32 $0x1;
	s1 =	simm.s32 $0x0;
	[dreg:$0x1d] =	wrdreg s0;
	v10 =	vsel vm3, $0x7A80, v10;
	v3 =	vsel vm4, $0xB00, v3;
	v4 =	vsel vm4, $0x1B00, v4  }
0x31: {  	s7 =	simm.s32 $0x6500;
	s23 =	simm.s32 $0xE500;
	s15 =	simm.s32 $0x2;
	v5 =	vsel vm4, $0x2B00, v5;
	v6 =	vsel vm4, $0x3B00, v6;
	v7 =	vsel vm4, $0x4B00, v7  }
0x32: {  	s16 =	simm.s32 $0x8000;
	s18 =	simm.s32 $0x3;
	s19 =	simm.s32 $0x5;
	v8 =	vsel vm4, $0x5B00, v8;
	v9 =	vsel vm4, $0x6B00, v9;
	v10 =	vsel vm4, $0x7B00, v10  }
.LBB2_1:
0x33: {  	[dreg:$0x1f] =	wrdreg s1  }
0x34: {  	s0 =	rddreg [dreg:$0x5]  }
0x35: {  	[tilespmem:s3], [sflag:$0x1] =	stream.linear.gather [hbm4b:s0+s3], $0x400, $0x38;
	[tilespmem:$0x1A500] =	vst v63  }
0x36: {  	s26 =	rddreg [dreg:$0x6];
	s28 =	simm.s32 $0x400  }
0x37: {  	[tilespmem:s28], [sflag:$0x1] =	stream.linear.gather [hbm4b:s26+s3], $0x400, $0x38;
	[tilespmem:$0x1A500] =	vst v63  }
0x38: {  	s29 =	rddreg [dreg:$0x7];
	s30 =	simm.s32 $0x800  }
0x39: {  	[tilespmem:s30], [sflag:$0x1] =	stream.linear.gather [hbm4b:s29+s3], $0x400, $0x38;
	[tilespmem:$0x1A500] =	vst v63  }
0x3a: {  	s1 =	rddreg [dreg:$0x8];
	s2 =	simm.s32 $0xC00  }
0x3b: {  	[tilespmem:s2], [sflag:$0x1] =	stream.linear.gather [hbm4b:s1+s3], $0x400, $0x38;
	[tilespmem:$0x1A500] =	vst v63  }
0x3c: {  	s5 =	rddreg [dreg:$0x9];
	s8 =	simm.s32 $0x1000  }
0x3d: {  	[tilespmem:s8], [sflag:$0x1] =	stream.linear.gather [hbm4b:s5+s3], $0x400, $0x38;
	[tilespmem:$0x1A500] =	vst v63  }
0x3e: {  	s9 =	rddreg [dreg:$0xa];
	s10 =	simm.s32 $0x1400  }
0x3f: {  	[tilespmem:s10], [sflag:$0x1] =	stream.linear.gather [hbm4b:s9+s3], $0x400, $0x38;
	[tilespmem:$0x1A500] =	vst v63  }
0x40: {  	s11 =	rddreg [dreg:$0xb];
	s12 =	simm.s32 $0x1800  }
0x41: {  	[tilespmem:s12], [sflag:$0x1] =	stream.linear.gather [hbm4b:s11+s3], $0x400, $0x38;
	[tilespmem:$0x1A500] =	vst v63  }
0x42: {  	s13 =	rddreg [dreg:$0xc];
	s14 =	simm.s32 $0x1C00  }
0x43: {  	[tilespmem:s14], [sflag:$0x1] =	stream.linear.gather [hbm4b:s13+s3], $0x400, $0x38;
	[tilespmem:$0x1A500] =	vst v63  }
0x44: {  	s17 =	rddreg [dreg:$0xd];
	s20 =	simm.s32 $0x2000  }
0x45: {  	[tilespmem:s20], [sflag:$0x1] =	stream.linear.gather [hbm4b:s17+s3], $0x400, $0x38;
	[tilespmem:$0x1A500] =	vst v63  }
0x46: {  	s21 =	rddreg [dreg:$0xe];
	s22 =	simm.s32 $0x2400  }
0x47: {  	[tilespmem:s22], [sflag:$0x1] =	stream.linear.gather [hbm4b:s21+s3], $0x400, $0x38;
	[tilespmem:$0x1A500] =	vst v63  }
0x48: {  	s24 =	rddreg [dreg:$0xf];
	s25 =	simm.s32 $0x2800  }
0x49: {  	[tilespmem:s25], [sflag:$0x1] =	stream.linear.gather [hbm4b:s24+s3], $0x400, $0x38;
	[tilespmem:$0x1A500] =	vst v63  }
0x4a: {  	s26 =	rddreg [dreg:$0x10];
	s28 =	simm.s32 $0x2C00  }
0x4b: {  	[tilespmem:s28], [sflag:$0x1] =	stream.linear.gather [hbm4b:s26+s3], $0x400, $0x38;
	[tilespmem:$0x1A500] =	vst v63  }
0x4c: {  	s29 =	rddreg [dreg:$0x11];
	s30 =	simm.s32 $0x3000  }
0x4d: {  	[tilespmem:s30], [sflag:$0x1] =	stream.linear.gather [hbm4b:s29+s3], $0x400, $0x38;
	[tilespmem:$0x1A500] =	vst v63  }
0x4e: {  	s1 =	rddreg [dreg:$0x12];
	s2 =	simm.s32 $0x3400  }
0x4f: {  	[tilespmem:s2], [sflag:$0x1] =	stream.linear.gather [hbm4b:s1+s3], $0x400, $0x38;
	[tilespmem:$0x1A500] =	vst v63  }
0x50: {  	s5 =	rddreg [dreg:$0x13];
	s8 =	simm.s32 $0x3800  }
0x51: {  	[tilespmem:s8], [sflag:$0x1] =	stream.linear.gather [hbm4b:s5+s3], $0x400, $0x38;
	[tilespmem:$0x1A500] =	vst v63  }
0x52: {  	s9 =	rddreg [dreg:$0x14];
	s10 =	simm.s32 $0x3C00  }
0x53: {  	[tilespmem:s10], [sflag:$0x1] =	stream.linear.gather [hbm4b:s9+s3], $0x400, $0x38;
	[tilespmem:$0x1A500] =	vst v63  }
0x54: {  	s11 =	rddreg [dreg:$0x15];
	s12 =	simm.s32 $0x4000  }
0x55: {  	[tilespmem:s12], [sflag:$0x1] =	stream.linear.gather [hbm4b:s11+s3], $0x400, $0x38;
	[tilespmem:$0x1A500] =	vst v63  }
0x56: {  	s13 =	rddreg [dreg:$0x16];
	s14 =	simm.s32 $0x4400  }
0x57: {  	[tilespmem:s14], [sflag:$0x1] =	stream.linear.gather [hbm4b:s13+s3], $0x400, $0x38;
	[tilespmem:$0x1A500] =	vst v63  }
0x58: {  	s17 =	rddreg [dreg:$0x17];
	s20 =	simm.s32 $0x4800  }
0x59: {  	[tilespmem:s20], [sflag:$0x1] =	stream.linear.gather [hbm4b:s17+s3], $0x400, $0x38;
	[tilespmem:$0x1A500] =	vst v63  }
0x5a: {  	s21 =	rddreg [dreg:$0x18];
	s22 =	simm.s32 $0x4C00  }
0x5b: {  	[tilespmem:s22], [sflag:$0x1] =	stream.linear.gather [hbm4b:s21+s3], $0x400, $0x38;
	[tilespmem:$0x1A500] =	vst v63  }
0x5c: {  	s24 =	rddreg [dreg:$0x19];
	s25 =	simm.s32 $0x5000  }
0x5d: {  	[tilespmem:s25], [sflag:$0x1] =	stream.linear.gather [hbm4b:s24+s3], $0x400, $0x38;
	[tilespmem:$0x1A500] =	vst v63  }
0x5e: {  	s26 =	rddreg [dreg:$0x1a];
	s28 =	simm.s32 $0x5400  }
0x5f: {  	[tilespmem:s28], [sflag:$0x1] =	stream.linear.gather [hbm4b:s26+s3], $0x400, $0x38;
	[tilespmem:$0x1A500] =	vst v63  }
0x60: {  	s29 =	rddreg [dreg:$0x1b];
	s30 =	simm.s32 $0x5800  }
0x61: {  	[tilespmem:s30], [sflag:$0x1] =	stream.linear.gather [hbm4b:s29+s3], $0x400, $0x38;
	[tilespmem:$0x1A500] =	vst v63  }
0x62: {  	s2 =	rddreg [dreg:$0x1c];
	s5 =	simm.s32 $0x5C00  }
0x63: {  	[tilespmem:s5], [sflag:$0x1] =	stream.linear.gather [hbm4b:s2+s3], $0x400, $0x38;
	[tilespmem:$0x1A500] =	vst v63  }
0x64: {  	s8 =	rddreg [dreg:$0x1d];
	s9 =	simm.s32 $0x6000  }
0x65: {  	[tilespmem:s9], [sflag:$0x1] =	stream.linear.gather [hbm4b:s8+s3], $0x400, $0x38;
	[tilespmem:$0x1A500] =	vst v63  }
0x66: {  	_ =	swait.ge [sflag:s6], $0x400  }
0x67: {  	[sflag:s6] =	ssyncset.done $0x0  }
0x68: {  	[sflag:s6] =	ssyncadd.s32 $0xFFFFFC00  }
0x69: {  	_ =	swait.ge [sflag:s6], $0x400  }
0x6a: {  	[sflag:s6] =	ssyncset.done $0x0  }
0x6b: {  	[sflag:s6] =	ssyncadd.s32 $0xFFFFFC00  }
0x6c: {  	_ =	swait.ge [sflag:s6], $0x400  }
0x6d: {  	[sflag:s6] =	ssyncset.done $0x0  }
0x6e: {  	[sflag:s6] =	ssyncadd.s32 $0xFFFFFC00  }
0x6f: {  	_ =	swait.ge [sflag:s6], $0x400  }
0x70: {  	[sflag:s6] =	ssyncset.done $0x0  }
0x71: {  	[sflag:s6] =	ssyncadd.s32 $0xFFFFFC00  }
0x72: {  	_ =	swait.ge [sflag:s6], $0x400  }
0x73: {  	[sflag:s6] =	ssyncset.done $0x0  }
0x74: {  	[sflag:s6] =	ssyncadd.s32 $0xFFFFFC00  }
0x75: {  	_ =	swait.ge [sflag:s6], $0x400  }
0x76: {  	[sflag:s6] =	ssyncset.done $0x0  }
0x77: {  	[sflag:s6] =	ssyncadd.s32 $0xFFFFFC00  }
0x78: {  	_ =	swait.ge [sflag:s6], $0x400  }
0x79: {  	[sflag:s6] =	ssyncset.done $0x0  }
0x7a: {  	[sflag:s6] =	ssyncadd.s32 $0xFFFFFC00  }
0x7b: {  	_ =	swait.ge [sflag:s6], $0x400  }
0x7c: {  	[sflag:s6] =	ssyncset.done $0x0  }
0x7d: {  	[sflag:s6] =	ssyncadd.s32 $0xFFFFFC00  }
0x7e: {  	_ =	swait.ge [sflag:s6], $0x400  }
0x7f: {  	[sflag:s6] =	ssyncset.done $0x0  }
0x80: {  	[sflag:s6] =	ssyncadd.s32 $0xFFFFFC00  }
0x81: {  	_ =	swait.ge [sflag:s6], $0x400  }
0x82: {  	[sflag:s6] =	ssyncset.done $0x0  }
0x83: {  	[sflag:s6] =	ssyncadd.s32 $0xFFFFFC00  }
0x84: {  	_ =	swait.ge [sflag:s6], $0x400  }
0x85: {  	[sflag:s6] =	ssyncset.done $0x0  }
0x86: {  	[sflag:s6] =	ssyncadd.s32 $0xFFFFFC00  }
0x87: {  	_ =	swait.ge [sflag:s6], $0x400  }
0x88: {  	[sflag:s6] =	ssyncset.done $0x0  }
0x89: {  	[sflag:s6] =	ssyncadd.s32 $0xFFFFFC00  }
0x8a: {  	_ =	swait.ge [sflag:s6], $0x400  }
0x8b: {  	[sflag:s6] =	ssyncset.done $0x0  }
0x8c: {  	[sflag:s6] =	ssyncadd.s32 $0xFFFFFC00  }
0x8d: {  	_ =	swait.ge [sflag:s6], $0x400  }
0x8e: {  	[sflag:s6] =	ssyncset.done $0x0  }
0x8f: {  	[sflag:s6] =	ssyncadd.s32 $0xFFFFFC00  }
0x90: {  	_ =	swait.ge [sflag:s6], $0x400  }
0x91: {  	[sflag:s6] =	ssyncset.done $0x0  }
0x92: {  	[sflag:s6] =	ssyncadd.s32 $0xFFFFFC00  }
0x93: {  	_ =	swait.ge [sflag:s6], $0x400  }
0x94: {  	[sflag:s6] =	ssyncset.done $0x0  }
0x95: {  	[sflag:s6] =	ssyncadd.s32 $0xFFFFFC00  }
0x96: {  	_ =	swait.ge [sflag:s6], $0x400  }
0x97: {  	[sflag:s6] =	ssyncset.done $0x0  }
0x98: {  	[sflag:s6] =	ssyncadd.s32 $0xFFFFFC00  }
0x99: {  	_ =	swait.ge [sflag:s6], $0x400  }
0x9a: {  	[sflag:s6] =	ssyncset.done $0x0  }
0x9b: {  	[sflag:s6] =	ssyncadd.s32 $0xFFFFFC00  }
0x9c: {  	_ =	swait.ge [sflag:s6], $0x400  }
0x9d: {  	[sflag:s6] =	ssyncset.done $0x0  }
0x9e: {  	[sflag:s6] =	ssyncadd.s32 $0xFFFFFC00  }
0x9f: {  	_ =	swait.ge [sflag:s6], $0x400  }
0xa0: {  	[sflag:s6] =	ssyncset.done $0x0  }
0xa1: {  	[sflag:s6] =	ssyncadd.s32 $0xFFFFFC00  }
0xa2: {  	_ =	swait.ge [sflag:s6], $0x400  }
0xa3: {  	[sflag:s6] =	ssyncset.done $0x0  }
0xa4: {  	[sflag:s6] =	ssyncadd.s32 $0xFFFFFC00  }
0xa5: {  	_ =	swait.ge [sflag:s6], $0x400  }
0xa6: {  	[sflag:s6] =	ssyncset.done $0x0  }
0xa7: {  	[sflag:s6] =	ssyncadd.s32 $0xFFFFFC00  }
0xa8: {  	_ =	swait.ge [sflag:s6], $0x400  }
0xa9: {  	[sflag:s6] =	ssyncset.done $0x0  }
0xaa: {  	[sflag:s6] =	ssyncadd.s32 $0xFFFFFC00  }
0xab: {  	_ =	swait.ge [sflag:s6], $0x400  }
0xac: {  	[sflag:s6] =	ssyncset.done $0x0  }
0xad: {  	[sflag:s6] =	ssyncadd.s32 $0xFFFFFC00  }
0xae: {  	_ =	swait.ge [sflag:s6], $0x400  }
0xaf: {  	[sflag:s6] =	ssyncset.done $0x0  }
0xb0: {  	[sflag:s6] =	ssyncadd.s32 $0xFFFFFC00  }
0xb1: {  	v11 =	vld [tilespmem:$0x0]  }
0xb2: {  	v12 =	vld [tilespmem:$0x10]  }
0xb3: {  	v13 =	vld [tilespmem:$0x20]  }
0xb4: {  	v14 =	vld [tilespmem:$0x30];
	_ =	sdelay $0x1  }
0xb5: {  	v15 =	vld [tilespmem:$0x40]  }
0xb6: {  	v16 =	vld [tilespmem:$0x50];
	v12 =	vshrl.u32 v12, $0x1  }
0xb7: {  	v49 =	vld [tilespmem:$0x60];
	v11 =	vshrl.u32 v11, $0x1;
	v48 =	vshrl.u32 v13, $0x1;
	[tilespmem:$0x6410] =	vst v12  }
0xb8: {  	v51 =	vld [tilespmem:$0x70];
	v50 =	vshrl.u32 v14, $0x1;
	[tilespmem:$0x6420] =	vst v48;
	v17 =	vperm.xlane v11, v0  }
0xb9: {  	[tilespmem:$0x6430] =	vst v50  }
0xba: {  	v52 =	vshrl.u32 v15, $0x1;
	[tilespmem:$0x6400] =	vst v11;
	v11 =	vperm.xlane v11, v2;
	v53 =	vadd.s32 v1, v17  }
0xbb: {  	v54 =	vshrl.u32 v16, $0x1;
	[tilespmem:$0x6440] =	vst v52  }
0xbc: {  	v55 =	vshrl.u32 v49, $0x1;
	[tilespmem:$0x6450] =	vst v54;
	v11 =	vadd.s32 v1, v11  }
0xbd: {  	v56 =	vshrl.u32 v51, $0x1;
	[tilespmem:$0x6460] =	vst v55  }
0xbe: {  	[tilespmem:$0x6470] =	vst v56  }
0xbf: {  	[tilespmem:s7], [sflag:$0x2] =	stream.indirect_vreg.gather [hbm4b:s4+s3], $0x80, v53, vm0, $0xb8;
	[tilespmem:$0x1A500] =	vst v63  }
0xc0: {  	s10 =	simm.s32 $0x6D00  }
0xc1: {  	[tilespmem:s10], [sflag:$0x2] =	stream.indirect_vreg.gather [hbm4b:s4+s3], $0x80, v11, vm0, $0xb8;
	[tilespmem:$0x1A500] =	vst v63  }
0xc2: {  	v11 =	vld [tilespmem:$0x6410];
	_ =	sdelay $0x4  }
0xc3: {  	v57 =	vperm.xlane v11, v0;
	_ =	sdelay $0x1  }
0xc4: {  	v11 =	vperm.xlane v11, v2;
	v12 =	vadd.s32 v1, v57;
	_ =	sdelay $0x1  }
0xc5: {  	v11 =	vadd.s32 v1, v11;
	_ =	sdelay $0x1  }
0xc6: {  	s11 =	simm.s32 $0x7500  }
0xc7: {  	[tilespmem:s11], [sflag:$0x2] =	stream.indirect_vreg.gather [hbm4b:s4+s3], $0x80, v12, vm0, $0xb8;
	[tilespmem:$0x1A500] =	vst v63  }
0xc8: {  	s12 =	simm.s32 $0x7D00  }
0xc9: {  	[tilespmem:s12], [sflag:$0x2] =	stream.indirect_vreg.gather [hbm4b:s4+s3], $0x80, v11, vm0, $0xb8;
	[tilespmem:$0x1A500] =	vst v63  }
0xca: {  	v11 =	vld [tilespmem:$0x6420];
	_ =	sdelay $0x4  }
0xcb: {  	v58 =	vperm.xlane v11, v0;
	_ =	sdelay $0x1  }
0xcc: {  	v11 =	vperm.xlane v11, v2;
	v12 =	vadd.s32 v1, v58;
	_ =	sdelay $0x1  }
0xcd: {  	v11 =	vadd.s32 v1, v11;
	_ =	sdelay $0x1  }
0xce: {  	s13 =	simm.s32 $0x8500  }
0xcf: {  	[tilespmem:s13], [sflag:$0x2] =	stream.indirect_vreg.gather [hbm4b:s4+s3], $0x80, v12, vm0, $0xb8;
	[tilespmem:$0x1A500] =	vst v63  }
0xd0: {  	s14 =	simm.s32 $0x8D00  }
0xd1: {  	[tilespmem:s14], [sflag:$0x2] =	stream.indirect_vreg.gather [hbm4b:s4+s3], $0x80, v11, vm0, $0xb8;
	[tilespmem:$0x1A500] =	vst v63  }
0xd2: {  	v11 =	vld [tilespmem:$0x6430];
	_ =	sdelay $0x4  }
0xd3: {  	v59 =	vperm.xlane v11, v0;
	_ =	sdelay $0x1  }
0xd4: {  	v11 =	vperm.xlane v11, v2;
	v12 =	vadd.s32 v1, v59;
	_ =	sdelay $0x1  }
0xd5: {  	v11 =	vadd.s32 v1, v11;
	_ =	sdelay $0x1  }
0xd6: {  	s17 =	simm.s32 $0x9500  }
0xd7: {  	[tilespmem:s17], [sflag:$0x2] =	stream.indirect_vreg.gather [hbm4b:s4+s3], $0x80, v12, vm0, $0xb8;
	[tilespmem:$0x1A500] =	vst v63  }
0xd8: {  	s20 =	simm.s32 $0x9D00  }
0xd9: {  	[tilespmem:s20], [sflag:$0x2] =	stream.indirect_vreg.gather [hbm4b:s4+s3], $0x80, v11, vm0, $0xb8;
	[tilespmem:$0x1A500] =	vst v63  }
0xda: {  	v11 =	vld [tilespmem:$0x6440];
	_ =	sdelay $0x4  }
0xdb: {  	v60 =	vperm.xlane v11, v0;
	_ =	sdelay $0x1  }
0xdc: {  	v11 =	vperm.xlane v11, v2;
	v12 =	vadd.s32 v1, v60;
	_ =	sdelay $0x1  }
0xdd: {  	v11 =	vadd.s32 v1, v11;
	_ =	sdelay $0x1  }
0xde: {  	s21 =	simm.s32 $0xA500  }
0xdf: {  	[tilespmem:s21], [sflag:$0x2] =	stream.indirect_vreg.gather [hbm4b:s4+s3], $0x80, v12, vm0, $0xb8;
	[tilespmem:$0x1A500] =	vst v63  }
0xe0: {  	s22 =	simm.s32 $0xAD00  }
0xe1: {  	[tilespmem:s22], [sflag:$0x2] =	stream.indirect_vreg.gather [hbm4b:s4+s3], $0x80, v11, vm0, $0xb8;
	[tilespmem:$0x1A500] =	vst v63  }
0xe2: {  	v11 =	vld [tilespmem:$0x6450];
	_ =	sdelay $0x4  }
0xe3: {  	v61 =	vperm.xlane v11, v0;
	_ =	sdelay $0x1  }
0xe4: {  	v11 =	vperm.xlane v11, v2;
	v12 =	vadd.s32 v1, v61;
	_ =	sdelay $0x1  }
0xe5: {  	v11 =	vadd.s32 v1, v11;
	_ =	sdelay $0x1  }
0xe6: {  	s24 =	simm.s32 $0xB500  }
0xe7: {  	[tilespmem:s24], [sflag:$0x2] =	stream.indirect_vreg.gather [hbm4b:s4+s3], $0x80, v12, vm0, $0xb8;
	[tilespmem:$0x1A500] =	vst v63  }
0xe8: {  	s25 =	simm.s32 $0xBD00  }
0xe9: {  	[tilespmem:s25], [sflag:$0x2] =	stream.indirect_vreg.gather [hbm4b:s4+s3], $0x80, v11, vm0, $0xb8;
	[tilespmem:$0x1A500] =	vst v63  }
0xea: {  	v11 =	vld [tilespmem:$0x6460];
	_ =	sdelay $0x4  }
0xeb: {  	v62 =	vperm.xlane v11, v0;
	_ =	sdelay $0x1  }
0xec: {  	v11 =	vperm.xlane v11, v2;
	v12 =	vadd.s32 v1, v62;
	_ =	sdelay $0x1  }
0xed: {  	v11 =	vadd.s32 v1, v11;
	_ =	sdelay $0x1  }
0xee: {  	s26 =	simm.s32 $0xC500  }
0xef: {  	[tilespmem:s26], [sflag:$0x2] =	stream.indirect_vreg.gather [hbm4b:s4+s3], $0x80, v12, vm0, $0xb8;
	[tilespmem:$0x1A500] =	vst v63  }
0xf0: {  	s28 =	simm.s32 $0xCD00  }
0xf1: {  	[tilespmem:s28], [sflag:$0x2] =	stream.indirect_vreg.gather [hbm4b:s4+s3], $0x80, v11, vm0, $0xb8;
	[tilespmem:$0x1A500] =	vst v63  }
0xf2: {  	v11 =	vld [tilespmem:$0x6470];
	_ =	sdelay $0x4  }
0xf3: {  	v63 =	vperm.xlane v11, v0;
	_ =	sdelay $0x1  }
0xf4: {  	v11 =	vperm.xlane v11, v2;
	v12 =	vadd.s32 v1, v63;
	_ =	sdelay $0x1  }
0xf5: {  	v11 =	vadd.s32 v1, v11;
	_ =	sdelay $0x1  }
0xf6: {  	s29 =	simm.s32 $0xD500  }
0xf7: {  	[tilespmem:s29], [sflag:$0x2] =	stream.indirect_vreg.gather [hbm4b:s4+s3], $0x80, v12, vm0, $0xb8;
	[tilespmem:$0x1A500] =	vst v63  }
0xf8: {  	s30 =	simm.s32 $0xDD00;
	s21 =	simm.s32 $0x0  }
0xf9: {  	[tilespmem:s30], [sflag:$0x2] =	stream.indirect_vreg.gather [hbm4b:s4+s3], $0x80, v11, vm0, $0xb8;
	[tilespmem:$0x1A500] =	vst v63  }
.LBB2_2:
0xfa: {  	s22 =	sshllo.u32 s21, $0x1  }
0xfb: {  	s25 =	sshll.u32 s21, $0x8;
	s1 =	sshll.u32 s22, $0x7  }
0xfc: {  	s2 =	sand.u32 $0x7C00, s25;
	s1 =	sand.u32 $0x380, s1  }
0xfd: {  	s1 =	sor.u32 s1, s2  }
0xfe: {  	v11 =	vld [tilespmem:s1+$0x0];
	_ =	sdelay $0x4  }
0xff: {  	v11 =	vshrl.u32 v11, $0x1  }
0x100: {  	[tilespmem:$0x6480] =	vst v11  }
0x101: {  	v12 =	vld [tilespmem:s1+$0x10];
	_ =	sdelay $0x4  }
0x102: {  	v12 =	vshrl.u32 v12, $0x1  }
0x103: {  	[tilespmem:$0x6490] =	vst v12  }
0x104: {  	v12 =	vld [tilespmem:s1+$0x20];
	_ =	sdelay $0x4  }
0x105: {  	v12 =	vshrl.u32 v12, $0x1  }
0x106: {  	[tilespmem:$0x64A0] =	vst v12  }
0x107: {  	v12 =	vld [tilespmem:s1+$0x30];
	_ =	sdelay $0x4  }
0x108: {  	v12 =	vshrl.u32 v12, $0x1  }
0x109: {  	[tilespmem:$0x64B0] =	vst v12  }
0x10a: {  	v12 =	vld [tilespmem:s1+$0x40];
	_ =	sdelay $0x4  }
0x10b: {  	v12 =	vshrl.u32 v12, $0x1  }
0x10c: {  	[tilespmem:$0x64C0] =	vst v12  }
0x10d: {  	v12 =	vld [tilespmem:s1+$0x50];
	_ =	sdelay $0x4  }
0x10e: {  	v12 =	vshrl.u32 v12, $0x1  }
0x10f: {  	[tilespmem:$0x64D0] =	vst v12  }
0x110: {  	v12 =	vld [tilespmem:s1+$0x60];
	_ =	sdelay $0x4  }
0x111: {  	v12 =	vshrl.u32 v12, $0x1  }
0x112: {  	[tilespmem:$0x64E0] =	vst v12  }
0x113: {  	v13 =	vperm.xlane v11, v0;
	v12 =	vld [tilespmem:s1+$0x70];
	_ =	sdelay $0x1  }
0x114: {  	v11 =	vperm.xlane v11, v2;
	v13 =	vadd.s32 v1, v13;
	_ =	sdelay $0x1  }
0x115: {  	v11 =	vadd.s32 v1, v11  }
0x116: {  	v12 =	vshrl.u32 v12, $0x1  }
0x117: {  	[tilespmem:$0x64F0] =	vst v12  }
0x118: {  	[tilespmem:s23], [sflag:$0x3] =	stream.indirect_vreg.gather [hbm4b:s4+s3], $0x80, v13, vm0, $0xb8;
	[tilespmem:$0x1A500] =	vst v63  }
0x119: {  	s11 =	simm.s32 $0xED00  }
0x11a: {  	[tilespmem:s11], [sflag:$0x3] =	stream.indirect_vreg.gather [hbm4b:s4+s3], $0x80, v11, vm0, $0xb8;
	[tilespmem:$0x1A500] =	vst v63  }
0x11b: {  	v11 =	vld [tilespmem:$0x6490];
	_ =	sdelay $0x4  }
0x11c: {  	v12 =	vperm.xlane v11, v0;
	_ =	sdelay $0x1  }
0x11d: {  	v11 =	vperm.xlane v11, v2;
	v12 =	vadd.s32 v1, v12;
	_ =	sdelay $0x1  }
0x11e: {  	v11 =	vadd.s32 v1, v11;
	_ =	sdelay $0x1  }
0x11f: {  	s12 =	simm.s32 $0xF500  }
0x120: {  	[tilespmem:s12], [sflag:$0x3] =	stream.indirect_vreg.gather [hbm4b:s4+s3], $0x80, v12, vm0, $0xb8;
	[tilespmem:$0x1A500] =	vst v63  }
0x121: {  	s13 =	simm.s32 $0xFD00  }
0x122: {  	[tilespmem:s13], [sflag:$0x3] =	stream.indirect_vreg.gather [hbm4b:s4+s3], $0x80, v11, vm0, $0xb8;
	[tilespmem:$0x1A500] =	vst v63  }
0x123: {  	v11 =	vld [tilespmem:$0x64A0];
	_ =	sdelay $0x4  }
0x124: {  	v12 =	vperm.xlane v11, v0;
	_ =	sdelay $0x1  }
0x125: {  	v11 =	vperm.xlane v11, v2;
	v12 =	vadd.s32 v1, v12;
	_ =	sdelay $0x1  }
0x126: {  	v11 =	vadd.s32 v1, v11;
	_ =	sdelay $0x1  }
0x127: {  	s14 =	simm.s32 $0x10500  }
0x128: {  	[tilespmem:s14], [sflag:$0x3] =	stream.indirect_vreg.gather [hbm4b:s4+s3], $0x80, v12, vm0, $0xb8;
	[tilespmem:$0x1A500] =	vst v63  }
0x129: {  	s17 =	simm.s32 $0x10D00  }
0x12a: {  	[tilespmem:s17], [sflag:$0x3] =	stream.indirect_vreg.gather [hbm4b:s4+s3], $0x80, v11, vm0, $0xb8;
	[tilespmem:$0x1A500] =	vst v63  }
0x12b: {  	v11 =	vld [tilespmem:$0x64B0];
	_ =	sdelay $0x4  }
0x12c: {  	v12 =	vperm.xlane v11, v0;
	_ =	sdelay $0x1  }
0x12d: {  	v11 =	vperm.xlane v11, v2;
	v12 =	vadd.s32 v1, v12;
	_ =	sdelay $0x1  }
0x12e: {  	v11 =	vadd.s32 v1, v11;
	_ =	sdelay $0x1  }
0x12f: {  	s20 =	simm.s32 $0x11500  }
0x130: {  	[tilespmem:s20], [sflag:$0x3] =	stream.indirect_vreg.gather [hbm4b:s4+s3], $0x80, v12, vm0, $0xb8;
	[tilespmem:$0x1A500] =	vst v63  }
0x131: {  	s24 =	simm.s32 $0x11D00  }
0x132: {  	[tilespmem:s24], [sflag:$0x3] =	stream.indirect_vreg.gather [hbm4b:s4+s3], $0x80, v11, vm0, $0xb8;
	[tilespmem:$0x1A500] =	vst v63  }
0x133: {  	v11 =	vld [tilespmem:$0x64C0];
	_ =	sdelay $0x4  }
0x134: {  	v12 =	vperm.xlane v11, v0;
	_ =	sdelay $0x1  }
0x135: {  	v11 =	vperm.xlane v11, v2;
	v12 =	vadd.s32 v1, v12;
	_ =	sdelay $0x1  }
0x136: {  	v11 =	vadd.s32 v1, v11;
	_ =	sdelay $0x1  }
0x137: {  	s26 =	simm.s32 $0x12500  }
0x138: {  	[tilespmem:s26], [sflag:$0x3] =	stream.indirect_vreg.gather [hbm4b:s4+s3], $0x80, v12, vm0, $0xb8;
	[tilespmem:$0x1A500] =	vst v63  }
0x139: {  	s2 =	simm.s32 $0x12D00  }
0x13a: {  	[tilespmem:s2], [sflag:$0x3] =	stream.indirect_vreg.gather [hbm4b:s4+s3], $0x80, v11, vm0, $0xb8;
	[tilespmem:$0x1A500] =	vst v63  }
0x13b: {  	v11 =	vld [tilespmem:$0x64D0];
	_ =	sdelay $0x4  }
0x13c: {  	v12 =	vperm.xlane v11, v0;
	_ =	sdelay $0x1  }
0x13d: {  	v11 =	vperm.xlane v11, v2;
	v12 =	vadd.s32 v1, v12;
	_ =	sdelay $0x1  }
0x13e: {  	v11 =	vadd.s32 v1, v11;
	_ =	sdelay $0x1  }
0x13f: {  	s5 =	simm.s32 $0x13500  }
0x140: {  	[tilespmem:s5], [sflag:$0x3] =	stream.indirect_vreg.gather [hbm4b:s4+s3], $0x80, v12, vm0, $0xb8;
	[tilespmem:$0x1A500] =	vst v63  }
0x141: {  	s8 =	simm.s32 $0x13D00  }
0x142: {  	[tilespmem:s8], [sflag:$0x3] =	stream.indirect_vreg.gather [hbm4b:s4+s3], $0x80, v11, vm0, $0xb8;
	[tilespmem:$0x1A500] =	vst v63  }
0x143: {  	v11 =	vld [tilespmem:$0x64E0];
	_ =	sdelay $0x4  }
0x144: {  	v12 =	vperm.xlane v11, v0;
	_ =	sdelay $0x1  }
0x145: {  	v11 =	vperm.xlane v11, v2;
	v12 =	vadd.s32 v1, v12;
	_ =	sdelay $0x1  }
0x146: {  	v11 =	vadd.s32 v1, v11;
	_ =	sdelay $0x1  }
0x147: {  	s9 =	simm.s32 $0x14500  }
0x148: {  	[tilespmem:s9], [sflag:$0x3] =	stream.indirect_vreg.gather [hbm4b:s4+s3], $0x80, v12, vm0, $0xb8;
	[tilespmem:$0x1A500] =	vst v63  }
0x149: {  	s10 =	simm.s32 $0x14D00  }
0x14a: {  	[tilespmem:s10], [sflag:$0x3] =	stream.indirect_vreg.gather [hbm4b:s4+s3], $0x80, v11, vm0, $0xb8;
	[tilespmem:$0x1A500] =	vst v63  }
0x14b: {  	v11 =	vld [tilespmem:$0x64F0];
	_ =	sdelay $0x4  }
0x14c: {  	v12 =	vperm.xlane v11, v0;
	_ =	sdelay $0x1  }
0x14d: {  	v11 =	vperm.xlane v11, v2;
	v12 =	vadd.s32 v1, v12;
	_ =	sdelay $0x1  }
0x14e: {  	v11 =	vadd.s32 v1, v11;
	_ =	sdelay $0x1  }
0x14f: {  	s11 =	simm.s32 $0x15500  }
0x150: {  	[tilespmem:s11], [sflag:$0x3] =	stream.indirect_vreg.gather [hbm4b:s4+s3], $0x80, v12, vm0, $0xb8;
	[tilespmem:$0x1A500] =	vst v63  }
0x151: {  	s12 =	simm.s32 $0x15D00  }
0x152: {  	[tilespmem:s12], [sflag:$0x3] =	stream.indirect_vreg.gather [hbm4b:s4+s3], $0x80, v11, vm0, $0xb8;
	[tilespmem:$0x1A500] =	vst v63  }
0x153: {  	_ =	swait.ge [sflag:s15], $0x4000  }
0x154: {  	p0 =	seq.s32 s21, $0x0;
	s28 =	sshrl.u32 s21, $0x2;
	[sflag:s15] =	ssyncset.done $0x0  }
0x155: {  	s13 =	sshll.u32 s21, $0x1;
	s2 =	simm.s32 @!p0 $0x4;
	[sflag:s15] =	ssyncadd.s32 $0xFFFFC000  }
0x156: {  	s14 =	sshll.u32 s28, $0xC;
	s26 =	sand.u32 $0x6, s13;
	_ =	swait.ge @!p0 [sflag:s2], $0x2000  }
0x157: {  	s24 =	sshra.s32 s14, $0x2;
	s17 =	sshll.u32 s26, $0x7;
	[sflag:s2] =	ssyncset.done @!p0 $0x0  }
0x158: {  	s1 =	sor.u32 s17, s24;
	[sflag:s2] =	ssyncadd.s32 @!p0 $0xFFFFE000  }
0x159: {  	v11 =	vld [tilespmem:s1+$0x0];
	_ =	sdelay $0x4  }
0x15a: {  	v11 =	vshll.u32 v11, $0x6  }
0x15b: {  	v11 =	vand.u32 $0x40, v11  }
0x15c: {  	s17 =	simm.s32 $0x3;
	v16 =	vor.u32 v3, v11  }
0x15d: {  	s14 =	simm.s32 $0x1;
	v11 =	vld [tilespmem:s1+$0x10];
	v12 =	vor.u32 s17, v16  }
0x15e: {  	s12 =	simm.s32 $0x2;
	v13 =	vor.u32 s14, v16  }
0x15f: {  	s20 =	simm.s32 $0x0;
	v15 =	vor.u32 s12, v16  }
0x160: {  	v14 =	vld [tilespmem:s1+$0x20];
	v17 =	vor.u32 s20, v16  }
0x161: {  	v19 =	vld [tilespmem:s1+$0x30]  }
0x162: {  	v11 =	vshll.u32 v11, $0x6;
	v12 =	vld.idx.msk [tilespmem:v12+s7+$0x0], $0xffff  }
0x163: {  	v11 =	vand.u32 $0x40, v11;
	v13 =	vld.idx.msk [tilespmem:v13+s7+$0x0], $0xffff  }
0x164: {  	v18 =	vor.u32 v4, v11;
	v11 =	vld.idx.msk [tilespmem:v15+s7+$0x0], $0xffff  }
0x165: {  	v17 =	vld.idx.msk [tilespmem:v17+s7+$0x0], $0xffff;
	v21 =	vor.u32 s17, v18  }
0x166: {  	v20 =	vld [tilespmem:s1+$0x40];
	v23 =	vor.u32 s14, v18  }
0x167: {  	v22 =	vld [tilespmem:s1+$0x50];
	v25 =	vor.u32 s12, v18;
	v12 =	vmul.f32 $8.000000000e+00, v12  }
0x168: {  	s11 =	simm.s32 $0x16600;
	v24 =	vld [tilespmem:s1+$0x60];
	v26 =	vor.u32 s20, v18;
	v13 =	vmul.f32 $8.000000000e+00, v13  }
0x169: {  	v15 =	vld [tilespmem:s1+$0x70];
	v11 =	vmul.f32 $8.000000000e+00, v11;
	[tilespmem:s11+$0x80] =	vst v12  }
0x16a: {  	v12 =	vshll.u32 v14, $0x6;
	v14 =	vmul.f32 $8.000000000e+00, v17;
	[tilespmem:s11+$0xFFFFFF80] =	vst v13;
	v13 =	vld.idx.msk [tilespmem:v21+s7+$0x0], $0xffff  }
0x16b: {  	v12 =	vand.u32 $0x40, v12;
	v21 =	vld.idx.msk [tilespmem:v23+s7+$0x0], $0xffff;
	[tilespmem:s11+$0x0] =	vst v11  }
0x16c: {  	v17 =	vor.u32 v5, v12;
	[tilespmem:s11+$0xFFFFFF00] =	vst v14;
	v11 =	vld.idx.msk [tilespmem:v25+s7+$0x0], $0xffff  }
0x16d: {  	v12 =	vld.idx.msk [tilespmem:v26+s7+$0x0], $0xffff;
	v14 =	vor.u32 s17, v17  }
0x16e: {  	v23 =	vor.u32 s14, v17  }
0x16f: {  	v25 =	vor.u32 s12, v17;
	v13 =	vmul.f32 $8.000000000e+00, v13  }
0x170: {  	v26 =	vor.u32 s20, v17;
	v21 =	vmul.f32 $8.000000000e+00, v21  }
0x171: {  	v11 =	vmul.f32 $8.000000000e+00, v11;
	[tilespmem:s11+$0x90] =	vst v13  }
0x172: {  	v13 =	vshll.u32 v19, $0x6;
	v12 =	vmul.f32 $8.000000000e+00, v12;
	[tilespmem:s11+$0xFFFFFF90] =	vst v21;
	v14 =	vld.idx.msk [tilespmem:v14+s7+$0x0], $0xffff  }
0x173: {  	s30 =	simm.s32 $0x4;
	v13 =	vand.u32 $0x40, v13;
	v19 =	vld.idx.msk [tilespmem:v23+s7+$0x0], $0xffff;
	[tilespmem:s11+$0x10] =	vst v11  }
0x174: {  	v27 =	vor.u32 s30, v16;
	v13 =	vor.u32 v6, v13;
	[tilespmem:s11+$0xFFFFFF10] =	vst v12;
	v11 =	vld.idx.msk [tilespmem:v25+s7+$0x0], $0xffff  }
0x175: {  	v12 =	vld.idx.msk [tilespmem:v26+s7+$0x0], $0xffff;
	v21 =	vor.u32 s17, v13  }
0x176: {  	v23 =	vor.u32 s14, v13  }
0x177: {  	v25 =	vor.u32 s12, v13;
	v14 =	vmul.f32 $8.000000000e+00, v14  }
0x178: {  	s9 =	simm.s32 $0xA;
	v26 =	vor.u32 s20, v13;
	v19 =	vmul.f32 $8.000000000e+00, v19  }
0x179: {  	s5 =	simm.s32 $0x7;
	v33 =	vor.u32 s9, v16;
	v27 =	vld.idx.msk [tilespmem:v27+s7+$0x0], $0xffff;
	v11 =	vmul.f32 $8.000000000e+00, v11;
	[tilespmem:s11+$0xA0] =	vst v14  }
0x17a: {  	s10 =	simm.s32 $0x5;
	v14 =	vshll.u32 v20, $0x6;
	v20 =	vor.u32 s5, v16;
	v12 =	vmul.f32 $8.000000000e+00, v12;
	[tilespmem:s11+$0xFFFFFFA0] =	vst v19;
	v19 =	vld.idx.msk [tilespmem:v21+s7+$0x0], $0xffff  }
0x17b: {  	s8 =	simm.s32 $0x6;
	v14 =	vand.u32 $0x40, v14;
	v21 =	vor.u32 s10, v16;
	v23 =	vld.idx.msk [tilespmem:v23+s7+$0x0], $0xffff;
	[tilespmem:s11+$0x20] =	vst v11  }
0x17c: {  	v11 =	vor.u32 v7, v14;
	v14 =	vor.u32 s8, v16;
	[tilespmem:s11+$0xFFFFFF20] =	vst v12;
	v12 =	vld.idx.msk [tilespmem:v25+s7+$0x0], $0xffff  }
0x17d: {  	v25 =	vld.idx.msk [tilespmem:v26+s7+$0x0], $0xffff;
	v26 =	vor.u32 s17, v11  }
0x17e: {  	v33 =	vld.idx.msk [tilespmem:v33+s7+$0x0], $0xffff;
	v28 =	vor.u32 s14, v11  }
0x17f: {  	s29 =	simm.s32 $0x8;
	v29 =	vor.u32 s12, v11;
	v20 =	vld.idx.msk [tilespmem:v20+s7+$0x0], $0xffff;
	v19 =	vmul.f32 $8.000000000e+00, v19  }
0x180: {  	v31 =	vor.u32 s29, v16;
	v21 =	vld.idx.msk [tilespmem:v21+s7+$0x0], $0xffff;
	v23 =	vmul.f32 $8.000000000e+00, v23  }
0x181: {  	s1 =	simm.s32 $0x9;
	v30 =	vor.u32 s20, v11;
	v14 =	vld.idx.msk [tilespmem:v14+s7+$0x0], $0xffff;
	v12 =	vmul.f32 $8.000000000e+00, v12;
	[tilespmem:s11+$0xB0] =	vst v19  }
0x182: {  	v55 =	vor.u32 s1, v16;
	v25 =	vmul.f32 $8.000000000e+00, v25;
	[tilespmem:s11+$0xFFFFFFB0] =	vst v23;
	v23 =	vld.idx.msk [tilespmem:v26+s7+$0x0], $0xffff  }
0x183: {  	v19 =	vor.u32 s5, v18;
	v28 =	vld.idx.msk [tilespmem:v28+s7+$0x0], $0xffff;
	[tilespmem:s11+$0x30] =	vst v12  }
0x184: {  	v22 =	vshll.u32 v22, $0x6;
	v26 =	vor.u32 s10, v18;
	[tilespmem:s11+$0xFFFFFF30] =	vst v25;
	v25 =	vld.idx.msk [tilespmem:v29+s7+$0x0], $0xffff  }
0x185: {  	v12 =	vand.u32 $0x40, v22;
	v22 =	vor.u32 s8, v18;
	v32 =	vmul.f32 $8.000000000e+00, v20;
	v20 =	vld.idx.msk [tilespmem:v31+s7+$0x0], $0xffff  }
0x186: {  	s0 =	smov.u32 s31;
	s31 =	simm.s32 $0x16800;
	v12 =	vor.u32 v8, v12;
	v29 =	vor.u32 s30, v18;
	v21 =	vmul.f32 $8.000000000e+00, v21;
	v30 =	vld.idx.msk [tilespmem:v30+s7+$0x0], $0xffff  }
0x187: {  	v31 =	vor.u32 s17, v12;
	v14 =	vmul.f32 $8.000000000e+00, v14;
	[tilespmem:s31+$0x80] =	vst v32;
	v32 =	vld.idx.msk [tilespmem:v55+s7+$0x0], $0xffff  }
0x188: {  	v27 =	vmul.f32 $8.000000000e+00, v27;
	[tilespmem:s31+$0xFFFFFF80] =	vst v21;
	v19 =	vld.idx.msk [tilespmem:v19+s7+$0x0], $0xffff;
	v21 =	vor.u32 s14, v12  }
0x189: {  	v26 =	vld.idx.msk [tilespmem:v26+s7+$0x0], $0xffff;
	[tilespmem:s31+$0x0] =	vst v14;
	v14 =	vor.u32 s12, v12;
	v23 =	vmul.f32 $8.000000000e+00, v23  }
0x18a: {  	[tilespmem:s31+$0xFFFFFF00] =	vst v27;
	v27 =	vor.u32 s20, v12;
	v28 =	vmul.f32 $8.000000000e+00, v28;
	v22 =	vld.idx.msk [tilespmem:v22+s7+$0x0], $0xffff  }
0x18b: {  	v29 =	vld.idx.msk [tilespmem:v29+s7+$0x0], $0xffff;
	v25 =	vmul.f32 $8.000000000e+00, v25;
	[tilespmem:s11+$0xC0] =	vst v23;
	v23 =	vor.u32 s5, v17  }
0x18c: {  	v24 =	vshll.u32 v24, $0x6;
	v30 =	vmul.f32 $8.000000000e+00, v30;
	[tilespmem:s11+$0xFFFFFFC0] =	vst v28;
	v28 =	vld.idx.msk [tilespmem:v31+s7+$0x0], $0xffff;
	v31 =	vor.u32 s10, v17  }
0x18d: {  	v24 =	vand.u32 $0x40, v24;
	[tilespmem:s11+$0x40] =	vst v25;
	v25 =	vor.u32 s8, v17;
	v21 =	vld.idx.msk [tilespmem:v21+s7+$0x0], $0xffff;
	v19 =	vmul.f32 $8.000000000e+00, v19  }
0x18e: {  	[tilespmem:s11+$0xFFFFFF40] =	vst v30;
	v30 =	vld.idx.msk [tilespmem:v14+s7+$0x0], $0xffff;
	v14 =	vor.u32 v9, v24;
	v24 =	vor.u32 s30, v17;
	v26 =	vmul.f32 $8.000000000e+00, v26  }
0x18f: {  	v27 =	vld.idx.msk [tilespmem:v27+s7+$0x0], $0xffff;
	v22 =	vmul.f32 $8.000000000e+00, v22;
	[tilespmem:s31+$0x90] =	vst v19;
	v19 =	vor.u32 s17, v14  }
0x190: {  	v29 =	vmul.f32 $8.000000000e+00, v29;
	[tilespmem:s31+$0xFFFFFF90] =	vst v26;
	v23 =	vld.idx.msk [tilespmem:v23+s7+$0x0], $0xffff;
	v26 =	vor.u32 s14, v14  }
0x191: {  	v31 =	vld.idx.msk [tilespmem:v31+s7+$0x0], $0xffff;
	[tilespmem:s31+$0x10] =	vst v22;
	v22 =	vor.u32 s12, v14;
	v28 =	vmul.f32 $8.000000000e+00, v28  }
0x192: {  	[tilespmem:s31+$0xFFFFFF10] =	vst v29;
	v29 =	vor.u32 s20, v14;
	v25 =	vld.idx.msk [tilespmem:v25+s7+$0x0], $0xffff;
	v21 =	vmul.f32 $8.000000000e+00, v21  }
0x193: {  	v24 =	vld.idx.msk [tilespmem:v24+s7+$0x0], $0xffff;
	v30 =	vmul.f32 $8.000000000e+00, v30;
	[tilespmem:s11+$0xD0] =	vst v28;
	v28 =	vor.u32 s5, v13  }
0x194: {  	v15 =	vshll.u32 v15, $0x6;
	v27 =	vmul.f32 $8.000000000e+00, v27;
	[tilespmem:s11+$0xFFFFFFD0] =	vst v21;
	v19 =	vld.idx.msk [tilespmem:v19+s7+$0x0], $0xffff;
	v21 =	vor.u32 s10, v13  }
0x195: {  	v15 =	vand.u32 $0x40, v15;
	v26 =	vld.idx.msk [tilespmem:v26+s7+$0x0], $0xffff;
	[tilespmem:s11+$0x50] =	vst v30;
	v30 =	vor.u32 s8, v13;
	v23 =	vmul.f32 $8.000000000e+00, v23  }
0x196: {  	v15 =	vor.u32 v10, v15;
	[tilespmem:s11+$0xFFFFFF50] =	vst v27;
	v27 =	vor.u32 s30, v13;
	v22 =	vld.idx.msk [tilespmem:v22+s7+$0x0], $0xffff;
	v31 =	vmul.f32 $8.000000000e+00, v31  }
0x197: {  	s13 =	simm.s32 $0xB;
	v29 =	vld.idx.msk [tilespmem:v29+s7+$0x0], $0xffff;
	v25 =	vmul.f32 $8.000000000e+00, v25;
	[tilespmem:s31+$0xA0] =	vst v23;
	v23 =	vor.u32 s17, v15  }
0x198: {  	v34 =	vor.u32 s13, v16;
	v24 =	vmul.f32 $8.000000000e+00, v24;
	[tilespmem:s31+$0xFFFFFFA0] =	vst v31;
	v28 =	vld.idx.msk [tilespmem:v28+s7+$0x0], $0xffff  }
0x199: {  	v57 =	vor.u32 s29, v18;
	v21 =	vld.idx.msk [tilespmem:v21+s7+$0x0], $0xffff;
	[tilespmem:s31+$0x20] =	vst v25;
	v19 =	vmul.f32 $8.000000000e+00, v19  }
0x19a: {  	v20 =	vmul.f32 $8.000000000e+00, v20;
	v25 =	vor.u32 s14, v15;
	[tilespmem:s31+$0xFFFFFF20] =	vst v24;
	v24 =	vld.idx.msk [tilespmem:v30+s7+$0x0], $0xffff  }
0x19b: {  	v31 =	vor.u32 s20, v15;
	s14 =	simm.s32 $0x16A00;
	v26 =	vmul.f32 $8.000000000e+00, v26;
	v27 =	vld.idx.msk [tilespmem:v27+s7+$0x0], $0xffff;
	[tilespmem:s11+$0xE0] =	vst v19  }
0x19c: {  	v30 =	vor.u32 s12, v15;
	[tilespmem:s14+$0xFFFFFF00] =	vst v20;
	v19 =	vmul.f32 $8.000000000e+00, v22;
	v23 =	vld.idx.msk [tilespmem:v23+s7+$0x0], $0xffff  }
0x19d: {  	v22 =	vor.u32 s5, v11;
	v29 =	vmul.f32 $8.000000000e+00, v29;
	[tilespmem:s11+$0xFFFFFFE0] =	vst v26;
	v26 =	vld.idx.msk [tilespmem:v34+s7+$0x0], $0xffff  }
0x19e: {  	v56 =	vor.u32 s10, v11;
	v34 =	vld.idx.msk [tilespmem:v57+s7+$0x0], $0xffff;
	[tilespmem:s11+$0x60] =	vst v19;
	v28 =	vmul.f32 $8.000000000e+00, v28  }
0x19f: {  	v19 =	vor.u32 s8, v11;
	[tilespmem:s11+$0xFFFFFF60] =	vst v29;
	v25 =	vld.idx.msk [tilespmem:v25+s7+$0x0], $0xffff;
	v21 =	vmul.f32 $8.000000000e+00, v21  }
0x1a0: {  	s12 =	simm.s32 $0xC;
	v29 =	vor.u32 s30, v11;
	v36 =	vld.idx.msk [tilespmem:v31+s7+$0x0], $0xffff;
	v24 =	vmul.f32 $8.000000000e+00, v24;
	[tilespmem:s31+$0xB0] =	vst v28  }
0x1a1: {  	v35 =	vor.u32 s12, v16;
	v30 =	vld.idx.msk [tilespmem:v30+s7+$0x0], $0xffff;
	v27 =	vmul.f32 $8.000000000e+00, v27;
	[tilespmem:s31+$0xFFFFFFB0] =	vst v21  }
0x1a2: {  	v28 =	vor.u32 s13, v18;
	v21 =	vld.idx.msk [tilespmem:v22+s7+$0x0], $0xffff;
	[tilespmem:s31+$0x30] =	vst v24;
	v23 =	vmul.f32 $8.000000000e+00, v23  }
0x1a3: {  	v22 =	vor.u32 s1, v18;
	v31 =	vld.idx.msk [tilespmem:v56+s7+$0x0], $0xffff;
	v26 =	vmul.f32 $8.000000000e+00, v26;
	[tilespmem:s31+$0xFFFFFF30] =	vst v27  }
0x1a4: {  	v32 =	vmul.f32 $8.000000000e+00, v32;
	v24 =	vor.u32 s9, v18;
	v27 =	vld.idx.msk [tilespmem:v19+s7+$0x0], $0xffff;
	[tilespmem:s11+$0xF0] =	vst v23  }
0x1a5: {  	v29 =	vld.idx.msk [tilespmem:v29+s7+$0x0], $0xffff;
	v23 =	vmul.f32 $8.000000000e+00, v33;
	[tilespmem:s14+$0x80] =	vst v26;
	v26 =	vor.u32 s5, v12  }
0x1a6: {  	v58 =	vor.u32 s10, v12;
	[tilespmem:s14+$0xFFFFFF80] =	vst v32;
	v19 =	vld.idx.msk [tilespmem:v35+s7+$0x0], $0xffff  }
0x1a7: {  	v28 =	vld.idx.msk [tilespmem:v28+s7+$0x0], $0xffff;
	[tilespmem:s14+$0x0] =	vst v23;
	v23 =	vor.u32 s8, v12;
	v21 =	vmul.f32 $8.000000000e+00, v21  }
0x1a8: {  	s20 =	simm.s32 $0xD;
	v20 =	vor.u32 s30, v12;
	v22 =	vld.idx.msk [tilespmem:v22+s7+$0x0], $0xffff;
	v31 =	vmul.f32 $8.000000000e+00, v31  }
0x1a9: {  	v59 =	vor.u32 s20, v16;
	v24 =	vld.idx.msk [tilespmem:v24+s7+$0x0], $0xffff;
	v27 =	vmul.f32 $8.000000000e+00, v27;
	[tilespmem:s31+$0xC0] =	vst v21  }
0x1aa: {  	v21 =	vor.u32 s13, v17;
	v29 =	vmul.f32 $8.000000000e+00, v29;
	[tilespmem:s31+$0xFFFFFFC0] =	vst v31;
	v26 =	vld.idx.msk [tilespmem:v26+s7+$0x0], $0xffff  }
0x1ab: {  	v25 =	vmul.f32 $8.000000000e+00, v25;
	v31 =	vor.u32 s1, v17;
	v32 =	vld.idx.msk [tilespmem:v58+s7+$0x0], $0xffff;
	[tilespmem:s31+$0x40] =	vst v27  }
0x1ac: {  	v27 =	vor.u32 s9, v17;
	v28 =	vmul.f32 $8.000000000e+00, v28;
	[tilespmem:s31+$0xFFFFFF40] =	vst v29;
	v23 =	vld.idx.msk [tilespmem:v23+s7+$0x0], $0xffff  }
0x1ad: {  	[tilespmem:s11+$0xFFFFFFF0] =	vst v25;
	v29 =	vor.u32 s29, v17;
	v22 =	vmul.f32 $8.000000000e+00, v22;
	v60 =	vld.idx.msk [tilespmem:v20+s7+$0x0], $0xffff  }
0x1ae: {  	v25 =	vor.u32 s5, v14;
	v20 =	vld.idx.msk [tilespmem:v59+s7+$0x0], $0xffff;
	v24 =	vmul.f32 $8.000000000e+00, v24;
	[tilespmem:s14+$0x90] =	vst v28  }
0x1af: {  	s2 =	simm.s32 $0xE;
	v28 =	vmul.f32 $8.000000000e+00, v34;
	[tilespmem:s14+$0xFFFFFF90] =	vst v22;
	v21 =	vld.idx.msk [tilespmem:v21+s7+$0x0], $0xffff;
	v22 =	vor.u32 s10, v14  }
0x1b0: {  	v38 =	vor.u32 s2, v16;
	v61 =	vld.idx.msk [tilespmem:v31+s7+$0x0], $0xffff;
	[tilespmem:s14+$0x10] =	vst v24;
	v26 =	vmul.f32 $8.000000000e+00, v26  }
0x1b1: {  	v24 =	vor.u32 s8, v14;
	[tilespmem:s14+$0xFFFFFF10] =	vst v28;
	v62 =	vld.idx.msk [tilespmem:v27+s7+$0x0], $0xffff;
	v27 =	vmul.f32 $8.000000000e+00, v32  }
0x1b2: {  	v37 =	vor.u32 s30, v14;
	v63 =	vmul.f32 $8.000000000e+00, v30;
	v32 =	vld.idx.msk [tilespmem:v29+s7+$0x0], $0xffff;
	[tilespmem:s31+$0xD0] =	vst v26  }
0x1b3: {  	v23 =	vmul.f32 $8.000000000e+00, v23;
	[tilespmem:s31+$0xFFFFFFD0] =	vst v27;
	v31 =	vld.idx.msk [tilespmem:v25+s7+$0x0], $0xffff;
	v27 =	vor.u32 s13, v13  }
0x1b4: {  	[tilespmem:s11+$0x70] =	vst v63;
	v28 =	vor.u32 s1, v13;
	v26 =	vmul.f32 $8.000000000e+00, v60;
	v29 =	vld.idx.msk [tilespmem:v22+s7+$0x0], $0xffff  }
0x1b5: {  	v25 =	vor.u32 s9, v13;
	[tilespmem:s31+$0x50] =	vst v23;
	v39 =	vmul.f32 $8.000000000e+00, v21;
	v22 =	vld.idx.msk [tilespmem:v38+s7+$0x0], $0xffff  }
0x1b6: {  	[tilespmem:s31+$0xFFFFFF50] =	vst v26;
	v30 =	vld.idx.msk [tilespmem:v24+s7+$0x0], $0xffff;
	v24 =	vor.u32 s29, v13;
	v33 =	vmul.f32 $8.000000000e+00, v61  }
0x1b7: {  	s17 =	simm.s32 $0xF;
	v21 =	vmul.f32 $8.000000000e+00, v36;
	v23 =	vor.u32 s5, v15;
	s5 =	simm.s32 $0x10;
	v26 =	vld.idx.msk [tilespmem:v37+s7+$0x0], $0xffff;
	v34 =	vmul.f32 $8.000000000e+00, v62;
	[tilespmem:s14+$0xA0] =	vst v39  }
.LBB2_3:
0x1b8: {  	p1 =	slt.u32 s5, $0x3C;
	v35 =	vor.u32 s17, v16;
	v32 =	vmul.f32 $8.000000000e+00, v32;
	[tilespmem:s14+$0xFFFFFFA0] =	vst v33;
	v27 =	vld.idx.msk [tilespmem:v27+s7+$0x0], $0xffff  }
0x1b9: {  	v33 =	vor.u32 s10, v15;
	v31 =	vmul.f32 $8.000000000e+00, v31;
	s10 =	smov.u32 s1;
	s1 =	smov.u32 s20;
	v28 =	vld.idx.msk [tilespmem:v28+s7+$0x0], $0xffff;
	[tilespmem:s14+$0x20] =	vst v34  }
0x1ba: {  	v29 =	vmul.f32 $8.000000000e+00, v29;
	[tilespmem:s14+$0xFFFFFF20] =	vst v32;
	v25 =	vld.idx.msk [tilespmem:v25+s7+$0x0], $0xffff;
	v32 =	vor.u32 s8, v15;
	s8 =	smov.u32 s9;
	s9 =	smov.u32 s2  }
0x1bb: {  	v34 =	vor.u32 s30, v15;
	s30 =	smov.u32 s29;
	s29 =	smov.u32 s12;
	s12 =	smov.u32 s5;
	v30 =	vmul.f32 $8.000000000e+00, v30;
	v24 =	vld.idx.msk [tilespmem:v24+s7+$0x0], $0xffff;
	[tilespmem:s31+$0xE0] =	vst v31  }
0x1bc: {  	v31 =	vor.u32 s13, v11;
	v26 =	vmul.f32 $8.000000000e+00, v26;
	[tilespmem:s31+$0xFFFFFFE0] =	vst v29;
	v23 =	vld.idx.msk [tilespmem:v23+s7+$0x0], $0xffff  }
0x1bd: {  	v29 =	vld.idx.msk [tilespmem:v35+s7+$0x0], $0xffff;
	v35 =	vor.u32 s10, v11;
	[tilespmem:s31+$0x60] =	vst v30  }
0x1be: {  	v30 =	vor.u32 s8, v11;
	v27 =	vmul.f32 $8.000000000e+00, v27;
	[tilespmem:s31+$0xFFFFFF60] =	vst v26;
	v26 =	vld.idx.msk [tilespmem:v33+s7+$0x0], $0xffff  }
0x1bf: {  	v33 =	vor.u32 s30, v11;
	v28 =	vmul.f32 $8.000000000e+00, v28;
	v32 =	vld.idx.msk [tilespmem:v32+s7+$0x0], $0xffff;
	[tilespmem:s11+$0xFFFFFF70] =	vst v21;
	s11 =	smov.u32 s31;
	s31 =	smov.u32 s14  }
0x1c0: {  	v21 =	vor.u32 s5, v16;
	v25 =	vmul.f32 $8.000000000e+00, v25;
	[tilespmem:s14+$0xB0] =	vst v27;
	v27 =	vld.idx.msk [tilespmem:v34+s7+$0x0], $0xffff  }
0x1c1: {  	v34 =	vor.u32 s17, v18;
	v24 =	vmul.f32 $8.000000000e+00, v24;
	[tilespmem:s14+$0xFFFFFFB0] =	vst v28;
	v28 =	vld.idx.msk [tilespmem:v31+s7+$0x0], $0xffff  }
0x1c2: {  	v31 =	vor.u32 s1, v18;
	v23 =	vmul.f32 $8.000000000e+00, v23;
	v35 =	vld.idx.msk [tilespmem:v35+s7+$0x0], $0xffff;
	[tilespmem:s14+$0x30] =	vst v25  }
0x1c3: {  	v25 =	vor.u32 s9, v18;
	v29 =	vmul.f32 $8.000000000e+00, v29;
	[tilespmem:s14+$0xFFFFFF30] =	vst v24;
	v24 =	vld.idx.msk [tilespmem:v30+s7+$0x0], $0xffff  }
0x1c4: {  	v20 =	vmul.f32 $8.000000000e+00, v20;
	v30 =	vor.u32 s29, v18;
	s14 =	sadd.s32 $0x200, s14;
	v26 =	vmul.f32 $8.000000000e+00, v26;
	v33 =	vld.idx.msk [tilespmem:v33+s7+$0x0], $0xffff;
	[tilespmem:s11+$0xF0] =	vst v23  }
0x1c5: {  	v22 =	vmul.f32 $8.000000000e+00, v22;
	v36 =	vmul.f32 $8.000000000e+00, v32;
	v23 =	vld.idx.msk [tilespmem:v21+s7+$0x0], $0xffff;
	[tilespmem:s14+$0x80] =	vst v29;
	v29 =	vor.u32 s13, v12  }
0x1c6: {  	v19 =	vmul.f32 $8.000000000e+00, v19;
	v32 =	vor.u32 s10, v12;
	v21 =	vmul.f32 $8.000000000e+00, v27;
	[tilespmem:s14+$0xFFFFFF80] =	vst v20;
	v20 =	vld.idx.msk [tilespmem:v34+s7+$0x0], $0xffff  }
0x1c7: {  	v28 =	vmul.f32 $8.000000000e+00, v28;
	v27 =	vld.idx.msk [tilespmem:v31+s7+$0x0], $0xffff;
	[tilespmem:s14+$0x0] =	vst v22;
	v22 =	vor.u32 s8, v12  }
0x1c8: {  	s20 =	sadd.s32 $0x1, s5;
	v31 =	vor.u32 s30, v12;
	v37 =	vmul.f32 $8.000000000e+00, v35;
	[tilespmem:s14+$0xFFFFFF00] =	vst v19;
	v25 =	vld.idx.msk [tilespmem:v25+s7+$0x0], $0xffff  }
0x1c9: {  	v34 =	vor.u32 s20, v16;
	v24 =	vmul.f32 $8.000000000e+00, v24;
	v30 =	vld.idx.msk [tilespmem:v30+s7+$0x0], $0xffff;
	[tilespmem:s31+$0xC0] =	vst v28  }
0x1ca: {  	v28 =	vor.u32 s17, v17;
	v33 =	vmul.f32 $8.000000000e+00, v33;
	[tilespmem:s31+$0xFFFFFFC0] =	vst v37;
	v29 =	vld.idx.msk [tilespmem:v29+s7+$0x0], $0xffff  }
0x1cb: {  	v35 =	vor.u32 s1, v17;
	v19 =	vmov v23;
	v32 =	vld.idx.msk [tilespmem:v32+s7+$0x0], $0xffff;
	[tilespmem:s31+$0x40] =	vst v24  }
0x1cc: {  	v23 =	vor.u32 s9, v17;
	v24 =	vmul.f32 $8.000000000e+00, v20;
	[tilespmem:s31+$0xFFFFFF40] =	vst v33;
	v22 =	vld.idx.msk [tilespmem:v22+s7+$0x0], $0xffff  }
0x1cd: {  	v33 =	vor.u32 s29, v17;
	v27 =	vmul.f32 $8.000000000e+00, v27;
	v31 =	vld.idx.msk [tilespmem:v31+s7+$0x0], $0xffff;
	[tilespmem:s11+$0xFFFFFFF0] =	vst v26  }
0x1ce: {  	v25 =	vmul.f32 $8.000000000e+00, v25;
	v20 =	vld.idx.msk [tilespmem:v34+s7+$0x0], $0xffff;
	[tilespmem:s14+$0x90] =	vst v24;
	v24 =	vor.u32 s13, v14  }
0x1cf: {  	v26 =	vmul.f32 $8.000000000e+00, v30;
	v34 =	vor.u32 s10, v14;
	[tilespmem:s14+$0xFFFFFF90] =	vst v27;
	v30 =	vld.idx.msk [tilespmem:v28+s7+$0x0], $0xffff  }
0x1d0: {  	v37 =	vor.u32 s8, v14;
	v35 =	vld.idx.msk [tilespmem:v35+s7+$0x0], $0xffff;
	[tilespmem:s14+$0x10] =	vst v25;
	v25 =	vmul.f32 $8.000000000e+00, v29  }
0x1d1: {  	s2 =	sadd.s32 $0x2, s5;
	v28 =	vmul.f32 $8.000000000e+00, v32;
	[tilespmem:s14+$0xFFFFFF10] =	vst v26;
	v23 =	vld.idx.msk [tilespmem:v23+s7+$0x0], $0xffff;
	v26 =	vor.u32 s30, v14  }
0x1d2: {  	v38 =	vor.u32 s2, v16;
	v22 =	vmul.f32 $8.000000000e+00, v22;
	v32 =	vld.idx.msk [tilespmem:v33+s7+$0x0], $0xffff;
	[tilespmem:s31+$0xD0] =	vst v25  }
.Ltmp0:
0x1d3: {  	v27 =	vor.u32 s17, v13;
	v33 =	vmul.f32 $8.000000000e+00, v31;
	[tilespmem:s31+$0xFFFFFFD0] =	vst v28;
	v31 =	vld.idx.msk [tilespmem:v24+s7+$0x0], $0xffff;
	(pc) =	sbr.rel @p1 .LBB2_3-.Ltmp0, $4  }
0x1d4: {  	v28 =	vor.u32 s1, v13;
	v29 =	vld.idx.msk [tilespmem:v34+s7+$0x0], $0xffff;
	[tilespmem:s31+$0x50] =	vst v22  }
0x1d5: {  	v25 =	vor.u32 s9, v13;
	v39 =	vmul.f32 $8.000000000e+00, v30;
	[tilespmem:s31+$0xFFFFFF50] =	vst v33;
	v30 =	vld.idx.msk [tilespmem:v37+s7+$0x0], $0xffff  }
0x1d6: {  	v24 =	vor.u32 s29, v13;
	v33 =	vmul.f32 $8.000000000e+00, v35;
	v26 =	vld.idx.msk [tilespmem:v26+s7+$0x0], $0xffff;
	[tilespmem:s11+$0x70] =	vst v36  }
0x1d7: {  	s5 =	sadd.s32 $0x4, s5;
	v34 =	vmul.f32 $8.000000000e+00, v23;
	v23 =	vor.u32 s13, v15;
	s13 =	smov.u32 s17;
	s17 =	sadd.s32 $0x3, s12;
	v22 =	vld.idx.msk [tilespmem:v38+s7+$0x0], $0xffff;
	[tilespmem:s14+$0xA0] =	vst v39  }
0x1d8: {  	v16 =	vor.u32 s17, v16;
	_ =	sdelay $0x2  }
0x1d9: {  	[tilespmem:s14+$0xFFFFFFA0] =	vst v33  }
0x1da: {  	v32 =	vmul.f32 $8.000000000e+00, v32;
	v52 =	vor.u32 s20, v18;
	[tilespmem:s11+$0xFFFFFF70] =	vst v21  }
0x1db: {  	v54 =	vor.u32 s12, v18;
	v20 =	vmul.f32 $8.000000000e+00, v20;
	[tilespmem:s14+$0x20] =	vst v34;
	v16 =	vld.idx.msk [tilespmem:v16+s7+$0x0], $0xffff  }
0x1dc: {  	v53 =	vor.u32 s2, v18;
	s5 =	sadd.s32 $0x200, s14;
	v56 =	vmul.f32 $8.000000000e+00, v19;
	[tilespmem:s14+$0xFFFFFF20] =	vst v32  }
0x1dd: {  	v58 =	vmul.f32 $8.000000000e+00, v31;
	v27 =	vld.idx.msk [tilespmem:v27+s7+$0x0], $0xffff;
	[tilespmem:s5+$0xFFFFFF80] =	vst v20  }
0x1de: {  	v51 =	vor.u32 s17, v18;
	[tilespmem:s5+$0xFFFFFF00] =	vst v56;
	v24 =	vld.idx.msk [tilespmem:v24+s7+$0x0], $0xffff;
	v55 =	vmul.f32 $8.000000000e+00, v22  }
0x1df: {  	v60 =	vmul.f32 $8.000000000e+00, v29;
	[tilespmem:s31+$0xE0] =	vst v58;
	v59 =	vld.idx.msk [tilespmem:v52+s7+$0x0], $0xffff  }
0x1e0: {  	v18 =	vld.idx.msk [tilespmem:v54+s7+$0x0], $0xffff;
	[tilespmem:s5+$0x0] =	vst v55;
	v16 =	vmul.f32 $8.000000000e+00, v16  }
0x1e1: {  	v45 =	vor.u32 s29, v11;
	v62 =	vmul.f32 $8.000000000e+00, v30;
	[tilespmem:s31+$0xFFFFFFE0] =	vst v60;
	v61 =	vld.idx.msk [tilespmem:v53+s7+$0x0], $0xffff  }
0x1e2: {  	v28 =	vld.idx.msk [tilespmem:v28+s7+$0x0], $0xffff;
	v32 =	vor.u32 s20, v17;
	v26 =	vmul.f32 $8.000000000e+00, v26;
	[tilespmem:s5+$0x80] =	vst v16  }
0x1e3: {  	v34 =	vor.u32 s12, v17;
	[tilespmem:s31+$0x60] =	vst v62;
	v24 =	vmul.f32 $8.000000000e+00, v24;
	v57 =	vld.idx.msk [tilespmem:v51+s7+$0x0], $0xffff  }
0x1e4: {  	v33 =	vor.u32 s2, v17;
	v25 =	vld.idx.msk [tilespmem:v25+s7+$0x0], $0xffff;
	[tilespmem:s31+$0xFFFFFF60] =	vst v26;
	v22 =	vmul.f32 $8.000000000e+00, v59  }
0x1e5: {  	v36 =	vor.u32 s1, v11;
	v23 =	vld.idx.msk [tilespmem:v23+s7+$0x0], $0xffff;
	v18 =	vmul.f32 $8.000000000e+00, v18;
	[tilespmem:s14+$0xFFFFFF30] =	vst v24  }
0x1e6: {  	v63 =	vor.u32 s17, v17;
	v24 =	vld.idx.msk [tilespmem:v45+s7+$0x0], $0xffff;
	v16 =	vmul.f32 $8.000000000e+00, v61;
	[tilespmem:s5+$0xFFFFFF90] =	vst v22  }
0x1e7: {  	v38 =	vor.u32 s9, v11;
	v39 =	vmul.f32 $8.000000000e+00, v28;
	[tilespmem:s5+$0xFFFFFF10] =	vst v18;
	v21 =	vld.idx.msk [tilespmem:v32+s7+$0x0], $0xffff  }
0x1e8: {  	v59 =	vor.u32 s8, v15;
	v17 =	vld.idx.msk [tilespmem:v34+s7+$0x0], $0xffff;
	[tilespmem:s5+$0x10] =	vst v16;
	v19 =	vmul.f32 $8.000000000e+00, v57  }
0x1e9: {  	v35 =	vor.u32 s13, v11;
	v25 =	vmul.f32 $8.000000000e+00, v25;
	[tilespmem:s14+$0xFFFFFFB0] =	vst v39;
	v40 =	vld.idx.msk [tilespmem:v33+s7+$0x0], $0xffff  }
0x1ea: {  	v42 =	vor.u32 s20, v13;
	v37 =	vmul.f32 $8.000000000e+00, v27;
	v22 =	vld.idx.msk [tilespmem:v36+s7+$0x0], $0xffff;
	[tilespmem:s5+$0x90] =	vst v19  }
0x1eb: {  	v44 =	vor.u32 s12, v13;
	v23 =	vmul.f32 $8.000000000e+00, v23;
	[tilespmem:s14+$0x30] =	vst v25;
	v20 =	vld.idx.msk [tilespmem:v63+s7+$0x0], $0xffff  }
0x1ec: {  	v43 =	vor.u32 s2, v13;
	[tilespmem:s14+$0xB0] =	vst v37;
	v16 =	vld.idx.msk [tilespmem:v38+s7+$0x0], $0xffff;
	v21 =	vmul.f32 $8.000000000e+00, v21  }
0x1ed: {  	v49 =	vor.u32 s1, v12;
	[tilespmem:s31+$0xF0] =	vst v23;
	v23 =	vld.idx.msk [tilespmem:v59+s7+$0x0], $0xffff;
	v17 =	vmul.f32 $8.000000000e+00, v17  }
0x1ee: {  	v41 =	vor.u32 s17, v13;
	v19 =	vld.idx.msk [tilespmem:v35+s7+$0x0], $0xffff;
	v18 =	vmul.f32 $8.000000000e+00, v40;
	[tilespmem:s5+$0xFFFFFFA0] =	vst v21  }
0x1ef: {  	v56 =	vor.u32 s9, v12;
	v22 =	vmul.f32 $8.000000000e+00, v22;
	[tilespmem:s5+$0xFFFFFF20] =	vst v17;
	v27 =	vld.idx.msk [tilespmem:v42+s7+$0x0], $0xffff  }
0x1f0: {  	v46 =	vor.u32 s10, v15;
	v13 =	vld.idx.msk [tilespmem:v44+s7+$0x0], $0xffff;
	[tilespmem:s5+$0x20] =	vst v18;
	v20 =	vmul.f32 $8.000000000e+00, v20  }
0x1f1: {  	v48 =	vor.u32 s13, v12;
	v16 =	vmul.f32 $8.000000000e+00, v16;
	[tilespmem:s14+$0xFFFFFFC0] =	vst v22;
	v50 =	vld.idx.msk [tilespmem:v43+s7+$0x0], $0xffff  }
0x1f2: {  	v52 =	vor.u32 s20, v11;
	v53 =	vor.u32 s2, v11;
	v24 =	vmul.f32 $8.000000000e+00, v24;
	v18 =	vld.idx.msk [tilespmem:v49+s7+$0x0], $0xffff;
	[tilespmem:s5+$0xA0] =	vst v20  }
0x1f3: {  	v51 =	vor.u32 s17, v11;
	v11 =	vor.u32 s12, v11;
	[tilespmem:s14+$0x40] =	vst v16;
	v19 =	vmul.f32 $8.000000000e+00, v19;
	v47 =	vld.idx.msk [tilespmem:v41+s7+$0x0], $0xffff  }
0x1f4: {  	[tilespmem:s14+$0xFFFFFF40] =	vst v24;
	v29 =	vld.idx.msk [tilespmem:v56+s7+$0x0], $0xffff;
	v55 =	vmul.f32 $8.000000000e+00, v27  }
0x1f5: {  	v13 =	vmul.f32 $8.000000000e+00, v13;
	[tilespmem:s14+$0xC0] =	vst v19;
	v20 =	vld.idx.msk [tilespmem:v46+s7+$0x0], $0xffff  }
0x1f6: {  	v54 =	vld.idx.msk [tilespmem:v48+s7+$0x0], $0xffff;
	v17 =	vmul.f32 $8.000000000e+00, v50;
	[tilespmem:s5+$0xFFFFFFB0] =	vst v55  }
0x1f7: {  	v35 =	vor.u32 s1, v14;
	v40 =	vmul.f32 $8.000000000e+00, v23;
	[tilespmem:s5+$0xFFFFFF30] =	vst v13;
	v19 =	vld.idx.msk [tilespmem:v52+s7+$0x0], $0xffff  }
0x1f8: {  	v57 =	vor.u32 s29, v12;
	v11 =	vld.idx.msk [tilespmem:v11+s7+$0x0], $0xffff;
	[tilespmem:s5+$0x30] =	vst v17;
	v21 =	vmul.f32 $8.000000000e+00, v47  }
0x1f9: {  	v61 =	vor.u32 s13, v14;
	[tilespmem:s31+$0x70] =	vst v40;
	v30 =	vmul.f32 $8.000000000e+00, v18;
	v62 =	vld.idx.msk [tilespmem:v53+s7+$0x0], $0xffff  }
0x1fa: {  	v31 =	vor.u32 s20, v12;
	v25 =	vmul.f32 $8.000000000e+00, v29;
	[tilespmem:s5+$0xB0] =	vst v21  }
0x1fb: {  	v33 =	vor.u32 s12, v12;
	[tilespmem:s14+$0xFFFFFFD0] =	vst v30;
	v63 =	vmul.f32 $8.000000000e+00, v54;
	v58 =	vld.idx.msk [tilespmem:v51+s7+$0x0], $0xffff  }
0x1fc: {  	v32 =	vor.u32 s2, v12;
	[tilespmem:s14+$0x50] =	vst v25;
	v34 =	vmul.f32 $8.000000000e+00, v19;
	v19 =	vld.idx.msk [tilespmem:v35+s7+$0x0], $0xffff  }
0x1fd: {  	v39 =	vor.u32 s30, v15;
	v11 =	vmul.f32 $8.000000000e+00, v11;
	[tilespmem:s14+$0xD0] =	vst v63;
	v21 =	vld.idx.msk [tilespmem:v57+s7+$0x0], $0xffff  }
0x1fe: {  	v28 =	vor.u32 s17, v12;
	v60 =	vmul.f32 $8.000000000e+00, v20;
	v20 =	vld.idx.msk [tilespmem:v61+s7+$0x0], $0xffff;
	v13 =	vmul.f32 $8.000000000e+00, v62;
	[tilespmem:s5+$0xFFFFFFC0] =	vst v34  }
0x1ff: {  	v36 =	vor.u32 s9, v14;
	[tilespmem:s5+$0xFFFFFF40] =	vst v11;
	v18 =	vld.idx.msk [tilespmem:v31+s7+$0x0], $0xffff  }
0x200: {  	v38 =	vor.u32 s29, v14;
	v12 =	vld.idx.msk [tilespmem:v33+s7+$0x0], $0xffff;
	[tilespmem:s5+$0x40] =	vst v13;
	v16 =	vmul.f32 $8.000000000e+00, v58  }
0x201: {  	v45 =	vor.u32 s13, v15;
	[tilespmem:s31+$0xFFFFFFF0] =	vst v60;
	v11 =	vld.idx.msk [tilespmem:v32+s7+$0x0], $0xffff;
	v19 =	vmul.f32 $8.000000000e+00, v19  }
0x202: {  	v42 =	vor.u32 s20, v14;
	v13 =	vld.idx.msk [tilespmem:v39+s7+$0x0], $0xffff;
	v21 =	vmul.f32 $8.000000000e+00, v21;
	[tilespmem:s5+$0xC0] =	vst v16  }
0x203: {  	v44 =	vor.u32 s12, v14;
	v20 =	vmul.f32 $8.000000000e+00, v20;
	[tilespmem:s14+$0xFFFFFFE0] =	vst v19;
	v37 =	vld.idx.msk [tilespmem:v28+s7+$0x0], $0xffff  }
0x204: {  	v43 =	vor.u32 s2, v14;
	v18 =	vmul.f32 $8.000000000e+00, v18;
	[tilespmem:s14+$0xFFFFFF50] =	vst v21;
	v16 =	vld.idx.msk [tilespmem:v36+s7+$0x0], $0xffff  }
0x205: {  	v46 =	vor.u32 s1, v15;
	v12 =	vmul.f32 $8.000000000e+00, v12;
	[tilespmem:s14+$0xE0] =	vst v20;
	v24 =	vld.idx.msk [tilespmem:v38+s7+$0x0], $0xffff  }
0x206: {  	v41 =	vor.u32 s17, v14;
	v11 =	vmul.f32 $8.000000000e+00, v11;
	[tilespmem:s5+$0xFFFFFFD0] =	vst v18;
	v20 =	vld.idx.msk [tilespmem:v45+s7+$0x0], $0xffff  }
0x207: {  	v48 =	vor.u32 s9, v15;
	v13 =	vmul.f32 $8.000000000e+00, v13;
	[tilespmem:s5+$0xFFFFFF50] =	vst v12;
	v21 =	vld.idx.msk [tilespmem:v42+s7+$0x0], $0xffff  }
0x208: {  	v14 =	vld.idx.msk [tilespmem:v44+s7+$0x0], $0xffff;
	[tilespmem:s5+$0x50] =	vst v11;
	v11 =	vor.u32 s29, v15;
	v17 =	vmul.f32 $8.000000000e+00, v37  }
0x209: {  	[tilespmem:s31+$0xFFFFFF70] =	vst v13;
	v49 =	vld.idx.msk [tilespmem:v43+s7+$0x0], $0xffff;
	v16 =	vmul.f32 $8.000000000e+00, v16  }
0x20a: {  	v50 =	vmul.f32 $8.000000000e+00, v24;
	[tilespmem:s5+$0xD0] =	vst v17;
	v17 =	vld.idx.msk [tilespmem:v46+s7+$0x0], $0xffff  }
0x20b: {  	v52 =	vor.u32 s20, v15;
	v57 =	vmul.f32 $8.000000000e+00, v20;
	[tilespmem:s14+$0x60] =	vst v16;
	v47 =	vld.idx.msk [tilespmem:v41+s7+$0x0], $0xffff  }
0x20c: {  	v55 =	vor.u32 s12, v15;
	v54 =	vmul.f32 $8.000000000e+00, v21;
	[tilespmem:s14+$0xFFFFFF60] =	vst v50;
	v23 =	vld.idx.msk [tilespmem:v48+s7+$0x0], $0xffff  }
0x20d: {  	v53 =	vor.u32 s2, v15;
	v14 =	vmul.f32 $8.000000000e+00, v14;
	[tilespmem:s14+$0xF0] =	vst v57;
	v11 =	vld.idx.msk [tilespmem:v11+s7+$0x0], $0xffff  }
0x20e: {  	v51 =	vor.u32 s17, v15;
	v12 =	vmul.f32 $8.000000000e+00, v49;
	[tilespmem:s5+$0xFFFFFFE0] =	vst v54  }
0x20f: {  	[tilespmem:s5+$0xFFFFFF60] =	vst v14;
	v59 =	vmul.f32 $8.000000000e+00, v17  }
0x210: {  	v58 =	vld.idx.msk [tilespmem:v52+s7+$0x0], $0xffff;
	[tilespmem:s5+$0x60] =	vst v12;
	v18 =	vmul.f32 $8.000000000e+00, v47  }
0x211: {  	v15 =	vld.idx.msk [tilespmem:v55+s7+$0x0], $0xffff;
	v61 =	vmul.f32 $8.000000000e+00, v23;
	[tilespmem:s14+$0xFFFFFFF0] =	vst v59  }
0x212: {  	v60 =	vld.idx.msk [tilespmem:v53+s7+$0x0], $0xffff;
	v11 =	vmul.f32 $8.000000000e+00, v11;
	[tilespmem:s5+$0xE0] =	vst v18  }
0x213: {  	[tilespmem:s14+$0x70] =	vst v61;
	v56 =	vld.idx.msk [tilespmem:v51+s7+$0x0], $0xffff  }
0x214: {  	[tilespmem:s14+$0xFFFFFF70] =	vst v11  }
0x215: {  	v11 =	vmul.f32 $8.000000000e+00, v58;
	s12 =	rddreg [dreg:$0x4]  }
0x216: {  	p1 =	sne.s32 s21, $0x63;
	v63 =	vmul.f32 $8.000000000e+00, v15;
	s1 =	sadd.s32 s12, s28  }
.Ltmp1:
0x217: {  	s14 =	sshll.u32 s26, $0xF;
	v62 =	vmul.f32 $8.000000000e+00, v60;
	[tilespmem:s5+$0xFFFFFFF0] =	vst v11;
	s13 =	sshll.u32 s1, $0xD;
	(pc) =	sbr.rel @p1 .LBB2_6-.Ltmp1, $4  }
0x218: {  	s17 =	sadd.s32 s0, s14;
	[tilespmem:s5+$0xFFFFFF70] =	vst v63;
	s1 =	sshll.u32 s1, $0x7;
	s26 =	sand.u32 $0xFFC0000, s13;
	v13 =	vmul.f32 $8.000000000e+00, v56  }
0x219: {  	s30 =	simm.s32 $0x16500;
	[tilespmem:s5+$0x70] =	vst v62;
	s28 =	sand.u32 $0xF80, s1;
	s20 =	sadd.s32 s26, s17  }
0x21a: {  	s31 =	smov.u32 s0;
	s29 =	simm.s32 $0x400;
	s1 =	sadd.s32 s28, s20;
	[tilespmem:s5+$0xF0] =	vst v13  }
0x21b: {  	[hbm4b:s1+s29] =	stream.strided.scatter [tilespmem:s30], [sflag:$0x4], $0x2000, s16, s29, $0x38;
	[tilespmem:$0x1A500] =	vst v63  }
.Ltmp2:
0x21c: {  	(pc) =	sbr.rel .LBB2_7-.Ltmp2, $4  }
0x21d: {  	_ = 	snop  }
0x21e: {  	_ =	swait.ge [sflag:s18], $0x4000  }
0x21f: {  	[sflag:s18] =	ssyncset.done $0x0  }
0x220: {  	[sflag:s18] =	ssyncadd.s32 $0xFFFFC000  }
.LBB2_6:
0x221: {  	s1 =	sand.u32 $0x3FFFFF00, s25  }
0x222: {  	v11 =	vld [tilespmem:s1+$0x100];
	_ =	sdelay $0x4  }
0x223: {  	v11 =	vshrl.u32 v11, $0x1  }
0x224: {  	[tilespmem:$0x6400] =	vst v11  }
0x225: {  	v12 =	vld [tilespmem:s1+$0x110];
	_ =	sdelay $0x4  }
0x226: {  	v12 =	vshrl.u32 v12, $0x1  }
0x227: {  	[tilespmem:$0x6410] =	vst v12  }
0x228: {  	v12 =	vld [tilespmem:s1+$0x120];
	_ =	sdelay $0x4  }
0x229: {  	v12 =	vshrl.u32 v12, $0x1  }
0x22a: {  	[tilespmem:$0x6420] =	vst v12  }
0x22b: {  	v12 =	vld [tilespmem:s1+$0x130];
	_ =	sdelay $0x4  }
0x22c: {  	v12 =	vshrl.u32 v12, $0x1  }
0x22d: {  	[tilespmem:$0x6430] =	vst v12  }
0x22e: {  	v12 =	vld [tilespmem:s1+$0x140];
	_ =	sdelay $0x4  }
0x22f: {  	v12 =	vshrl.u32 v12, $0x1  }
0x230: {  	[tilespmem:$0x6440] =	vst v12  }
0x231: {  	v12 =	vld [tilespmem:s1+$0x150];
	_ =	sdelay $0x4  }
0x232: {  	v12 =	vshrl.u32 v12, $0x1  }
0x233: {  	[tilespmem:$0x6450] =	vst v12  }
0x234: {  	v12 =	vld [tilespmem:s1+$0x160];
	_ =	sdelay $0x4  }
0x235: {  	v12 =	vshrl.u32 v12, $0x1  }
0x236: {  	[tilespmem:$0x6460] =	vst v12  }
0x237: {  	v13 =	vperm.xlane v11, v0;
	v12 =	vld [tilespmem:s1+$0x170];
	_ =	sdelay $0x1  }
0x238: {  	v11 =	vperm.xlane v11, v2;
	v13 =	vadd.s32 v1, v13;
	_ =	sdelay $0x1  }
0x239: {  	v11 =	vadd.s32 v1, v11  }
0x23a: {  	v12 =	vshrl.u32 v12, $0x1  }
0x23b: {  	[tilespmem:$0x6470] =	vst v12  }
0x23c: {  	[tilespmem:s7], [sflag:$0x2] =	stream.indirect_vreg.gather [hbm4b:s4+s3], $0x80, v13, vm0, $0xb8;
	[tilespmem:$0x1A500] =	vst v63  }
0x23d: {  	s0 =	simm.s32 $0x6D00  }
0x23e: {  	[tilespmem:s0], [sflag:$0x2] =	stream.indirect_vreg.gather [hbm4b:s4+s3], $0x80, v11, vm0, $0xb8;
	[tilespmem:$0x1A500] =	vst v63  }
0x23f: {  	v11 =	vld [tilespmem:$0x6410];
	_ =	sdelay $0x4  }
0x240: {  	v57 =	vperm.xlane v11, v0;
	_ =	sdelay $0x1  }
0x241: {  	v11 =	vperm.xlane v11, v2;
	v12 =	vadd.s32 v1, v57;
	_ =	sdelay $0x1  }
0x242: {  	v11 =	vadd.s32 v1, v11;
	_ =	sdelay $0x1  }
0x243: {  	s2 =	simm.s32 $0x7500  }
0x244: {  	[tilespmem:s2], [sflag:$0x2] =	stream.indirect_vreg.gather [hbm4b:s4+s3], $0x80, v12, vm0, $0xb8;
	[tilespmem:$0x1A500] =	vst v63  }
0x245: {  	s5 =	simm.s32 $0x7D00  }
0x246: {  	[tilespmem:s5], [sflag:$0x2] =	stream.indirect_vreg.gather [hbm4b:s4+s3], $0x80, v11, vm0, $0xb8;
	[tilespmem:$0x1A500] =	vst v63  }
0x247: {  	v11 =	vld [tilespmem:$0x6420];
	_ =	sdelay $0x4  }
0x248: {  	v58 =	vperm.xlane v11, v0;
	_ =	sdelay $0x1  }
0x249: {  	v11 =	vperm.xlane v11, v2;
	v12 =	vadd.s32 v1, v58;
	_ =	sdelay $0x1  }
0x24a: {  	v11 =	vadd.s32 v1, v11;
	_ =	sdelay $0x1  }
0x24b: {  	s8 =	simm.s32 $0x8500  }
0x24c: {  	[tilespmem:s8], [sflag:$0x2] =	stream.indirect_vreg.gather [hbm4b:s4+s3], $0x80, v12, vm0, $0xb8;
	[tilespmem:$0x1A500] =	vst v63  }
0x24d: {  	s9 =	simm.s32 $0x8D00  }
0x24e: {  	[tilespmem:s9], [sflag:$0x2] =	stream.indirect_vreg.gather [hbm4b:s4+s3], $0x80, v11, vm0, $0xb8;
	[tilespmem:$0x1A500] =	vst v63  }
0x24f: {  	v11 =	vld [tilespmem:$0x6430];
	_ =	sdelay $0x4  }
0x250: {  	v59 =	vperm.xlane v11, v0;
	_ =	sdelay $0x1  }
0x251: {  	v11 =	vperm.xlane v11, v2;
	v12 =	vadd.s32 v1, v59;
	_ =	sdelay $0x1  }
0x252: {  	v11 =	vadd.s32 v1, v11;
	_ =	sdelay $0x1  }
0x253: {  	s10 =	simm.s32 $0x9500  }
0x254: {  	[tilespmem:s10], [sflag:$0x2] =	stream.indirect_vreg.gather [hbm4b:s4+s3], $0x80, v12, vm0, $0xb8;
	[tilespmem:$0x1A500] =	vst v63  }
0x255: {  	s11 =	simm.s32 $0x9D00  }
0x256: {  	[tilespmem:s11], [sflag:$0x2] =	stream.indirect_vreg.gather [hbm4b:s4+s3], $0x80, v11, vm0, $0xb8;
	[tilespmem:$0x1A500] =	vst v63  }
0x257: {  	v11 =	vld [tilespmem:$0x6440];
	_ =	sdelay $0x4  }
0x258: {  	v60 =	vperm.xlane v11, v0;
	_ =	sdelay $0x1  }
0x259: {  	v11 =	vperm.xlane v11, v2;
	v12 =	vadd.s32 v1, v60;
	_ =	sdelay $0x1  }
0x25a: {  	v11 =	vadd.s32 v1, v11;
	_ =	sdelay $0x1  }
0x25b: {  	s12 =	simm.s32 $0xA500  }
0x25c: {  	[tilespmem:s12], [sflag:$0x2] =	stream.indirect_vreg.gather [hbm4b:s4+s3], $0x80, v12, vm0, $0xb8;
	[tilespmem:$0x1A500] =	vst v63  }
0x25d: {  	s13 =	simm.s32 $0xAD00  }
0x25e: {  	[tilespmem:s13], [sflag:$0x2] =	stream.indirect_vreg.gather [hbm4b:s4+s3], $0x80, v11, vm0, $0xb8;
	[tilespmem:$0x1A500] =	vst v63  }
0x25f: {  	v11 =	vld [tilespmem:$0x6450];
	_ =	sdelay $0x4  }
0x260: {  	v61 =	vperm.xlane v11, v0;
	_ =	sdelay $0x1  }
0x261: {  	v11 =	vperm.xlane v11, v2;
	v12 =	vadd.s32 v1, v61;
	_ =	sdelay $0x1  }
0x262: {  	v11 =	vadd.s32 v1, v11;
	_ =	sdelay $0x1  }
0x263: {  	s14 =	simm.s32 $0xB500  }
0x264: {  	[tilespmem:s14], [sflag:$0x2] =	stream.indirect_vreg.gather [hbm4b:s4+s3], $0x80, v12, vm0, $0xb8;
	[tilespmem:$0x1A500] =	vst v63  }
0x265: {  	s17 =	simm.s32 $0xBD00  }
0x266: {  	[tilespmem:s17], [sflag:$0x2] =	stream.indirect_vreg.gather [hbm4b:s4+s3], $0x80, v11, vm0, $0xb8;
	[tilespmem:$0x1A500] =	vst v63  }
0x267: {  	v11 =	vld [tilespmem:$0x6460];
	_ =	sdelay $0x4  }
0x268: {  	v62 =	vperm.xlane v11, v0;
	_ =	sdelay $0x1  }
0x269: {  	v11 =	vperm.xlane v11, v2;
	v12 =	vadd.s32 v1, v62;
	_ =	sdelay $0x1  }
0x26a: {  	v11 =	vadd.s32 v1, v11;
	_ =	sdelay $0x1  }
0x26b: {  	s20 =	simm.s32 $0xC500  }
0x26c: {  	[tilespmem:s20], [sflag:$0x2] =	stream.indirect_vreg.gather [hbm4b:s4+s3], $0x80, v12, vm0, $0xb8;
	[tilespmem:$0x1A500] =	vst v63  }
0x26d: {  	s25 =	simm.s32 $0xCD00  }
0x26e: {  	[tilespmem:s25], [sflag:$0x2] =	stream.indirect_vreg.gather [hbm4b:s4+s3], $0x80, v11, vm0, $0xb8;
	[tilespmem:$0x1A500] =	vst v63  }
0x26f: {  	v11 =	vld [tilespmem:$0x6470];
	_ =	sdelay $0x4  }
0x270: {  	v63 =	vperm.xlane v11, v0;
	_ =	sdelay $0x1  }
0x271: {  	v11 =	vperm.xlane v11, v2;
	v12 =	vadd.s32 v1, v63;
	_ =	sdelay $0x1  }
0x272: {  	v11 =	vadd.s32 v1, v11;
	_ =	sdelay $0x1  }
0x273: {  	s29 =	simm.s32 $0xD500  }
0x274: {  	[tilespmem:s29], [sflag:$0x2] =	stream.indirect_vreg.gather [hbm4b:s4+s3], $0x80, v12, vm0, $0xb8;
	[tilespmem:$0x1A500] =	vst v63  }
.Ltmp3:
0x275: {  	s30 =	simm.s32 $0xDD00;
	(pc) =	sbr.rel @p0 .LBB2_8-.Ltmp3, $4  }
0x276: {  	[tilespmem:s30], [sflag:$0x2] =	stream.indirect_vreg.gather [hbm4b:s4+s3], $0x80, v11, vm0, $0xb8;
	[tilespmem:$0x1A500] =	vst v63  }
0x277: {  	_ =	swait.ge [sflag:s18], $0x4000  }
0x278: {  	[sflag:s18] =	ssyncset.done $0x0  }
0x279: {  	[sflag:s18] =	ssyncadd.s32 $0xFFFFC000  }
.LBB2_7:
0x27a: {  	_ =	swait.ge [sflag:s19], $0x2000  }
0x27b: {  	[sflag:s19] =	ssyncset.done $0x0  }
0x27c: {  	[sflag:s19] =	ssyncadd.s32 $0xFFFFE000  }
.LBB2_8:
0x27d: {  	s22 =	sand.u32 $0x7, s22  }
0x27e: {  	s1 =	sshll.u32 s22, $0x7  }
0x27f: {  	s1 =	sadd.s32 s1, s24  }
0x280: {  	v11 =	vld [tilespmem:s1+$0x0];
	_ =	sdelay $0x4  }
0x281: {  	v11 =	vshll.u32 v11, $0x6  }
0x282: {  	v11 =	vand.u32 $0x40, v11  }
0x283: {  	s14 =	simm.s32 $0x3;
	v16 =	vor.u32 v3, v11  }
0x284: {  	s12 =	simm.s32 $0x1;
	v11 =	vld [tilespmem:s1+$0x10];
	v12 =	vor.u32 s14, v16  }
0x285: {  	s5 =	simm.s32 $0x2;
	v13 =	vor.u32 s12, v16  }
0x286: {  	s2 =	simm.s32 $0x0;
	v15 =	vor.u32 s5, v16  }
0x287: {  	v14 =	vld [tilespmem:s1+$0x20];
	v17 =	vor.u32 s2, v16  }
0x288: {  	v19 =	vld [tilespmem:s1+$0x30]  }
0x289: {  	v11 =	vshll.u32 v11, $0x6;
	v12 =	vld.idx.msk [tilespmem:v12+s23+$0x0], $0xffff  }
0x28a: {  	v11 =	vand.u32 $0x40, v11;
	v13 =	vld.idx.msk [tilespmem:v13+s23+$0x0], $0xffff  }
0x28b: {  	v18 =	vor.u32 v4, v11;
	v11 =	vld.idx.msk [tilespmem:v15+s23+$0x0], $0xffff  }
0x28c: {  	v17 =	vld.idx.msk [tilespmem:v17+s23+$0x0], $0xffff;
	v21 =	vor.u32 s14, v18  }
0x28d: {  	v20 =	vld [tilespmem:s1+$0x40];
	v23 =	vor.u32 s12, v18  }
0x28e: {  	v22 =	vld [tilespmem:s1+$0x50];
	v25 =	vor.u32 s5, v18;
	v12 =	vmul.f32 $8.000000000e+00, v12  }
0x28f: {  	s11 =	simm.s32 $0x186F0;
	v24 =	vld [tilespmem:s1+$0x60];
	v26 =	vor.u32 s2, v18;
	v13 =	vmul.f32 $8.000000000e+00, v13  }
0x290: {  	v15 =	vld [tilespmem:s1+$0x70];
	v11 =	vmul.f32 $8.000000000e+00, v11;
	[tilespmem:s11+$0xFFFFFF90] =	vst v12  }
0x291: {  	v12 =	vshll.u32 v14, $0x6;
	v14 =	vmul.f32 $8.000000000e+00, v17;
	[tilespmem:s11+$0xFFFFFE90] =	vst v13;
	v13 =	vld.idx.msk [tilespmem:v21+s23+$0x0], $0xffff  }
0x292: {  	v12 =	vand.u32 $0x40, v12;
	v21 =	vld.idx.msk [tilespmem:v23+s23+$0x0], $0xffff;
	[tilespmem:s11+$0xFFFFFF10] =	vst v11  }
0x293: {  	v17 =	vor.u32 v5, v12;
	[tilespmem:s11+$0xFFFFFE10] =	vst v14;
	v11 =	vld.idx.msk [tilespmem:v25+s23+$0x0], $0xffff  }
0x294: {  	v12 =	vld.idx.msk [tilespmem:v26+s23+$0x0], $0xffff;
	v14 =	vor.u32 s14, v17  }
0x295: {  	v23 =	vor.u32 s12, v17  }
0x296: {  	v25 =	vor.u32 s5, v17;
	v13 =	vmul.f32 $8.000000000e+00, v13  }
0x297: {  	v26 =	vor.u32 s2, v17;
	v21 =	vmul.f32 $8.000000000e+00, v21  }
0x298: {  	v11 =	vmul.f32 $8.000000000e+00, v11;
	[tilespmem:s11+$0xFFFFFFA0] =	vst v13  }
0x299: {  	v13 =	vshll.u32 v19, $0x6;
	v12 =	vmul.f32 $8.000000000e+00, v12;
	[tilespmem:s11+$0xFFFFFEA0] =	vst v21;
	v14 =	vld.idx.msk [tilespmem:v14+s23+$0x0], $0xffff  }
0x29a: {  	s25 =	simm.s32 $0x4;
	v13 =	vand.u32 $0x40, v13;
	v19 =	vld.idx.msk [tilespmem:v23+s23+$0x0], $0xffff;
	[tilespmem:s11+$0xFFFFFF20] =	vst v11  }
0x29b: {  	v27 =	vor.u32 s25, v16;
	v13 =	vor.u32 v6, v13;
	[tilespmem:s11+$0xFFFFFE20] =	vst v12;
	v11 =	vld.idx.msk [tilespmem:v25+s23+$0x0], $0xffff  }
0x29c: {  	v12 =	vld.idx.msk [tilespmem:v26+s23+$0x0], $0xffff;
	v21 =	vor.u32 s14, v13  }
0x29d: {  	v23 =	vor.u32 s12, v13  }
0x29e: {  	v25 =	vor.u32 s5, v13;
	v14 =	vmul.f32 $8.000000000e+00, v14  }
0x29f: {  	s9 =	simm.s32 $0xA;
	v26 =	vor.u32 s2, v13;
	v19 =	vmul.f32 $8.000000000e+00, v19  }
0x2a0: {  	s30 =	simm.s32 $0x7;
	v33 =	vor.u32 s9, v16;
	v27 =	vld.idx.msk [tilespmem:v27+s23+$0x0], $0xffff;
	v11 =	vmul.f32 $8.000000000e+00, v11;
	[tilespmem:s11+$0xFFFFFFB0] =	vst v14  }
0x2a1: {  	s10 =	simm.s32 $0x5;
	v14 =	vshll.u32 v20, $0x6;
	v20 =	vor.u32 s30, v16;
	v12 =	vmul.f32 $8.000000000e+00, v12;
	[tilespmem:s11+$0xFFFFFEB0] =	vst v19;
	v19 =	vld.idx.msk [tilespmem:v21+s23+$0x0], $0xffff  }
0x2a2: {  	s8 =	simm.s32 $0x6;
	v14 =	vand.u32 $0x40, v14;
	v21 =	vor.u32 s10, v16;
	v23 =	vld.idx.msk [tilespmem:v23+s23+$0x0], $0xffff;
	[tilespmem:s11+$0xFFFFFF30] =	vst v11  }
0x2a3: {  	v11 =	vor.u32 v7, v14;
	v14 =	vor.u32 s8, v16;
	[tilespmem:s11+$0xFFFFFE30] =	vst v12;
	v12 =	vld.idx.msk [tilespmem:v25+s23+$0x0], $0xffff  }
0x2a4: {  	v25 =	vld.idx.msk [tilespmem:v26+s23+$0x0], $0xffff;
	v26 =	vor.u32 s14, v11  }
0x2a5: {  	v33 =	vld.idx.msk [tilespmem:v33+s23+$0x0], $0xffff;
	v28 =	vor.u32 s12, v11  }
0x2a6: {  	s24 =	simm.s32 $0x8;
	v29 =	vor.u32 s5, v11;
	v20 =	vld.idx.msk [tilespmem:v20+s23+$0x0], $0xffff;
	v19 =	vmul.f32 $8.000000000e+00, v19  }
0x2a7: {  	v31 =	vor.u32 s24, v16;
	v21 =	vld.idx.msk [tilespmem:v21+s23+$0x0], $0xffff;
	v23 =	vmul.f32 $8.000000000e+00, v23  }
0x2a8: {  	s1 =	simm.s32 $0x9;
	v30 =	vor.u32 s2, v11;
	v14 =	vld.idx.msk [tilespmem:v14+s23+$0x0], $0xffff;
	v12 =	vmul.f32 $8.000000000e+00, v12;
	[tilespmem:s11+$0xFFFFFFC0] =	vst v19  }
0x2a9: {  	v55 =	vor.u32 s1, v16;
	v25 =	vmul.f32 $8.000000000e+00, v25;
	[tilespmem:s11+$0xFFFFFEC0] =	vst v23;
	v23 =	vld.idx.msk [tilespmem:v26+s23+$0x0], $0xffff  }
0x2aa: {  	v19 =	vor.u32 s30, v18;
	v28 =	vld.idx.msk [tilespmem:v28+s23+$0x0], $0xffff;
	[tilespmem:s11+$0xFFFFFF40] =	vst v12  }
0x2ab: {  	v22 =	vshll.u32 v22, $0x6;
	v26 =	vor.u32 s10, v18;
	[tilespmem:s11+$0xFFFFFE40] =	vst v25;
	v25 =	vld.idx.msk [tilespmem:v29+s23+$0x0], $0xffff  }
0x2ac: {  	v12 =	vand.u32 $0x40, v22;
	v22 =	vor.u32 s8, v18;
	v32 =	vmul.f32 $8.000000000e+00, v20;
	v20 =	vld.idx.msk [tilespmem:v31+s23+$0x0], $0xffff  }
0x2ad: {  	s29 =	simm.s32 $0x188F0;
	v12 =	vor.u32 v8, v12;
	v29 =	vor.u32 s25, v18;
	v21 =	vmul.f32 $8.000000000e+00, v21;
	v30 =	vld.idx.msk [tilespmem:v30+s23+$0x0], $0xffff  }
0x2ae: {  	v31 =	vor.u32 s14, v12;
	v14 =	vmul.f32 $8.000000000e+00, v14;
	[tilespmem:s29+$0xFFFFFF90] =	vst v32;
	v32 =	vld.idx.msk [tilespmem:v55+s23+$0x0], $0xffff  }
0x2af: {  	v27 =	vmul.f32 $8.000000000e+00, v27;
	[tilespmem:s29+$0xFFFFFE90] =	vst v21;
	v19 =	vld.idx.msk [tilespmem:v19+s23+$0x0], $0xffff;
	v21 =	vor.u32 s12, v12  }
0x2b0: {  	v26 =	vld.idx.msk [tilespmem:v26+s23+$0x0], $0xffff;
	[tilespmem:s29+$0xFFFFFF10] =	vst v14;
	v14 =	vor.u32 s5, v12;
	v23 =	vmul.f32 $8.000000000e+00, v23  }
0x2b1: {  	[tilespmem:s29+$0xFFFFFE10] =	vst v27;
	v27 =	vor.u32 s2, v12;
	v28 =	vmul.f32 $8.000000000e+00, v28;
	v22 =	vld.idx.msk [tilespmem:v22+s23+$0x0], $0xffff  }
0x2b2: {  	v29 =	vld.idx.msk [tilespmem:v29+s23+$0x0], $0xffff;
	v25 =	vmul.f32 $8.000000000e+00, v25;
	[tilespmem:s11+$0xFFFFFFD0] =	vst v23;
	v23 =	vor.u32 s30, v17  }
0x2b3: {  	v24 =	vshll.u32 v24, $0x6;
	v30 =	vmul.f32 $8.000000000e+00, v30;
	[tilespmem:s11+$0xFFFFFED0] =	vst v28;
	v28 =	vld.idx.msk [tilespmem:v31+s23+$0x0], $0xffff;
	v31 =	vor.u32 s10, v17  }
0x2b4: {  	v24 =	vand.u32 $0x40, v24;
	[tilespmem:s11+$0xFFFFFF50] =	vst v25;
	v25 =	vor.u32 s8, v17;
	v21 =	vld.idx.msk [tilespmem:v21+s23+$0x0], $0xffff;
	v19 =	vmul.f32 $8.000000000e+00, v19  }
0x2b5: {  	[tilespmem:s11+$0xFFFFFE50] =	vst v30;
	v30 =	vld.idx.msk [tilespmem:v14+s23+$0x0], $0xffff;
	v14 =	vor.u32 v9, v24;
	v24 =	vor.u32 s25, v17;
	v26 =	vmul.f32 $8.000000000e+00, v26  }
0x2b6: {  	v27 =	vld.idx.msk [tilespmem:v27+s23+$0x0], $0xffff;
	v22 =	vmul.f32 $8.000000000e+00, v22;
	[tilespmem:s29+$0xFFFFFFA0] =	vst v19;
	v19 =	vor.u32 s14, v14  }
0x2b7: {  	v29 =	vmul.f32 $8.000000000e+00, v29;
	[tilespmem:s29+$0xFFFFFEA0] =	vst v26;
	v23 =	vld.idx.msk [tilespmem:v23+s23+$0x0], $0xffff;
	v26 =	vor.u32 s12, v14  }
0x2b8: {  	v31 =	vld.idx.msk [tilespmem:v31+s23+$0x0], $0xffff;
	[tilespmem:s29+$0xFFFFFF20] =	vst v22;
	v22 =	vor.u32 s5, v14;
	v28 =	vmul.f32 $8.000000000e+00, v28  }
0x2b9: {  	[tilespmem:s29+$0xFFFFFE20] =	vst v29;
	v29 =	vor.u32 s2, v14;
	v25 =	vld.idx.msk [tilespmem:v25+s23+$0x0], $0xffff;
	v21 =	vmul.f32 $8.000000000e+00, v21  }
0x2ba: {  	v24 =	vld.idx.msk [tilespmem:v24+s23+$0x0], $0xffff;
	v30 =	vmul.f32 $8.000000000e+00, v30;
	[tilespmem:s11+$0xFFFFFFE0] =	vst v28;
	v28 =	vor.u32 s30, v13  }
0x2bb: {  	v15 =	vshll.u32 v15, $0x6;
	v27 =	vmul.f32 $8.000000000e+00, v27;
	[tilespmem:s11+$0xFFFFFEE0] =	vst v21;
	v19 =	vld.idx.msk [tilespmem:v19+s23+$0x0], $0xffff;
	v21 =	vor.u32 s10, v13  }
0x2bc: {  	v15 =	vand.u32 $0x40, v15;
	v26 =	vld.idx.msk [tilespmem:v26+s23+$0x0], $0xffff;
	[tilespmem:s11+$0xFFFFFF60] =	vst v30;
	v30 =	vor.u32 s8, v13;
	v23 =	vmul.f32 $8.000000000e+00, v23  }
0x2bd: {  	v15 =	vor.u32 v10, v15;
	[tilespmem:s11+$0xFFFFFE60] =	vst v27;
	v27 =	vor.u32 s25, v13;
	v22 =	vld.idx.msk [tilespmem:v22+s23+$0x0], $0xffff;
	v31 =	vmul.f32 $8.000000000e+00, v31  }
0x2be: {  	s13 =	simm.s32 $0xB;
	v29 =	vld.idx.msk [tilespmem:v29+s23+$0x0], $0xffff;
	v25 =	vmul.f32 $8.000000000e+00, v25;
	[tilespmem:s29+$0xFFFFFFB0] =	vst v23;
	v23 =	vor.u32 s14, v15  }
0x2bf: {  	v34 =	vor.u32 s13, v16;
	v24 =	vmul.f32 $8.000000000e+00, v24;
	[tilespmem:s29+$0xFFFFFEB0] =	vst v31;
	v28 =	vld.idx.msk [tilespmem:v28+s23+$0x0], $0xffff  }
0x2c0: {  	v57 =	vor.u32 s24, v18;
	v21 =	vld.idx.msk [tilespmem:v21+s23+$0x0], $0xffff;
	[tilespmem:s29+$0xFFFFFF30] =	vst v25;
	v19 =	vmul.f32 $8.000000000e+00, v19  }
0x2c1: {  	v20 =	vmul.f32 $8.000000000e+00, v20;
	v25 =	vor.u32 s12, v15;
	[tilespmem:s29+$0xFFFFFE30] =	vst v24;
	v24 =	vld.idx.msk [tilespmem:v30+s23+$0x0], $0xffff  }
0x2c2: {  	s14 =	simm.s32 $0x18AF0;
	v31 =	vor.u32 s2, v15;
	v26 =	vmul.f32 $8.000000000e+00, v26;
	v27 =	vld.idx.msk [tilespmem:v27+s23+$0x0], $0xffff;
	[tilespmem:s11+$0xFFFFFFF0] =	vst v19  }
0x2c3: {  	[tilespmem:s14+$0xFFFFFE10] =	vst v20;
	v30 =	vor.u32 s5, v15;
	v19 =	vmul.f32 $8.000000000e+00, v22;
	v23 =	vld.idx.msk [tilespmem:v23+s23+$0x0], $0xffff  }
0x2c4: {  	v22 =	vor.u32 s30, v11;
	v29 =	vmul.f32 $8.000000000e+00, v29;
	[tilespmem:s11+$0xFFFFFEF0] =	vst v26;
	v26 =	vld.idx.msk [tilespmem:v34+s23+$0x0], $0xffff  }
0x2c5: {  	v56 =	vor.u32 s10, v11;
	v34 =	vld.idx.msk [tilespmem:v57+s23+$0x0], $0xffff;
	[tilespmem:s11+$0xFFFFFF70] =	vst v19;
	v28 =	vmul.f32 $8.000000000e+00, v28  }
0x2c6: {  	v19 =	vor.u32 s8, v11;
	[tilespmem:s11+$0xFFFFFE70] =	vst v29;
	v25 =	vld.idx.msk [tilespmem:v25+s23+$0x0], $0xffff;
	v21 =	vmul.f32 $8.000000000e+00, v21  }
0x2c7: {  	s12 =	simm.s32 $0xC;
	v29 =	vor.u32 s25, v11;
	v36 =	vld.idx.msk [tilespmem:v31+s23+$0x0], $0xffff;
	v24 =	vmul.f32 $8.000000000e+00, v24;
	[tilespmem:s29+$0xFFFFFFC0] =	vst v28  }
0x2c8: {  	v35 =	vor.u32 s12, v16;
	v30 =	vld.idx.msk [tilespmem:v30+s23+$0x0], $0xffff;
	v27 =	vmul.f32 $8.000000000e+00, v27;
	[tilespmem:s29+$0xFFFFFEC0] =	vst v21  }
0x2c9: {  	v28 =	vor.u32 s13, v18;
	v21 =	vld.idx.msk [tilespmem:v22+s23+$0x0], $0xffff;
	[tilespmem:s29+$0xFFFFFF40] =	vst v24;
	v23 =	vmul.f32 $8.000000000e+00, v23  }
0x2ca: {  	v22 =	vor.u32 s1, v18;
	v31 =	vld.idx.msk [tilespmem:v56+s23+$0x0], $0xffff;
	v26 =	vmul.f32 $8.000000000e+00, v26;
	[tilespmem:s29+$0xFFFFFE40] =	vst v27  }
0x2cb: {  	v32 =	vmul.f32 $8.000000000e+00, v32;
	v24 =	vor.u32 s9, v18;
	v27 =	vld.idx.msk [tilespmem:v19+s23+$0x0], $0xffff;
	[tilespmem:s11+$0x0] =	vst v23  }
0x2cc: {  	v29 =	vld.idx.msk [tilespmem:v29+s23+$0x0], $0xffff;
	v23 =	vmul.f32 $8.000000000e+00, v33;
	[tilespmem:s14+$0xFFFFFF90] =	vst v26;
	v26 =	vor.u32 s30, v12  }
0x2cd: {  	v58 =	vor.u32 s10, v12;
	[tilespmem:s14+$0xFFFFFE90] =	vst v32;
	v19 =	vld.idx.msk [tilespmem:v35+s23+$0x0], $0xffff  }
0x2ce: {  	v28 =	vld.idx.msk [tilespmem:v28+s23+$0x0], $0xffff;
	[tilespmem:s14+$0xFFFFFF10] =	vst v23;
	v23 =	vor.u32 s8, v12;
	v21 =	vmul.f32 $8.000000000e+00, v21  }
0x2cf: {  	s20 =	simm.s32 $0xD;
	v20 =	vor.u32 s25, v12;
	v22 =	vld.idx.msk [tilespmem:v22+s23+$0x0], $0xffff;
	v31 =	vmul.f32 $8.000000000e+00, v31  }
0x2d0: {  	v59 =	vor.u32 s20, v16;
	v24 =	vld.idx.msk [tilespmem:v24+s23+$0x0], $0xffff;
	v27 =	vmul.f32 $8.000000000e+00, v27;
	[tilespmem:s29+$0xFFFFFFD0] =	vst v21  }
0x2d1: {  	v21 =	vor.u32 s13, v17;
	v29 =	vmul.f32 $8.000000000e+00, v29;
	[tilespmem:s29+$0xFFFFFED0] =	vst v31;
	v26 =	vld.idx.msk [tilespmem:v26+s23+$0x0], $0xffff  }
0x2d2: {  	v25 =	vmul.f32 $8.000000000e+00, v25;
	v31 =	vor.u32 s1, v17;
	v32 =	vld.idx.msk [tilespmem:v58+s23+$0x0], $0xffff;
	[tilespmem:s29+$0xFFFFFF50] =	vst v27  }
0x2d3: {  	v27 =	vor.u32 s9, v17;
	v28 =	vmul.f32 $8.000000000e+00, v28;
	[tilespmem:s29+$0xFFFFFE50] =	vst v29;
	v23 =	vld.idx.msk [tilespmem:v23+s23+$0x0], $0xffff  }
0x2d4: {  	[tilespmem:s11+$0xFFFFFF00] =	vst v25;
	v29 =	vor.u32 s24, v17;
	v22 =	vmul.f32 $8.000000000e+00, v22;
	v60 =	vld.idx.msk [tilespmem:v20+s23+$0x0], $0xffff  }
0x2d5: {  	v25 =	vor.u32 s30, v14;
	v20 =	vld.idx.msk [tilespmem:v59+s23+$0x0], $0xffff;
	v24 =	vmul.f32 $8.000000000e+00, v24;
	[tilespmem:s14+$0xFFFFFFA0] =	vst v28  }
0x2d6: {  	s2 =	simm.s32 $0xE;
	v28 =	vmul.f32 $8.000000000e+00, v34;
	[tilespmem:s14+$0xFFFFFEA0] =	vst v22;
	v21 =	vld.idx.msk [tilespmem:v21+s23+$0x0], $0xffff;
	v22 =	vor.u32 s10, v14  }
0x2d7: {  	v38 =	vor.u32 s2, v16;
	v61 =	vld.idx.msk [tilespmem:v31+s23+$0x0], $0xffff;
	[tilespmem:s14+$0xFFFFFF20] =	vst v24;
	v26 =	vmul.f32 $8.000000000e+00, v26  }
0x2d8: {  	v24 =	vor.u32 s8, v14;
	[tilespmem:s14+$0xFFFFFE20] =	vst v28;
	v62 =	vld.idx.msk [tilespmem:v27+s23+$0x0], $0xffff;
	v27 =	vmul.f32 $8.000000000e+00, v32  }
0x2d9: {  	v37 =	vor.u32 s25, v14;
	v63 =	vmul.f32 $8.000000000e+00, v30;
	v32 =	vld.idx.msk [tilespmem:v29+s23+$0x0], $0xffff;
	[tilespmem:s29+$0xFFFFFFE0] =	vst v26  }
0x2da: {  	v23 =	vmul.f32 $8.000000000e+00, v23;
	[tilespmem:s29+$0xFFFFFEE0] =	vst v27;
	v31 =	vld.idx.msk [tilespmem:v25+s23+$0x0], $0xffff;
	v27 =	vor.u32 s13, v13  }
0x2db: {  	[tilespmem:s11+$0xFFFFFF80] =	vst v63;
	v28 =	vor.u32 s1, v13;
	v26 =	vmul.f32 $8.000000000e+00, v60;
	v29 =	vld.idx.msk [tilespmem:v22+s23+$0x0], $0xffff  }
0x2dc: {  	v25 =	vor.u32 s9, v13;
	[tilespmem:s29+$0xFFFFFF60] =	vst v23;
	v23 =	vmul.f32 $8.000000000e+00, v21;
	v22 =	vld.idx.msk [tilespmem:v38+s23+$0x0], $0xffff  }
0x2dd: {  	[tilespmem:s29+$0xFFFFFE60] =	vst v26;
	v30 =	vld.idx.msk [tilespmem:v24+s23+$0x0], $0xffff;
	v24 =	vor.u32 s24, v13;
	v33 =	vmul.f32 $8.000000000e+00, v61  }
0x2de: {  	s17 =	simm.s32 $0xF;
	s5 =	simm.s32 $0x10;
	v21 =	vmul.f32 $8.000000000e+00, v36;
	v26 =	vld.idx.msk [tilespmem:v37+s23+$0x0], $0xffff;
	v34 =	vmul.f32 $8.000000000e+00, v62;
	[tilespmem:s14+$0xFFFFFFB0] =	vst v23;
	v23 =	vor.u32 s30, v15  }
.LBB2_9:
0x2df: {  	p0 =	slt.u32 s5, $0x3C;
	v35 =	vor.u32 s17, v16;
	v32 =	vmul.f32 $8.000000000e+00, v32;
	[tilespmem:s14+$0xFFFFFEB0] =	vst v33;
	v27 =	vld.idx.msk [tilespmem:v27+s23+$0x0], $0xffff  }
0x2e0: {  	v33 =	vor.u32 s10, v15;
	v31 =	vmul.f32 $8.000000000e+00, v31;
	s10 =	smov.u32 s1;
	s1 =	smov.u32 s20;
	v28 =	vld.idx.msk [tilespmem:v28+s23+$0x0], $0xffff;
	[tilespmem:s14+$0xFFFFFF30] =	vst v34  }
0x2e1: {  	v29 =	vmul.f32 $8.000000000e+00, v29;
	[tilespmem:s14+$0xFFFFFE30] =	vst v32;
	v25 =	vld.idx.msk [tilespmem:v25+s23+$0x0], $0xffff;
	v32 =	vor.u32 s8, v15;
	s8 =	smov.u32 s9;
	s9 =	smov.u32 s2  }
0x2e2: {  	v34 =	vor.u32 s25, v15;
	s25 =	smov.u32 s24;
	s24 =	smov.u32 s12;
	s12 =	smov.u32 s5;
	v30 =	vmul.f32 $8.000000000e+00, v30;
	v24 =	vld.idx.msk [tilespmem:v24+s23+$0x0], $0xffff;
	[tilespmem:s29+$0xFFFFFFF0] =	vst v31  }
0x2e3: {  	v31 =	vor.u32 s13, v11;
	v26 =	vmul.f32 $8.000000000e+00, v26;
	[tilespmem:s29+$0xFFFFFEF0] =	vst v29;
	v23 =	vld.idx.msk [tilespmem:v23+s23+$0x0], $0xffff  }
0x2e4: {  	v29 =	vld.idx.msk [tilespmem:v35+s23+$0x0], $0xffff;
	v35 =	vor.u32 s10, v11;
	[tilespmem:s29+$0xFFFFFF70] =	vst v30  }
0x2e5: {  	v30 =	vor.u32 s8, v11;
	v27 =	vmul.f32 $8.000000000e+00, v27;
	[tilespmem:s29+$0xFFFFFE70] =	vst v26;
	v26 =	vld.idx.msk [tilespmem:v33+s23+$0x0], $0xffff  }
0x2e6: {  	v33 =	vor.u32 s25, v11;
	v28 =	vmul.f32 $8.000000000e+00, v28;
	v32 =	vld.idx.msk [tilespmem:v32+s23+$0x0], $0xffff;
	[tilespmem:s11+$0xFFFFFE80] =	vst v21;
	s11 =	smov.u32 s29;
	s29 =	smov.u32 s14  }
0x2e7: {  	v21 =	vor.u32 s5, v16;
	v25 =	vmul.f32 $8.000000000e+00, v25;
	[tilespmem:s14+$0xFFFFFFC0] =	vst v27;
	v27 =	vld.idx.msk [tilespmem:v34+s23+$0x0], $0xffff  }
0x2e8: {  	v34 =	vor.u32 s17, v18;
	v24 =	vmul.f32 $8.000000000e+00, v24;
	[tilespmem:s14+$0xFFFFFEC0] =	vst v28;
	v28 =	vld.idx.msk [tilespmem:v31+s23+$0x0], $0xffff  }
0x2e9: {  	v31 =	vor.u32 s1, v18;
	v23 =	vmul.f32 $8.000000000e+00, v23;
	v35 =	vld.idx.msk [tilespmem:v35+s23+$0x0], $0xffff;
	[tilespmem:s14+$0xFFFFFF40] =	vst v25  }
0x2ea: {  	v25 =	vor.u32 s9, v18;
	v29 =	vmul.f32 $8.000000000e+00, v29;
	[tilespmem:s14+$0xFFFFFE40] =	vst v24;
	v24 =	vld.idx.msk [tilespmem:v30+s23+$0x0], $0xffff  }
0x2eb: {  	v20 =	vmul.f32 $8.000000000e+00, v20;
	v30 =	vor.u32 s24, v18;
	s14 =	sadd.s32 $0x200, s14;
	v26 =	vmul.f32 $8.000000000e+00, v26;
	v33 =	vld.idx.msk [tilespmem:v33+s23+$0x0], $0xffff;
	[tilespmem:s11+$0x0] =	vst v23  }
0x2ec: {  	v22 =	vmul.f32 $8.000000000e+00, v22;
	v36 =	vmul.f32 $8.000000000e+00, v32;
	v23 =	vld.idx.msk [tilespmem:v21+s23+$0x0], $0xffff;
	[tilespmem:s14+$0xFFFFFF90] =	vst v29;
	v29 =	vor.u32 s13, v12  }
0x2ed: {  	v19 =	vmul.f32 $8.000000000e+00, v19;
	v32 =	vor.u32 s10, v12;
	v21 =	vmul.f32 $8.000000000e+00, v27;
	[tilespmem:s14+$0xFFFFFE90] =	vst v20;
	v20 =	vld.idx.msk [tilespmem:v34+s23+$0x0], $0xffff  }
0x2ee: {  	v28 =	vmul.f32 $8.000000000e+00, v28;
	v27 =	vld.idx.msk [tilespmem:v31+s23+$0x0], $0xffff;
	[tilespmem:s14+$0xFFFFFF10] =	vst v22;
	v22 =	vor.u32 s8, v12  }
0x2ef: {  	s20 =	sadd.s32 $0x1, s5;
	v31 =	vor.u32 s25, v12;
	v37 =	vmul.f32 $8.000000000e+00, v35;
	[tilespmem:s14+$0xFFFFFE10] =	vst v19;
	v25 =	vld.idx.msk [tilespmem:v25+s23+$0x0], $0xffff  }
0x2f0: {  	v34 =	vor.u32 s20, v16;
	v24 =	vmul.f32 $8.000000000e+00, v24;
	v30 =	vld.idx.msk [tilespmem:v30+s23+$0x0], $0xffff;
	[tilespmem:s29+$0xFFFFFFD0] =	vst v28  }
0x2f1: {  	v28 =	vor.u32 s17, v17;
	v33 =	vmul.f32 $8.000000000e+00, v33;
	[tilespmem:s29+$0xFFFFFED0] =	vst v37;
	v29 =	vld.idx.msk [tilespmem:v29+s23+$0x0], $0xffff  }
0x2f2: {  	v35 =	vor.u32 s1, v17;
	v19 =	vmov v23;
	v32 =	vld.idx.msk [tilespmem:v32+s23+$0x0], $0xffff;
	[tilespmem:s29+$0xFFFFFF50] =	vst v24  }
0x2f3: {  	v23 =	vor.u32 s9, v17;
	v24 =	vmul.f32 $8.000000000e+00, v20;
	[tilespmem:s29+$0xFFFFFE50] =	vst v33;
	v22 =	vld.idx.msk [tilespmem:v22+s23+$0x0], $0xffff  }
0x2f4: {  	v33 =	vor.u32 s24, v17;
	v27 =	vmul.f32 $8.000000000e+00, v27;
	v31 =	vld.idx.msk [tilespmem:v31+s23+$0x0], $0xffff;
	[tilespmem:s11+$0xFFFFFF00] =	vst v26  }
0x2f5: {  	v25 =	vmul.f32 $8.000000000e+00, v25;
	v20 =	vld.idx.msk [tilespmem:v34+s23+$0x0], $0xffff;
	[tilespmem:s14+$0xFFFFFFA0] =	vst v24;
	v24 =	vor.u32 s13, v14  }
0x2f6: {  	v26 =	vmul.f32 $8.000000000e+00, v30;
	v34 =	vor.u32 s10, v14;
	[tilespmem:s14+$0xFFFFFEA0] =	vst v27;
	v30 =	vld.idx.msk [tilespmem:v28+s23+$0x0], $0xffff  }
0x2f7: {  	v37 =	vor.u32 s8, v14;
	v35 =	vld.idx.msk [tilespmem:v35+s23+$0x0], $0xffff;
	[tilespmem:s14+$0xFFFFFF20] =	vst v25;
	v25 =	vmul.f32 $8.000000000e+00, v29  }
0x2f8: {  	s2 =	sadd.s32 $0x2, s5;
	v28 =	vmul.f32 $8.000000000e+00, v32;
	[tilespmem:s14+$0xFFFFFE20] =	vst v26;
	v23 =	vld.idx.msk [tilespmem:v23+s23+$0x0], $0xffff;
	v26 =	vor.u32 s25, v14  }
0x2f9: {  	v38 =	vor.u32 s2, v16;
	v22 =	vmul.f32 $8.000000000e+00, v22;
	v32 =	vld.idx.msk [tilespmem:v33+s23+$0x0], $0xffff;
	[tilespmem:s29+$0xFFFFFFE0] =	vst v25  }
.Ltmp4:
0x2fa: {  	v27 =	vor.u32 s17, v13;
	v33 =	vmul.f32 $8.000000000e+00, v31;
	[tilespmem:s29+$0xFFFFFEE0] =	vst v28;
	v31 =	vld.idx.msk [tilespmem:v24+s23+$0x0], $0xffff;
	(pc) =	sbr.rel @p0 .LBB2_9-.Ltmp4, $4  }
0x2fb: {  	v28 =	vor.u32 s1, v13;
	v29 =	vld.idx.msk [tilespmem:v34+s23+$0x0], $0xffff;
	[tilespmem:s29+$0xFFFFFF60] =	vst v22  }
0x2fc: {  	v25 =	vor.u32 s9, v13;
	v39 =	vmul.f32 $8.000000000e+00, v30;
	[tilespmem:s29+$0xFFFFFE60] =	vst v33;
	v30 =	vld.idx.msk [tilespmem:v37+s23+$0x0], $0xffff  }
0x2fd: {  	v24 =	vor.u32 s24, v13;
	v33 =	vmul.f32 $8.000000000e+00, v35;
	v26 =	vld.idx.msk [tilespmem:v26+s23+$0x0], $0xffff;
	[tilespmem:s11+$0xFFFFFF80] =	vst v36  }
0x2fe: {  	s5 =	sadd.s32 $0x4, s5;
	v34 =	vmul.f32 $8.000000000e+00, v23;
	v23 =	vor.u32 s13, v15;
	s13 =	smov.u32 s17;
	s17 =	sadd.s32 $0x3, s12;
	v22 =	vld.idx.msk [tilespmem:v38+s23+$0x0], $0xffff;
	[tilespmem:s14+$0xFFFFFFB0] =	vst v39  }
0x2ff: {  	v16 =	vor.u32 s17, v16;
	_ =	sdelay $0x4  }
0x300: {  	[tilespmem:s14+$0xFFFFFEB0] =	vst v33;
	v54 =	vor.u32 s12, v18;
	v16 =	vld.idx.msk [tilespmem:v16+s23+$0x0], $0xffff  }
0x301: {  	v32 =	vmul.f32 $8.000000000e+00, v32;
	v52 =	vor.u32 s20, v18;
	[tilespmem:s11+$0xFFFFFE80] =	vst v21  }
0x302: {  	v53 =	vor.u32 s2, v18;
	v56 =	vmul.f32 $8.000000000e+00, v19;
	[tilespmem:s14+$0xFFFFFF30] =	vst v34  }
0x303: {  	v51 =	vor.u32 s17, v18;
	v20 =	vmul.f32 $8.000000000e+00, v20;
	s5 =	sadd.s32 $0x200, s14;
	[tilespmem:s14+$0xFFFFFE30] =	vst v32  }
0x304: {  	[tilespmem:s5+$0xFFFFFE10] =	vst v56;
	v55 =	vmul.f32 $8.000000000e+00, v22  }
0x305: {  	[tilespmem:s5+$0xFFFFFE90] =	vst v20;
	v18 =	vld.idx.msk [tilespmem:v54+s23+$0x0], $0xffff;
	v16 =	vmul.f32 $8.000000000e+00, v16  }
0x306: {  	v58 =	vmul.f32 $8.000000000e+00, v31;
	v59 =	vld.idx.msk [tilespmem:v52+s23+$0x0], $0xffff;
	[tilespmem:s5+$0xFFFFFF10] =	vst v55  }
0x307: {  	v60 =	vmul.f32 $8.000000000e+00, v29;
	v61 =	vld.idx.msk [tilespmem:v53+s23+$0x0], $0xffff;
	[tilespmem:s5+$0xFFFFFF90] =	vst v16  }
0x308: {  	v34 =	vor.u32 s12, v17;
	v62 =	vmul.f32 $8.000000000e+00, v30;
	[tilespmem:s29+$0xFFFFFFF0] =	vst v58;
	v57 =	vld.idx.msk [tilespmem:v51+s23+$0x0], $0xffff  }
0x309: {  	v27 =	vld.idx.msk [tilespmem:v27+s23+$0x0], $0xffff;
	v32 =	vor.u32 s20, v17;
	v26 =	vmul.f32 $8.000000000e+00, v26;
	[tilespmem:s29+$0xFFFFFEF0] =	vst v60  }
0x30a: {  	v33 =	vor.u32 s2, v17;
	v28 =	vld.idx.msk [tilespmem:v28+s23+$0x0], $0xffff;
	[tilespmem:s29+$0xFFFFFF70] =	vst v62;
	v18 =	vmul.f32 $8.000000000e+00, v18  }
0x30b: {  	v63 =	vor.u32 s17, v17;
	v25 =	vld.idx.msk [tilespmem:v25+s23+$0x0], $0xffff;
	[tilespmem:s29+$0xFFFFFE70] =	vst v26;
	v22 =	vmul.f32 $8.000000000e+00, v59  }
0x30c: {  	v24 =	vld.idx.msk [tilespmem:v24+s23+$0x0], $0xffff;
	v16 =	vmul.f32 $8.000000000e+00, v61;
	[tilespmem:s5+$0xFFFFFE20] =	vst v18  }
0x30d: {  	v36 =	vor.u32 s1, v11;
	[tilespmem:s5+$0xFFFFFEA0] =	vst v22;
	v17 =	vld.idx.msk [tilespmem:v34+s23+$0x0], $0xffff;
	v19 =	vmul.f32 $8.000000000e+00, v57  }
0x30e: {  	v38 =	vor.u32 s9, v11;
	v37 =	vmul.f32 $8.000000000e+00, v27;
	v21 =	vld.idx.msk [tilespmem:v32+s23+$0x0], $0xffff;
	[tilespmem:s5+$0xFFFFFF20] =	vst v16  }
0x30f: {  	v35 =	vor.u32 s13, v11;
	v39 =	vmul.f32 $8.000000000e+00, v28;
	v40 =	vld.idx.msk [tilespmem:v33+s23+$0x0], $0xffff;
	[tilespmem:s5+$0xFFFFFFA0] =	vst v19  }
0x310: {  	v44 =	vor.u32 s12, v13;
	v25 =	vmul.f32 $8.000000000e+00, v25;
	[tilespmem:s14+$0xFFFFFFC0] =	vst v37;
	v20 =	vld.idx.msk [tilespmem:v63+s23+$0x0], $0xffff  }
0x311: {  	v42 =	vor.u32 s20, v13;
	v23 =	vld.idx.msk [tilespmem:v23+s23+$0x0], $0xffff;
	v24 =	vmul.f32 $8.000000000e+00, v24;
	[tilespmem:s14+$0xFFFFFEC0] =	vst v39  }
0x312: {  	v43 =	vor.u32 s2, v13;
	[tilespmem:s14+$0xFFFFFF40] =	vst v25;
	v22 =	vld.idx.msk [tilespmem:v36+s23+$0x0], $0xffff;
	v17 =	vmul.f32 $8.000000000e+00, v17  }
0x313: {  	v41 =	vor.u32 s17, v13;
	[tilespmem:s14+$0xFFFFFE40] =	vst v24;
	v16 =	vld.idx.msk [tilespmem:v38+s23+$0x0], $0xffff;
	v21 =	vmul.f32 $8.000000000e+00, v21  }
0x314: {  	v45 =	vor.u32 s24, v11;
	v19 =	vld.idx.msk [tilespmem:v35+s23+$0x0], $0xffff;
	v18 =	vmul.f32 $8.000000000e+00, v40;
	[tilespmem:s5+$0xFFFFFE30] =	vst v17  }
0x315: {  	v59 =	vor.u32 s8, v15;
	[tilespmem:s5+$0xFFFFFEB0] =	vst v21;
	v13 =	vld.idx.msk [tilespmem:v44+s23+$0x0], $0xffff;
	v20 =	vmul.f32 $8.000000000e+00, v20  }
0x316: {  	v49 =	vor.u32 s1, v12;
	v56 =	vor.u32 s9, v12;
	v23 =	vmul.f32 $8.000000000e+00, v23;
	v27 =	vld.idx.msk [tilespmem:v42+s23+$0x0], $0xffff;
	[tilespmem:s5+$0xFFFFFF30] =	vst v18  }
0x317: {  	v52 =	vor.u32 s20, v11;
	v53 =	vor.u32 s2, v11;
	v22 =	vmul.f32 $8.000000000e+00, v22;
	v50 =	vld.idx.msk [tilespmem:v43+s23+$0x0], $0xffff;
	[tilespmem:s5+$0xFFFFFFB0] =	vst v20  }
0x318: {  	[tilespmem:s29+$0x0] =	vst v23;
	v51 =	vor.u32 s17, v11;
	v11 =	vor.u32 s12, v11;
	v16 =	vmul.f32 $8.000000000e+00, v16;
	v47 =	vld.idx.msk [tilespmem:v41+s23+$0x0], $0xffff  }
0x319: {  	v24 =	vld.idx.msk [tilespmem:v45+s23+$0x0], $0xffff;
	[tilespmem:s14+$0xFFFFFED0] =	vst v22;
	v19 =	vmul.f32 $8.000000000e+00, v19  }
0x31a: {  	v23 =	vld.idx.msk [tilespmem:v59+s23+$0x0], $0xffff;
	[tilespmem:s14+$0xFFFFFF50] =	vst v16;
	v13 =	vmul.f32 $8.000000000e+00, v13  }
0x31b: {  	v18 =	vld.idx.msk [tilespmem:v49+s23+$0x0], $0xffff;
	v55 =	vmul.f32 $8.000000000e+00, v27;
	[tilespmem:s14+$0xFFFFFFD0] =	vst v19  }
0x31c: {  	v48 =	vor.u32 s13, v12;
	v29 =	vld.idx.msk [tilespmem:v56+s23+$0x0], $0xffff;
	v17 =	vmul.f32 $8.000000000e+00, v50;
	[tilespmem:s5+$0xFFFFFE40] =	vst v13  }
0x31d: {  	v46 =	vor.u32 s10, v15;
	[tilespmem:s5+$0xFFFFFEC0] =	vst v55;
	v11 =	vld.idx.msk [tilespmem:v11+s23+$0x0], $0xffff;
	v21 =	vmul.f32 $8.000000000e+00, v47  }
0x31e: {  	v24 =	vmul.f32 $8.000000000e+00, v24;
	v35 =	vor.u32 s1, v14;
	v19 =	vld.idx.msk [tilespmem:v52+s23+$0x0], $0xffff;
	[tilespmem:s5+$0xFFFFFF40] =	vst v17  }
0x31f: {  	v57 =	vor.u32 s24, v12;
	v40 =	vmul.f32 $8.000000000e+00, v23;
	v62 =	vld.idx.msk [tilespmem:v53+s23+$0x0], $0xffff;
	[tilespmem:s5+$0xFFFFFFC0] =	vst v21  }
0x320: {  	v33 =	vor.u32 s12, v12;
	[tilespmem:s14+$0xFFFFFE50] =	vst v24;
	v30 =	vmul.f32 $8.000000000e+00, v18;
	v58 =	vld.idx.msk [tilespmem:v51+s23+$0x0], $0xffff  }
0x321: {  	v31 =	vor.u32 s20, v12;
	[tilespmem:s29+$0xFFFFFF80] =	vst v40;
	v25 =	vmul.f32 $8.000000000e+00, v29;
	v54 =	vld.idx.msk [tilespmem:v48+s23+$0x0], $0xffff  }
0x322: {  	v32 =	vor.u32 s2, v12;
	v20 =	vld.idx.msk [tilespmem:v46+s23+$0x0], $0xffff;
	[tilespmem:s14+$0xFFFFFEE0] =	vst v30;
	v11 =	vmul.f32 $8.000000000e+00, v11  }
0x323: {  	v28 =	vor.u32 s17, v12;
	[tilespmem:s14+$0xFFFFFF60] =	vst v25;
	v34 =	vmul.f32 $8.000000000e+00, v19;
	v19 =	vld.idx.msk [tilespmem:v35+s23+$0x0], $0xffff  }
0x324: {  	v61 =	vor.u32 s13, v14;
	v21 =	vld.idx.msk [tilespmem:v57+s23+$0x0], $0xffff;
	v13 =	vmul.f32 $8.000000000e+00, v62;
	[tilespmem:s5+$0xFFFFFE50] =	vst v11  }
0x325: {  	v39 =	vor.u32 s25, v15;
	[tilespmem:s5+$0xFFFFFED0] =	vst v34;
	v12 =	vld.idx.msk [tilespmem:v33+s23+$0x0], $0xffff;
	v16 =	vmul.f32 $8.000000000e+00, v58  }
0x326: {  	v36 =	vor.u32 s9, v14;
	v63 =	vmul.f32 $8.000000000e+00, v54;
	v18 =	vld.idx.msk [tilespmem:v31+s23+$0x0], $0xffff;
	[tilespmem:s5+$0xFFFFFF50] =	vst v13  }
0x327: {  	v38 =	vor.u32 s24, v14;
	v60 =	vmul.f32 $8.000000000e+00, v20;
	v11 =	vld.idx.msk [tilespmem:v32+s23+$0x0], $0xffff;
	[tilespmem:s5+$0xFFFFFFD0] =	vst v16  }
0x328: {  	v44 =	vor.u32 s12, v14;
	[tilespmem:s14+$0xFFFFFFE0] =	vst v63;
	v19 =	vmul.f32 $8.000000000e+00, v19;
	v37 =	vld.idx.msk [tilespmem:v28+s23+$0x0], $0xffff  }
0x329: {  	v42 =	vor.u32 s20, v14;
	[tilespmem:s29+$0xFFFFFF00] =	vst v60;
	v20 =	vld.idx.msk [tilespmem:v61+s23+$0x0], $0xffff;
	v21 =	vmul.f32 $8.000000000e+00, v21  }
0x32a: {  	v43 =	vor.u32 s2, v14;
	v13 =	vld.idx.msk [tilespmem:v39+s23+$0x0], $0xffff;
	[tilespmem:s14+$0xFFFFFEF0] =	vst v19;
	v12 =	vmul.f32 $8.000000000e+00, v12  }
0x32b: {  	v41 =	vor.u32 s17, v14;
	v18 =	vmul.f32 $8.000000000e+00, v18;
	[tilespmem:s14+$0xFFFFFE60] =	vst v21;
	v16 =	vld.idx.msk [tilespmem:v36+s23+$0x0], $0xffff  }
0x32c: {  	v45 =	vor.u32 s13, v15;
	v24 =	vld.idx.msk [tilespmem:v38+s23+$0x0], $0xffff;
	v11 =	vmul.f32 $8.000000000e+00, v11;
	[tilespmem:s5+$0xFFFFFE60] =	vst v12  }
0x32d: {  	v46 =	vor.u32 s1, v15;
	[tilespmem:s5+$0xFFFFFEE0] =	vst v18;
	v14 =	vld.idx.msk [tilespmem:v44+s23+$0x0], $0xffff;
	v17 =	vmul.f32 $8.000000000e+00, v37  }
0x32e: {  	v48 =	vor.u32 s9, v15;
	v20 =	vmul.f32 $8.000000000e+00, v20;
	v21 =	vld.idx.msk [tilespmem:v42+s23+$0x0], $0xffff;
	[tilespmem:s5+$0xFFFFFF60] =	vst v11  }
0x32f: {  	v13 =	vmul.f32 $8.000000000e+00, v13;
	v11 =	vor.u32 s24, v15;
	v49 =	vld.idx.msk [tilespmem:v43+s23+$0x0], $0xffff;
	[tilespmem:s5+$0xFFFFFFE0] =	vst v17  }
0x330: {  	v55 =	vor.u32 s12, v15;
	[tilespmem:s14+$0xFFFFFFF0] =	vst v20;
	v16 =	vmul.f32 $8.000000000e+00, v16;
	v47 =	vld.idx.msk [tilespmem:v41+s23+$0x0], $0xffff  }
0x331: {  	v52 =	vor.u32 s20, v15;
	v20 =	vld.idx.msk [tilespmem:v45+s23+$0x0], $0xffff;
	[tilespmem:s29+$0xFFFFFE80] =	vst v13;
	v50 =	vmul.f32 $8.000000000e+00, v24  }
0x332: {  	v53 =	vor.u32 s2, v15;
	v14 =	vmul.f32 $8.000000000e+00, v14;
	[tilespmem:s14+$0xFFFFFF70] =	vst v16;
	v17 =	vld.idx.msk [tilespmem:v46+s23+$0x0], $0xffff  }
0x333: {  	v51 =	vor.u32 s17, v15;
	v54 =	vmul.f32 $8.000000000e+00, v21;
	[tilespmem:s14+$0xFFFFFE70] =	vst v50;
	v23 =	vld.idx.msk [tilespmem:v48+s23+$0x0], $0xffff  }
0x334: {  	v11 =	vld.idx.msk [tilespmem:v11+s23+$0x0], $0xffff;
	v12 =	vmul.f32 $8.000000000e+00, v49;
	[tilespmem:s5+$0xFFFFFE70] =	vst v14  }
0x335: {  	[tilespmem:s5+$0xFFFFFEF0] =	vst v54;
	v15 =	vld.idx.msk [tilespmem:v55+s23+$0x0], $0xffff;
	v18 =	vmul.f32 $8.000000000e+00, v47  }
0x336: {  	v57 =	vmul.f32 $8.000000000e+00, v20;
	v58 =	vld.idx.msk [tilespmem:v52+s23+$0x0], $0xffff;
	[tilespmem:s5+$0xFFFFFF70] =	vst v12  }
0x337: {  	v60 =	vld.idx.msk [tilespmem:v53+s23+$0x0], $0xffff;
	v59 =	vmul.f32 $8.000000000e+00, v17;
	[tilespmem:s5+$0xFFFFFFF0] =	vst v18  }
0x338: {  	[tilespmem:s14+$0x0] =	vst v57;
	v61 =	vmul.f32 $8.000000000e+00, v23;
	v56 =	vld.idx.msk [tilespmem:v51+s23+$0x0], $0xffff  }
0x339: {  	v11 =	vmul.f32 $8.000000000e+00, v11;
	[tilespmem:s14+$0xFFFFFF00] =	vst v59  }
0x33a: {  	s21 =	sadd.s32 $0x1, s21;
	v63 =	vmul.f32 $8.000000000e+00, v15;
	[tilespmem:s14+$0xFFFFFF80] =	vst v61  }
0x33b: {  	p0 =	sne.s32 s21, $0x64;
	[tilespmem:s14+$0xFFFFFE80] =	vst v11;
	v11 =	vmul.f32 $8.000000000e+00, v58  }
.Ltmp5:
0x33c: {  	s29 =	sshll.u32 s22, $0xF;
	v62 =	vmul.f32 $8.000000000e+00, v60;
	[tilespmem:s5+$0xFFFFFE80] =	vst v63;
	(pc) =	sbr.rel @p0 .LBB2_2-.Ltmp5, $4  }
0x33d: {  	s1 =	sadd.s32 s31, s29;
	[tilespmem:s5+$0xFFFFFF00] =	vst v11;
	v13 =	vmul.f32 $8.000000000e+00, v56  }
0x33e: {  	s1 =	sadd.s32 s26, s1;
	[tilespmem:s5+$0xFFFFFF80] =	vst v62  }
0x33f: {  	s0 =	simm.s32 $0x400;
	s30 =	simm.s32 $0x18500;
	s1 =	sadd.s32 s28, s1;
	[tilespmem:s5+$0x0] =	vst v13  }
0x340: {  	[hbm4b:s1+s0] =	stream.strided.scatter [tilespmem:s30], [sflag:$0x5], $0x2000, s16, s0, $0x38;
	[tilespmem:$0x1A500] =	vst v63  }
0x341: {  	s0 =	simm.s32 $0x4  }
0x342: {  	_ =	swait.ge [sflag:s0], $0x2000  }
0x343: {  	[sflag:s0] =	ssyncset.done $0x0  }
0x344: {  	[sflag:s0] =	ssyncadd.s32 $0xFFFFE000  }
0x345: {  	_ =	swait.ge [sflag:s19], $0x2000  }
0x346: {  	s1 =	rddreg [dreg:$0x1f]  }
0x347: {  	s30 =	rddreg [dreg:$0x1e];
	s1 =	sadd.s32 $0x1, s1  }
0x348: {  	p0 =	sne.s32 s1, s30  }
.Ltmp6:
0x349: {  	_ = 	snop;
	(pc) =	sbr.rel @p0 .LBB2_1-.Ltmp6, $3  }
0x34a: {  	_ =	sdelay $0x1  }
0x34b: {  	[sflag:s19] =	ssyncset.done $0x0  }
0x34c: {  	[sflag:s19] =	ssyncadd.s32 $0xFFFFE000  }
0x34d: {  	_ =	sfence.sel $0x180000  }
0x34e: {  	[bflag:$0x0] =	sbarrier.arrive $0xFFFF  }
0x34f: {  	_ =	strace $0x90000047  }
0x350: {  	s0 =	stileid.u32;
	[bflag:$0x2] =	sbarrier.arrive $0xFFFF  }
0x351: {  	p0 =	sne.s32 s0, $0x0;
	s0 =	rddreg [dreg:$0x3]  }
0x352: {  	s0 =	sadd.s32 @!p0 $0x100000, s0  }
0x353: {  	[sflag:s0] =	ssyncadd.tile.s32 @!p0 $0x1;
	_ =	shalt  }
.Lfunc_end2:
_tile_overlayer_lowered:
.L_overlay_start_2:
0x354: {  	(tag) =	ssettag $0x2  }
0x355: {  	s0 =	rddreg [dreg:$0x0];
	s2 =	stileid.u32  }
0x356: {  	s1 =	rddreg [dreg:$0x1];
	p0 =	sne.s32 s2, $0x0  }
0x357: {  	s3 =	rddreg [dreg:$0x2];
	[bflag:$0x3] =	sbarrier.arrive $0xFFFF;
	s2 =	simm.s32 @!p0 $0x1C06  }
0x358: {  	[timem:s3], [sflag:s2] =	dma.local @!p0 [hbm:s0], s1  }
0x359: {  	s0 =	simm.s32 @!p0 $0x6  }
0x35a: {  	_ =	swait.ge @!p0 [sflag:s0], s1  }
0x35b: {  	s1 =	ssub.s32 @!p0 $0x0, s1;
	[sflag:s0] =	ssyncset.done @!p0 $0x0  }
0x35c: {  	[sflag:s0] =	ssyncadd.s32 @!p0 s1  }
0x35d: {  	[bflag:$0x3] =	sbarrier.arrive $0xFFFF  }
0x35e: {  	_ =	shalt  }

</sc_bundles>
